<compile_context>
chip_gen: v7x
topology: tpu7x:2x2x1
jax: 0.10.2.dev20260603
libtpu: 0.0.44.dev20260713+nightly
codegen_flags: <defaults>
</compile_context>

<pallas_src>
import jax
import jax.numpy as jnp
from jax import lax
from jax.experimental import pallas as pl
from jax.experimental.pallas import tpu as pltpu
from jax.experimental.pallas import tpu_sc as plsc

VOCAB = 1024
N_ROWS = 32768
NUM_CORES = 2
NUM_SUBCORES = 16
NW = NUM_CORES * NUM_SUBCORES
ROWS_PER_TILE = N_ROWS // NW
CHUNK = 32
NCHUNK = ROWS_PER_TILE // CHUNK
LANES = 16
NBUF = 2


def _sc_onehot(ids_hbm, fill_hbm, zeros_hbm, out_hbm,
               idx_v, fill_v, buf0, buf1, sem0, sem1):
    c = lax.axis_index("c")
    s = lax.axis_index("s")
    wid = s * NUM_CORES + c
    base = wid * ROWS_PER_TILE
    pltpu.sync_copy(ids_hbm.at[pl.ds(base, ROWS_PER_TILE)], idx_v)
    pltpu.sync_copy(fill_hbm, fill_v)
    pltpu.sync_copy(zeros_hbm, buf0)
    pltpu.sync_copy(zeros_hbm, buf1)
    fill = fill_v[...]
    zero = jnp.zeros((LANES,), jnp.float32)
    lane = lax.iota(jnp.int32, LANES)
    bufs = (buf0, buf1)
    sems = (sem0, sem1)
    handles = [None, None]

    def scatter_chunk(buf, j, val):
        for t in range(CHUNK // LANES):
            cols = idx_v[pl.ds(j * CHUNK + t * LANES, LANES)] % VOCAB
            flat = (lane + t * LANES) * VOCAB + cols
            plsc.store_scatter(buf, [flat], val)

    for j in range(NCHUNK):
        b = j % NBUF
        buf = bufs[b]
        if handles[b] is not None:
            handles[b].wait()
            scatter_chunk(buf, j - NBUF, zero)
        scatter_chunk(buf, j, fill)
        handles[b] = pltpu.async_copy(
            buf, out_hbm.at[pl.ds((base + j * CHUNK) * VOCAB, CHUNK * VOCAB)],
            sems[b])
    for h in handles:
        h.wait()


def kernel(input_ids, fill_value):
    bs, seq = input_ids.shape
    ids = input_ids.reshape(N_ROWS)
    fillv = jnp.broadcast_to(fill_value.astype(jnp.float32), (LANES,))
    zeros = jnp.zeros((CHUNK * VOCAB,), jnp.float32)
    mesh = plsc.VectorSubcoreMesh(core_axis_name="c", subcore_axis_name="s")
    f = pl.kernel(
        _sc_onehot,
        out_type=jax.ShapeDtypeStruct((N_ROWS * VOCAB,), jnp.float32),
        mesh=mesh,
        compiler_params=pltpu.CompilerParams(needs_layout_passes=False),
        scratch_types=[
            pltpu.VMEM((ROWS_PER_TILE,), jnp.int32),
            pltpu.VMEM((LANES,), jnp.float32),
            pltpu.VMEM((CHUNK * VOCAB,), jnp.float32),
            pltpu.VMEM((CHUNK * VOCAB,), jnp.float32),
            pltpu.SemaphoreType.DMA,
            pltpu.SemaphoreType.DMA,
        ],
    )
    out = f(ids, fillv, zeros)
    return out.reshape(bs, seq, VOCAB)

# --- scband reference (transcript-rebuilt; emitter-appended) ---
"""Pipeline reference for scband-fake-model-9964324127546 (READ-ONLY COPY).

The authoritative reference and input builder live on the scoring server;
editing this copy changes nothing except your own understanding.
"""

import jax, jax.numpy as jnp
import numpy as np

VOCAB_SIZE = 1024


def setup_inputs(seed: int = 0) -> dict:
    key = jax.random.key(seed)
    input_ids = jax.random.randint(key, (8, 4096), 0, 1024, dtype=jnp.int32)
    fill_value = jnp.array(5.0, dtype=jnp.float32)
    return {"input_ids": input_ids, "fill_value": fill_value}


def reference(input_ids, fill_value):
    bs, seq = input_ids.shape
    idx = input_ids % VOCAB_SIZE
    logits = jnp.zeros((bs, seq, VOCAB_SIZE), dtype=jnp.float32)
    b = jnp.arange(bs)[:, None]
    s = jnp.arange(seq)[None, :]
    # torch scatter_(dim=2, index=idx.unsqueeze(-1), value=5.0) -> overwrite-set at one vocab slot per (b, s)
    logits = logits.at[b, s, idx].set(fill_value)
    return logits

if __name__ == "__main__":
    import jax
    _d = setup_inputs()
    print(jax.jit(kernel)(*tuple(_d.values())))

</pallas_src>

<mosaic_0001>
#map = affine_map<(d0, d1) -> (0)>
module attributes {stable_mosaic.version = 14 : i64} {
  func.func @_sc_onehot(%arg0: i32, %arg1: i32, %arg2: memref<32768xi32, #tpu.memory_space<hbm>>, %arg3: memref<16xf32, #tpu.memory_space<hbm>>, %arg4: memref<32768xf32, #tpu.memory_space<hbm>>, %arg5: memref<33554432xf32, #tpu.memory_space<hbm>>, %arg6: memref<1024xi32, #tpu.memory_space<vmem>>, %arg7: memref<16xf32, #tpu.memory_space<vmem>>, %arg8: memref<32768xf32, #tpu.memory_space<vmem>>, %arg9: memref<32768xf32, #tpu.memory_space<vmem>>, %arg10: memref<!tpu.dma_semaphore, #tpu.memory_space<semaphore_mem>>, %arg11: memref<!tpu.dma_semaphore, #tpu.memory_space<semaphore_mem>>) attributes {dimension_semantics = [#tpu.dimension_semantics<core_parallel>, #tpu.dimension_semantics<subcore_parallel>], iteration_bounds = array<i64: 2, 16>, scalar_prefetch = 0 : i64, scratch_operands = 6 : i64, tpu.core_type = #tpu.core_type<sc_vector_subcore>, window_params = [{transform_indices = #map}, {transform_indices = #map}, {transform_indices = #map}, {transform_indices = #map}]} {
    %mul3A = arith.constant 2 : i32
    %mul3A_0 = arith.muli %arg1, %mul3A : i32
    %add3A = arith.addi %mul3A_0, %arg0 : i32
    %mul3A_1 = arith.constant 1024 : i32
    %mul3A_2 = arith.muli %add3A, %mul3A_1 : i32
    "tpu.region"() ({
      %run_scoped3A = tpu.sem_alloc : memref<!tpu.dma_semaphore, #tpu.memory_space<semaphore_mem>>
      %dma_start3A_4096 = tpu.memref_slice %arg2[%mul3A_2] : memref<32768xi32, #tpu.memory_space<hbm>> -> memref<1024xi32, #tpu.memory_space<hbm>>
      %dma_start3A_4097 = tpu.memref_slice %arg2[%mul3A_2] : memref<32768xi32, #tpu.memory_space<hbm>> -> memref<1024xi32, #tpu.memory_space<hbm>>
      tpu.enqueue_dma source(%dma_start3A_4097 : memref<1024xi32, #tpu.memory_space<hbm>>) target(%arg6 : memref<1024xi32, #tpu.memory_space<vmem>>) target_semaphore(%run_scoped3A : memref<!tpu.dma_semaphore, #tpu.memory_space<semaphore_mem>>)
      %dma_wait3A_4098 = tpu.memref_slice %arg2[%mul3A_2] : memref<32768xi32, #tpu.memory_space<hbm>> -> memref<1024xi32, #tpu.memory_space<hbm>>
      %dma_wait3A_4099 = tpu.memref_slice %arg2[%mul3A_2] : memref<32768xi32, #tpu.memory_space<hbm>> -> memref<1024xi32, #tpu.memory_space<hbm>>
      tpu.wait_dma2 semaphore(%run_scoped3A : memref<!tpu.dma_semaphore, #tpu.memory_space<semaphore_mem>>) src(%dma_wait3A_4099 : memref<1024xi32, #tpu.memory_space<hbm>>) dst(%arg6 : memref<1024xi32, #tpu.memory_space<vmem>>)
      tpu.yield
    }) : () -> ()
    "tpu.region"() ({
      %run_scoped3A = tpu.sem_alloc : memref<!tpu.dma_semaphore, #tpu.memory_space<semaphore_mem>>
      tpu.enqueue_dma source(%arg3 : memref<16xf32, #tpu.memory_space<hbm>>) target(%arg7 : memref<16xf32, #tpu.memory_space<vmem>>) target_semaphore(%run_scoped3A : memref<!tpu.dma_semaphore, #tpu.memory_space<semaphore_mem>>)
      tpu.wait_dma2 semaphore(%run_scoped3A : memref<!tpu.dma_semaphore, #tpu.memory_space<semaphore_mem>>) src(%arg3 : memref<16xf32, #tpu.memory_space<hbm>>) dst(%arg7 : memref<16xf32, #tpu.memory_space<vmem>>)
      tpu.yield
    }) : () -> ()
    "tpu.region"() ({
      %run_scoped3A = tpu.sem_alloc : memref<!tpu.dma_semaphore, #tpu.memory_space<semaphore_mem>>
      tpu.enqueue_dma source(%arg4 : memref<32768xf32, #tpu.memory_space<hbm>>) target(%arg8 : memref<32768xf32, #tpu.memory_space<vmem>>) target_semaphore(%run_scoped3A : memref<!tpu.dma_semaphore, #tpu.memory_space<semaphore_mem>>)
      tpu.wait_dma2 semaphore(%run_scoped3A : memref<!tpu.dma_semaphore, #tpu.memory_space<semaphore_mem>>) src(%arg4 : memref<32768xf32, #tpu.memory_space<hbm>>) dst(%arg8 : memref<32768xf32, #tpu.memory_space<vmem>>)
      tpu.yield
    }) : () -> ()
    "tpu.region"() ({
      %run_scoped3A = tpu.sem_alloc : memref<!tpu.dma_semaphore, #tpu.memory_space<semaphore_mem>>
      tpu.enqueue_dma source(%arg4 : memref<32768xf32, #tpu.memory_space<hbm>>) target(%arg9 : memref<32768xf32, #tpu.memory_space<vmem>>) target_semaphore(%run_scoped3A : memref<!tpu.dma_semaphore, #tpu.memory_space<semaphore_mem>>)
      tpu.wait_dma2 semaphore(%run_scoped3A : memref<!tpu.dma_semaphore, #tpu.memory_space<semaphore_mem>>) src(%arg4 : memref<32768xf32, #tpu.memory_space<hbm>>) dst(%arg9 : memref<32768xf32, #tpu.memory_space<vmem>>)
      tpu.yield
    }) : () -> ()
    %get3A = arith.constant 0 : index
    %get3A_3 = tpu.vector_load %arg7[%get3A] {strides = array<i32>} : memref<16xf32, #tpu.memory_space<vmem>>, vector<16xf32>,
    %broadcast_in_dim3A = arith.constant 0.000000e+00 : f32
    %broadcast_in_dim3A_4 = vector.broadcast %broadcast_in_dim3A : f32 to vector<16xf32>
    %iota3A = tpu.iota {dimensions = array<i32: 0>} : vector<16xi32>
    %get3A_5 = arith.constant 0 : index
    %get3A_6 = tpu.vector_load %arg6[%get3A_5] {strides = array<i32>} : memref<1024xi32, #tpu.memory_space<vmem>>, vector<16xi32>,
    %jit3A = arith.constant 1024 : i32
    %eq3A = arith.constant 0 : i32
    %eq3A_7 = arith.cmpi eq, %jit3A, %eq3A : i32
    %jit3A_8 = arith.constant 1 : i32
    %select_n3A = arith.select %eq3A_7, %jit3A_8, %jit3A : i32
    %rem3A = vector.broadcast %select_n3A : i32 to vector<16xi32>
    %rem3A_9 = arith.remsi %get3A_6, %rem3A : vector<16xi32>
    %ne3A = arith.constant 0 : i32
    %ne3A_10 = vector.broadcast %ne3A : i32 to vector<16xi32>
    %ne3A_11 = arith.cmpi ne, %rem3A_9, %ne3A_10 : vector<16xi32>
    %lt3A = arith.constant 0 : i32
    %lt3A_12 = vector.broadcast %lt3A : i32 to vector<16xi32>
    %lt3A_13 = arith.cmpi slt, %rem3A_9, %lt3A_12 : vector<16xi32>
    %lt3A_14 = arith.constant 0 : i32
    %lt3A_15 = arith.cmpi slt, %select_n3A, %lt3A_14 : i32
    %ne3A_16 = vector.broadcast %lt3A_15 : i1 to vector<16xi1>
    %ne3A_17 = vector.broadcast %ne3A_16 : vector<16xi1> to vector<16xi1>
    %ne3A_18 = arith.xori %lt3A_13, %ne3A_17 : vector<16xi1>
    %and3A = arith.andi %ne3A_18, %ne3A_11 : vector<16xi1>
    %add3A_19 = vector.broadcast %select_n3A : i32 to vector<16xi32>
    %add3A_20 = arith.addi %rem3A_9, %add3A_19 : vector<16xi32>
    %select_n3A_21 = arith.select %and3A, %add3A_20, %rem3A_9 : vector<16xi1>, vector<16xi32>
    %add3A_22 = arith.constant 0 : i32
    %add3A_23 = vector.broadcast %add3A_22 : i32 to vector<16xi32>
    %add3A_24 = arith.addi %iota3A, %add3A_23 : vector<16xi32>
    %mul3A_25 = arith.constant 1024 : i32
    %mul3A_26 = vector.broadcast %mul3A_25 : i32 to vector<16xi32>
    %mul3A_27 = arith.muli %add3A_24, %mul3A_26 : vector<16xi32>
    %add3A_28 = arith.addi %mul3A_27, %select_n3A_21 : vector<16xi32>
    tpu.vector_store_idx %arg8[%add3A_28], %get3A_3 : memref<32768xf32, #tpu.memory_space<vmem>>[vector<16xi32>], vector<16xf32>,
    %get3A_29 = arith.constant 16 : index
    %get3A_30 = tpu.vector_load %arg6[%get3A_29] {strides = array<i32>} : memref<1024xi32, #tpu.memory_space<vmem>>, vector<16xi32>,
    %jit3A_31 = arith.constant 1024 : i32
    %eq3A_32 = arith.constant 0 : i32
    %eq3A_33 = arith.cmpi eq, %jit3A_31, %eq3A_32 : i32
    %jit3A_34 = arith.constant 1 : i32
    %select_n3A_35 = arith.select %eq3A_33, %jit3A_34, %jit3A_31 : i32
    %rem3A_36 = vector.broadcast %select_n3A_35 : i32 to vector<16xi32>
    %rem3A_37 = arith.remsi %get3A_30, %rem3A_36 : vector<16xi32>
    %ne3A_38 = arith.constant 0 : i32
    %ne3A_39 = vector.broadcast %ne3A_38 : i32 to vector<16xi32>
    %ne3A_40 = arith.cmpi ne, %rem3A_37, %ne3A_39 : vector<16xi32>
    %lt3A_41 = arith.constant 0 : i32
    %lt3A_42 = vector.broadcast %lt3A_41 : i32 to vector<16xi32>
    %lt3A_43 = arith.cmpi slt, %rem3A_37, %lt3A_42 : vector<16xi32>
    %lt3A_44 = arith.constant 0 : i32
    %lt3A_45 = arith.cmpi slt, %select_n3A_35, %lt3A_44 : i32
    %ne3A_46 = vector.broadcast %lt3A_45 : i1 to vector<16xi1>
    %ne3A_47 = vector.broadcast %ne3A_46 : vector<16xi1> to vector<16xi1>
    %ne3A_48 = arith.xori %lt3A_43, %ne3A_47 : vector<16xi1>
    %and3A_49 = arith.andi %ne3A_48, %ne3A_40 : vector<16xi1>
    %add3A_50 = vector.broadcast %select_n3A_35 : i32 to vector<16xi32>
    %add3A_51 = arith.addi %rem3A_37, %add3A_50 : vector<16xi32>
    %select_n3A_52 = arith.select %and3A_49, %add3A_51, %rem3A_37 : vector<16xi1>, vector<16xi32>
    %add3A_53 = arith.constant 16 : i32
    %add3A_54 = vector.broadcast %add3A_53 : i32 to vector<16xi32>
    %add3A_55 = arith.addi %iota3A, %add3A_54 : vector<16xi32>
    %mul3A_56 = arith.constant 1024 : i32
    %mul3A_57 = vector.broadcast %mul3A_56 : i32 to vector<16xi32>
    %mul3A_58 = arith.muli %add3A_55, %mul3A_57 : vector<16xi32>
    %add3A_59 = arith.addi %mul3A_58, %select_n3A_52 : vector<16xi32>
    tpu.vector_store_idx %arg8[%add3A_59], %get3A_3 : memref<32768xf32, #tpu.memory_space<vmem>>[vector<16xi32>], vector<16xf32>,
    %add3A_60 = arith.constant 0 : i32
    %add3A_61 = arith.addi %mul3A_2, %add3A_60 : i32
    %mul3A_62 = arith.constant 1024 : i32
    %mul3A_63 = arith.muli %add3A_61, %mul3A_62 : i32
    %dma_start3A = tpu.memref_slice %arg5[%mul3A_63] : memref<33554432xf32, #tpu.memory_space<hbm>> -> memref<32768xf32, #tpu.memory_space<hbm>>
    %dma_start3A_64 = tpu.memref_slice %arg5[%mul3A_63] : memref<33554432xf32, #tpu.memory_space<hbm>> -> memref<32768xf32, #tpu.memory_space<hbm>>
    tpu.enqueue_dma source(%arg8 : memref<32768xf32, #tpu.memory_space<vmem>>) target(%dma_start3A_64 : memref<32768xf32, #tpu.memory_space<hbm>>) target_semaphore(%arg10 : memref<!tpu.dma_semaphore, #tpu.memory_space<semaphore_mem>>)
    %get3A_65 = arith.constant 32 : index
    %get3A_66 = tpu.vector_load %arg6[%get3A_65] {strides = array<i32>} : memref<1024xi32, #tpu.memory_space<vmem>>, vector<16xi32>,
    %jit3A_67 = arith.constant 1024 : i32
    %eq3A_68 = arith.constant 0 : i32
    %eq3A_69 = arith.cmpi eq, %jit3A_67, %eq3A_68 : i32
    %jit3A_70 = arith.constant 1 : i32
    %select_n3A_71 = arith.select %eq3A_69, %jit3A_70, %jit3A_67 : i32
    %rem3A_72 = vector.broadcast %select_n3A_71 : i32 to vector<16xi32>
    %rem3A_73 = arith.remsi %get3A_66, %rem3A_72 : vector<16xi32>
    %ne3A_74 = arith.constant 0 : i32
    %ne3A_75 = vector.broadcast %ne3A_74 : i32 to vector<16xi32>
    %ne3A_76 = arith.cmpi ne, %rem3A_73, %ne3A_75 : vector<16xi32>
    %lt3A_77 = arith.constant 0 : i32
    %lt3A_78 = vector.broadcast %lt3A_77 : i32 to vector<16xi32>
    %lt3A_79 = arith.cmpi slt, %rem3A_73, %lt3A_78 : vector<16xi32>
    %lt3A_80 = arith.constant 0 : i32
    %lt3A_81 = arith.cmpi slt, %select_n3A_71, %lt3A_80 : i32
    %ne3A_82 = vector.broadcast %lt3A_81 : i1 to vector<16xi1>
    %ne3A_83 = vector.broadcast %ne3A_82 : vector<16xi1> to vector<16xi1>
    %ne3A_84 = arith.xori %lt3A_79, %ne3A_83 : vector<16xi1>
    %and3A_85 = arith.andi %ne3A_84, %ne3A_76 : vector<16xi1>
    %add3A_86 = vector.broadcast %select_n3A_71 : i32 to vector<16xi32>
    %add3A_87 = arith.addi %rem3A_73, %add3A_86 : vector<16xi32>
    %select_n3A_88 = arith.select %and3A_85, %add3A_87, %rem3A_73 : vector<16xi1>, vector<16xi32>
    %add3A_89 = arith.constant 0 : i32
    %add3A_90 = vector.broadcast %add3A_89 : i32 to vector<16xi32>
    %add3A_91 = arith.addi %iota3A, %add3A_90 : vector<16xi32>
    %mul3A_92 = arith.constant 1024 : i32
    %mul3A_93 = vector.broadcast %mul3A_92 : i32 to vector<16xi32>
    %mul3A_94 = arith.muli %add3A_91, %mul3A_93 : vector<16xi32>
    %add3A_95 = arith.addi %mul3A_94, %select_n3A_88 : vector<16xi32>
    tpu.vector_store_idx %arg9[%add3A_95], %get3A_3 : memref<32768xf32, #tpu.memory_space<vmem>>[vector<16xi32>], vector<16xf32>,
    %get3A_96 = arith.constant 48 : index
    %get3A_97 = tpu.vector_load %arg6[%get3A_96] {strides = array<i32>} : memref<1024xi32, #tpu.memory_space<vmem>>, vector<16xi32>,
    %jit3A_98 = arith.constant 1024 : i32
    %eq3A_99 = arith.constant 0 : i32
    %eq3A_100 = arith.cmpi eq, %jit3A_98, %eq3A_99 : i32
    %jit3A_101 = arith.constant 1 : i32
    %select_n3A_102 = arith.select %eq3A_100, %jit3A_101, %jit3A_98 : i32
    %rem3A_103 = vector.broadcast %select_n3A_102 : i32 to vector<16xi32>
    %rem3A_104 = arith.remsi %get3A_97, %rem3A_103 : vector<16xi32>
    %ne3A_105 = arith.constant 0 : i32
    %ne3A_106 = vector.broadcast %ne3A_105 : i32 to vector<16xi32>
    %ne3A_107 = arith.cmpi ne, %rem3A_104, %ne3A_106 : vector<16xi32>
    %lt3A_108 = arith.constant 0 : i32
    %lt3A_109 = vector.broadcast %lt3A_108 : i32 to vector<16xi32>
    %lt3A_110 = arith.cmpi slt, %rem3A_104, %lt3A_109 : vector<16xi32>
    %lt3A_111 = arith.constant 0 : i32
    %lt3A_112 = arith.cmpi slt, %select_n3A_102, %lt3A_111 : i32
    %ne3A_113 = vector.broadcast %lt3A_112 : i1 to vector<16xi1>
    %ne3A_114 = vector.broadcast %ne3A_113 : vector<16xi1> to vector<16xi1>
    %ne3A_115 = arith.xori %lt3A_110, %ne3A_114 : vector<16xi1>
    %and3A_116 = arith.andi %ne3A_115, %ne3A_107 : vector<16xi1>
    %add3A_117 = vector.broadcast %select_n3A_102 : i32 to vector<16xi32>
    %add3A_118 = arith.addi %rem3A_104, %add3A_117 : vector<16xi32>
    %select_n3A_119 = arith.select %and3A_116, %add3A_118, %rem3A_104 : vector<16xi1>, vector<16xi32>
    %add3A_120 = arith.constant 16 : i32
    %add3A_121 = vector.broadcast %add3A_120 : i32 to vector<16xi32>
    %add3A_122 = arith.addi %iota3A, %add3A_121 : vector<16xi32>
    %mul3A_123 = arith.constant 1024 : i32
    %mul3A_124 = vector.broadcast %mul3A_123 : i32 to vector<16xi32>
    %mul3A_125 = arith.muli %add3A_122, %mul3A_124 : vector<16xi32>
    %add3A_126 = arith.addi %mul3A_125, %select_n3A_119 : vector<16xi32>
    tpu.vector_store_idx %arg9[%add3A_126], %get3A_3 : memref<32768xf32, #tpu.memory_space<vmem>>[vector<16xi32>], vector<16xf32>,
    %add3A_127 = arith.constant 32 : i32
    %add3A_128 = arith.addi %mul3A_2, %add3A_127 : i32
    %mul3A_129 = arith.constant 1024 : i32
    %mul3A_130 = arith.muli %add3A_128, %mul3A_129 : i32
    %dma_start3A_131 = tpu.memref_slice %arg5[%mul3A_130] : memref<33554432xf32, #tpu.memory_space<hbm>> -> memref<32768xf32, #tpu.memory_space<hbm>>
    %dma_start3A_132 = tpu.memref_slice %arg5[%mul3A_130] : memref<33554432xf32, #tpu.memory_space<hbm>> -> memref<32768xf32, #tpu.memory_space<hbm>>
    tpu.enqueue_dma source(%arg9 : memref<32768xf32, #tpu.memory_space<vmem>>) target(%dma_start3A_132 : memref<32768xf32, #tpu.memory_space<hbm>>) target_semaphore(%arg11 : memref<!tpu.dma_semaphore, #tpu.memory_space<semaphore_mem>>)
    %dma_wait3A = tpu.memref_slice %arg5[%mul3A_63] : memref<33554432xf32, #tpu.memory_space<hbm>> -> memref<32768xf32, #tpu.memory_space<hbm>>
    %dma_wait3A_133 = tpu.memref_slice %arg5[%mul3A_63] : memref<33554432xf32, #tpu.memory_space<hbm>> -> memref<32768xf32, #tpu.memory_space<hbm>>
    tpu.wait_dma2 semaphore(%arg10 : memref<!tpu.dma_semaphore, #tpu.memory_space<semaphore_mem>>) src(%arg8 : memref<32768xf32, #tpu.memory_space<vmem>>) dst(%dma_wait3A_133 : memref<32768xf32, #tpu.memory_space<hbm>>)
    %get3A_134 = arith.constant 0 : index
    %get3A_135 = tpu.vector_load %arg6[%get3A_134] {strides = array<i32>} : memref<1024xi32, #tpu.memory_space<vmem>>, vector<16xi32>,
    %jit3A_136 = arith.constant 1024 : i32
    %eq3A_137 = arith.constant 0 : i32
    %eq3A_138 = arith.cmpi eq, %jit3A_136, %eq3A_137 : i32
    %jit3A_139 = arith.constant 1 : i32
    %select_n3A_140 = arith.select %eq3A_138, %jit3A_139, %jit3A_136 : i32
    %rem3A_141 = vector.broadcast %select_n3A_140 : i32 to vector<16xi32>
    %rem3A_142 = arith.remsi %get3A_135, %rem3A_141 : vector<16xi32>
    %ne3A_143 = arith.constant 0 : i32
    %ne3A_144 = vector.broadcast %ne3A_143 : i32 to vector<16xi32>
    %ne3A_145 = arith.cmpi ne, %rem3A_142, %ne3A_144 : vector<16xi32>
    %lt3A_146 = arith.constant 0 : i32
    %lt3A_147 = vector.broadcast %lt3A_146 : i32 to vector<16xi32>
    %lt3A_148 = arith.cmpi slt, %rem3A_142, %lt3A_147 : vector<16xi32>
    %lt3A_149 = arith.constant 0 : i32
    %lt3A_150 = arith.cmpi slt, %select_n3A_140, %lt3A_149 : i32
    %ne3A_151 = vector.broadcast %lt3A_150 : i1 to vector<16xi1>
    %ne3A_152 = vector.broadcast %ne3A_151 : vector<16xi1> to vector<16xi1>
    %ne3A_153 = arith.xori %lt3A_148, %ne3A_152 : vector<16xi1>
    %and3A_154 = arith.andi %ne3A_153, %ne3A_145 : vector<16xi1>
    %add3A_155 = vector.broadcast %select_n3A_140 : i32 to vector<16xi32>
    %add3A_156 = arith.addi %rem3A_142, %add3A_155 : vector<16xi32>
    %select_n3A_157 = arith.select %and3A_154, %add3A_156, %rem3A_142 : vector<16xi1>, vector<16xi32>
    %add3A_158 = arith.constant 0 : i32
    %add3A_159 = vector.broadcast %add3A_158 : i32 to vector<16xi32>
    %add3A_160 = arith.addi %iota3A, %add3A_159 : vector<16xi32>
    %mul3A_161 = arith.constant 1024 : i32
    %mul3A_162 = vector.broadcast %mul3A_161 : i32 to vector<16xi32>
    %mul3A_163 = arith.muli %add3A_160, %mul3A_162 : vector<16xi32>
    %add3A_164 = arith.addi %mul3A_163, %select_n3A_157 : vector<16xi32>
    tpu.vector_store_idx %arg8[%add3A_164], %broadcast_in_dim3A_4 : memref<32768xf32, #tpu.memory_space<vmem>>[vector<16xi32>], vector<16xf32>,
    %get3A_165 = arith.constant 16 : index
    %get3A_166 = tpu.vector_load %arg6[%get3A_165] {strides = array<i32>} : memref<1024xi32, #tpu.memory_space<vmem>>, vector<16xi32>,
    %jit3A_167 = arith.constant 1024 : i32
    %eq3A_168 = arith.constant 0 : i32
    %eq3A_169 = arith.cmpi eq, %jit3A_167, %eq3A_168 : i32
    %jit3A_170 = arith.constant 1 : i32
    %select_n3A_171 = arith.select %eq3A_169, %jit3A_170, %jit3A_167 : i32
    %rem3A_172 = vector.broadcast %select_n3A_171 : i32 to vector<16xi32>
    %rem3A_173 = arith.remsi %get3A_166, %rem3A_172 : vector<16xi32>
    %ne3A_174 = arith.constant 0 : i32
    %ne3A_175 = vector.broadcast %ne3A_174 : i32 to vector<16xi32>
    %ne3A_176 = arith.cmpi ne, %rem3A_173, %ne3A_175 : vector<16xi32>
    %lt3A_177 = arith.constant 0 : i32
    %lt3A_178 = vector.broadcast %lt3A_177 : i32 to vector<16xi32>
    %lt3A_179 = arith.cmpi slt, %rem3A_173, %lt3A_178 : vector<16xi32>
    %lt3A_180 = arith.constant 0 : i32
    %lt3A_181 = arith.cmpi slt, %select_n3A_171, %lt3A_180 : i32
    %ne3A_182 = vector.broadcast %lt3A_181 : i1 to vector<16xi1>
    %ne3A_183 = vector.broadcast %ne3A_182 : vector<16xi1> to vector<16xi1>
    %ne3A_184 = arith.xori %lt3A_179, %ne3A_183 : vector<16xi1>
    %and3A_185 = arith.andi %ne3A_184, %ne3A_176 : vector<16xi1>
    %add3A_186 = vector.broadcast %select_n3A_171 : i32 to vector<16xi32>
    %add3A_187 = arith.addi %rem3A_173, %add3A_186 : vector<16xi32>
    %select_n3A_188 = arith.select %and3A_185, %add3A_187, %rem3A_173 : vector<16xi1>, vector<16xi32>
    %add3A_189 = arith.constant 16 : i32
    %add3A_190 = vector.broadcast %add3A_189 : i32 to vector<16xi32>
    %add3A_191 = arith.addi %iota3A, %add3A_190 : vector<16xi32>
    %mul3A_192 = arith.constant 1024 : i32
    %mul3A_193 = vector.broadcast %mul3A_192 : i32 to vector<16xi32>
    %mul3A_194 = arith.muli %add3A_191, %mul3A_193 : vector<16xi32>
    %add3A_195 = arith.addi %mul3A_194, %select_n3A_188 : vector<16xi32>
    tpu.vector_store_idx %arg8[%add3A_195], %broadcast_in_dim3A_4 : memref<32768xf32, #tpu.memory_space<vmem>>[vector<16xi32>], vector<16xf32>,
    %get3A_196 = arith.constant 64 : index
    %get3A_197 = tpu.vector_load %arg6[%get3A_196] {strides = array<i32>} : memref<1024xi32, #tpu.memory_space<vmem>>, vector<16xi32>,
    %jit3A_198 = arith.constant 1024 : i32
    %eq3A_199 = arith.constant 0 : i32
    %eq3A_200 = arith.cmpi eq, %jit3A_198, %eq3A_199 : i32
    %jit3A_201 = arith.constant 1 : i32
    %select_n3A_202 = arith.select %eq3A_200, %jit3A_201, %jit3A_198 : i32
    %rem3A_203 = vector.broadcast %select_n3A_202 : i32 to vector<16xi32>
    %rem3A_204 = arith.remsi %get3A_197, %rem3A_203 : vector<16xi32>
    %ne3A_205 = arith.constant 0 : i32
    %ne3A_206 = vector.broadcast %ne3A_205 : i32 to vector<16xi32>
    %ne3A_207 = arith.cmpi ne, %rem3A_204, %ne3A_206 : vector<16xi32>
    %lt3A_208 = arith.constant 0 : i32
    %lt3A_209 = vector.broadcast %lt3A_208 : i32 to vector<16xi32>
    %lt3A_210 = arith.cmpi slt, %rem3A_204, %lt3A_209 : vector<16xi32>
    %lt3A_211 = arith.constant 0 : i32
    %lt3A_212 = arith.cmpi slt, %select_n3A_202, %lt3A_211 : i32
    %ne3A_213 = vector.broadcast %lt3A_212 : i1 to vector<16xi1>
    %ne3A_214 = vector.broadcast %ne3A_213 : vector<16xi1> to vector<16xi1>
    %ne3A_215 = arith.xori %lt3A_210, %ne3A_214 : vector<16xi1>
    %and3A_216 = arith.andi %ne3A_215, %ne3A_207 : vector<16xi1>
    %add3A_217 = vector.broadcast %select_n3A_202 : i32 to vector<16xi32>
    %add3A_218 = arith.addi %rem3A_204, %add3A_217 : vector<16xi32>
    %select_n3A_219 = arith.select %and3A_216, %add3A_218, %rem3A_204 : vector<16xi1>, vector<16xi32>
    %add3A_220 = arith.constant 0 : i32
    %add3A_221 = vector.broadcast %add3A_220 : i32 to vector<16xi32>
    %add3A_222 = arith.addi %iota3A, %add3A_221 : vector<16xi32>
    %mul3A_223 = arith.constant 1024 : i32
    %mul3A_224 = vector.broadcast %mul3A_223 : i32 to vector<16xi32>
    %mul3A_225 = arith.muli %add3A_222, %mul3A_224 : vector<16xi32>
    %add3A_226 = arith.addi %mul3A_225, %select_n3A_219 : vector<16xi32>
    tpu.vector_store_idx %arg8[%add3A_226], %get3A_3 : memref<32768xf32, #tpu.memory_space<vmem>>[vector<16xi32>], vector<16xf32>,
    %get3A_227 = arith.constant 80 : index
    %get3A_228 = tpu.vector_load %arg6[%get3A_227] {strides = array<i32>} : memref<1024xi32, #tpu.memory_space<vmem>>, vector<16xi32>,
    %jit3A_229 = arith.constant 1024 : i32
    %eq3A_230 = arith.constant 0 : i32
    %eq3A_231 = arith.cmpi eq, %jit3A_229, %eq3A_230 : i32
    %jit3A_232 = arith.constant 1 : i32
    %select_n3A_233 = arith.select %eq3A_231, %jit3A_232, %jit3A_229 : i32
    %rem3A_234 = vector.broadcast %select_n3A_233 : i32 to vector<16xi32>
    %rem3A_235 = arith.remsi %get3A_228, %rem3A_234 : vector<16xi32>
    %ne3A_236 = arith.constant 0 : i32
    %ne3A_237 = vector.broadcast %ne3A_236 : i32 to vector<16xi32>
    %ne3A_238 = arith.cmpi ne, %rem3A_235, %ne3A_237 : vector<16xi32>
    %lt3A_239 = arith.constant 0 : i32
    %lt3A_240 = vector.broadcast %lt3A_239 : i32 to vector<16xi32>
    %lt3A_241 = arith.cmpi slt, %rem3A_235, %lt3A_240 : vector<16xi32>
    %lt3A_242 = arith.constant 0 : i32
    %lt3A_243 = arith.cmpi slt, %select_n3A_233, %lt3A_242 : i32
    %ne3A_244 = vector.broadcast %lt3A_243 : i1 to vector<16xi1>
    %ne3A_245 = vector.broadcast %ne3A_244 : vector<16xi1> to vector<16xi1>
    %ne3A_246 = arith.xori %lt3A_241, %ne3A_245 : vector<16xi1>
    %and3A_247 = arith.andi %ne3A_246, %ne3A_238 : vector<16xi1>
    %add3A_248 = vector.broadcast %select_n3A_233 : i32 to vector<16xi32>
    %add3A_249 = arith.addi %rem3A_235, %add3A_248 : vector<16xi32>
    %select_n3A_250 = arith.select %and3A_247, %add3A_249, %rem3A_235 : vector<16xi1>, vector<16xi32>
    %add3A_251 = arith.constant 16 : i32
    %add3A_252 = vector.broadcast %add3A_251 : i32 to vector<16xi32>
    %add3A_253 = arith.addi %iota3A, %add3A_252 : vector<16xi32>
    %mul3A_254 = arith.constant 1024 : i32
    %mul3A_255 = vector.broadcast %mul3A_254 : i32 to vector<16xi32>
    %mul3A_256 = arith.muli %add3A_253, %mul3A_255 : vector<16xi32>
    %add3A_257 = arith.addi %mul3A_256, %select_n3A_250 : vector<16xi32>
    tpu.vector_store_idx %arg8[%add3A_257], %get3A_3 : memref<32768xf32, #tpu.memory_space<vmem>>[vector<16xi32>], vector<16xf32>,
    %add3A_258 = arith.constant 64 : i32
    %add3A_259 = arith.addi %mul3A_2, %add3A_258 : i32
    %mul3A_260 = arith.constant 1024 : i32
    %mul3A_261 = arith.muli %add3A_259, %mul3A_260 : i32
    %dma_start3A_262 = tpu.memref_slice %arg5[%mul3A_261] : memref<33554432xf32, #tpu.memory_space<hbm>> -> memref<32768xf32, #tpu.memory_space<hbm>>
    %dma_start3A_263 = tpu.memref_slice %arg5[%mul3A_261] : memref<33554432xf32, #tpu.memory_space<hbm>> -> memref<32768xf32, #tpu.memory_space<hbm>>
    tpu.enqueue_dma source(%arg8 : memref<32768xf32, #tpu.memory_space<vmem>>) target(%dma_start3A_263 : memref<32768xf32, #tpu.memory_space<hbm>>) target_semaphore(%arg10 : memref<!tpu.dma_semaphore, #tpu.memory_space<semaphore_mem>>)
    %dma_wait3A_264 = tpu.memref_slice %arg5[%mul3A_130] : memref<33554432xf32, #tpu.memory_space<hbm>> -> memref<32768xf32, #tpu.memory_space<hbm>>
    %dma_wait3A_265 = tpu.memref_slice %arg5[%mul3A_130] : memref<33554432xf32, #tpu.memory_space<hbm>> -> memref<32768xf32, #tpu.memory_space<hbm>>
    tpu.wait_dma2 semaphore(%arg11 : memref<!tpu.dma_semaphore, #tpu.memory_space<semaphore_mem>>) src(%arg9 : memref<32768xf32, #tpu.memory_space<vmem>>) dst(%dma_wait3A_265 : memref<32768xf32, #tpu.memory_space<hbm>>)
    %get3A_266 = arith.constant 32 : index
    %get3A_267 = tpu.vector_load %arg6[%get3A_266] {strides = array<i32>} : memref<1024xi32, #tpu.memory_space<vmem>>, vector<16xi32>,
    %jit3A_268 = arith.constant 1024 : i32
    %eq3A_269 = arith.constant 0 : i32
    %eq3A_270 = arith.cmpi eq, %jit3A_268, %eq3A_269 : i32
    %jit3A_271 = arith.constant 1 : i32
    %select_n3A_272 = arith.select %eq3A_270, %jit3A_271, %jit3A_268 : i32
    %rem3A_273 = vector.broadcast %select_n3A_272 : i32 to vector<16xi32>
    %rem3A_274 = arith.remsi %get3A_267, %rem3A_273 : vector<16xi32>
    %ne3A_275 = arith.constant 0 : i32
    %ne3A_276 = vector.broadcast %ne3A_275 : i32 to vector<16xi32>
    %ne3A_277 = arith.cmpi ne, %rem3A_274, %ne3A_276 : vector<16xi32>
    %lt3A_278 = arith.constant 0 : i32
    %lt3A_279 = vector.broadcast %lt3A_278 : i32 to vector<16xi32>
    %lt3A_280 = arith.cmpi slt, %rem3A_274, %lt3A_279 : vector<16xi32>
    %lt3A_281 = arith.constant 0 : i32
    %lt3A_282 = arith.cmpi slt, %select_n3A_272, %lt3A_281 : i32
    %ne3A_283 = vector.broadcast %lt3A_282 : i1 to vector<16xi1>
    %ne3A_284 = vector.broadcast %ne3A_283 : vector<16xi1> to vector<16xi1>
    %ne3A_285 = arith.xori %lt3A_280, %ne3A_284 : vector<16xi1>
    %and3A_286 = arith.andi %ne3A_285, %ne3A_277 : vector<16xi1>
    %add3A_287 = vector.broadcast %select_n3A_272 : i32 to vector<16xi32>
    %add3A_288 = arith.addi %rem3A_274, %add3A_287 : vector<16xi32>
    %select_n3A_289 = arith.select %and3A_286, %add3A_288, %rem3A_274 : vector<16xi1>, vector<16xi32>
    %add3A_290 = arith.constant 0 : i32
    %add3A_291 = vector.broadcast %add3A_290 : i32 to vector<16xi32>
    %add3A_292 = arith.addi %iota3A, %add3A_291 : vector<16xi32>
    %mul3A_293 = arith.constant 1024 : i32
    %mul3A_294 = vector.broadcast %mul3A_293 : i32 to vector<16xi32>
    %mul3A_295 = arith.muli %add3A_292, %mul3A_294 : vector<16xi32>
    %add3A_296 = arith.addi %mul3A_295, %select_n3A_289 : vector<16xi32>
    tpu.vector_store_idx %arg9[%add3A_296], %broadcast_in_dim3A_4 : memref<32768xf32, #tpu.memory_space<vmem>>[vector<16xi32>], vector<16xf32>,
    %get3A_297 = arith.constant 48 : index
    %get3A_298 = tpu.vector_load %arg6[%get3A_297] {strides = array<i32>} : memref<1024xi32, #tpu.memory_space<vmem>>, vector<16xi32>,
    %jit3A_299 = arith.constant 1024 : i32
    %eq3A_300 = arith.constant 0 : i32
    %eq3A_301 = arith.cmpi eq, %jit3A_299, %eq3A_300 : i32
    %jit3A_302 = arith.constant 1 : i32
    %select_n3A_303 = arith.select %eq3A_301, %jit3A_302, %jit3A_299 : i32
    %rem3A_304 = vector.broadcast %select_n3A_303 : i32 to vector<16xi32>
    %rem3A_305 = arith.remsi %get3A_298, %rem3A_304 : vector<16xi32>
    %ne3A_306 = arith.constant 0 : i32
    %ne3A_307 = vector.broadcast %ne3A_306 : i32 to vector<16xi32>
    %ne3A_308 = arith.cmpi ne, %rem3A_305, %ne3A_307 : vector<16xi32>
    %lt3A_309 = arith.constant 0 : i32
    %lt3A_310 = vector.broadcast %lt3A_309 : i32 to vector<16xi32>
    %lt3A_311 = arith.cmpi slt, %rem3A_305, %lt3A_310 : vector<16xi32>
    %lt3A_312 = arith.constant 0 : i32
    %lt3A_313 = arith.cmpi slt, %select_n3A_303, %lt3A_312 : i32
    %ne3A_314 = vector.broadcast %lt3A_313 : i1 to vector<16xi1>
    %ne3A_315 = vector.broadcast %ne3A_314 : vector<16xi1> to vector<16xi1>
    %ne3A_316 = arith.xori %lt3A_311, %ne3A_315 : vector<16xi1>
    %and3A_317 = arith.andi %ne3A_316, %ne3A_308 : vector<16xi1>
    %add3A_318 = vector.broadcast %select_n3A_303 : i32 to vector<16xi32>
    %add3A_319 = arith.addi %rem3A_305, %add3A_318 : vector<16xi32>
    %select_n3A_320 = arith.select %and3A_317, %add3A_319, %rem3A_305 : vector<16xi1>, vector<16xi32>
    %add3A_321 = arith.constant 16 : i32
    %add3A_322 = vector.broadcast %add3A_321 : i32 to vector<16xi32>
    %add3A_323 = arith.addi %iota3A, %add3A_322 : vector<16xi32>
    %mul3A_324 = arith.constant 1024 : i32
    %mul3A_325 = vector.broadcast %mul3A_324 : i32 to vector<16xi32>
    %mul3A_326 = arith.muli %add3A_323, %mul3A_325 : vector<16xi32>
    %add3A_327 = arith.addi %mul3A_326, %select_n3A_320 : vector<16xi32>
    tpu.vector_store_idx %arg9[%add3A_327], %broadcast_in_dim3A_4 : memref<32768xf32, #tpu.memory_space<vmem>>[vector<16xi32>], vector<16xf32>,
    %get3A_328 = arith.constant 96 : index
    %get3A_329 = tpu.vector_load %arg6[%get3A_328] {strides = array<i32>} : memref<1024xi32, #tpu.memory_space<vmem>>, vector<16xi32>,
    %jit3A_330 = arith.constant 1024 : i32
    %eq3A_331 = arith.constant 0 : i32
    %eq3A_332 = arith.cmpi eq, %jit3A_330, %eq3A_331 : i32
    %jit3A_333 = arith.constant 1 : i32
    %select_n3A_334 = arith.select %eq3A_332, %jit3A_333, %jit3A_330 : i32
    %rem3A_335 = vector.broadcast %select_n3A_334 : i32 to vector<16xi32>
    %rem3A_336 = arith.remsi %get3A_329, %rem3A_335 : vector<16xi32>
    %ne3A_337 = arith.constant 0 : i32
    %ne3A_338 = vector.broadcast %ne3A_337 : i32 to vector<16xi32>
    %ne3A_339 = arith.cmpi ne, %rem3A_336, %ne3A_338 : vector<16xi32>
    %lt3A_340 = arith.constant 0 : i32
    %lt3A_341 = vector.broadcast %lt3A_340 : i32 to vector<16xi32>
    %lt3A_342 = arith.cmpi slt, %rem3A_336, %lt3A_341 : vector<16xi32>
    %lt3A_343 = arith.constant 0 : i32
    %lt3A_344 = arith.cmpi slt, %select_n3A_334, %lt3A_343 : i32
    %ne3A_345 = vector.broadcast %lt3A_344 : i1 to vector<16xi1>
    %ne3A_346 = vector.broadcast %ne3A_345 : vector<16xi1> to vector<16xi1>
    %ne3A_347 = arith.xori %lt3A_342, %ne3A_346 : vector<16xi1>
    %and3A_348 = arith.andi %ne3A_347, %ne3A_339 : vector<16xi1>
    %add3A_349 = vector.broadcast %select_n3A_334 : i32 to vector<16xi32>
    %add3A_350 = arith.addi %rem3A_336, %add3A_349 : vector<16xi32>
    %select_n3A_351 = arith.select %and3A_348, %add3A_350, %rem3A_336 : vector<16xi1>, vector<16xi32>
    %add3A_352 = arith.constant 0 : i32
    %add3A_353 = vector.broadcast %add3A_352 : i32 to vector<16xi32>
    %add3A_354 = arith.addi %iota3A, %add3A_353 : vector<16xi32>
    %mul3A_355 = arith.constant 1024 : i32
    %mul3A_356 = vector.broadcast %mul3A_355 : i32 to vector<16xi32>
    %mul3A_357 = arith.muli %add3A_354, %mul3A_356 : vector<16xi32>
    %add3A_358 = arith.addi %mul3A_357, %select_n3A_351 : vector<16xi32>
    tpu.vector_store_idx %arg9[%add3A_358], %get3A_3 : memref<32768xf32, #tpu.memory_space<vmem>>[vector<16xi32>], vector<16xf32>,
    %get3A_359 = arith.constant 112 : index
    %get3A_360 = tpu.vector_load %arg6[%get3A_359] {strides = array<i32>} : memref<1024xi32, #tpu.memory_space<vmem>>, vector<16xi32>,
    %jit3A_361 = arith.constant 1024 : i32
    %eq3A_362 = arith.constant 0 : i32
    %eq3A_363 = arith.cmpi eq, %jit3A_361, %eq3A_362 : i32
    %jit3A_364 = arith.constant 1 : i32
    %select_n3A_365 = arith.select %eq3A_363, %jit3A_364, %jit3A_361 : i32
    %rem3A_366 = vector.broadcast %select_n3A_365 : i32 to vector<16xi32>
    %rem3A_367 = arith.remsi %get3A_360, %rem3A_366 : vector<16xi32>
    %ne3A_368 = arith.constant 0 : i32
    %ne3A_369 = vector.broadcast %ne3A_368 : i32 to vector<16xi32>
    %ne3A_370 = arith.cmpi ne, %rem3A_367, %ne3A_369 : vector<16xi32>
    %lt3A_371 = arith.constant 0 : i32
    %lt3A_372 = vector.broadcast %lt3A_371 : i32 to vector<16xi32>
    %lt3A_373 = arith.cmpi slt, %rem3A_367, %lt3A_372 : vector<16xi32>
    %lt3A_374 = arith.constant 0 : i32
    %lt3A_375 = arith.cmpi slt, %select_n3A_365, %lt3A_374 : i32
    %ne3A_376 = vector.broadcast %lt3A_375 : i1 to vector<16xi1>
    %ne3A_377 = vector.broadcast %ne3A_376 : vector<16xi1> to vector<16xi1>
    %ne3A_378 = arith.xori %lt3A_373, %ne3A_377 : vector<16xi1>
    %and3A_379 = arith.andi %ne3A_378, %ne3A_370 : vector<16xi1>
    %add3A_380 = vector.broadcast %select_n3A_365 : i32 to vector<16xi32>
    %add3A_381 = arith.addi %rem3A_367, %add3A_380 : vector<16xi32>
    %select_n3A_382 = arith.select %and3A_379, %add3A_381, %rem3A_367 : vector<16xi1>, vector<16xi32>
    %add3A_383 = arith.constant 16 : i32
    %add3A_384 = vector.broadcast %add3A_383 : i32 to vector<16xi32>
    %add3A_385 = arith.addi %iota3A, %add3A_384 : vector<16xi32>
    %mul3A_386 = arith.constant 1024 : i32
    %mul3A_387 = vector.broadcast %mul3A_386 : i32 to vector<16xi32>
    %mul3A_388 = arith.muli %add3A_385, %mul3A_387 : vector<16xi32>
    %add3A_389 = arith.addi %mul3A_388, %select_n3A_382 : vector<16xi32>
    tpu.vector_store_idx %arg9[%add3A_389], %get3A_3 : memref<32768xf32, #tpu.memory_space<vmem>>[vector<16xi32>], vector<16xf32>,
    %add3A_390 = arith.constant 96 : i32
    %add3A_391 = arith.addi %mul3A_2, %add3A_390 : i32
    %mul3A_392 = arith.constant 1024 : i32
    %mul3A_393 = arith.muli %add3A_391, %mul3A_392 : i32
    %dma_start3A_394 = tpu.memref_slice %arg5[%mul3A_393] : memref<33554432xf32, #tpu.memory_space<hbm>> -> memref<32768xf32, #tpu.memory_space<hbm>>
    %dma_start3A_395 = tpu.memref_slice %arg5[%mul3A_393] : memref<33554432xf32, #tpu.memory_space<hbm>> -> memref<32768xf32, #tpu.memory_space<hbm>>
    tpu.enqueue_dma source(%arg9 : memref<32768xf32, #tpu.memory_space<vmem>>) target(%dma_start3A_395 : memref<32768xf32, #tpu.memory_space<hbm>>) target_semaphore(%arg11 : memref<!tpu.dma_semaphore, #tpu.memory_space<semaphore_mem>>)
    %dma_wait3A_396 = tpu.memref_slice %arg5[%mul3A_261] : memref<33554432xf32, #tpu.memory_space<hbm>> -> memref<32768xf32, #tpu.memory_space<hbm>>
    %dma_wait3A_397 = tpu.memref_slice %arg5[%mul3A_261] : memref<33554432xf32, #tpu.memory_space<hbm>> -> memref<32768xf32, #tpu.memory_space<hbm>>
    tpu.wait_dma2 semaphore(%arg10 : memref<!tpu.dma_semaphore, #tpu.memory_space<semaphore_mem>>) src(%arg8 : memref<32768xf32, #tpu.memory_space<vmem>>) dst(%dma_wait3A_397 : memref<32768xf32, #tpu.memory_space<hbm>>)
    %get3A_398 = arith.constant 64 : index
    %get3A_399 = tpu.vector_load %arg6[%get3A_398] {strides = array<i32>} : memref<1024xi32, #tpu.memory_space<vmem>>, vector<16xi32>,
    %jit3A_400 = arith.constant 1024 : i32
    %eq3A_401 = arith.constant 0 : i32
    %eq3A_402 = arith.cmpi eq, %jit3A_400, %eq3A_401 : i32
    %jit3A_403 = arith.constant 1 : i32
    %select_n3A_404 = arith.select %eq3A_402, %jit3A_403, %jit3A_400 : i32
    %rem3A_405 = vector.broadcast %select_n3A_404 : i32 to vector<16xi32>
    %rem3A_406 = arith.remsi %get3A_399, %rem3A_405 : vector<16xi32>
    %ne3A_407 = arith.constant 0 : i32
    %ne3A_408 = vector.broadcast %ne3A_407 : i32 to vector<16xi32>
    %ne3A_409 = arith.cmpi ne, %rem3A_406, %ne3A_408 : vector<16xi32>
    %lt3A_410 = arith.constant 0 : i32
    %lt3A_411 = vector.broadcast %lt3A_410 : i32 to vector<16xi32>
    %lt3A_412 = arith.cmpi slt, %rem3A_406, %lt3A_411 : vector<16xi32>
    %lt3A_413 = arith.constant 0 : i32
    %lt3A_414 = arith.cmpi slt, %select_n3A_404, %lt3A_413 : i32
    %ne3A_415 = vector.broadcast %lt3A_414 : i1 to vector<16xi1>
    %ne3A_416 = vector.broadcast %ne3A_415 : vector<16xi1> to vector<16xi1>
    %ne3A_417 = arith.xori %lt3A_412, %ne3A_416 : vector<16xi1>
    %and3A_418 = arith.andi %ne3A_417, %ne3A_409 : vector<16xi1>
    %add3A_419 = vector.broadcast %select_n3A_404 : i32 to vector<16xi32>
    %add3A_420 = arith.addi %rem3A_406, %add3A_419 : vector<16xi32>
    %select_n3A_421 = arith.select %and3A_418, %add3A_420, %rem3A_406 : vector<16xi1>, vector<16xi32>
    %add3A_422 = arith.constant 0 : i32
    %add3A_423 = vector.broadcast %add3A_422 : i32 to vector<16xi32>
    %add3A_424 = arith.addi %iota3A, %add3A_423 : vector<16xi32>
    %mul3A_425 = arith.constant 1024 : i32
    %mul3A_426 = vector.broadcast %mul3A_425 : i32 to vector<16xi32>
    %mul3A_427 = arith.muli %add3A_424, %mul3A_426 : vector<16xi32>
    %add3A_428 = arith.addi %mul3A_427, %select_n3A_421 : vector<16xi32>
    tpu.vector_store_idx %arg8[%add3A_428], %broadcast_in_dim3A_4 : memref<32768xf32, #tpu.memory_space<vmem>>[vector<16xi32>], vector<16xf32>,
    %get3A_429 = arith.constant 80 : index
    %get3A_430 = tpu.vector_load %arg6[%get3A_429] {strides = array<i32>} : memref<1024xi32, #tpu.memory_space<vmem>>, vector<16xi32>,
    %jit3A_431 = arith.constant 1024 : i32
    %eq3A_432 = arith.constant 0 : i32
    %eq3A_433 = arith.cmpi eq, %jit3A_431, %eq3A_432 : i32
    %jit3A_434 = arith.constant 1 : i32
    %select_n3A_435 = arith.select %eq3A_433, %jit3A_434, %jit3A_431 : i32
    %rem3A_436 = vector.broadcast %select_n3A_435 : i32 to vector<16xi32>
    %rem3A_437 = arith.remsi %get3A_430, %rem3A_436 : vector<16xi32>
    %ne3A_438 = arith.constant 0 : i32
    %ne3A_439 = vector.broadcast %ne3A_438 : i32 to vector<16xi32>
    %ne3A_440 = arith.cmpi ne, %rem3A_437, %ne3A_439 : vector<16xi32>
    %lt3A_441 = arith.constant 0 : i32
    %lt3A_442 = vector.broadcast %lt3A_441 : i32 to vector<16xi32>
    %lt3A_443 = arith.cmpi slt, %rem3A_437, %lt3A_442 : vector<16xi32>
    %lt3A_444 = arith.constant 0 : i32
    %lt3A_445 = arith.cmpi slt, %select_n3A_435, %lt3A_444 : i32
    %ne3A_446 = vector.broadcast %lt3A_445 : i1 to vector<16xi1>
    %ne3A_447 = vector.broadcast %ne3A_446 : vector<16xi1> to vector<16xi1>
    %ne3A_448 = arith.xori %lt3A_443, %ne3A_447 : vector<16xi1>
    %and3A_449 = arith.andi %ne3A_448, %ne3A_440 : vector<16xi1>
    %add3A_450 = vector.broadcast %select_n3A_435 : i32 to vector<16xi32>
    %add3A_451 = arith.addi %rem3A_437, %add3A_450 : vector<16xi32>
    %select_n3A_452 = arith.select %and3A_449, %add3A_451, %rem3A_437 : vector<16xi1>, vector<16xi32>
    %add3A_453 = arith.constant 16 : i32
    %add3A_454 = vector.broadcast %add3A_453 : i32 to vector<16xi32>
    %add3A_455 = arith.addi %iota3A, %add3A_454 : vector<16xi32>
    %mul3A_456 = arith.constant 1024 : i32
    %mul3A_457 = vector.broadcast %mul3A_456 : i32 to vector<16xi32>
    %mul3A_458 = arith.muli %add3A_455, %mul3A_457 : vector<16xi32>
    %add3A_459 = arith.addi %mul3A_458, %select_n3A_452 : vector<16xi32>
    tpu.vector_store_idx %arg8[%add3A_459], %broadcast_in_dim3A_4 : memref<32768xf32, #tpu.memory_space<vmem>>[vector<16xi32>], vector<16xf32>,
    %get3A_460 = arith.constant 128 : index
    %get3A_461 = tpu.vector_load %arg6[%get3A_460] {strides = array<i32>} : memref<1024xi32, #tpu.memory_space<vmem>>, vector<16xi32>,
    %jit3A_462 = arith.constant 1024 : i32
    %eq3A_463 = arith.constant 0 : i32
    %eq3A_464 = arith.cmpi eq, %jit3A_462, %eq3A_463 : i32
    %jit3A_465 = arith.constant 1 : i32
    %select_n3A_466 = arith.select %eq3A_464, %jit3A_465, %jit3A_462 : i32
    %rem3A_467 = vector.broadcast %select_n3A_466 : i32 to vector<16xi32>
    %rem3A_468 = arith.remsi %get3A_461, %rem3A_467 : vector<16xi32>
    %ne3A_469 = arith.constant 0 : i32
    %ne3A_470 = vector.broadcast %ne3A_469 : i32 to vector<16xi32>
    %ne3A_471 = arith.cmpi ne, %rem3A_468, %ne3A_470 : vector<16xi32>
    %lt3A_472 = arith.constant 0 : i32
    %lt3A_473 = vector.broadcast %lt3A_472 : i32 to vector<16xi32>
    %lt3A_474 = arith.cmpi slt, %rem3A_468, %lt3A_473 : vector<16xi32>
    %lt3A_475 = arith.constant 0 : i32
    %lt3A_476 = arith.cmpi slt, %select_n3A_466, %lt3A_475 : i32
    %ne3A_477 = vector.broadcast %lt3A_476 : i1 to vector<16xi1>
    %ne3A_478 = vector.broadcast %ne3A_477 : vector<16xi1> to vector<16xi1>
    %ne3A_479 = arith.xori %lt3A_474, %ne3A_478 : vector<16xi1>
    %and3A_480 = arith.andi %ne3A_479, %ne3A_471 : vector<16xi1>
    %add3A_481 = vector.broadcast %select_n3A_466 : i32 to vector<16xi32>
    %add3A_482 = arith.addi %rem3A_468, %add3A_481 : vector<16xi32>
    %select_n3A_483 = arith.select %and3A_480, %add3A_482, %rem3A_468 : vector<16xi1>, vector<16xi32>
    %add3A_484 = arith.constant 0 : i32
    %add3A_485 = vector.broadcast %add3A_484 : i32 to vector<16xi32>
    %add3A_486 = arith.addi %iota3A, %add3A_485 : vector<16xi32>
    %mul3A_487 = arith.constant 1024 : i32
    %mul3A_488 = vector.broadcast %mul3A_487 : i32 to vector<16xi32>
    %mul3A_489 = arith.muli %add3A_486, %mul3A_488 : vector<16xi32>
    %add3A_490 = arith.addi %mul3A_489, %select_n3A_483 : vector<16xi32>
    tpu.vector_store_idx %arg8[%add3A_490], %get3A_3 : memref<32768xf32, #tpu.memory_space<vmem>>[vector<16xi32>], vector<16xf32>,
    %get3A_491 = arith.constant 144 : index
    %get3A_492 = tpu.vector_load %arg6[%get3A_491] {strides = array<i32>} : memref<1024xi32, #tpu.memory_space<vmem>>, vector<16xi32>,
    %jit3A_493 = arith.constant 1024 : i32
    %eq3A_494 = arith.constant 0 : i32
    %eq3A_495 = arith.cmpi eq, %jit3A_493, %eq3A_494 : i32
    %jit3A_496 = arith.constant 1 : i32
    %select_n3A_497 = arith.select %eq3A_495, %jit3A_496, %jit3A_493 : i32
    %rem3A_498 = vector.broadcast %select_n3A_497 : i32 to vector<16xi32>
    %rem3A_499 = arith.remsi %get3A_492, %rem3A_498 : vector<16xi32>
    %ne3A_500 = arith.constant 0 : i32
    %ne3A_501 = vector.broadcast %ne3A_500 : i32 to vector<16xi32>
    %ne3A_502 = arith.cmpi ne, %rem3A_499, %ne3A_501 : vector<16xi32>
    %lt3A_503 = arith.constant 0 : i32
    %lt3A_504 = vector.broadcast %lt3A_503 : i32 to vector<16xi32>
    %lt3A_505 = arith.cmpi slt, %rem3A_499, %lt3A_504 : vector<16xi32>
    %lt3A_506 = arith.constant 0 : i32
    %lt3A_507 = arith.cmpi slt, %select_n3A_497, %lt3A_506 : i32
    %ne3A_508 = vector.broadcast %lt3A_507 : i1 to vector<16xi1>
    %ne3A_509 = vector.broadcast %ne3A_508 : vector<16xi1> to vector<16xi1>
    %ne3A_510 = arith.xori %lt3A_505, %ne3A_509 : vector<16xi1>
    %and3A_511 = arith.andi %ne3A_510, %ne3A_502 : vector<16xi1>
    %add3A_512 = vector.broadcast %select_n3A_497 : i32 to vector<16xi32>
    %add3A_513 = arith.addi %rem3A_499, %add3A_512 : vector<16xi32>
    %select_n3A_514 = arith.select %and3A_511, %add3A_513, %rem3A_499 : vector<16xi1>, vector<16xi32>
    %add3A_515 = arith.constant 16 : i32
    %add3A_516 = vector.broadcast %add3A_515 : i32 to vector<16xi32>
    %add3A_517 = arith.addi %iota3A, %add3A_516 : vector<16xi32>
    %mul3A_518 = arith.constant 1024 : i32
    %mul3A_519 = vector.broadcast %mul3A_518 : i32 to vector<16xi32>
    %mul3A_520 = arith.muli %add3A_517, %mul3A_519 : vector<16xi32>
    %add3A_521 = arith.addi %mul3A_520, %select_n3A_514 : vector<16xi32>
    tpu.vector_store_idx %arg8[%add3A_521], %get3A_3 : memref<32768xf32, #tpu.memory_space<vmem>>[vector<16xi32>], vector<16xf32>,
    %add3A_522 = arith.constant 128 : i32
    %add3A_523 = arith.addi %mul3A_2, %add3A_522 : i32
    %mul3A_524 = arith.constant 1024 : i32
    %mul3A_525 = arith.muli %add3A_523, %mul3A_524 : i32
    %dma_start3A_526 = tpu.memref_slice %arg5[%mul3A_525] : memref<33554432xf32, #tpu.memory_space<hbm>> -> memref<32768xf32, #tpu.memory_space<hbm>>
    %dma_start3A_527 = tpu.memref_slice %arg5[%mul3A_525] : memref<33554432xf32, #tpu.memory_space<hbm>> -> memref<32768xf32, #tpu.memory_space<hbm>>
    tpu.enqueue_dma source(%arg8 : memref<32768xf32, #tpu.memory_space<vmem>>) target(%dma_start3A_527 : memref<32768xf32, #tpu.memory_space<hbm>>) target_semaphore(%arg10 : memref<!tpu.dma_semaphore, #tpu.memory_space<semaphore_mem>>)
    %dma_wait3A_528 = tpu.memref_slice %arg5[%mul3A_393] : memref<33554432xf32, #tpu.memory_space<hbm>> -> memref<32768xf32, #tpu.memory_space<hbm>>
    %dma_wait3A_529 = tpu.memref_slice %arg5[%mul3A_393] : memref<33554432xf32, #tpu.memory_space<hbm>> -> memref<32768xf32, #tpu.memory_space<hbm>>
    tpu.wait_dma2 semaphore(%arg11 : memref<!tpu.dma_semaphore, #tpu.memory_space<semaphore_mem>>) src(%arg9 : memref<32768xf32, #tpu.memory_space<vmem>>) dst(%dma_wait3A_529 : memref<32768xf32, #tpu.memory_space<hbm>>)
    %get3A_530 = arith.constant 96 : index
    %get3A_531 = tpu.vector_load %arg6[%get3A_530] {strides = array<i32>} : memref<1024xi32, #tpu.memory_space<vmem>>, vector<16xi32>,
    %jit3A_532 = arith.constant 1024 : i32
    %eq3A_533 = arith.constant 0 : i32
    %eq3A_534 = arith.cmpi eq, %jit3A_532, %eq3A_533 : i32
    %jit3A_535 = arith.constant 1 : i32
    %select_n3A_536 = arith.select %eq3A_534, %jit3A_535, %jit3A_532 : i32
    %rem3A_537 = vector.broadcast %select_n3A_536 : i32 to vector<16xi32>
    %rem3A_538 = arith.remsi %get3A_531, %rem3A_537 : vector<16xi32>
    %ne3A_539 = arith.constant 0 : i32
    %ne3A_540 = vector.broadcast %ne3A_539 : i32 to vector<16xi32>
    %ne3A_541 = arith.cmpi ne, %rem3A_538, %ne3A_540 : vector<16xi32>
    %lt3A_542 = arith.constant 0 : i32
    %lt3A_543 = vector.broadcast %lt3A_542 : i32 to vector<16xi32>
    %lt3A_544 = arith.cmpi slt, %rem3A_538, %lt3A_543 : vector<16xi32>
    %lt3A_545 = arith.constant 0 : i32
    %lt3A_546 = arith.cmpi slt, %select_n3A_536, %lt3A_545 : i32
    %ne3A_547 = vector.broadcast %lt3A_546 : i1 to vector<16xi1>
    %ne3A_548 = vector.broadcast %ne3A_547 : vector<16xi1> to vector<16xi1>
    %ne3A_549 = arith.xori %lt3A_544, %ne3A_548 : vector<16xi1>
    %and3A_550 = arith.andi %ne3A_549, %ne3A_541 : vector<16xi1>
    %add3A_551 = vector.broadcast %select_n3A_536 : i32 to vector<16xi32>
    %add3A_552 = arith.addi %rem3A_538, %add3A_551 : vector<16xi32>
    %select_n3A_553 = arith.select %and3A_550, %add3A_552, %rem3A_538 : vector<16xi1>, vector<16xi32>
    %add3A_554 = arith.constant 0 : i32
    %add3A_555 = vector.broadcast %add3A_554 : i32 to vector<16xi32>
    %add3A_556 = arith.addi %iota3A, %add3A_555 : vector<16xi32>
    %mul3A_557 = arith.constant 1024 : i32
    %mul3A_558 = vector.broadcast %mul3A_557 : i32 to vector<16xi32>
    %mul3A_559 = arith.muli %add3A_556, %mul3A_558 : vector<16xi32>
    %add3A_560 = arith.addi %mul3A_559, %select_n3A_553 : vector<16xi32>
    tpu.vector_store_idx %arg9[%add3A_560], %broadcast_in_dim3A_4 : memref<32768xf32, #tpu.memory_space<vmem>>[vector<16xi32>], vector<16xf32>,
    %get3A_561 = arith.constant 112 : index
    %get3A_562 = tpu.vector_load %arg6[%get3A_561] {strides = array<i32>} : memref<1024xi32, #tpu.memory_space<vmem>>, vector<16xi32>,
    %jit3A_563 = arith.constant 1024 : i32
    %eq3A_564 = arith.constant 0 : i32
    %eq3A_565 = arith.cmpi eq, %jit3A_563, %eq3A_564 : i32
    %jit3A_566 = arith.constant 1 : i32
    %select_n3A_567 = arith.select %eq3A_565, %jit3A_566, %jit3A_563 : i32
    %rem3A_568 = vector.broadcast %select_n3A_567 : i32 to vector<16xi32>
    %rem3A_569 = arith.remsi %get3A_562, %rem3A_568 : vector<16xi32>
    %ne3A_570 = arith.constant 0 : i32
    %ne3A_571 = vector.broadcast %ne3A_570 : i32 to vector<16xi32>
    %ne3A_572 = arith.cmpi ne, %rem3A_569, %ne3A_571 : vector<16xi32>
    %lt3A_573 = arith.constant 0 : i32
    %lt3A_574 = vector.broadcast %lt3A_573 : i32 to vector<16xi32>
    %lt3A_575 = arith.cmpi slt, %rem3A_569, %lt3A_574 : vector<16xi32>
    %lt3A_576 = arith.constant 0 : i32
    %lt3A_577 = arith.cmpi slt, %select_n3A_567, %lt3A_576 : i32
    %ne3A_578 = vector.broadcast %lt3A_577 : i1 to vector<16xi1>
    %ne3A_579 = vector.broadcast %ne3A_578 : vector<16xi1> to vector<16xi1>
    %ne3A_580 = arith.xori %lt3A_575, %ne3A_579 : vector<16xi1>
    %and3A_581 = arith.andi %ne3A_580, %ne3A_572 : vector<16xi1>
    %add3A_582 = vector.broadcast %select_n3A_567 : i32 to vector<16xi32>
    %add3A_583 = arith.addi %rem3A_569, %add3A_582 : vector<16xi32>
    %select_n3A_584 = arith.select %and3A_581, %add3A_583, %rem3A_569 : vector<16xi1>, vector<16xi32>
    %add3A_585 = arith.constant 16 : i32
    %add3A_586 = vector.broadcast %add3A_585 : i32 to vector<16xi32>
    %add3A_587 = arith.addi %iota3A, %add3A_586 : vector<16xi32>
    %mul3A_588 = arith.constant 1024 : i32
    %mul3A_589 = vector.broadcast %mul3A_588 : i32 to vector<16xi32>
    %mul3A_590 = arith.muli %add3A_587, %mul3A_589 : vector<16xi32>
    %add3A_591 = arith.addi %mul3A_590, %select_n3A_584 : vector<16xi32>
    tpu.vector_store_idx %arg9[%add3A_591], %broadcast_in_dim3A_4 : memref<32768xf32, #tpu.memory_space<vmem>>[vector<16xi32>], vector<16xf32>,
    %get3A_592 = arith.constant 160 : index
    %get3A_593 = tpu.vector_load %arg6[%get3A_592] {strides = array<i32>} : memref<1024xi32, #tpu.memory_space<vmem>>, vector<16xi32>,
    %jit3A_594 = arith.constant 1024 : i32
    %eq3A_595 = arith.constant 0 : i32
    %eq3A_596 = arith.cmpi eq, %jit3A_594, %eq3A_595 : i32
    %jit3A_597 = arith.constant 1 : i32
    %select_n3A_598 = arith.select %eq3A_596, %jit3A_597, %jit3A_594 : i32
    %rem3A_599 = vector.broadcast %select_n3A_598 : i32 to vector<16xi32>
    %rem3A_600 = arith.remsi %get3A_593, %rem3A_599 : vector<16xi32>
    %ne3A_601 = arith.constant 0 : i32
    %ne3A_602 = vector.broadcast %ne3A_601 : i32 to vector<16xi32>
    %ne3A_603 = arith.cmpi ne, %rem3A_600, %ne3A_602 : vector<16xi32>
    %lt3A_604 = arith.constant 0 : i32
    %lt3A_605 = vector.broadcast %lt3A_604 : i32 to vector<16xi32>
    %lt3A_606 = arith.cmpi slt, %rem3A_600, %lt3A_605 : vector<16xi32>
    %lt3A_607 = arith.constant 0 : i32
    %lt3A_608 = arith.cmpi slt, %select_n3A_598, %lt3A_607 : i32
    %ne3A_609 = vector.broadcast %lt3A_608 : i1 to vector<16xi1>
    %ne3A_610 = vector.broadcast %ne3A_609 : vector<16xi1> to vector<16xi1>
    %ne3A_611 = arith.xori %lt3A_606, %ne3A_610 : vector<16xi1>
    %and3A_612 = arith.andi %ne3A_611, %ne3A_603 : vector<16xi1>
    %add3A_613 = vector.broadcast %select_n3A_598 : i32 to vector<16xi32>
    %add3A_614 = arith.addi %rem3A_600, %add3A_613 : vector<16xi32>
    %select_n3A_615 = arith.select %and3A_612, %add3A_614, %rem3A_600 : vector<16xi1>, vector<16xi32>
    %add3A_616 = arith.constant 0 : i32
    %add3A_617 = vector.broadcast %add3A_616 : i32 to vector<16xi32>
    %add3A_618 = arith.addi %iota3A, %add3A_617 : vector<16xi32>
    %mul3A_619 = arith.constant 1024 : i32
    %mul3A_620 = vector.broadcast %mul3A_619 : i32 to vector<16xi32>
    %mul3A_621 = arith.muli %add3A_618, %mul3A_620 : vector<16xi32>
    %add3A_622 = arith.addi %mul3A_621, %select_n3A_615 : vector<16xi32>
    tpu.vector_store_idx %arg9[%add3A_622], %get3A_3 : memref<32768xf32, #tpu.memory_space<vmem>>[vector<16xi32>], vector<16xf32>,
    %get3A_623 = arith.constant 176 : index
    %get3A_624 = tpu.vector_load %arg6[%get3A_623] {strides = array<i32>} : memref<1024xi32, #tpu.memory_space<vmem>>, vector<16xi32>,
    %jit3A_625 = arith.constant 1024 : i32
    %eq3A_626 = arith.constant 0 : i32
    %eq3A_627 = arith.cmpi eq, %jit3A_625, %eq3A_626 : i32
    %jit3A_628 = arith.constant 1 : i32
    %select_n3A_629 = arith.select %eq3A_627, %jit3A_628, %jit3A_625 : i32
    %rem3A_630 = vector.broadcast %select_n3A_629 : i32 to vector<16xi32>
    %rem3A_631 = arith.remsi %get3A_624, %rem3A_630 : vector<16xi32>
    %ne3A_632 = arith.constant 0 : i32
    %ne3A_633 = vector.broadcast %ne3A_632 : i32 to vector<16xi32>
    %ne3A_634 = arith.cmpi ne, %rem3A_631, %ne3A_633 : vector<16xi32>
    %lt3A_635 = arith.constant 0 : i32
    %lt3A_636 = vector.broadcast %lt3A_635 : i32 to vector<16xi32>
    %lt3A_637 = arith.cmpi slt, %rem3A_631, %lt3A_636 : vector<16xi32>
    %lt3A_638 = arith.constant 0 : i32
    %lt3A_639 = arith.cmpi slt, %select_n3A_629, %lt3A_638 : i32
    %ne3A_640 = vector.broadcast %lt3A_639 : i1 to vector<16xi1>
    %ne3A_641 = vector.broadcast %ne3A_640 : vector<16xi1> to vector<16xi1>
    %ne3A_642 = arith.xori %lt3A_637, %ne3A_641 : vector<16xi1>
    %and3A_643 = arith.andi %ne3A_642, %ne3A_634 : vector<16xi1>
    %add3A_644 = vector.broadcast %select_n3A_629 : i32 to vector<16xi32>
    %add3A_645 = arith.addi %rem3A_631, %add3A_644 : vector<16xi32>
    %select_n3A_646 = arith.select %and3A_643, %add3A_645, %rem3A_631 : vector<16xi1>, vector<16xi32>
    %add3A_647 = arith.constant 16 : i32
    %add3A_648 = vector.broadcast %add3A_647 : i32 to vector<16xi32>
    %add3A_649 = arith.addi %iota3A, %add3A_648 : vector<16xi32>
    %mul3A_650 = arith.constant 1024 : i32
    %mul3A_651 = vector.broadcast %mul3A_650 : i32 to vector<16xi32>
    %mul3A_652 = arith.muli %add3A_649, %mul3A_651 : vector<16xi32>
    %add3A_653 = arith.addi %mul3A_652, %select_n3A_646 : vector<16xi32>
    tpu.vector_store_idx %arg9[%add3A_653], %get3A_3 : memref<32768xf32, #tpu.memory_space<vmem>>[vector<16xi32>], vector<16xf32>,
    %add3A_654 = arith.constant 160 : i32
    %add3A_655 = arith.addi %mul3A_2, %add3A_654 : i32
    %mul3A_656 = arith.constant 1024 : i32
    %mul3A_657 = arith.muli %add3A_655, %mul3A_656 : i32
    %dma_start3A_658 = tpu.memref_slice %arg5[%mul3A_657] : memref<33554432xf32, #tpu.memory_space<hbm>> -> memref<32768xf32, #tpu.memory_space<hbm>>
    %dma_start3A_659 = tpu.memref_slice %arg5[%mul3A_657] : memref<33554432xf32, #tpu.memory_space<hbm>> -> memref<32768xf32, #tpu.memory_space<hbm>>
    tpu.enqueue_dma source(%arg9 : memref<32768xf32, #tpu.memory_space<vmem>>) target(%dma_start3A_659 : memref<32768xf32, #tpu.memory_space<hbm>>) target_semaphore(%arg11 : memref<!tpu.dma_semaphore, #tpu.memory_space<semaphore_mem>>)
    %dma_wait3A_660 = tpu.memref_slice %arg5[%mul3A_525] : memref<33554432xf32, #tpu.memory_space<hbm>> -> memref<32768xf32, #tpu.memory_space<hbm>>
    %dma_wait3A_661 = tpu.memref_slice %arg5[%mul3A_525] : memref<33554432xf32, #tpu.memory_space<hbm>> -> memref<32768xf32, #tpu.memory_space<hbm>>
    tpu.wait_dma2 semaphore(%arg10 : memref<!tpu.dma_semaphore, #tpu.memory_space<semaphore_mem>>) src(%arg8 : memref<32768xf32, #tpu.memory_space<vmem>>) dst(%dma_wait3A_661 : memref<32768xf32, #tpu.memory_space<hbm>>)
    %get3A_662 = arith.constant 128 : index
    %get3A_663 = tpu.vector_load %arg6[%get3A_662] {strides = array<i32>} : memref<1024xi32, #tpu.memory_space<vmem>>, vector<16xi32>,
    %jit3A_664 = arith.constant 1024 : i32
    %eq3A_665 = arith.constant 0 : i32
    %eq3A_666 = arith.cmpi eq, %jit3A_664, %eq3A_665 : i32
    %jit3A_667 = arith.constant 1 : i32
    %select_n3A_668 = arith.select %eq3A_666, %jit3A_667, %jit3A_664 : i32
    %rem3A_669 = vector.broadcast %select_n3A_668 : i32 to vector<16xi32>
    %rem3A_670 = arith.remsi %get3A_663, %rem3A_669 : vector<16xi32>
    %ne3A_671 = arith.constant 0 : i32
    %ne3A_672 = vector.broadcast %ne3A_671 : i32 to vector<16xi32>
    %ne3A_673 = arith.cmpi ne, %rem3A_670, %ne3A_672 : vector<16xi32>
    %lt3A_674 = arith.constant 0 : i32
    %lt3A_675 = vector.broadcast %lt3A_674 : i32 to vector<16xi32>
    %lt3A_676 = arith.cmpi slt, %rem3A_670, %lt3A_675 : vector<16xi32>
    %lt3A_677 = arith.constant 0 : i32
    %lt3A_678 = arith.cmpi slt, %select_n3A_668, %lt3A_677 : i32
    %ne3A_679 = vector.broadcast %lt3A_678 : i1 to vector<16xi1>
    %ne3A_680 = vector.broadcast %ne3A_679 : vector<16xi1> to vector<16xi1>
    %ne3A_681 = arith.xori %lt3A_676, %ne3A_680 : vector<16xi1>
    %and3A_682 = arith.andi %ne3A_681, %ne3A_673 : vector<16xi1>
    %add3A_683 = vector.broadcast %select_n3A_668 : i32 to vector<16xi32>
    %add3A_684 = arith.addi %rem3A_670, %add3A_683 : vector<16xi32>
    %select_n3A_685 = arith.select %and3A_682, %add3A_684, %rem3A_670 : vector<16xi1>, vector<16xi32>
    %add3A_686 = arith.constant 0 : i32
    %add3A_687 = vector.broadcast %add3A_686 : i32 to vector<16xi32>
    %add3A_688 = arith.addi %iota3A, %add3A_687 : vector<16xi32>
    %mul3A_689 = arith.constant 1024 : i32
    %mul3A_690 = vector.broadcast %mul3A_689 : i32 to vector<16xi32>
    %mul3A_691 = arith.muli %add3A_688, %mul3A_690 : vector<16xi32>
    %add3A_692 = arith.addi %mul3A_691, %select_n3A_685 : vector<16xi32>
    tpu.vector_store_idx %arg8[%add3A_692], %broadcast_in_dim3A_4 : memref<32768xf32, #tpu.memory_space<vmem>>[vector<16xi32>], vector<16xf32>,
    %get3A_693 = arith.constant 144 : index
    %get3A_694 = tpu.vector_load %arg6[%get3A_693] {strides = array<i32>} : memref<1024xi32, #tpu.memory_space<vmem>>, vector<16xi32>,
    %jit3A_695 = arith.constant 1024 : i32
    %eq3A_696 = arith.constant 0 : i32
    %eq3A_697 = arith.cmpi eq, %jit3A_695, %eq3A_696 : i32
    %jit3A_698 = arith.constant 1 : i32
    %select_n3A_699 = arith.select %eq3A_697, %jit3A_698, %jit3A_695 : i32
    %rem3A_700 = vector.broadcast %select_n3A_699 : i32 to vector<16xi32>
    %rem3A_701 = arith.remsi %get3A_694, %rem3A_700 : vector<16xi32>
    %ne3A_702 = arith.constant 0 : i32
    %ne3A_703 = vector.broadcast %ne3A_702 : i32 to vector<16xi32>
    %ne3A_704 = arith.cmpi ne, %rem3A_701, %ne3A_703 : vector<16xi32>
    %lt3A_705 = arith.constant 0 : i32
    %lt3A_706 = vector.broadcast %lt3A_705 : i32 to vector<16xi32>
    %lt3A_707 = arith.cmpi slt, %rem3A_701, %lt3A_706 : vector<16xi32>
    %lt3A_708 = arith.constant 0 : i32
    %lt3A_709 = arith.cmpi slt, %select_n3A_699, %lt3A_708 : i32
    %ne3A_710 = vector.broadcast %lt3A_709 : i1 to vector<16xi1>
    %ne3A_711 = vector.broadcast %ne3A_710 : vector<16xi1> to vector<16xi1>
    %ne3A_712 = arith.xori %lt3A_707, %ne3A_711 : vector<16xi1>
    %and3A_713 = arith.andi %ne3A_712, %ne3A_704 : vector<16xi1>
    %add3A_714 = vector.broadcast %select_n3A_699 : i32 to vector<16xi32>
    %add3A_715 = arith.addi %rem3A_701, %add3A_714 : vector<16xi32>
    %select_n3A_716 = arith.select %and3A_713, %add3A_715, %rem3A_701 : vector<16xi1>, vector<16xi32>
    %add3A_717 = arith.constant 16 : i32
    %add3A_718 = vector.broadcast %add3A_717 : i32 to vector<16xi32>
    %add3A_719 = arith.addi %iota3A, %add3A_718 : vector<16xi32>
    %mul3A_720 = arith.constant 1024 : i32
    %mul3A_721 = vector.broadcast %mul3A_720 : i32 to vector<16xi32>
    %mul3A_722 = arith.muli %add3A_719, %mul3A_721 : vector<16xi32>
    %add3A_723 = arith.addi %mul3A_722, %select_n3A_716 : vector<16xi32>
    tpu.vector_store_idx %arg8[%add3A_723], %broadcast_in_dim3A_4 : memref<32768xf32, #tpu.memory_space<vmem>>[vector<16xi32>], vector<16xf32>,
    %get3A_724 = arith.constant 192 : index
    %get3A_725 = tpu.vector_load %arg6[%get3A_724] {strides = array<i32>} : memref<1024xi32, #tpu.memory_space<vmem>>, vector<16xi32>,
    %jit3A_726 = arith.constant 1024 : i32
    %eq3A_727 = arith.constant 0 : i32
    %eq3A_728 = arith.cmpi eq, %jit3A_726, %eq3A_727 : i32
    %jit3A_729 = arith.constant 1 : i32
    %select_n3A_730 = arith.select %eq3A_728, %jit3A_729, %jit3A_726 : i32
    %rem3A_731 = vector.broadcast %select_n3A_730 : i32 to vector<16xi32>
    %rem3A_732 = arith.remsi %get3A_725, %rem3A_731 : vector<16xi32>
    %ne3A_733 = arith.constant 0 : i32
    %ne3A_734 = vector.broadcast %ne3A_733 : i32 to vector<16xi32>
    %ne3A_735 = arith.cmpi ne, %rem3A_732, %ne3A_734 : vector<16xi32>
    %lt3A_736 = arith.constant 0 : i32
    %lt3A_737 = vector.broadcast %lt3A_736 : i32 to vector<16xi32>
    %lt3A_738 = arith.cmpi slt, %rem3A_732, %lt3A_737 : vector<16xi32>
    %lt3A_739 = arith.constant 0 : i32
    %lt3A_740 = arith.cmpi slt, %select_n3A_730, %lt3A_739 : i32
    %ne3A_741 = vector.broadcast %lt3A_740 : i1 to vector<16xi1>
    %ne3A_742 = vector.broadcast %ne3A_741 : vector<16xi1> to vector<16xi1>
    %ne3A_743 = arith.xori %lt3A_738, %ne3A_742 : vector<16xi1>
    %and3A_744 = arith.andi %ne3A_743, %ne3A_735 : vector<16xi1>
    %add3A_745 = vector.broadcast %select_n3A_730 : i32 to vector<16xi32>
    %add3A_746 = arith.addi %rem3A_732, %add3A_745 : vector<16xi32>
    %select_n3A_747 = arith.select %and3A_744, %add3A_746, %rem3A_732 : vector<16xi1>, vector<16xi32>
    %add3A_748 = arith.constant 0 : i32
    %add3A_749 = vector.broadcast %add3A_748 : i32 to vector<16xi32>
    %add3A_750 = arith.addi %iota3A, %add3A_749 : vector<16xi32>
    %mul3A_751 = arith.constant 1024 : i32
    %mul3A_752 = vector.broadcast %mul3A_751 : i32 to vector<16xi32>
    %mul3A_753 = arith.muli %add3A_750, %mul3A_752 : vector<16xi32>
    %add3A_754 = arith.addi %mul3A_753, %select_n3A_747 : vector<16xi32>
    tpu.vector_store_idx %arg8[%add3A_754], %get3A_3 : memref<32768xf32, #tpu.memory_space<vmem>>[vector<16xi32>], vector<16xf32>,
    %get3A_755 = arith.constant 208 : index
    %get3A_756 = tpu.vector_load %arg6[%get3A_755] {strides = array<i32>} : memref<1024xi32, #tpu.memory_space<vmem>>, vector<16xi32>,
    %jit3A_757 = arith.constant 1024 : i32
    %eq3A_758 = arith.constant 0 : i32
    %eq3A_759 = arith.cmpi eq, %jit3A_757, %eq3A_758 : i32
    %jit3A_760 = arith.constant 1 : i32
    %select_n3A_761 = arith.select %eq3A_759, %jit3A_760, %jit3A_757 : i32
    %rem3A_762 = vector.broadcast %select_n3A_761 : i32 to vector<16xi32>
    %rem3A_763 = arith.remsi %get3A_756, %rem3A_762 : vector<16xi32>
    %ne3A_764 = arith.constant 0 : i32
    %ne3A_765 = vector.broadcast %ne3A_764 : i32 to vector<16xi32>
    %ne3A_766 = arith.cmpi ne, %rem3A_763, %ne3A_765 : vector<16xi32>
    %lt3A_767 = arith.constant 0 : i32
    %lt3A_768 = vector.broadcast %lt3A_767 : i32 to vector<16xi32>
    %lt3A_769 = arith.cmpi slt, %rem3A_763, %lt3A_768 : vector<16xi32>
    %lt3A_770 = arith.constant 0 : i32
    %lt3A_771 = arith.cmpi slt, %select_n3A_761, %lt3A_770 : i32
    %ne3A_772 = vector.broadcast %lt3A_771 : i1 to vector<16xi1>
    %ne3A_773 = vector.broadcast %ne3A_772 : vector<16xi1> to vector<16xi1>
    %ne3A_774 = arith.xori %lt3A_769, %ne3A_773 : vector<16xi1>
    %and3A_775 = arith.andi %ne3A_774, %ne3A_766 : vector<16xi1>
    %add3A_776 = vector.broadcast %select_n3A_761 : i32 to vector<16xi32>
    %add3A_777 = arith.addi %rem3A_763, %add3A_776 : vector<16xi32>
    %select_n3A_778 = arith.select %and3A_775, %add3A_777, %rem3A_763 : vector<16xi1>, vector<16xi32>
    %add3A_779 = arith.constant 16 : i32
    %add3A_780 = vector.broadcast %add3A_779 : i32 to vector<16xi32>
    %add3A_781 = arith.addi %iota3A, %add3A_780 : vector<16xi32>
    %mul3A_782 = arith.constant 1024 : i32
    %mul3A_783 = vector.broadcast %mul3A_782 : i32 to vector<16xi32>
    %mul3A_784 = arith.muli %add3A_781, %mul3A_783 : vector<16xi32>
    %add3A_785 = arith.addi %mul3A_784, %select_n3A_778 : vector<16xi32>
    tpu.vector_store_idx %arg8[%add3A_785], %get3A_3 : memref<32768xf32, #tpu.memory_space<vmem>>[vector<16xi32>], vector<16xf32>,
    %add3A_786 = arith.constant 192 : i32
    %add3A_787 = arith.addi %mul3A_2, %add3A_786 : i32
    %mul3A_788 = arith.constant 1024 : i32
    %mul3A_789 = arith.muli %add3A_787, %mul3A_788 : i32
    %dma_start3A_790 = tpu.memref_slice %arg5[%mul3A_789] : memref<33554432xf32, #tpu.memory_space<hbm>> -> memref<32768xf32, #tpu.memory_space<hbm>>
    %dma_start3A_791 = tpu.memref_slice %arg5[%mul3A_789] : memref<33554432xf32, #tpu.memory_space<hbm>> -> memref<32768xf32, #tpu.memory_space<hbm>>
    tpu.enqueue_dma source(%arg8 : memref<32768xf32, #tpu.memory_space<vmem>>) target(%dma_start3A_791 : memref<32768xf32, #tpu.memory_space<hbm>>) target_semaphore(%arg10 : memref<!tpu.dma_semaphore, #tpu.memory_space<semaphore_mem>>)
    %dma_wait3A_792 = tpu.memref_slice %arg5[%mul3A_657] : memref<33554432xf32, #tpu.memory_space<hbm>> -> memref<32768xf32, #tpu.memory_space<hbm>>
    %dma_wait3A_793 = tpu.memref_slice %arg5[%mul3A_657] : memref<33554432xf32, #tpu.memory_space<hbm>> -> memref<32768xf32, #tpu.memory_space<hbm>>
    tpu.wait_dma2 semaphore(%arg11 : memref<!tpu.dma_semaphore, #tpu.memory_space<semaphore_mem>>) src(%arg9 : memref<32768xf32, #tpu.memory_space<vmem>>) dst(%dma_wait3A_793 : memref<32768xf32, #tpu.memory_space<hbm>>)
    %get3A_794 = arith.constant 160 : index
    %get3A_795 = tpu.vector_load %arg6[%get3A_794] {strides = array<i32>} : memref<1024xi32, #tpu.memory_space<vmem>>, vector<16xi32>,
    %jit3A_796 = arith.constant 1024 : i32
    %eq3A_797 = arith.constant 0 : i32
    %eq3A_798 = arith.cmpi eq, %jit3A_796, %eq3A_797 : i32
    %jit3A_799 = arith.constant 1 : i32
    %select_n3A_800 = arith.select %eq3A_798, %jit3A_799, %jit3A_796 : i32
    %rem3A_801 = vector.broadcast %select_n3A_800 : i32 to vector<16xi32>
    %rem3A_802 = arith.remsi %get3A_795, %rem3A_801 : vector<16xi32>
    %ne3A_803 = arith.constant 0 : i32
    %ne3A_804 = vector.broadcast %ne3A_803 : i32 to vector<16xi32>
    %ne3A_805 = arith.cmpi ne, %rem3A_802, %ne3A_804 : vector<16xi32>
    %lt3A_806 = arith.constant 0 : i32
    %lt3A_807 = vector.broadcast %lt3A_806 : i32 to vector<16xi32>
    %lt3A_808 = arith.cmpi slt, %rem3A_802, %lt3A_807 : vector<16xi32>
    %lt3A_809 = arith.constant 0 : i32
    %lt3A_810 = arith.cmpi slt, %select_n3A_800, %lt3A_809 : i32
    %ne3A_811 = vector.broadcast %lt3A_810 : i1 to vector<16xi1>
    %ne3A_812 = vector.broadcast %ne3A_811 : vector<16xi1> to vector<16xi1>
    %ne3A_813 = arith.xori %lt3A_808, %ne3A_812 : vector<16xi1>
    %and3A_814 = arith.andi %ne3A_813, %ne3A_805 : vector<16xi1>
    %add3A_815 = vector.broadcast %select_n3A_800 : i32 to vector<16xi32>
    %add3A_816 = arith.addi %rem3A_802, %add3A_815 : vector<16xi32>
    %select_n3A_817 = arith.select %and3A_814, %add3A_816, %rem3A_802 : vector<16xi1>, vector<16xi32>
    %add3A_818 = arith.constant 0 : i32
    %add3A_819 = vector.broadcast %add3A_818 : i32 to vector<16xi32>
    %add3A_820 = arith.addi %iota3A, %add3A_819 : vector<16xi32>
    %mul3A_821 = arith.constant 1024 : i32
    %mul3A_822 = vector.broadcast %mul3A_821 : i32 to vector<16xi32>
    %mul3A_823 = arith.muli %add3A_820, %mul3A_822 : vector<16xi32>
    %add3A_824 = arith.addi %mul3A_823, %select_n3A_817 : vector<16xi32>
    tpu.vector_store_idx %arg9[%add3A_824], %broadcast_in_dim3A_4 : memref<32768xf32, #tpu.memory_space<vmem>>[vector<16xi32>], vector<16xf32>,
    %get3A_825 = arith.constant 176 : index
    %get3A_826 = tpu.vector_load %arg6[%get3A_825] {strides = array<i32>} : memref<1024xi32, #tpu.memory_space<vmem>>, vector<16xi32>,
    %jit3A_827 = arith.constant 1024 : i32
    %eq3A_828 = arith.constant 0 : i32
    %eq3A_829 = arith.cmpi eq, %jit3A_827, %eq3A_828 : i32
    %jit3A_830 = arith.constant 1 : i32
    %select_n3A_831 = arith.select %eq3A_829, %jit3A_830, %jit3A_827 : i32
    %rem3A_832 = vector.broadcast %select_n3A_831 : i32 to vector<16xi32>
    %rem3A_833 = arith.remsi %get3A_826, %rem3A_832 : vector<16xi32>
    %ne3A_834 = arith.constant 0 : i32
    %ne3A_835 = vector.broadcast %ne3A_834 : i32 to vector<16xi32>
    %ne3A_836 = arith.cmpi ne, %rem3A_833, %ne3A_835 : vector<16xi32>
    %lt3A_837 = arith.constant 0 : i32
    %lt3A_838 = vector.broadcast %lt3A_837 : i32 to vector<16xi32>
    %lt3A_839 = arith.cmpi slt, %rem3A_833, %lt3A_838 : vector<16xi32>
    %lt3A_840 = arith.constant 0 : i32
    %lt3A_841 = arith.cmpi slt, %select_n3A_831, %lt3A_840 : i32
    %ne3A_842 = vector.broadcast %lt3A_841 : i1 to vector<16xi1>
    %ne3A_843 = vector.broadcast %ne3A_842 : vector<16xi1> to vector<16xi1>
    %ne3A_844 = arith.xori %lt3A_839, %ne3A_843 : vector<16xi1>
    %and3A_845 = arith.andi %ne3A_844, %ne3A_836 : vector<16xi1>
    %add3A_846 = vector.broadcast %select_n3A_831 : i32 to vector<16xi32>
    %add3A_847 = arith.addi %rem3A_833, %add3A_846 : vector<16xi32>
    %select_n3A_848 = arith.select %and3A_845, %add3A_847, %rem3A_833 : vector<16xi1>, vector<16xi32>
    %add3A_849 = arith.constant 16 : i32
    %add3A_850 = vector.broadcast %add3A_849 : i32 to vector<16xi32>
    %add3A_851 = arith.addi %iota3A, %add3A_850 : vector<16xi32>
    %mul3A_852 = arith.constant 1024 : i32
    %mul3A_853 = vector.broadcast %mul3A_852 : i32 to vector<16xi32>
    %mul3A_854 = arith.muli %add3A_851, %mul3A_853 : vector<16xi32>
    %add3A_855 = arith.addi %mul3A_854, %select_n3A_848 : vector<16xi32>
    tpu.vector_store_idx %arg9[%add3A_855], %broadcast_in_dim3A_4 : memref<32768xf32, #tpu.memory_space<vmem>>[vector<16xi32>], vector<16xf32>,
    %get3A_856 = arith.constant 224 : index
    %get3A_857 = tpu.vector_load %arg6[%get3A_856] {strides = array<i32>} : memref<1024xi32, #tpu.memory_space<vmem>>, vector<16xi32>,
    %jit3A_858 = arith.constant 1024 : i32
    %eq3A_859 = arith.constant 0 : i32
    %eq3A_860 = arith.cmpi eq, %jit3A_858, %eq3A_859 : i32
    %jit3A_861 = arith.constant 1 : i32
    %select_n3A_862 = arith.select %eq3A_860, %jit3A_861, %jit3A_858 : i32
    %rem3A_863 = vector.broadcast %select_n3A_862 : i32 to vector<16xi32>
    %rem3A_864 = arith.remsi %get3A_857, %rem3A_863 : vector<16xi32>
    %ne3A_865 = arith.constant 0 : i32
    %ne3A_866 = vector.broadcast %ne3A_865 : i32 to vector<16xi32>
    %ne3A_867 = arith.cmpi ne, %rem3A_864, %ne3A_866 : vector<16xi32>
    %lt3A_868 = arith.constant 0 : i32
    %lt3A_869 = vector.broadcast %lt3A_868 : i32 to vector<16xi32>
    %lt3A_870 = arith.cmpi slt, %rem3A_864, %lt3A_869 : vector<16xi32>
    %lt3A_871 = arith.constant 0 : i32
    %lt3A_872 = arith.cmpi slt, %select_n3A_862, %lt3A_871 : i32
    %ne3A_873 = vector.broadcast %lt3A_872 : i1 to vector<16xi1>
    %ne3A_874 = vector.broadcast %ne3A_873 : vector<16xi1> to vector<16xi1>
    %ne3A_875 = arith.xori %lt3A_870, %ne3A_874 : vector<16xi1>
    %and3A_876 = arith.andi %ne3A_875, %ne3A_867 : vector<16xi1>
    %add3A_877 = vector.broadcast %select_n3A_862 : i32 to vector<16xi32>
    %add3A_878 = arith.addi %rem3A_864, %add3A_877 : vector<16xi32>
    %select_n3A_879 = arith.select %and3A_876, %add3A_878, %rem3A_864 : vector<16xi1>, vector<16xi32>
    %add3A_880 = arith.constant 0 : i32
    %add3A_881 = vector.broadcast %add3A_880 : i32 to vector<16xi32>
    %add3A_882 = arith.addi %iota3A, %add3A_881 : vector<16xi32>
    %mul3A_883 = arith.constant 1024 : i32
    %mul3A_884 = vector.broadcast %mul3A_883 : i32 to vector<16xi32>
    %mul3A_885 = arith.muli %add3A_882, %mul3A_884 : vector<16xi32>
    %add3A_886 = arith.addi %mul3A_885, %select_n3A_879 : vector<16xi32>
    tpu.vector_store_idx %arg9[%add3A_886], %get3A_3 : memref<32768xf32, #tpu.memory_space<vmem>>[vector<16xi32>], vector<16xf32>,
    %get3A_887 = arith.constant 240 : index
    %get3A_888 = tpu.vector_load %arg6[%get3A_887] {strides = array<i32>} : memref<1024xi32, #tpu.memory_space<vmem>>, vector<16xi32>,
    %jit3A_889 = arith.constant 1024 : i32
    %eq3A_890 = arith.constant 0 : i32
    %eq3A_891 = arith.cmpi eq, %jit3A_889, %eq3A_890 : i32
    %jit3A_892 = arith.constant 1 : i32
    %select_n3A_893 = arith.select %eq3A_891, %jit3A_892, %jit3A_889 : i32
    %rem3A_894 = vector.broadcast %select_n3A_893 : i32 to vector<16xi32>
    %rem3A_895 = arith.remsi %get3A_888, %rem3A_894 : vector<16xi32>
    %ne3A_896 = arith.constant 0 : i32
    %ne3A_897 = vector.broadcast %ne3A_896 : i32 to vector<16xi32>
    %ne3A_898 = arith.cmpi ne, %rem3A_895, %ne3A_897 : vector<16xi32>
    %lt3A_899 = arith.constant 0 : i32
    %lt3A_900 = vector.broadcast %lt3A_899 : i32 to vector<16xi32>
    %lt3A_901 = arith.cmpi slt, %rem3A_895, %lt3A_900 : vector<16xi32>
    %lt3A_902 = arith.constant 0 : i32
    %lt3A_903 = arith.cmpi slt, %select_n3A_893, %lt3A_902 : i32
    %ne3A_904 = vector.broadcast %lt3A_903 : i1 to vector<16xi1>
    %ne3A_905 = vector.broadcast %ne3A_904 : vector<16xi1> to vector<16xi1>
    %ne3A_906 = arith.xori %lt3A_901, %ne3A_905 : vector<16xi1>
    %and3A_907 = arith.andi %ne3A_906, %ne3A_898 : vector<16xi1>
    %add3A_908 = vector.broadcast %select_n3A_893 : i32 to vector<16xi32>
    %add3A_909 = arith.addi %rem3A_895, %add3A_908 : vector<16xi32>
    %select_n3A_910 = arith.select %and3A_907, %add3A_909, %rem3A_895 : vector<16xi1>, vector<16xi32>
    %add3A_911 = arith.constant 16 : i32
    %add3A_912 = vector.broadcast %add3A_911 : i32 to vector<16xi32>
    %add3A_913 = arith.addi %iota3A, %add3A_912 : vector<16xi32>
    %mul3A_914 = arith.constant 1024 : i32
    %mul3A_915 = vector.broadcast %mul3A_914 : i32 to vector<16xi32>
    %mul3A_916 = arith.muli %add3A_913, %mul3A_915 : vector<16xi32>
    %add3A_917 = arith.addi %mul3A_916, %select_n3A_910 : vector<16xi32>
    tpu.vector_store_idx %arg9[%add3A_917], %get3A_3 : memref<32768xf32, #tpu.memory_space<vmem>>[vector<16xi32>], vector<16xf32>,
    %add3A_918 = arith.constant 224 : i32
    %add3A_919 = arith.addi %mul3A_2, %add3A_918 : i32
    %mul3A_920 = arith.constant 1024 : i32
    %mul3A_921 = arith.muli %add3A_919, %mul3A_920 : i32
    %dma_start3A_922 = tpu.memref_slice %arg5[%mul3A_921] : memref<33554432xf32, #tpu.memory_space<hbm>> -> memref<32768xf32, #tpu.memory_space<hbm>>
    %dma_start3A_923 = tpu.memref_slice %arg5[%mul3A_921] : memref<33554432xf32, #tpu.memory_space<hbm>> -> memref<32768xf32, #tpu.memory_space<hbm>>
    tpu.enqueue_dma source(%arg9 : memref<32768xf32, #tpu.memory_space<vmem>>) target(%dma_start3A_923 : memref<32768xf32, #tpu.memory_space<hbm>>) target_semaphore(%arg11 : memref<!tpu.dma_semaphore, #tpu.memory_space<semaphore_mem>>)
    %dma_wait3A_924 = tpu.memref_slice %arg5[%mul3A_789] : memref<33554432xf32, #tpu.memory_space<hbm>> -> memref<32768xf32, #tpu.memory_space<hbm>>
    %dma_wait3A_925 = tpu.memref_slice %arg5[%mul3A_789] : memref<33554432xf32, #tpu.memory_space<hbm>> -> memref<32768xf32, #tpu.memory_space<hbm>>
    tpu.wait_dma2 semaphore(%arg10 : memref<!tpu.dma_semaphore, #tpu.memory_space<semaphore_mem>>) src(%arg8 : memref<32768xf32, #tpu.memory_space<vmem>>) dst(%dma_wait3A_925 : memref<32768xf32, #tpu.memory_space<hbm>>)
    %get3A_926 = arith.constant 192 : index
    %get3A_927 = tpu.vector_load %arg6[%get3A_926] {strides = array<i32>} : memref<1024xi32, #tpu.memory_space<vmem>>, vector<16xi32>,
    %jit3A_928 = arith.constant 1024 : i32
    %eq3A_929 = arith.constant 0 : i32
    %eq3A_930 = arith.cmpi eq, %jit3A_928, %eq3A_929 : i32
    %jit3A_931 = arith.constant 1 : i32
    %select_n3A_932 = arith.select %eq3A_930, %jit3A_931, %jit3A_928 : i32
    %rem3A_933 = vector.broadcast %select_n3A_932 : i32 to vector<16xi32>
    %rem3A_934 = arith.remsi %get3A_927, %rem3A_933 : vector<16xi32>
    %ne3A_935 = arith.constant 0 : i32
    %ne3A_936 = vector.broadcast %ne3A_935 : i32 to vector<16xi32>
    %ne3A_937 = arith.cmpi ne, %rem3A_934, %ne3A_936 : vector<16xi32>
    %lt3A_938 = arith.constant 0 : i32
    %lt3A_939 = vector.broadcast %lt3A_938 : i32 to vector<16xi32>
    %lt3A_940 = arith.cmpi slt, %rem3A_934, %lt3A_939 : vector<16xi32>
    %lt3A_941 = arith.constant 0 : i32
    %lt3A_942 = arith.cmpi slt, %select_n3A_932, %lt3A_941 : i32
    %ne3A_943 = vector.broadcast %lt3A_942 : i1 to vector<16xi1>
    %ne3A_944 = vector.broadcast %ne3A_943 : vector<16xi1> to vector<16xi1>
    %ne3A_945 = arith.xori %lt3A_940, %ne3A_944 : vector<16xi1>
    %and3A_946 = arith.andi %ne3A_945, %ne3A_937 : vector<16xi1>
    %add3A_947 = vector.broadcast %select_n3A_932 : i32 to vector<16xi32>
    %add3A_948 = arith.addi %rem3A_934, %add3A_947 : vector<16xi32>
    %select_n3A_949 = arith.select %and3A_946, %add3A_948, %rem3A_934 : vector<16xi1>, vector<16xi32>
    %add3A_950 = arith.constant 0 : i32
    %add3A_951 = vector.broadcast %add3A_950 : i32 to vector<16xi32>
    %add3A_952 = arith.addi %iota3A, %add3A_951 : vector<16xi32>
    %mul3A_953 = arith.constant 1024 : i32
    %mul3A_954 = vector.broadcast %mul3A_953 : i32 to vector<16xi32>
    %mul3A_955 = arith.muli %add3A_952, %mul3A_954 : vector<16xi32>
    %add3A_956 = arith.addi %mul3A_955, %select_n3A_949 : vector<16xi32>
    tpu.vector_store_idx %arg8[%add3A_956], %broadcast_in_dim3A_4 : memref<32768xf32, #tpu.memory_space<vmem>>[vector<16xi32>], vector<16xf32>,
    %get3A_957 = arith.constant 208 : index
    %get3A_958 = tpu.vector_load %arg6[%get3A_957] {strides = array<i32>} : memref<1024xi32, #tpu.memory_space<vmem>>, vector<16xi32>,
    %jit3A_959 = arith.constant 1024 : i32
    %eq3A_960 = arith.constant 0 : i32
    %eq3A_961 = arith.cmpi eq, %jit3A_959, %eq3A_960 : i32
    %jit3A_962 = arith.constant 1 : i32
    %select_n3A_963 = arith.select %eq3A_961, %jit3A_962, %jit3A_959 : i32
    %rem3A_964 = vector.broadcast %select_n3A_963 : i32 to vector<16xi32>
    %rem3A_965 = arith.remsi %get3A_958, %rem3A_964 : vector<16xi32>
    %ne3A_966 = arith.constant 0 : i32
    %ne3A_967 = vector.broadcast %ne3A_966 : i32 to vector<16xi32>
    %ne3A_968 = arith.cmpi ne, %rem3A_965, %ne3A_967 : vector<16xi32>
    %lt3A_969 = arith.constant 0 : i32
    %lt3A_970 = vector.broadcast %lt3A_969 : i32 to vector<16xi32>
    %lt3A_971 = arith.cmpi slt, %rem3A_965, %lt3A_970 : vector<16xi32>
    %lt3A_972 = arith.constant 0 : i32
    %lt3A_973 = arith.cmpi slt, %select_n3A_963, %lt3A_972 : i32
    %ne3A_974 = vector.broadcast %lt3A_973 : i1 to vector<16xi1>
    %ne3A_975 = vector.broadcast %ne3A_974 : vector<16xi1> to vector<16xi1>
    %ne3A_976 = arith.xori %lt3A_971, %ne3A_975 : vector<16xi1>
    %and3A_977 = arith.andi %ne3A_976, %ne3A_968 : vector<16xi1>
    %add3A_978 = vector.broadcast %select_n3A_963 : i32 to vector<16xi32>
    %add3A_979 = arith.addi %rem3A_965, %add3A_978 : vector<16xi32>
    %select_n3A_980 = arith.select %and3A_977, %add3A_979, %rem3A_965 : vector<16xi1>, vector<16xi32>
    %add3A_981 = arith.constant 16 : i32
    %add3A_982 = vector.broadcast %add3A_981 : i32 to vector<16xi32>
    %add3A_983 = arith.addi %iota3A, %add3A_982 : vector<16xi32>
    %mul3A_984 = arith.constant 1024 : i32
    %mul3A_985 = vector.broadcast %mul3A_984 : i32 to vector<16xi32>
    %mul3A_986 = arith.muli %add3A_983, %mul3A_985 : vector<16xi32>
    %add3A_987 = arith.addi %mul3A_986, %select_n3A_980 : vector<16xi32>
    tpu.vector_store_idx %arg8[%add3A_987], %broadcast_in_dim3A_4 : memref<32768xf32, #tpu.memory_space<vmem>>[vector<16xi32>], vector<16xf32>,
    %get3A_988 = arith.constant 256 : index
    %get3A_989 = tpu.vector_load %arg6[%get3A_988] {strides = array<i32>} : memref<1024xi32, #tpu.memory_space<vmem>>, vector<16xi32>,
    %jit3A_990 = arith.constant 1024 : i32
    %eq3A_991 = arith.constant 0 : i32
    %eq3A_992 = arith.cmpi eq, %jit3A_990, %eq3A_991 : i32
    %jit3A_993 = arith.constant 1 : i32
    %select_n3A_994 = arith.select %eq3A_992, %jit3A_993, %jit3A_990 : i32
    %rem3A_995 = vector.broadcast %select_n3A_994 : i32 to vector<16xi32>
    %rem3A_996 = arith.remsi %get3A_989, %rem3A_995 : vector<16xi32>
    %ne3A_997 = arith.constant 0 : i32
    %ne3A_998 = vector.broadcast %ne3A_997 : i32 to vector<16xi32>
    %ne3A_999 = arith.cmpi ne, %rem3A_996, %ne3A_998 : vector<16xi32>
    %lt3A_1000 = arith.constant 0 : i32
    %lt3A_1001 = vector.broadcast %lt3A_1000 : i32 to vector<16xi32>
    %lt3A_1002 = arith.cmpi slt, %rem3A_996, %lt3A_1001 : vector<16xi32>
    %lt3A_1003 = arith.constant 0 : i32
    %lt3A_1004 = arith.cmpi slt, %select_n3A_994, %lt3A_1003 : i32
    %ne3A_1005 = vector.broadcast %lt3A_1004 : i1 to vector<16xi1>
    %ne3A_1006 = vector.broadcast %ne3A_1005 : vector<16xi1> to vector<16xi1>
    %ne3A_1007 = arith.xori %lt3A_1002, %ne3A_1006 : vector<16xi1>
    %and3A_1008 = arith.andi %ne3A_1007, %ne3A_999 : vector<16xi1>
    %add3A_1009 = vector.broadcast %select_n3A_994 : i32 to vector<16xi32>
    %add3A_1010 = arith.addi %rem3A_996, %add3A_1009 : vector<16xi32>
    %select_n3A_1011 = arith.select %and3A_1008, %add3A_1010, %rem3A_996 : vector<16xi1>, vector<16xi32>
    %add3A_1012 = arith.constant 0 : i32
    %add3A_1013 = vector.broadcast %add3A_1012 : i32 to vector<16xi32>
    %add3A_1014 = arith.addi %iota3A, %add3A_1013 : vector<16xi32>
    %mul3A_1015 = arith.constant 1024 : i32
    %mul3A_1016 = vector.broadcast %mul3A_1015 : i32 to vector<16xi32>
    %mul3A_1017 = arith.muli %add3A_1014, %mul3A_1016 : vector<16xi32>
    %add3A_1018 = arith.addi %mul3A_1017, %select_n3A_1011 : vector<16xi32>
    tpu.vector_store_idx %arg8[%add3A_1018], %get3A_3 : memref<32768xf32, #tpu.memory_space<vmem>>[vector<16xi32>], vector<16xf32>,
    %get3A_1019 = arith.constant 272 : index
    %get3A_1020 = tpu.vector_load %arg6[%get3A_1019] {strides = array<i32>} : memref<1024xi32, #tpu.memory_space<vmem>>, vector<16xi32>,
    %jit3A_1021 = arith.constant 1024 : i32
    %eq3A_1022 = arith.constant 0 : i32
    %eq3A_1023 = arith.cmpi eq, %jit3A_1021, %eq3A_1022 : i32
    %jit3A_1024 = arith.constant 1 : i32
    %select_n3A_1025 = arith.select %eq3A_1023, %jit3A_1024, %jit3A_1021 : i32
    %rem3A_1026 = vector.broadcast %select_n3A_1025 : i32 to vector<16xi32>
    %rem3A_1027 = arith.remsi %get3A_1020, %rem3A_1026 : vector<16xi32>
    %ne3A_1028 = arith.constant 0 : i32
    %ne3A_1029 = vector.broadcast %ne3A_1028 : i32 to vector<16xi32>
    %ne3A_1030 = arith.cmpi ne, %rem3A_1027, %ne3A_1029 : vector<16xi32>
    %lt3A_1031 = arith.constant 0 : i32
    %lt3A_1032 = vector.broadcast %lt3A_1031 : i32 to vector<16xi32>
    %lt3A_1033 = arith.cmpi slt, %rem3A_1027, %lt3A_1032 : vector<16xi32>
    %lt3A_1034 = arith.constant 0 : i32
    %lt3A_1035 = arith.cmpi slt, %select_n3A_1025, %lt3A_1034 : i32
    %ne3A_1036 = vector.broadcast %lt3A_1035 : i1 to vector<16xi1>
    %ne3A_1037 = vector.broadcast %ne3A_1036 : vector<16xi1> to vector<16xi1>
    %ne3A_1038 = arith.xori %lt3A_1033, %ne3A_1037 : vector<16xi1>
    %and3A_1039 = arith.andi %ne3A_1038, %ne3A_1030 : vector<16xi1>
    %add3A_1040 = vector.broadcast %select_n3A_1025 : i32 to vector<16xi32>
    %add3A_1041 = arith.addi %rem3A_1027, %add3A_1040 : vector<16xi32>
    %select_n3A_1042 = arith.select %and3A_1039, %add3A_1041, %rem3A_1027 : vector<16xi1>, vector<16xi32>
    %add3A_1043 = arith.constant 16 : i32
    %add3A_1044 = vector.broadcast %add3A_1043 : i32 to vector<16xi32>
    %add3A_1045 = arith.addi %iota3A, %add3A_1044 : vector<16xi32>
    %mul3A_1046 = arith.constant 1024 : i32
    %mul3A_1047 = vector.broadcast %mul3A_1046 : i32 to vector<16xi32>
    %mul3A_1048 = arith.muli %add3A_1045, %mul3A_1047 : vector<16xi32>
    %add3A_1049 = arith.addi %mul3A_1048, %select_n3A_1042 : vector<16xi32>
    tpu.vector_store_idx %arg8[%add3A_1049], %get3A_3 : memref<32768xf32, #tpu.memory_space<vmem>>[vector<16xi32>], vector<16xf32>,
    %add3A_1050 = arith.constant 256 : i32
    %add3A_1051 = arith.addi %mul3A_2, %add3A_1050 : i32
    %mul3A_1052 = arith.constant 1024 : i32
    %mul3A_1053 = arith.muli %add3A_1051, %mul3A_1052 : i32
    %dma_start3A_1054 = tpu.memref_slice %arg5[%mul3A_1053] : memref<33554432xf32, #tpu.memory_space<hbm>> -> memref<32768xf32, #tpu.memory_space<hbm>>
    %dma_start3A_1055 = tpu.memref_slice %arg5[%mul3A_1053] : memref<33554432xf32, #tpu.memory_space<hbm>> -> memref<32768xf32, #tpu.memory_space<hbm>>
    tpu.enqueue_dma source(%arg8 : memref<32768xf32, #tpu.memory_space<vmem>>) target(%dma_start3A_1055 : memref<32768xf32, #tpu.memory_space<hbm>>) target_semaphore(%arg10 : memref<!tpu.dma_semaphore, #tpu.memory_space<semaphore_mem>>)
    %dma_wait3A_1056 = tpu.memref_slice %arg5[%mul3A_921] : memref<33554432xf32, #tpu.memory_space<hbm>> -> memref<32768xf32, #tpu.memory_space<hbm>>
    %dma_wait3A_1057 = tpu.memref_slice %arg5[%mul3A_921] : memref<33554432xf32, #tpu.memory_space<hbm>> -> memref<32768xf32, #tpu.memory_space<hbm>>
    tpu.wait_dma2 semaphore(%arg11 : memref<!tpu.dma_semaphore, #tpu.memory_space<semaphore_mem>>) src(%arg9 : memref<32768xf32, #tpu.memory_space<vmem>>) dst(%dma_wait3A_1057 : memref<32768xf32, #tpu.memory_space<hbm>>)
    %get3A_1058 = arith.constant 224 : index
    %get3A_1059 = tpu.vector_load %arg6[%get3A_1058] {strides = array<i32>} : memref<1024xi32, #tpu.memory_space<vmem>>, vector<16xi32>,
    %jit3A_1060 = arith.constant 1024 : i32
    %eq3A_1061 = arith.constant 0 : i32
    %eq3A_1062 = arith.cmpi eq, %jit3A_1060, %eq3A_1061 : i32
    %jit3A_1063 = arith.constant 1 : i32
    %select_n3A_1064 = arith.select %eq3A_1062, %jit3A_1063, %jit3A_1060 : i32
    %rem3A_1065 = vector.broadcast %select_n3A_1064 : i32 to vector<16xi32>
    %rem3A_1066 = arith.remsi %get3A_1059, %rem3A_1065 : vector<16xi32>
    %ne3A_1067 = arith.constant 0 : i32
    %ne3A_1068 = vector.broadcast %ne3A_1067 : i32 to vector<16xi32>
    %ne3A_1069 = arith.cmpi ne, %rem3A_1066, %ne3A_1068 : vector<16xi32>
    %lt3A_1070 = arith.constant 0 : i32
    %lt3A_1071 = vector.broadcast %lt3A_1070 : i32 to vector<16xi32>
    %lt3A_1072 = arith.cmpi slt, %rem3A_1066, %lt3A_1071 : vector<16xi32>
    %lt3A_1073 = arith.constant 0 : i32
    %lt3A_1074 = arith.cmpi slt, %select_n3A_1064, %lt3A_1073 : i32
    %ne3A_1075 = vector.broadcast %lt3A_1074 : i1 to vector<16xi1>
    %ne3A_1076 = vector.broadcast %ne3A_1075 : vector<16xi1> to vector<16xi1>
    %ne3A_1077 = arith.xori %lt3A_1072, %ne3A_1076 : vector<16xi1>
    %and3A_1078 = arith.andi %ne3A_1077, %ne3A_1069 : vector<16xi1>
    %add3A_1079 = vector.broadcast %select_n3A_1064 : i32 to vector<16xi32>
    %add3A_1080 = arith.addi %rem3A_1066, %add3A_1079 : vector<16xi32>
    %select_n3A_1081 = arith.select %and3A_1078, %add3A_1080, %rem3A_1066 : vector<16xi1>, vector<16xi32>
    %add3A_1082 = arith.constant 0 : i32
    %add3A_1083 = vector.broadcast %add3A_1082 : i32 to vector<16xi32>
    %add3A_1084 = arith.addi %iota3A, %add3A_1083 : vector<16xi32>
    %mul3A_1085 = arith.constant 1024 : i32
    %mul3A_1086 = vector.broadcast %mul3A_1085 : i32 to vector<16xi32>
    %mul3A_1087 = arith.muli %add3A_1084, %mul3A_1086 : vector<16xi32>
    %add3A_1088 = arith.addi %mul3A_1087, %select_n3A_1081 : vector<16xi32>
    tpu.vector_store_idx %arg9[%add3A_1088], %broadcast_in_dim3A_4 : memref<32768xf32, #tpu.memory_space<vmem>>[vector<16xi32>], vector<16xf32>,
    %get3A_1089 = arith.constant 240 : index
    %get3A_1090 = tpu.vector_load %arg6[%get3A_1089] {strides = array<i32>} : memref<1024xi32, #tpu.memory_space<vmem>>, vector<16xi32>,
    %jit3A_1091 = arith.constant 1024 : i32
    %eq3A_1092 = arith.constant 0 : i32
    %eq3A_1093 = arith.cmpi eq, %jit3A_1091, %eq3A_1092 : i32
    %jit3A_1094 = arith.constant 1 : i32
    %select_n3A_1095 = arith.select %eq3A_1093, %jit3A_1094, %jit3A_1091 : i32
    %rem3A_1096 = vector.broadcast %select_n3A_1095 : i32 to vector<16xi32>
    %rem3A_1097 = arith.remsi %get3A_1090, %rem3A_1096 : vector<16xi32>
    %ne3A_1098 = arith.constant 0 : i32
    %ne3A_1099 = vector.broadcast %ne3A_1098 : i32 to vector<16xi32>
    %ne3A_1100 = arith.cmpi ne, %rem3A_1097, %ne3A_1099 : vector<16xi32>
    %lt3A_1101 = arith.constant 0 : i32
    %lt3A_1102 = vector.broadcast %lt3A_1101 : i32 to vector<16xi32>
    %lt3A_1103 = arith.cmpi slt, %rem3A_1097, %lt3A_1102 : vector<16xi32>
    %lt3A_1104 = arith.constant 0 : i32
    %lt3A_1105 = arith.cmpi slt, %select_n3A_1095, %lt3A_1104 : i32
    %ne3A_1106 = vector.broadcast %lt3A_1105 : i1 to vector<16xi1>
    %ne3A_1107 = vector.broadcast %ne3A_1106 : vector<16xi1> to vector<16xi1>
    %ne3A_1108 = arith.xori %lt3A_1103, %ne3A_1107 : vector<16xi1>
    %and3A_1109 = arith.andi %ne3A_1108, %ne3A_1100 : vector<16xi1>
    %add3A_1110 = vector.broadcast %select_n3A_1095 : i32 to vector<16xi32>
    %add3A_1111 = arith.addi %rem3A_1097, %add3A_1110 : vector<16xi32>
    %select_n3A_1112 = arith.select %and3A_1109, %add3A_1111, %rem3A_1097 : vector<16xi1>, vector<16xi32>
    %add3A_1113 = arith.constant 16 : i32
    %add3A_1114 = vector.broadcast %add3A_1113 : i32 to vector<16xi32>
    %add3A_1115 = arith.addi %iota3A, %add3A_1114 : vector<16xi32>
    %mul3A_1116 = arith.constant 1024 : i32
    %mul3A_1117 = vector.broadcast %mul3A_1116 : i32 to vector<16xi32>
    %mul3A_1118 = arith.muli %add3A_1115, %mul3A_1117 : vector<16xi32>
    %add3A_1119 = arith.addi %mul3A_1118, %select_n3A_1112 : vector<16xi32>
    tpu.vector_store_idx %arg9[%add3A_1119], %broadcast_in_dim3A_4 : memref<32768xf32, #tpu.memory_space<vmem>>[vector<16xi32>], vector<16xf32>,
    %get3A_1120 = arith.constant 288 : index
    %get3A_1121 = tpu.vector_load %arg6[%get3A_1120] {strides = array<i32>} : memref<1024xi32, #tpu.memory_space<vmem>>, vector<16xi32>,
    %jit3A_1122 = arith.constant 1024 : i32
    %eq3A_1123 = arith.constant 0 : i32
    %eq3A_1124 = arith.cmpi eq, %jit3A_1122, %eq3A_1123 : i32
    %jit3A_1125 = arith.constant 1 : i32
    %select_n3A_1126 = arith.select %eq3A_1124, %jit3A_1125, %jit3A_1122 : i32
    %rem3A_1127 = vector.broadcast %select_n3A_1126 : i32 to vector<16xi32>
    %rem3A_1128 = arith.remsi %get3A_1121, %rem3A_1127 : vector<16xi32>
    %ne3A_1129 = arith.constant 0 : i32
    %ne3A_1130 = vector.broadcast %ne3A_1129 : i32 to vector<16xi32>
    %ne3A_1131 = arith.cmpi ne, %rem3A_1128, %ne3A_1130 : vector<16xi32>
    %lt3A_1132 = arith.constant 0 : i32
    %lt3A_1133 = vector.broadcast %lt3A_1132 : i32 to vector<16xi32>
    %lt3A_1134 = arith.cmpi slt, %rem3A_1128, %lt3A_1133 : vector<16xi32>
    %lt3A_1135 = arith.constant 0 : i32
    %lt3A_1136 = arith.cmpi slt, %select_n3A_1126, %lt3A_1135 : i32
    %ne3A_1137 = vector.broadcast %lt3A_1136 : i1 to vector<16xi1>
    %ne3A_1138 = vector.broadcast %ne3A_1137 : vector<16xi1> to vector<16xi1>
    %ne3A_1139 = arith.xori %lt3A_1134, %ne3A_1138 : vector<16xi1>
    %and3A_1140 = arith.andi %ne3A_1139, %ne3A_1131 : vector<16xi1>
    %add3A_1141 = vector.broadcast %select_n3A_1126 : i32 to vector<16xi32>
    %add3A_1142 = arith.addi %rem3A_1128, %add3A_1141 : vector<16xi32>
    %select_n3A_1143 = arith.select %and3A_1140, %add3A_1142, %rem3A_1128 : vector<16xi1>, vector<16xi32>
    %add3A_1144 = arith.constant 0 : i32
    %add3A_1145 = vector.broadcast %add3A_1144 : i32 to vector<16xi32>
    %add3A_1146 = arith.addi %iota3A, %add3A_1145 : vector<16xi32>
    %mul3A_1147 = arith.constant 1024 : i32
    %mul3A_1148 = vector.broadcast %mul3A_1147 : i32 to vector<16xi32>
    %mul3A_1149 = arith.muli %add3A_1146, %mul3A_1148 : vector<16xi32>
    %add3A_1150 = arith.addi %mul3A_1149, %select_n3A_1143 : vector<16xi32>
    tpu.vector_store_idx %arg9[%add3A_1150], %get3A_3 : memref<32768xf32, #tpu.memory_space<vmem>>[vector<16xi32>], vector<16xf32>,
    %get3A_1151 = arith.constant 304 : index
    %get3A_1152 = tpu.vector_load %arg6[%get3A_1151] {strides = array<i32>} : memref<1024xi32, #tpu.memory_space<vmem>>, vector<16xi32>,
    %jit3A_1153 = arith.constant 1024 : i32
    %eq3A_1154 = arith.constant 0 : i32
    %eq3A_1155 = arith.cmpi eq, %jit3A_1153, %eq3A_1154 : i32
    %jit3A_1156 = arith.constant 1 : i32
    %select_n3A_1157 = arith.select %eq3A_1155, %jit3A_1156, %jit3A_1153 : i32
    %rem3A_1158 = vector.broadcast %select_n3A_1157 : i32 to vector<16xi32>
    %rem3A_1159 = arith.remsi %get3A_1152, %rem3A_1158 : vector<16xi32>
    %ne3A_1160 = arith.constant 0 : i32
    %ne3A_1161 = vector.broadcast %ne3A_1160 : i32 to vector<16xi32>
    %ne3A_1162 = arith.cmpi ne, %rem3A_1159, %ne3A_1161 : vector<16xi32>
    %lt3A_1163 = arith.constant 0 : i32
    %lt3A_1164 = vector.broadcast %lt3A_1163 : i32 to vector<16xi32>
    %lt3A_1165 = arith.cmpi slt, %rem3A_1159, %lt3A_1164 : vector<16xi32>
    %lt3A_1166 = arith.constant 0 : i32
    %lt3A_1167 = arith.cmpi slt, %select_n3A_1157, %lt3A_1166 : i32
    %ne3A_1168 = vector.broadcast %lt3A_1167 : i1 to vector<16xi1>
    %ne3A_1169 = vector.broadcast %ne3A_1168 : vector<16xi1> to vector<16xi1>
    %ne3A_1170 = arith.xori %lt3A_1165, %ne3A_1169 : vector<16xi1>
    %and3A_1171 = arith.andi %ne3A_1170, %ne3A_1162 : vector<16xi1>
    %add3A_1172 = vector.broadcast %select_n3A_1157 : i32 to vector<16xi32>
    %add3A_1173 = arith.addi %rem3A_1159, %add3A_1172 : vector<16xi32>
    %select_n3A_1174 = arith.select %and3A_1171, %add3A_1173, %rem3A_1159 : vector<16xi1>, vector<16xi32>
    %add3A_1175 = arith.constant 16 : i32
    %add3A_1176 = vector.broadcast %add3A_1175 : i32 to vector<16xi32>
    %add3A_1177 = arith.addi %iota3A, %add3A_1176 : vector<16xi32>
    %mul3A_1178 = arith.constant 1024 : i32
    %mul3A_1179 = vector.broadcast %mul3A_1178 : i32 to vector<16xi32>
    %mul3A_1180 = arith.muli %add3A_1177, %mul3A_1179 : vector<16xi32>
    %add3A_1181 = arith.addi %mul3A_1180, %select_n3A_1174 : vector<16xi32>
    tpu.vector_store_idx %arg9[%add3A_1181], %get3A_3 : memref<32768xf32, #tpu.memory_space<vmem>>[vector<16xi32>], vector<16xf32>,
    %add3A_1182 = arith.constant 288 : i32
    %add3A_1183 = arith.addi %mul3A_2, %add3A_1182 : i32
    %mul3A_1184 = arith.constant 1024 : i32
    %mul3A_1185 = arith.muli %add3A_1183, %mul3A_1184 : i32
    %dma_start3A_1186 = tpu.memref_slice %arg5[%mul3A_1185] : memref<33554432xf32, #tpu.memory_space<hbm>> -> memref<32768xf32, #tpu.memory_space<hbm>>
    %dma_start3A_1187 = tpu.memref_slice %arg5[%mul3A_1185] : memref<33554432xf32, #tpu.memory_space<hbm>> -> memref<32768xf32, #tpu.memory_space<hbm>>
    tpu.enqueue_dma source(%arg9 : memref<32768xf32, #tpu.memory_space<vmem>>) target(%dma_start3A_1187 : memref<32768xf32, #tpu.memory_space<hbm>>) target_semaphore(%arg11 : memref<!tpu.dma_semaphore, #tpu.memory_space<semaphore_mem>>)
    %dma_wait3A_1188 = tpu.memref_slice %arg5[%mul3A_1053] : memref<33554432xf32, #tpu.memory_space<hbm>> -> memref<32768xf32, #tpu.memory_space<hbm>>
    %dma_wait3A_1189 = tpu.memref_slice %arg5[%mul3A_1053] : memref<33554432xf32, #tpu.memory_space<hbm>> -> memref<32768xf32, #tpu.memory_space<hbm>>
    tpu.wait_dma2 semaphore(%arg10 : memref<!tpu.dma_semaphore, #tpu.memory_space<semaphore_mem>>) src(%arg8 : memref<32768xf32, #tpu.memory_space<vmem>>) dst(%dma_wait3A_1189 : memref<32768xf32, #tpu.memory_space<hbm>>)
    %get3A_1190 = arith.constant 256 : index
    %get3A_1191 = tpu.vector_load %arg6[%get3A_1190] {strides = array<i32>} : memref<1024xi32, #tpu.memory_space<vmem>>, vector<16xi32>,
    %jit3A_1192 = arith.constant 1024 : i32
    %eq3A_1193 = arith.constant 0 : i32
    %eq3A_1194 = arith.cmpi eq, %jit3A_1192, %eq3A_1193 : i32
    %jit3A_1195 = arith.constant 1 : i32
    %select_n3A_1196 = arith.select %eq3A_1194, %jit3A_1195, %jit3A_1192 : i32
    %rem3A_1197 = vector.broadcast %select_n3A_1196 : i32 to vector<16xi32>
    %rem3A_1198 = arith.remsi %get3A_1191, %rem3A_1197 : vector<16xi32>
    %ne3A_1199 = arith.constant 0 : i32
    %ne3A_1200 = vector.broadcast %ne3A_1199 : i32 to vector<16xi32>
    %ne3A_1201 = arith.cmpi ne, %rem3A_1198, %ne3A_1200 : vector<16xi32>
    %lt3A_1202 = arith.constant 0 : i32
    %lt3A_1203 = vector.broadcast %lt3A_1202 : i32 to vector<16xi32>
    %lt3A_1204 = arith.cmpi slt, %rem3A_1198, %lt3A_1203 : vector<16xi32>
    %lt3A_1205 = arith.constant 0 : i32
    %lt3A_1206 = arith.cmpi slt, %select_n3A_1196, %lt3A_1205 : i32
    %ne3A_1207 = vector.broadcast %lt3A_1206 : i1 to vector<16xi1>
    %ne3A_1208 = vector.broadcast %ne3A_1207 : vector<16xi1> to vector<16xi1>
    %ne3A_1209 = arith.xori %lt3A_1204, %ne3A_1208 : vector<16xi1>
    %and3A_1210 = arith.andi %ne3A_1209, %ne3A_1201 : vector<16xi1>
    %add3A_1211 = vector.broadcast %select_n3A_1196 : i32 to vector<16xi32>
    %add3A_1212 = arith.addi %rem3A_1198, %add3A_1211 : vector<16xi32>
    %select_n3A_1213 = arith.select %and3A_1210, %add3A_1212, %rem3A_1198 : vector<16xi1>, vector<16xi32>
    %add3A_1214 = arith.constant 0 : i32
    %add3A_1215 = vector.broadcast %add3A_1214 : i32 to vector<16xi32>
    %add3A_1216 = arith.addi %iota3A, %add3A_1215 : vector<16xi32>
    %mul3A_1217 = arith.constant 1024 : i32
    %mul3A_1218 = vector.broadcast %mul3A_1217 : i32 to vector<16xi32>
    %mul3A_1219 = arith.muli %add3A_1216, %mul3A_1218 : vector<16xi32>
    %add3A_1220 = arith.addi %mul3A_1219, %select_n3A_1213 : vector<16xi32>
    tpu.vector_store_idx %arg8[%add3A_1220], %broadcast_in_dim3A_4 : memref<32768xf32, #tpu.memory_space<vmem>>[vector<16xi32>], vector<16xf32>,
    %get3A_1221 = arith.constant 272 : index
    %get3A_1222 = tpu.vector_load %arg6[%get3A_1221] {strides = array<i32>} : memref<1024xi32, #tpu.memory_space<vmem>>, vector<16xi32>,
    %jit3A_1223 = arith.constant 1024 : i32
    %eq3A_1224 = arith.constant 0 : i32
    %eq3A_1225 = arith.cmpi eq, %jit3A_1223, %eq3A_1224 : i32
    %jit3A_1226 = arith.constant 1 : i32
    %select_n3A_1227 = arith.select %eq3A_1225, %jit3A_1226, %jit3A_1223 : i32
    %rem3A_1228 = vector.broadcast %select_n3A_1227 : i32 to vector<16xi32>
    %rem3A_1229 = arith.remsi %get3A_1222, %rem3A_1228 : vector<16xi32>
    %ne3A_1230 = arith.constant 0 : i32
    %ne3A_1231 = vector.broadcast %ne3A_1230 : i32 to vector<16xi32>
    %ne3A_1232 = arith.cmpi ne, %rem3A_1229, %ne3A_1231 : vector<16xi32>
    %lt3A_1233 = arith.constant 0 : i32
    %lt3A_1234 = vector.broadcast %lt3A_1233 : i32 to vector<16xi32>
    %lt3A_1235 = arith.cmpi slt, %rem3A_1229, %lt3A_1234 : vector<16xi32>
    %lt3A_1236 = arith.constant 0 : i32
    %lt3A_1237 = arith.cmpi slt, %select_n3A_1227, %lt3A_1236 : i32
    %ne3A_1238 = vector.broadcast %lt3A_1237 : i1 to vector<16xi1>
    %ne3A_1239 = vector.broadcast %ne3A_1238 : vector<16xi1> to vector<16xi1>
    %ne3A_1240 = arith.xori %lt3A_1235, %ne3A_1239 : vector<16xi1>
    %and3A_1241 = arith.andi %ne3A_1240, %ne3A_1232 : vector<16xi1>
    %add3A_1242 = vector.broadcast %select_n3A_1227 : i32 to vector<16xi32>
    %add3A_1243 = arith.addi %rem3A_1229, %add3A_1242 : vector<16xi32>
    %select_n3A_1244 = arith.select %and3A_1241, %add3A_1243, %rem3A_1229 : vector<16xi1>, vector<16xi32>
    %add3A_1245 = arith.constant 16 : i32
    %add3A_1246 = vector.broadcast %add3A_1245 : i32 to vector<16xi32>
    %add3A_1247 = arith.addi %iota3A, %add3A_1246 : vector<16xi32>
    %mul3A_1248 = arith.constant 1024 : i32
    %mul3A_1249 = vector.broadcast %mul3A_1248 : i32 to vector<16xi32>
    %mul3A_1250 = arith.muli %add3A_1247, %mul3A_1249 : vector<16xi32>
    %add3A_1251 = arith.addi %mul3A_1250, %select_n3A_1244 : vector<16xi32>
    tpu.vector_store_idx %arg8[%add3A_1251], %broadcast_in_dim3A_4 : memref<32768xf32, #tpu.memory_space<vmem>>[vector<16xi32>], vector<16xf32>,
    %get3A_1252 = arith.constant 320 : index
    %get3A_1253 = tpu.vector_load %arg6[%get3A_1252] {strides = array<i32>} : memref<1024xi32, #tpu.memory_space<vmem>>, vector<16xi32>,
    %jit3A_1254 = arith.constant 1024 : i32
    %eq3A_1255 = arith.constant 0 : i32
    %eq3A_1256 = arith.cmpi eq, %jit3A_1254, %eq3A_1255 : i32
    %jit3A_1257 = arith.constant 1 : i32
    %select_n3A_1258 = arith.select %eq3A_1256, %jit3A_1257, %jit3A_1254 : i32
    %rem3A_1259 = vector.broadcast %select_n3A_1258 : i32 to vector<16xi32>
    %rem3A_1260 = arith.remsi %get3A_1253, %rem3A_1259 : vector<16xi32>
    %ne3A_1261 = arith.constant 0 : i32
    %ne3A_1262 = vector.broadcast %ne3A_1261 : i32 to vector<16xi32>
    %ne3A_1263 = arith.cmpi ne, %rem3A_1260, %ne3A_1262 : vector<16xi32>
    %lt3A_1264 = arith.constant 0 : i32
    %lt3A_1265 = vector.broadcast %lt3A_1264 : i32 to vector<16xi32>
    %lt3A_1266 = arith.cmpi slt, %rem3A_1260, %lt3A_1265 : vector<16xi32>
    %lt3A_1267 = arith.constant 0 : i32
    %lt3A_1268 = arith.cmpi slt, %select_n3A_1258, %lt3A_1267 : i32
    %ne3A_1269 = vector.broadcast %lt3A_1268 : i1 to vector<16xi1>
    %ne3A_1270 = vector.broadcast %ne3A_1269 : vector<16xi1> to vector<16xi1>
    %ne3A_1271 = arith.xori %lt3A_1266, %ne3A_1270 : vector<16xi1>
    %and3A_1272 = arith.andi %ne3A_1271, %ne3A_1263 : vector<16xi1>
    %add3A_1273 = vector.broadcast %select_n3A_1258 : i32 to vector<16xi32>
    %add3A_1274 = arith.addi %rem3A_1260, %add3A_1273 : vector<16xi32>
    %select_n3A_1275 = arith.select %and3A_1272, %add3A_1274, %rem3A_1260 : vector<16xi1>, vector<16xi32>
    %add3A_1276 = arith.constant 0 : i32
    %add3A_1277 = vector.broadcast %add3A_1276 : i32 to vector<16xi32>
    %add3A_1278 = arith.addi %iota3A, %add3A_1277 : vector<16xi32>
    %mul3A_1279 = arith.constant 1024 : i32
    %mul3A_1280 = vector.broadcast %mul3A_1279 : i32 to vector<16xi32>
    %mul3A_1281 = arith.muli %add3A_1278, %mul3A_1280 : vector<16xi32>
    %add3A_1282 = arith.addi %mul3A_1281, %select_n3A_1275 : vector<16xi32>
    tpu.vector_store_idx %arg8[%add3A_1282], %get3A_3 : memref<32768xf32, #tpu.memory_space<vmem>>[vector<16xi32>], vector<16xf32>,
    %get3A_1283 = arith.constant 336 : index
    %get3A_1284 = tpu.vector_load %arg6[%get3A_1283] {strides = array<i32>} : memref<1024xi32, #tpu.memory_space<vmem>>, vector<16xi32>,
    %jit3A_1285 = arith.constant 1024 : i32
    %eq3A_1286 = arith.constant 0 : i32
    %eq3A_1287 = arith.cmpi eq, %jit3A_1285, %eq3A_1286 : i32
    %jit3A_1288 = arith.constant 1 : i32
    %select_n3A_1289 = arith.select %eq3A_1287, %jit3A_1288, %jit3A_1285 : i32
    %rem3A_1290 = vector.broadcast %select_n3A_1289 : i32 to vector<16xi32>
    %rem3A_1291 = arith.remsi %get3A_1284, %rem3A_1290 : vector<16xi32>
    %ne3A_1292 = arith.constant 0 : i32
    %ne3A_1293 = vector.broadcast %ne3A_1292 : i32 to vector<16xi32>
    %ne3A_1294 = arith.cmpi ne, %rem3A_1291, %ne3A_1293 : vector<16xi32>
    %lt3A_1295 = arith.constant 0 : i32
    %lt3A_1296 = vector.broadcast %lt3A_1295 : i32 to vector<16xi32>
    %lt3A_1297 = arith.cmpi slt, %rem3A_1291, %lt3A_1296 : vector<16xi32>
    %lt3A_1298 = arith.constant 0 : i32
    %lt3A_1299 = arith.cmpi slt, %select_n3A_1289, %lt3A_1298 : i32
    %ne3A_1300 = vector.broadcast %lt3A_1299 : i1 to vector<16xi1>
    %ne3A_1301 = vector.broadcast %ne3A_1300 : vector<16xi1> to vector<16xi1>
    %ne3A_1302 = arith.xori %lt3A_1297, %ne3A_1301 : vector<16xi1>
    %and3A_1303 = arith.andi %ne3A_1302, %ne3A_1294 : vector<16xi1>
    %add3A_1304 = vector.broadcast %select_n3A_1289 : i32 to vector<16xi32>
    %add3A_1305 = arith.addi %rem3A_1291, %add3A_1304 : vector<16xi32>
    %select_n3A_1306 = arith.select %and3A_1303, %add3A_1305, %rem3A_1291 : vector<16xi1>, vector<16xi32>
    %add3A_1307 = arith.constant 16 : i32
    %add3A_1308 = vector.broadcast %add3A_1307 : i32 to vector<16xi32>
    %add3A_1309 = arith.addi %iota3A, %add3A_1308 : vector<16xi32>
    %mul3A_1310 = arith.constant 1024 : i32
    %mul3A_1311 = vector.broadcast %mul3A_1310 : i32 to vector<16xi32>
    %mul3A_1312 = arith.muli %add3A_1309, %mul3A_1311 : vector<16xi32>
    %add3A_1313 = arith.addi %mul3A_1312, %select_n3A_1306 : vector<16xi32>
    tpu.vector_store_idx %arg8[%add3A_1313], %get3A_3 : memref<32768xf32, #tpu.memory_space<vmem>>[vector<16xi32>], vector<16xf32>,
    %add3A_1314 = arith.constant 320 : i32
    %add3A_1315 = arith.addi %mul3A_2, %add3A_1314 : i32
    %mul3A_1316 = arith.constant 1024 : i32
    %mul3A_1317 = arith.muli %add3A_1315, %mul3A_1316 : i32
    %dma_start3A_1318 = tpu.memref_slice %arg5[%mul3A_1317] : memref<33554432xf32, #tpu.memory_space<hbm>> -> memref<32768xf32, #tpu.memory_space<hbm>>
    %dma_start3A_1319 = tpu.memref_slice %arg5[%mul3A_1317] : memref<33554432xf32, #tpu.memory_space<hbm>> -> memref<32768xf32, #tpu.memory_space<hbm>>
    tpu.enqueue_dma source(%arg8 : memref<32768xf32, #tpu.memory_space<vmem>>) target(%dma_start3A_1319 : memref<32768xf32, #tpu.memory_space<hbm>>) target_semaphore(%arg10 : memref<!tpu.dma_semaphore, #tpu.memory_space<semaphore_mem>>)
    %dma_wait3A_1320 = tpu.memref_slice %arg5[%mul3A_1185] : memref<33554432xf32, #tpu.memory_space<hbm>> -> memref<32768xf32, #tpu.memory_space<hbm>>
    %dma_wait3A_1321 = tpu.memref_slice %arg5[%mul3A_1185] : memref<33554432xf32, #tpu.memory_space<hbm>> -> memref<32768xf32, #tpu.memory_space<hbm>>
    tpu.wait_dma2 semaphore(%arg11 : memref<!tpu.dma_semaphore, #tpu.memory_space<semaphore_mem>>) src(%arg9 : memref<32768xf32, #tpu.memory_space<vmem>>) dst(%dma_wait3A_1321 : memref<32768xf32, #tpu.memory_space<hbm>>)
    %get3A_1322 = arith.constant 288 : index
    %get3A_1323 = tpu.vector_load %arg6[%get3A_1322] {strides = array<i32>} : memref<1024xi32, #tpu.memory_space<vmem>>, vector<16xi32>,
    %jit3A_1324 = arith.constant 1024 : i32
    %eq3A_1325 = arith.constant 0 : i32
    %eq3A_1326 = arith.cmpi eq, %jit3A_1324, %eq3A_1325 : i32
    %jit3A_1327 = arith.constant 1 : i32
    %select_n3A_1328 = arith.select %eq3A_1326, %jit3A_1327, %jit3A_1324 : i32
    %rem3A_1329 = vector.broadcast %select_n3A_1328 : i32 to vector<16xi32>
    %rem3A_1330 = arith.remsi %get3A_1323, %rem3A_1329 : vector<16xi32>
    %ne3A_1331 = arith.constant 0 : i32
    %ne3A_1332 = vector.broadcast %ne3A_1331 : i32 to vector<16xi32>
    %ne3A_1333 = arith.cmpi ne, %rem3A_1330, %ne3A_1332 : vector<16xi32>
    %lt3A_1334 = arith.constant 0 : i32
    %lt3A_1335 = vector.broadcast %lt3A_1334 : i32 to vector<16xi32>
    %lt3A_1336 = arith.cmpi slt, %rem3A_1330, %lt3A_1335 : vector<16xi32>
    %lt3A_1337 = arith.constant 0 : i32
    %lt3A_1338 = arith.cmpi slt, %select_n3A_1328, %lt3A_1337 : i32
    %ne3A_1339 = vector.broadcast %lt3A_1338 : i1 to vector<16xi1>
    %ne3A_1340 = vector.broadcast %ne3A_1339 : vector<16xi1> to vector<16xi1>
    %ne3A_1341 = arith.xori %lt3A_1336, %ne3A_1340 : vector<16xi1>
    %and3A_1342 = arith.andi %ne3A_1341, %ne3A_1333 : vector<16xi1>
    %add3A_1343 = vector.broadcast %select_n3A_1328 : i32 to vector<16xi32>
    %add3A_1344 = arith.addi %rem3A_1330, %add3A_1343 : vector<16xi32>
    %select_n3A_1345 = arith.select %and3A_1342, %add3A_1344, %rem3A_1330 : vector<16xi1>, vector<16xi32>
    %add3A_1346 = arith.constant 0 : i32
    %add3A_1347 = vector.broadcast %add3A_1346 : i32 to vector<16xi32>
    %add3A_1348 = arith.addi %iota3A, %add3A_1347 : vector<16xi32>
    %mul3A_1349 = arith.constant 1024 : i32
    %mul3A_1350 = vector.broadcast %mul3A_1349 : i32 to vector<16xi32>
    %mul3A_1351 = arith.muli %add3A_1348, %mul3A_1350 : vector<16xi32>
    %add3A_1352 = arith.addi %mul3A_1351, %select_n3A_1345 : vector<16xi32>
    tpu.vector_store_idx %arg9[%add3A_1352], %broadcast_in_dim3A_4 : memref<32768xf32, #tpu.memory_space<vmem>>[vector<16xi32>], vector<16xf32>,
    %get3A_1353 = arith.constant 304 : index
    %get3A_1354 = tpu.vector_load %arg6[%get3A_1353] {strides = array<i32>} : memref<1024xi32, #tpu.memory_space<vmem>>, vector<16xi32>,
    %jit3A_1355 = arith.constant 1024 : i32
    %eq3A_1356 = arith.constant 0 : i32
    %eq3A_1357 = arith.cmpi eq, %jit3A_1355, %eq3A_1356 : i32
    %jit3A_1358 = arith.constant 1 : i32
    %select_n3A_1359 = arith.select %eq3A_1357, %jit3A_1358, %jit3A_1355 : i32
    %rem3A_1360 = vector.broadcast %select_n3A_1359 : i32 to vector<16xi32>
    %rem3A_1361 = arith.remsi %get3A_1354, %rem3A_1360 : vector<16xi32>
    %ne3A_1362 = arith.constant 0 : i32
    %ne3A_1363 = vector.broadcast %ne3A_1362 : i32 to vector<16xi32>
    %ne3A_1364 = arith.cmpi ne, %rem3A_1361, %ne3A_1363 : vector<16xi32>
    %lt3A_1365 = arith.constant 0 : i32
    %lt3A_1366 = vector.broadcast %lt3A_1365 : i32 to vector<16xi32>
    %lt3A_1367 = arith.cmpi slt, %rem3A_1361, %lt3A_1366 : vector<16xi32>
    %lt3A_1368 = arith.constant 0 : i32
    %lt3A_1369 = arith.cmpi slt, %select_n3A_1359, %lt3A_1368 : i32
    %ne3A_1370 = vector.broadcast %lt3A_1369 : i1 to vector<16xi1>
    %ne3A_1371 = vector.broadcast %ne3A_1370 : vector<16xi1> to vector<16xi1>
    %ne3A_1372 = arith.xori %lt3A_1367, %ne3A_1371 : vector<16xi1>
    %and3A_1373 = arith.andi %ne3A_1372, %ne3A_1364 : vector<16xi1>
    %add3A_1374 = vector.broadcast %select_n3A_1359 : i32 to vector<16xi32>
    %add3A_1375 = arith.addi %rem3A_1361, %add3A_1374 : vector<16xi32>
    %select_n3A_1376 = arith.select %and3A_1373, %add3A_1375, %rem3A_1361 : vector<16xi1>, vector<16xi32>
    %add3A_1377 = arith.constant 16 : i32
    %add3A_1378 = vector.broadcast %add3A_1377 : i32 to vector<16xi32>
    %add3A_1379 = arith.addi %iota3A, %add3A_1378 : vector<16xi32>
    %mul3A_1380 = arith.constant 1024 : i32
    %mul3A_1381 = vector.broadcast %mul3A_1380 : i32 to vector<16xi32>
    %mul3A_1382 = arith.muli %add3A_1379, %mul3A_1381 : vector<16xi32>
    %add3A_1383 = arith.addi %mul3A_1382, %select_n3A_1376 : vector<16xi32>
    tpu.vector_store_idx %arg9[%add3A_1383], %broadcast_in_dim3A_4 : memref<32768xf32, #tpu.memory_space<vmem>>[vector<16xi32>], vector<16xf32>,
    %get3A_1384 = arith.constant 352 : index
    %get3A_1385 = tpu.vector_load %arg6[%get3A_1384] {strides = array<i32>} : memref<1024xi32, #tpu.memory_space<vmem>>, vector<16xi32>,
    %jit3A_1386 = arith.constant 1024 : i32
    %eq3A_1387 = arith.constant 0 : i32
    %eq3A_1388 = arith.cmpi eq, %jit3A_1386, %eq3A_1387 : i32
    %jit3A_1389 = arith.constant 1 : i32
    %select_n3A_1390 = arith.select %eq3A_1388, %jit3A_1389, %jit3A_1386 : i32
    %rem3A_1391 = vector.broadcast %select_n3A_1390 : i32 to vector<16xi32>
    %rem3A_1392 = arith.remsi %get3A_1385, %rem3A_1391 : vector<16xi32>
    %ne3A_1393 = arith.constant 0 : i32
    %ne3A_1394 = vector.broadcast %ne3A_1393 : i32 to vector<16xi32>
    %ne3A_1395 = arith.cmpi ne, %rem3A_1392, %ne3A_1394 : vector<16xi32>
    %lt3A_1396 = arith.constant 0 : i32
    %lt3A_1397 = vector.broadcast %lt3A_1396 : i32 to vector<16xi32>
    %lt3A_1398 = arith.cmpi slt, %rem3A_1392, %lt3A_1397 : vector<16xi32>
    %lt3A_1399 = arith.constant 0 : i32
    %lt3A_1400 = arith.cmpi slt, %select_n3A_1390, %lt3A_1399 : i32
    %ne3A_1401 = vector.broadcast %lt3A_1400 : i1 to vector<16xi1>
    %ne3A_1402 = vector.broadcast %ne3A_1401 : vector<16xi1> to vector<16xi1>
    %ne3A_1403 = arith.xori %lt3A_1398, %ne3A_1402 : vector<16xi1>
    %and3A_1404 = arith.andi %ne3A_1403, %ne3A_1395 : vector<16xi1>
    %add3A_1405 = vector.broadcast %select_n3A_1390 : i32 to vector<16xi32>
    %add3A_1406 = arith.addi %rem3A_1392, %add3A_1405 : vector<16xi32>
    %select_n3A_1407 = arith.select %and3A_1404, %add3A_1406, %rem3A_1392 : vector<16xi1>, vector<16xi32>
    %add3A_1408 = arith.constant 0 : i32
    %add3A_1409 = vector.broadcast %add3A_1408 : i32 to vector<16xi32>
    %add3A_1410 = arith.addi %iota3A, %add3A_1409 : vector<16xi32>
    %mul3A_1411 = arith.constant 1024 : i32
    %mul3A_1412 = vector.broadcast %mul3A_1411 : i32 to vector<16xi32>
    %mul3A_1413 = arith.muli %add3A_1410, %mul3A_1412 : vector<16xi32>
    %add3A_1414 = arith.addi %mul3A_1413, %select_n3A_1407 : vector<16xi32>
    tpu.vector_store_idx %arg9[%add3A_1414], %get3A_3 : memref<32768xf32, #tpu.memory_space<vmem>>[vector<16xi32>], vector<16xf32>,
    %get3A_1415 = arith.constant 368 : index
    %get3A_1416 = tpu.vector_load %arg6[%get3A_1415] {strides = array<i32>} : memref<1024xi32, #tpu.memory_space<vmem>>, vector<16xi32>,
    %jit3A_1417 = arith.constant 1024 : i32
    %eq3A_1418 = arith.constant 0 : i32
    %eq3A_1419 = arith.cmpi eq, %jit3A_1417, %eq3A_1418 : i32
    %jit3A_1420 = arith.constant 1 : i32
    %select_n3A_1421 = arith.select %eq3A_1419, %jit3A_1420, %jit3A_1417 : i32
    %rem3A_1422 = vector.broadcast %select_n3A_1421 : i32 to vector<16xi32>
    %rem3A_1423 = arith.remsi %get3A_1416, %rem3A_1422 : vector<16xi32>
    %ne3A_1424 = arith.constant 0 : i32
    %ne3A_1425 = vector.broadcast %ne3A_1424 : i32 to vector<16xi32>
    %ne3A_1426 = arith.cmpi ne, %rem3A_1423, %ne3A_1425 : vector<16xi32>
    %lt3A_1427 = arith.constant 0 : i32
    %lt3A_1428 = vector.broadcast %lt3A_1427 : i32 to vector<16xi32>
    %lt3A_1429 = arith.cmpi slt, %rem3A_1423, %lt3A_1428 : vector<16xi32>
    %lt3A_1430 = arith.constant 0 : i32
    %lt3A_1431 = arith.cmpi slt, %select_n3A_1421, %lt3A_1430 : i32
    %ne3A_1432 = vector.broadcast %lt3A_1431 : i1 to vector<16xi1>
    %ne3A_1433 = vector.broadcast %ne3A_1432 : vector<16xi1> to vector<16xi1>
    %ne3A_1434 = arith.xori %lt3A_1429, %ne3A_1433 : vector<16xi1>
    %and3A_1435 = arith.andi %ne3A_1434, %ne3A_1426 : vector<16xi1>
    %add3A_1436 = vector.broadcast %select_n3A_1421 : i32 to vector<16xi32>
    %add3A_1437 = arith.addi %rem3A_1423, %add3A_1436 : vector<16xi32>
    %select_n3A_1438 = arith.select %and3A_1435, %add3A_1437, %rem3A_1423 : vector<16xi1>, vector<16xi32>
    %add3A_1439 = arith.constant 16 : i32
    %add3A_1440 = vector.broadcast %add3A_1439 : i32 to vector<16xi32>
    %add3A_1441 = arith.addi %iota3A, %add3A_1440 : vector<16xi32>
    %mul3A_1442 = arith.constant 1024 : i32
    %mul3A_1443 = vector.broadcast %mul3A_1442 : i32 to vector<16xi32>
    %mul3A_1444 = arith.muli %add3A_1441, %mul3A_1443 : vector<16xi32>
    %add3A_1445 = arith.addi %mul3A_1444, %select_n3A_1438 : vector<16xi32>
    tpu.vector_store_idx %arg9[%add3A_1445], %get3A_3 : memref<32768xf32, #tpu.memory_space<vmem>>[vector<16xi32>], vector<16xf32>,
    %add3A_1446 = arith.constant 352 : i32
    %add3A_1447 = arith.addi %mul3A_2, %add3A_1446 : i32
    %mul3A_1448 = arith.constant 1024 : i32
    %mul3A_1449 = arith.muli %add3A_1447, %mul3A_1448 : i32
    %dma_start3A_1450 = tpu.memref_slice %arg5[%mul3A_1449] : memref<33554432xf32, #tpu.memory_space<hbm>> -> memref<32768xf32, #tpu.memory_space<hbm>>
    %dma_start3A_1451 = tpu.memref_slice %arg5[%mul3A_1449] : memref<33554432xf32, #tpu.memory_space<hbm>> -> memref<32768xf32, #tpu.memory_space<hbm>>
    tpu.enqueue_dma source(%arg9 : memref<32768xf32, #tpu.memory_space<vmem>>) target(%dma_start3A_1451 : memref<32768xf32, #tpu.memory_space<hbm>>) target_semaphore(%arg11 : memref<!tpu.dma_semaphore, #tpu.memory_space<semaphore_mem>>)
    %dma_wait3A_1452 = tpu.memref_slice %arg5[%mul3A_1317] : memref<33554432xf32, #tpu.memory_space<hbm>> -> memref<32768xf32, #tpu.memory_space<hbm>>
    %dma_wait3A_1453 = tpu.memref_slice %arg5[%mul3A_1317] : memref<33554432xf32, #tpu.memory_space<hbm>> -> memref<32768xf32, #tpu.memory_space<hbm>>
    tpu.wait_dma2 semaphore(%arg10 : memref<!tpu.dma_semaphore, #tpu.memory_space<semaphore_mem>>) src(%arg8 : memref<32768xf32, #tpu.memory_space<vmem>>) dst(%dma_wait3A_1453 : memref<32768xf32, #tpu.memory_space<hbm>>)
    %get3A_1454 = arith.constant 320 : index
    %get3A_1455 = tpu.vector_load %arg6[%get3A_1454] {strides = array<i32>} : memref<1024xi32, #tpu.memory_space<vmem>>, vector<16xi32>,
    %jit3A_1456 = arith.constant 1024 : i32
    %eq3A_1457 = arith.constant 0 : i32
    %eq3A_1458 = arith.cmpi eq, %jit3A_1456, %eq3A_1457 : i32
    %jit3A_1459 = arith.constant 1 : i32
    %select_n3A_1460 = arith.select %eq3A_1458, %jit3A_1459, %jit3A_1456 : i32
    %rem3A_1461 = vector.broadcast %select_n3A_1460 : i32 to vector<16xi32>
    %rem3A_1462 = arith.remsi %get3A_1455, %rem3A_1461 : vector<16xi32>
    %ne3A_1463 = arith.constant 0 : i32
    %ne3A_1464 = vector.broadcast %ne3A_1463 : i32 to vector<16xi32>
    %ne3A_1465 = arith.cmpi ne, %rem3A_1462, %ne3A_1464 : vector<16xi32>
    %lt3A_1466 = arith.constant 0 : i32
    %lt3A_1467 = vector.broadcast %lt3A_1466 : i32 to vector<16xi32>
    %lt3A_1468 = arith.cmpi slt, %rem3A_1462, %lt3A_1467 : vector<16xi32>
    %lt3A_1469 = arith.constant 0 : i32
    %lt3A_1470 = arith.cmpi slt, %select_n3A_1460, %lt3A_1469 : i32
    %ne3A_1471 = vector.broadcast %lt3A_1470 : i1 to vector<16xi1>
    %ne3A_1472 = vector.broadcast %ne3A_1471 : vector<16xi1> to vector<16xi1>
    %ne3A_1473 = arith.xori %lt3A_1468, %ne3A_1472 : vector<16xi1>
    %and3A_1474 = arith.andi %ne3A_1473, %ne3A_1465 : vector<16xi1>
    %add3A_1475 = vector.broadcast %select_n3A_1460 : i32 to vector<16xi32>
    %add3A_1476 = arith.addi %rem3A_1462, %add3A_1475 : vector<16xi32>
    %select_n3A_1477 = arith.select %and3A_1474, %add3A_1476, %rem3A_1462 : vector<16xi1>, vector<16xi32>
    %add3A_1478 = arith.constant 0 : i32
    %add3A_1479 = vector.broadcast %add3A_1478 : i32 to vector<16xi32>
    %add3A_1480 = arith.addi %iota3A, %add3A_1479 : vector<16xi32>
    %mul3A_1481 = arith.constant 1024 : i32
    %mul3A_1482 = vector.broadcast %mul3A_1481 : i32 to vector<16xi32>
    %mul3A_1483 = arith.muli %add3A_1480, %mul3A_1482 : vector<16xi32>
    %add3A_1484 = arith.addi %mul3A_1483, %select_n3A_1477 : vector<16xi32>
    tpu.vector_store_idx %arg8[%add3A_1484], %broadcast_in_dim3A_4 : memref<32768xf32, #tpu.memory_space<vmem>>[vector<16xi32>], vector<16xf32>,
    %get3A_1485 = arith.constant 336 : index
    %get3A_1486 = tpu.vector_load %arg6[%get3A_1485] {strides = array<i32>} : memref<1024xi32, #tpu.memory_space<vmem>>, vector<16xi32>,
    %jit3A_1487 = arith.constant 1024 : i32
    %eq3A_1488 = arith.constant 0 : i32
    %eq3A_1489 = arith.cmpi eq, %jit3A_1487, %eq3A_1488 : i32
    %jit3A_1490 = arith.constant 1 : i32
    %select_n3A_1491 = arith.select %eq3A_1489, %jit3A_1490, %jit3A_1487 : i32
    %rem3A_1492 = vector.broadcast %select_n3A_1491 : i32 to vector<16xi32>
    %rem3A_1493 = arith.remsi %get3A_1486, %rem3A_1492 : vector<16xi32>
    %ne3A_1494 = arith.constant 0 : i32
    %ne3A_1495 = vector.broadcast %ne3A_1494 : i32 to vector<16xi32>
    %ne3A_1496 = arith.cmpi ne, %rem3A_1493, %ne3A_1495 : vector<16xi32>
    %lt3A_1497 = arith.constant 0 : i32
    %lt3A_1498 = vector.broadcast %lt3A_1497 : i32 to vector<16xi32>
    %lt3A_1499 = arith.cmpi slt, %rem3A_1493, %lt3A_1498 : vector<16xi32>
    %lt3A_1500 = arith.constant 0 : i32
    %lt3A_1501 = arith.cmpi slt, %select_n3A_1491, %lt3A_1500 : i32
    %ne3A_1502 = vector.broadcast %lt3A_1501 : i1 to vector<16xi1>
    %ne3A_1503 = vector.broadcast %ne3A_1502 : vector<16xi1> to vector<16xi1>
    %ne3A_1504 = arith.xori %lt3A_1499, %ne3A_1503 : vector<16xi1>
    %and3A_1505 = arith.andi %ne3A_1504, %ne3A_1496 : vector<16xi1>
    %add3A_1506 = vector.broadcast %select_n3A_1491 : i32 to vector<16xi32>
    %add3A_1507 = arith.addi %rem3A_1493, %add3A_1506 : vector<16xi32>
    %select_n3A_1508 = arith.select %and3A_1505, %add3A_1507, %rem3A_1493 : vector<16xi1>, vector<16xi32>
    %add3A_1509 = arith.constant 16 : i32
    %add3A_1510 = vector.broadcast %add3A_1509 : i32 to vector<16xi32>
    %add3A_1511 = arith.addi %iota3A, %add3A_1510 : vector<16xi32>
    %mul3A_1512 = arith.constant 1024 : i32
    %mul3A_1513 = vector.broadcast %mul3A_1512 : i32 to vector<16xi32>
    %mul3A_1514 = arith.muli %add3A_1511, %mul3A_1513 : vector<16xi32>
    %add3A_1515 = arith.addi %mul3A_1514, %select_n3A_1508 : vector<16xi32>
    tpu.vector_store_idx %arg8[%add3A_1515], %broadcast_in_dim3A_4 : memref<32768xf32, #tpu.memory_space<vmem>>[vector<16xi32>], vector<16xf32>,
    %get3A_1516 = arith.constant 384 : index
    %get3A_1517 = tpu.vector_load %arg6[%get3A_1516] {strides = array<i32>} : memref<1024xi32, #tpu.memory_space<vmem>>, vector<16xi32>,
    %jit3A_1518 = arith.constant 1024 : i32
    %eq3A_1519 = arith.constant 0 : i32
    %eq3A_1520 = arith.cmpi eq, %jit3A_1518, %eq3A_1519 : i32
    %jit3A_1521 = arith.constant 1 : i32
    %select_n3A_1522 = arith.select %eq3A_1520, %jit3A_1521, %jit3A_1518 : i32
    %rem3A_1523 = vector.broadcast %select_n3A_1522 : i32 to vector<16xi32>
    %rem3A_1524 = arith.remsi %get3A_1517, %rem3A_1523 : vector<16xi32>
    %ne3A_1525 = arith.constant 0 : i32
    %ne3A_1526 = vector.broadcast %ne3A_1525 : i32 to vector<16xi32>
    %ne3A_1527 = arith.cmpi ne, %rem3A_1524, %ne3A_1526 : vector<16xi32>
    %lt3A_1528 = arith.constant 0 : i32
    %lt3A_1529 = vector.broadcast %lt3A_1528 : i32 to vector<16xi32>
    %lt3A_1530 = arith.cmpi slt, %rem3A_1524, %lt3A_1529 : vector<16xi32>
    %lt3A_1531 = arith.constant 0 : i32
    %lt3A_1532 = arith.cmpi slt, %select_n3A_1522, %lt3A_1531 : i32
    %ne3A_1533 = vector.broadcast %lt3A_1532 : i1 to vector<16xi1>
    %ne3A_1534 = vector.broadcast %ne3A_1533 : vector<16xi1> to vector<16xi1>
    %ne3A_1535 = arith.xori %lt3A_1530, %ne3A_1534 : vector<16xi1>
    %and3A_1536 = arith.andi %ne3A_1535, %ne3A_1527 : vector<16xi1>
    %add3A_1537 = vector.broadcast %select_n3A_1522 : i32 to vector<16xi32>
    %add3A_1538 = arith.addi %rem3A_1524, %add3A_1537 : vector<16xi32>
    %select_n3A_1539 = arith.select %and3A_1536, %add3A_1538, %rem3A_1524 : vector<16xi1>, vector<16xi32>
    %add3A_1540 = arith.constant 0 : i32
    %add3A_1541 = vector.broadcast %add3A_1540 : i32 to vector<16xi32>
    %add3A_1542 = arith.addi %iota3A, %add3A_1541 : vector<16xi32>
    %mul3A_1543 = arith.constant 1024 : i32
    %mul3A_1544 = vector.broadcast %mul3A_1543 : i32 to vector<16xi32>
    %mul3A_1545 = arith.muli %add3A_1542, %mul3A_1544 : vector<16xi32>
    %add3A_1546 = arith.addi %mul3A_1545, %select_n3A_1539 : vector<16xi32>
    tpu.vector_store_idx %arg8[%add3A_1546], %get3A_3 : memref<32768xf32, #tpu.memory_space<vmem>>[vector<16xi32>], vector<16xf32>,
    %get3A_1547 = arith.constant 400 : index
    %get3A_1548 = tpu.vector_load %arg6[%get3A_1547] {strides = array<i32>} : memref<1024xi32, #tpu.memory_space<vmem>>, vector<16xi32>,
    %jit3A_1549 = arith.constant 1024 : i32
    %eq3A_1550 = arith.constant 0 : i32
    %eq3A_1551 = arith.cmpi eq, %jit3A_1549, %eq3A_1550 : i32
    %jit3A_1552 = arith.constant 1 : i32
    %select_n3A_1553 = arith.select %eq3A_1551, %jit3A_1552, %jit3A_1549 : i32
    %rem3A_1554 = vector.broadcast %select_n3A_1553 : i32 to vector<16xi32>
    %rem3A_1555 = arith.remsi %get3A_1548, %rem3A_1554 : vector<16xi32>
    %ne3A_1556 = arith.constant 0 : i32
    %ne3A_1557 = vector.broadcast %ne3A_1556 : i32 to vector<16xi32>
    %ne3A_1558 = arith.cmpi ne, %rem3A_1555, %ne3A_1557 : vector<16xi32>
    %lt3A_1559 = arith.constant 0 : i32
    %lt3A_1560 = vector.broadcast %lt3A_1559 : i32 to vector<16xi32>
    %lt3A_1561 = arith.cmpi slt, %rem3A_1555, %lt3A_1560 : vector<16xi32>
    %lt3A_1562 = arith.constant 0 : i32
    %lt3A_1563 = arith.cmpi slt, %select_n3A_1553, %lt3A_1562 : i32
    %ne3A_1564 = vector.broadcast %lt3A_1563 : i1 to vector<16xi1>
    %ne3A_1565 = vector.broadcast %ne3A_1564 : vector<16xi1> to vector<16xi1>
    %ne3A_1566 = arith.xori %lt3A_1561, %ne3A_1565 : vector<16xi1>
    %and3A_1567 = arith.andi %ne3A_1566, %ne3A_1558 : vector<16xi1>
    %add3A_1568 = vector.broadcast %select_n3A_1553 : i32 to vector<16xi32>
    %add3A_1569 = arith.addi %rem3A_1555, %add3A_1568 : vector<16xi32>
    %select_n3A_1570 = arith.select %and3A_1567, %add3A_1569, %rem3A_1555 : vector<16xi1>, vector<16xi32>
    %add3A_1571 = arith.constant 16 : i32
    %add3A_1572 = vector.broadcast %add3A_1571 : i32 to vector<16xi32>
    %add3A_1573 = arith.addi %iota3A, %add3A_1572 : vector<16xi32>
    %mul3A_1574 = arith.constant 1024 : i32
    %mul3A_1575 = vector.broadcast %mul3A_1574 : i32 to vector<16xi32>
    %mul3A_1576 = arith.muli %add3A_1573, %mul3A_1575 : vector<16xi32>
    %add3A_1577 = arith.addi %mul3A_1576, %select_n3A_1570 : vector<16xi32>
    tpu.vector_store_idx %arg8[%add3A_1577], %get3A_3 : memref<32768xf32, #tpu.memory_space<vmem>>[vector<16xi32>], vector<16xf32>,
    %add3A_1578 = arith.constant 384 : i32
    %add3A_1579 = arith.addi %mul3A_2, %add3A_1578 : i32
    %mul3A_1580 = arith.constant 1024 : i32
    %mul3A_1581 = arith.muli %add3A_1579, %mul3A_1580 : i32
    %dma_start3A_1582 = tpu.memref_slice %arg5[%mul3A_1581] : memref<33554432xf32, #tpu.memory_space<hbm>> -> memref<32768xf32, #tpu.memory_space<hbm>>
    %dma_start3A_1583 = tpu.memref_slice %arg5[%mul3A_1581] : memref<33554432xf32, #tpu.memory_space<hbm>> -> memref<32768xf32, #tpu.memory_space<hbm>>
    tpu.enqueue_dma source(%arg8 : memref<32768xf32, #tpu.memory_space<vmem>>) target(%dma_start3A_1583 : memref<32768xf32, #tpu.memory_space<hbm>>) target_semaphore(%arg10 : memref<!tpu.dma_semaphore, #tpu.memory_space<semaphore_mem>>)
    %dma_wait3A_1584 = tpu.memref_slice %arg5[%mul3A_1449] : memref<33554432xf32, #tpu.memory_space<hbm>> -> memref<32768xf32, #tpu.memory_space<hbm>>
    %dma_wait3A_1585 = tpu.memref_slice %arg5[%mul3A_1449] : memref<33554432xf32, #tpu.memory_space<hbm>> -> memref<32768xf32, #tpu.memory_space<hbm>>
    tpu.wait_dma2 semaphore(%arg11 : memref<!tpu.dma_semaphore, #tpu.memory_space<semaphore_mem>>) src(%arg9 : memref<32768xf32, #tpu.memory_space<vmem>>) dst(%dma_wait3A_1585 : memref<32768xf32, #tpu.memory_space<hbm>>)
    %get3A_1586 = arith.constant 352 : index
    %get3A_1587 = tpu.vector_load %arg6[%get3A_1586] {strides = array<i32>} : memref<1024xi32, #tpu.memory_space<vmem>>, vector<16xi32>,
    %jit3A_1588 = arith.constant 1024 : i32
    %eq3A_1589 = arith.constant 0 : i32
    %eq3A_1590 = arith.cmpi eq, %jit3A_1588, %eq3A_1589 : i32
    %jit3A_1591 = arith.constant 1 : i32
    %select_n3A_1592 = arith.select %eq3A_1590, %jit3A_1591, %jit3A_1588 : i32
    %rem3A_1593 = vector.broadcast %select_n3A_1592 : i32 to vector<16xi32>
    %rem3A_1594 = arith.remsi %get3A_1587, %rem3A_1593 : vector<16xi32>
    %ne3A_1595 = arith.constant 0 : i32
    %ne3A_1596 = vector.broadcast %ne3A_1595 : i32 to vector<16xi32>
    %ne3A_1597 = arith.cmpi ne, %rem3A_1594, %ne3A_1596 : vector<16xi32>
    %lt3A_1598 = arith.constant 0 : i32
    %lt3A_1599 = vector.broadcast %lt3A_1598 : i32 to vector<16xi32>
    %lt3A_1600 = arith.cmpi slt, %rem3A_1594, %lt3A_1599 : vector<16xi32>
    %lt3A_1601 = arith.constant 0 : i32
    %lt3A_1602 = arith.cmpi slt, %select_n3A_1592, %lt3A_1601 : i32
    %ne3A_1603 = vector.broadcast %lt3A_1602 : i1 to vector<16xi1>
    %ne3A_1604 = vector.broadcast %ne3A_1603 : vector<16xi1> to vector<16xi1>
    %ne3A_1605 = arith.xori %lt3A_1600, %ne3A_1604 : vector<16xi1>
    %and3A_1606 = arith.andi %ne3A_1605, %ne3A_1597 : vector<16xi1>
    %add3A_1607 = vector.broadcast %select_n3A_1592 : i32 to vector<16xi32>
    %add3A_1608 = arith.addi %rem3A_1594, %add3A_1607 : vector<16xi32>
    %select_n3A_1609 = arith.select %and3A_1606, %add3A_1608, %rem3A_1594 : vector<16xi1>, vector<16xi32>
    %add3A_1610 = arith.constant 0 : i32
    %add3A_1611 = vector.broadcast %add3A_1610 : i32 to vector<16xi32>
    %add3A_1612 = arith.addi %iota3A, %add3A_1611 : vector<16xi32>
    %mul3A_1613 = arith.constant 1024 : i32
    %mul3A_1614 = vector.broadcast %mul3A_1613 : i32 to vector<16xi32>
    %mul3A_1615 = arith.muli %add3A_1612, %mul3A_1614 : vector<16xi32>
    %add3A_1616 = arith.addi %mul3A_1615, %select_n3A_1609 : vector<16xi32>
    tpu.vector_store_idx %arg9[%add3A_1616], %broadcast_in_dim3A_4 : memref<32768xf32, #tpu.memory_space<vmem>>[vector<16xi32>], vector<16xf32>,
    %get3A_1617 = arith.constant 368 : index
    %get3A_1618 = tpu.vector_load %arg6[%get3A_1617] {strides = array<i32>} : memref<1024xi32, #tpu.memory_space<vmem>>, vector<16xi32>,
    %jit3A_1619 = arith.constant 1024 : i32
    %eq3A_1620 = arith.constant 0 : i32
    %eq3A_1621 = arith.cmpi eq, %jit3A_1619, %eq3A_1620 : i32
    %jit3A_1622 = arith.constant 1 : i32
    %select_n3A_1623 = arith.select %eq3A_1621, %jit3A_1622, %jit3A_1619 : i32
    %rem3A_1624 = vector.broadcast %select_n3A_1623 : i32 to vector<16xi32>
    %rem3A_1625 = arith.remsi %get3A_1618, %rem3A_1624 : vector<16xi32>
    %ne3A_1626 = arith.constant 0 : i32
    %ne3A_1627 = vector.broadcast %ne3A_1626 : i32 to vector<16xi32>
    %ne3A_1628 = arith.cmpi ne, %rem3A_1625, %ne3A_1627 : vector<16xi32>
    %lt3A_1629 = arith.constant 0 : i32
    %lt3A_1630 = vector.broadcast %lt3A_1629 : i32 to vector<16xi32>
    %lt3A_1631 = arith.cmpi slt, %rem3A_1625, %lt3A_1630 : vector<16xi32>
    %lt3A_1632 = arith.constant 0 : i32
    %lt3A_1633 = arith.cmpi slt, %select_n3A_1623, %lt3A_1632 : i32
    %ne3A_1634 = vector.broadcast %lt3A_1633 : i1 to vector<16xi1>
    %ne3A_1635 = vector.broadcast %ne3A_1634 : vector<16xi1> to vector<16xi1>
    %ne3A_1636 = arith.xori %lt3A_1631, %ne3A_1635 : vector<16xi1>
    %and3A_1637 = arith.andi %ne3A_1636, %ne3A_1628 : vector<16xi1>
    %add3A_1638 = vector.broadcast %select_n3A_1623 : i32 to vector<16xi32>
    %add3A_1639 = arith.addi %rem3A_1625, %add3A_1638 : vector<16xi32>
    %select_n3A_1640 = arith.select %and3A_1637, %add3A_1639, %rem3A_1625 : vector<16xi1>, vector<16xi32>
    %add3A_1641 = arith.constant 16 : i32
    %add3A_1642 = vector.broadcast %add3A_1641 : i32 to vector<16xi32>
    %add3A_1643 = arith.addi %iota3A, %add3A_1642 : vector<16xi32>
    %mul3A_1644 = arith.constant 1024 : i32
    %mul3A_1645 = vector.broadcast %mul3A_1644 : i32 to vector<16xi32>
    %mul3A_1646 = arith.muli %add3A_1643, %mul3A_1645 : vector<16xi32>
    %add3A_1647 = arith.addi %mul3A_1646, %select_n3A_1640 : vector<16xi32>
    tpu.vector_store_idx %arg9[%add3A_1647], %broadcast_in_dim3A_4 : memref<32768xf32, #tpu.memory_space<vmem>>[vector<16xi32>], vector<16xf32>,
    %get3A_1648 = arith.constant 416 : index
    %get3A_1649 = tpu.vector_load %arg6[%get3A_1648] {strides = array<i32>} : memref<1024xi32, #tpu.memory_space<vmem>>, vector<16xi32>,
    %jit3A_1650 = arith.constant 1024 : i32
    %eq3A_1651 = arith.constant 0 : i32
    %eq3A_1652 = arith.cmpi eq, %jit3A_1650, %eq3A_1651 : i32
    %jit3A_1653 = arith.constant 1 : i32
    %select_n3A_1654 = arith.select %eq3A_1652, %jit3A_1653, %jit3A_1650 : i32
    %rem3A_1655 = vector.broadcast %select_n3A_1654 : i32 to vector<16xi32>
    %rem3A_1656 = arith.remsi %get3A_1649, %rem3A_1655 : vector<16xi32>
    %ne3A_1657 = arith.constant 0 : i32
    %ne3A_1658 = vector.broadcast %ne3A_1657 : i32 to vector<16xi32>
    %ne3A_1659 = arith.cmpi ne, %rem3A_1656, %ne3A_1658 : vector<16xi32>
    %lt3A_1660 = arith.constant 0 : i32
    %lt3A_1661 = vector.broadcast %lt3A_1660 : i32 to vector<16xi32>
    %lt3A_1662 = arith.cmpi slt, %rem3A_1656, %lt3A_1661 : vector<16xi32>
    %lt3A_1663 = arith.constant 0 : i32
    %lt3A_1664 = arith.cmpi slt, %select_n3A_1654, %lt3A_1663 : i32
    %ne3A_1665 = vector.broadcast %lt3A_1664 : i1 to vector<16xi1>
    %ne3A_1666 = vector.broadcast %ne3A_1665 : vector<16xi1> to vector<16xi1>
    %ne3A_1667 = arith.xori %lt3A_1662, %ne3A_1666 : vector<16xi1>
    %and3A_1668 = arith.andi %ne3A_1667, %ne3A_1659 : vector<16xi1>
    %add3A_1669 = vector.broadcast %select_n3A_1654 : i32 to vector<16xi32>
    %add3A_1670 = arith.addi %rem3A_1656, %add3A_1669 : vector<16xi32>
    %select_n3A_1671 = arith.select %and3A_1668, %add3A_1670, %rem3A_1656 : vector<16xi1>, vector<16xi32>
    %add3A_1672 = arith.constant 0 : i32
    %add3A_1673 = vector.broadcast %add3A_1672 : i32 to vector<16xi32>
    %add3A_1674 = arith.addi %iota3A, %add3A_1673 : vector<16xi32>
    %mul3A_1675 = arith.constant 1024 : i32
    %mul3A_1676 = vector.broadcast %mul3A_1675 : i32 to vector<16xi32>
    %mul3A_1677 = arith.muli %add3A_1674, %mul3A_1676 : vector<16xi32>
    %add3A_1678 = arith.addi %mul3A_1677, %select_n3A_1671 : vector<16xi32>
    tpu.vector_store_idx %arg9[%add3A_1678], %get3A_3 : memref<32768xf32, #tpu.memory_space<vmem>>[vector<16xi32>], vector<16xf32>,
    %get3A_1679 = arith.constant 432 : index
    %get3A_1680 = tpu.vector_load %arg6[%get3A_1679] {strides = array<i32>} : memref<1024xi32, #tpu.memory_space<vmem>>, vector<16xi32>,
    %jit3A_1681 = arith.constant 1024 : i32
    %eq3A_1682 = arith.constant 0 : i32
    %eq3A_1683 = arith.cmpi eq, %jit3A_1681, %eq3A_1682 : i32
    %jit3A_1684 = arith.constant 1 : i32
    %select_n3A_1685 = arith.select %eq3A_1683, %jit3A_1684, %jit3A_1681 : i32
    %rem3A_1686 = vector.broadcast %select_n3A_1685 : i32 to vector<16xi32>
    %rem3A_1687 = arith.remsi %get3A_1680, %rem3A_1686 : vector<16xi32>
    %ne3A_1688 = arith.constant 0 : i32
    %ne3A_1689 = vector.broadcast %ne3A_1688 : i32 to vector<16xi32>
    %ne3A_1690 = arith.cmpi ne, %rem3A_1687, %ne3A_1689 : vector<16xi32>
    %lt3A_1691 = arith.constant 0 : i32
    %lt3A_1692 = vector.broadcast %lt3A_1691 : i32 to vector<16xi32>
    %lt3A_1693 = arith.cmpi slt, %rem3A_1687, %lt3A_1692 : vector<16xi32>
    %lt3A_1694 = arith.constant 0 : i32
    %lt3A_1695 = arith.cmpi slt, %select_n3A_1685, %lt3A_1694 : i32
    %ne3A_1696 = vector.broadcast %lt3A_1695 : i1 to vector<16xi1>
    %ne3A_1697 = vector.broadcast %ne3A_1696 : vector<16xi1> to vector<16xi1>
    %ne3A_1698 = arith.xori %lt3A_1693, %ne3A_1697 : vector<16xi1>
    %and3A_1699 = arith.andi %ne3A_1698, %ne3A_1690 : vector<16xi1>
    %add3A_1700 = vector.broadcast %select_n3A_1685 : i32 to vector<16xi32>
    %add3A_1701 = arith.addi %rem3A_1687, %add3A_1700 : vector<16xi32>
    %select_n3A_1702 = arith.select %and3A_1699, %add3A_1701, %rem3A_1687 : vector<16xi1>, vector<16xi32>
    %add3A_1703 = arith.constant 16 : i32
    %add3A_1704 = vector.broadcast %add3A_1703 : i32 to vector<16xi32>
    %add3A_1705 = arith.addi %iota3A, %add3A_1704 : vector<16xi32>
    %mul3A_1706 = arith.constant 1024 : i32
    %mul3A_1707 = vector.broadcast %mul3A_1706 : i32 to vector<16xi32>
    %mul3A_1708 = arith.muli %add3A_1705, %mul3A_1707 : vector<16xi32>
    %add3A_1709 = arith.addi %mul3A_1708, %select_n3A_1702 : vector<16xi32>
    tpu.vector_store_idx %arg9[%add3A_1709], %get3A_3 : memref<32768xf32, #tpu.memory_space<vmem>>[vector<16xi32>], vector<16xf32>,
    %add3A_1710 = arith.constant 416 : i32
    %add3A_1711 = arith.addi %mul3A_2, %add3A_1710 : i32
    %mul3A_1712 = arith.constant 1024 : i32
    %mul3A_1713 = arith.muli %add3A_1711, %mul3A_1712 : i32
    %dma_start3A_1714 = tpu.memref_slice %arg5[%mul3A_1713] : memref<33554432xf32, #tpu.memory_space<hbm>> -> memref<32768xf32, #tpu.memory_space<hbm>>
    %dma_start3A_1715 = tpu.memref_slice %arg5[%mul3A_1713] : memref<33554432xf32, #tpu.memory_space<hbm>> -> memref<32768xf32, #tpu.memory_space<hbm>>
    tpu.enqueue_dma source(%arg9 : memref<32768xf32, #tpu.memory_space<vmem>>) target(%dma_start3A_1715 : memref<32768xf32, #tpu.memory_space<hbm>>) target_semaphore(%arg11 : memref<!tpu.dma_semaphore, #tpu.memory_space<semaphore_mem>>)
    %dma_wait3A_1716 = tpu.memref_slice %arg5[%mul3A_1581] : memref<33554432xf32, #tpu.memory_space<hbm>> -> memref<32768xf32, #tpu.memory_space<hbm>>
    %dma_wait3A_1717 = tpu.memref_slice %arg5[%mul3A_1581] : memref<33554432xf32, #tpu.memory_space<hbm>> -> memref<32768xf32, #tpu.memory_space<hbm>>
    tpu.wait_dma2 semaphore(%arg10 : memref<!tpu.dma_semaphore, #tpu.memory_space<semaphore_mem>>) src(%arg8 : memref<32768xf32, #tpu.memory_space<vmem>>) dst(%dma_wait3A_1717 : memref<32768xf32, #tpu.memory_space<hbm>>)
    %get3A_1718 = arith.constant 384 : index
    %get3A_1719 = tpu.vector_load %arg6[%get3A_1718] {strides = array<i32>} : memref<1024xi32, #tpu.memory_space<vmem>>, vector<16xi32>,
    %jit3A_1720 = arith.constant 1024 : i32
    %eq3A_1721 = arith.constant 0 : i32
    %eq3A_1722 = arith.cmpi eq, %jit3A_1720, %eq3A_1721 : i32
    %jit3A_1723 = arith.constant 1 : i32
    %select_n3A_1724 = arith.select %eq3A_1722, %jit3A_1723, %jit3A_1720 : i32
    %rem3A_1725 = vector.broadcast %select_n3A_1724 : i32 to vector<16xi32>
    %rem3A_1726 = arith.remsi %get3A_1719, %rem3A_1725 : vector<16xi32>
    %ne3A_1727 = arith.constant 0 : i32
    %ne3A_1728 = vector.broadcast %ne3A_1727 : i32 to vector<16xi32>
    %ne3A_1729 = arith.cmpi ne, %rem3A_1726, %ne3A_1728 : vector<16xi32>
    %lt3A_1730 = arith.constant 0 : i32
    %lt3A_1731 = vector.broadcast %lt3A_1730 : i32 to vector<16xi32>
    %lt3A_1732 = arith.cmpi slt, %rem3A_1726, %lt3A_1731 : vector<16xi32>
    %lt3A_1733 = arith.constant 0 : i32
    %lt3A_1734 = arith.cmpi slt, %select_n3A_1724, %lt3A_1733 : i32
    %ne3A_1735 = vector.broadcast %lt3A_1734 : i1 to vector<16xi1>
    %ne3A_1736 = vector.broadcast %ne3A_1735 : vector<16xi1> to vector<16xi1>
    %ne3A_1737 = arith.xori %lt3A_1732, %ne3A_1736 : vector<16xi1>
    %and3A_1738 = arith.andi %ne3A_1737, %ne3A_1729 : vector<16xi1>
    %add3A_1739 = vector.broadcast %select_n3A_1724 : i32 to vector<16xi32>
    %add3A_1740 = arith.addi %rem3A_1726, %add3A_1739 : vector<16xi32>
    %select_n3A_1741 = arith.select %and3A_1738, %add3A_1740, %rem3A_1726 : vector<16xi1>, vector<16xi32>
    %add3A_1742 = arith.constant 0 : i32
    %add3A_1743 = vector.broadcast %add3A_1742 : i32 to vector<16xi32>
    %add3A_1744 = arith.addi %iota3A, %add3A_1743 : vector<16xi32>
    %mul3A_1745 = arith.constant 1024 : i32
    %mul3A_1746 = vector.broadcast %mul3A_1745 : i32 to vector<16xi32>
    %mul3A_1747 = arith.muli %add3A_1744, %mul3A_1746 : vector<16xi32>
    %add3A_1748 = arith.addi %mul3A_1747, %select_n3A_1741 : vector<16xi32>
    tpu.vector_store_idx %arg8[%add3A_1748], %broadcast_in_dim3A_4 : memref<32768xf32, #tpu.memory_space<vmem>>[vector<16xi32>], vector<16xf32>,
    %get3A_1749 = arith.constant 400 : index
    %get3A_1750 = tpu.vector_load %arg6[%get3A_1749] {strides = array<i32>} : memref<1024xi32, #tpu.memory_space<vmem>>, vector<16xi32>,
    %jit3A_1751 = arith.constant 1024 : i32
    %eq3A_1752 = arith.constant 0 : i32
    %eq3A_1753 = arith.cmpi eq, %jit3A_1751, %eq3A_1752 : i32
    %jit3A_1754 = arith.constant 1 : i32
    %select_n3A_1755 = arith.select %eq3A_1753, %jit3A_1754, %jit3A_1751 : i32
    %rem3A_1756 = vector.broadcast %select_n3A_1755 : i32 to vector<16xi32>
    %rem3A_1757 = arith.remsi %get3A_1750, %rem3A_1756 : vector<16xi32>
    %ne3A_1758 = arith.constant 0 : i32
    %ne3A_1759 = vector.broadcast %ne3A_1758 : i32 to vector<16xi32>
    %ne3A_1760 = arith.cmpi ne, %rem3A_1757, %ne3A_1759 : vector<16xi32>
    %lt3A_1761 = arith.constant 0 : i32
    %lt3A_1762 = vector.broadcast %lt3A_1761 : i32 to vector<16xi32>
    %lt3A_1763 = arith.cmpi slt, %rem3A_1757, %lt3A_1762 : vector<16xi32>
    %lt3A_1764 = arith.constant 0 : i32
    %lt3A_1765 = arith.cmpi slt, %select_n3A_1755, %lt3A_1764 : i32
    %ne3A_1766 = vector.broadcast %lt3A_1765 : i1 to vector<16xi1>
    %ne3A_1767 = vector.broadcast %ne3A_1766 : vector<16xi1> to vector<16xi1>
    %ne3A_1768 = arith.xori %lt3A_1763, %ne3A_1767 : vector<16xi1>
    %and3A_1769 = arith.andi %ne3A_1768, %ne3A_1760 : vector<16xi1>
    %add3A_1770 = vector.broadcast %select_n3A_1755 : i32 to vector<16xi32>
    %add3A_1771 = arith.addi %rem3A_1757, %add3A_1770 : vector<16xi32>
    %select_n3A_1772 = arith.select %and3A_1769, %add3A_1771, %rem3A_1757 : vector<16xi1>, vector<16xi32>
    %add3A_1773 = arith.constant 16 : i32
    %add3A_1774 = vector.broadcast %add3A_1773 : i32 to vector<16xi32>
    %add3A_1775 = arith.addi %iota3A, %add3A_1774 : vector<16xi32>
    %mul3A_1776 = arith.constant 1024 : i32
    %mul3A_1777 = vector.broadcast %mul3A_1776 : i32 to vector<16xi32>
    %mul3A_1778 = arith.muli %add3A_1775, %mul3A_1777 : vector<16xi32>
    %add3A_1779 = arith.addi %mul3A_1778, %select_n3A_1772 : vector<16xi32>
    tpu.vector_store_idx %arg8[%add3A_1779], %broadcast_in_dim3A_4 : memref<32768xf32, #tpu.memory_space<vmem>>[vector<16xi32>], vector<16xf32>,
    %get3A_1780 = arith.constant 448 : index
    %get3A_1781 = tpu.vector_load %arg6[%get3A_1780] {strides = array<i32>} : memref<1024xi32, #tpu.memory_space<vmem>>, vector<16xi32>,
    %jit3A_1782 = arith.constant 1024 : i32
    %eq3A_1783 = arith.constant 0 : i32
    %eq3A_1784 = arith.cmpi eq, %jit3A_1782, %eq3A_1783 : i32
    %jit3A_1785 = arith.constant 1 : i32
    %select_n3A_1786 = arith.select %eq3A_1784, %jit3A_1785, %jit3A_1782 : i32
    %rem3A_1787 = vector.broadcast %select_n3A_1786 : i32 to vector<16xi32>
    %rem3A_1788 = arith.remsi %get3A_1781, %rem3A_1787 : vector<16xi32>
    %ne3A_1789 = arith.constant 0 : i32
    %ne3A_1790 = vector.broadcast %ne3A_1789 : i32 to vector<16xi32>
    %ne3A_1791 = arith.cmpi ne, %rem3A_1788, %ne3A_1790 : vector<16xi32>
    %lt3A_1792 = arith.constant 0 : i32
    %lt3A_1793 = vector.broadcast %lt3A_1792 : i32 to vector<16xi32>
    %lt3A_1794 = arith.cmpi slt, %rem3A_1788, %lt3A_1793 : vector<16xi32>
    %lt3A_1795 = arith.constant 0 : i32
    %lt3A_1796 = arith.cmpi slt, %select_n3A_1786, %lt3A_1795 : i32
    %ne3A_1797 = vector.broadcast %lt3A_1796 : i1 to vector<16xi1>
    %ne3A_1798 = vector.broadcast %ne3A_1797 : vector<16xi1> to vector<16xi1>
    %ne3A_1799 = arith.xori %lt3A_1794, %ne3A_1798 : vector<16xi1>
    %and3A_1800 = arith.andi %ne3A_1799, %ne3A_1791 : vector<16xi1>
    %add3A_1801 = vector.broadcast %select_n3A_1786 : i32 to vector<16xi32>
    %add3A_1802 = arith.addi %rem3A_1788, %add3A_1801 : vector<16xi32>
    %select_n3A_1803 = arith.select %and3A_1800, %add3A_1802, %rem3A_1788 : vector<16xi1>, vector<16xi32>
    %add3A_1804 = arith.constant 0 : i32
    %add3A_1805 = vector.broadcast %add3A_1804 : i32 to vector<16xi32>
    %add3A_1806 = arith.addi %iota3A, %add3A_1805 : vector<16xi32>
    %mul3A_1807 = arith.constant 1024 : i32
    %mul3A_1808 = vector.broadcast %mul3A_1807 : i32 to vector<16xi32>
    %mul3A_1809 = arith.muli %add3A_1806, %mul3A_1808 : vector<16xi32>
    %add3A_1810 = arith.addi %mul3A_1809, %select_n3A_1803 : vector<16xi32>
    tpu.vector_store_idx %arg8[%add3A_1810], %get3A_3 : memref<32768xf32, #tpu.memory_space<vmem>>[vector<16xi32>], vector<16xf32>,
    %get3A_1811 = arith.constant 464 : index
    %get3A_1812 = tpu.vector_load %arg6[%get3A_1811] {strides = array<i32>} : memref<1024xi32, #tpu.memory_space<vmem>>, vector<16xi32>,
    %jit3A_1813 = arith.constant 1024 : i32
    %eq3A_1814 = arith.constant 0 : i32
    %eq3A_1815 = arith.cmpi eq, %jit3A_1813, %eq3A_1814 : i32
    %jit3A_1816 = arith.constant 1 : i32
    %select_n3A_1817 = arith.select %eq3A_1815, %jit3A_1816, %jit3A_1813 : i32
    %rem3A_1818 = vector.broadcast %select_n3A_1817 : i32 to vector<16xi32>
    %rem3A_1819 = arith.remsi %get3A_1812, %rem3A_1818 : vector<16xi32>
    %ne3A_1820 = arith.constant 0 : i32
    %ne3A_1821 = vector.broadcast %ne3A_1820 : i32 to vector<16xi32>
    %ne3A_1822 = arith.cmpi ne, %rem3A_1819, %ne3A_1821 : vector<16xi32>
    %lt3A_1823 = arith.constant 0 : i32
    %lt3A_1824 = vector.broadcast %lt3A_1823 : i32 to vector<16xi32>
    %lt3A_1825 = arith.cmpi slt, %rem3A_1819, %lt3A_1824 : vector<16xi32>
    %lt3A_1826 = arith.constant 0 : i32
    %lt3A_1827 = arith.cmpi slt, %select_n3A_1817, %lt3A_1826 : i32
    %ne3A_1828 = vector.broadcast %lt3A_1827 : i1 to vector<16xi1>
    %ne3A_1829 = vector.broadcast %ne3A_1828 : vector<16xi1> to vector<16xi1>
    %ne3A_1830 = arith.xori %lt3A_1825, %ne3A_1829 : vector<16xi1>
    %and3A_1831 = arith.andi %ne3A_1830, %ne3A_1822 : vector<16xi1>
    %add3A_1832 = vector.broadcast %select_n3A_1817 : i32 to vector<16xi32>
    %add3A_1833 = arith.addi %rem3A_1819, %add3A_1832 : vector<16xi32>
    %select_n3A_1834 = arith.select %and3A_1831, %add3A_1833, %rem3A_1819 : vector<16xi1>, vector<16xi32>
    %add3A_1835 = arith.constant 16 : i32
    %add3A_1836 = vector.broadcast %add3A_1835 : i32 to vector<16xi32>
    %add3A_1837 = arith.addi %iota3A, %add3A_1836 : vector<16xi32>
    %mul3A_1838 = arith.constant 1024 : i32
    %mul3A_1839 = vector.broadcast %mul3A_1838 : i32 to vector<16xi32>
    %mul3A_1840 = arith.muli %add3A_1837, %mul3A_1839 : vector<16xi32>
    %add3A_1841 = arith.addi %mul3A_1840, %select_n3A_1834 : vector<16xi32>
    tpu.vector_store_idx %arg8[%add3A_1841], %get3A_3 : memref<32768xf32, #tpu.memory_space<vmem>>[vector<16xi32>], vector<16xf32>,
    %add3A_1842 = arith.constant 448 : i32
    %add3A_1843 = arith.addi %mul3A_2, %add3A_1842 : i32
    %mul3A_1844 = arith.constant 1024 : i32
    %mul3A_1845 = arith.muli %add3A_1843, %mul3A_1844 : i32
    %dma_start3A_1846 = tpu.memref_slice %arg5[%mul3A_1845] : memref<33554432xf32, #tpu.memory_space<hbm>> -> memref<32768xf32, #tpu.memory_space<hbm>>
    %dma_start3A_1847 = tpu.memref_slice %arg5[%mul3A_1845] : memref<33554432xf32, #tpu.memory_space<hbm>> -> memref<32768xf32, #tpu.memory_space<hbm>>
    tpu.enqueue_dma source(%arg8 : memref<32768xf32, #tpu.memory_space<vmem>>) target(%dma_start3A_1847 : memref<32768xf32, #tpu.memory_space<hbm>>) target_semaphore(%arg10 : memref<!tpu.dma_semaphore, #tpu.memory_space<semaphore_mem>>)
    %dma_wait3A_1848 = tpu.memref_slice %arg5[%mul3A_1713] : memref<33554432xf32, #tpu.memory_space<hbm>> -> memref<32768xf32, #tpu.memory_space<hbm>>
    %dma_wait3A_1849 = tpu.memref_slice %arg5[%mul3A_1713] : memref<33554432xf32, #tpu.memory_space<hbm>> -> memref<32768xf32, #tpu.memory_space<hbm>>
    tpu.wait_dma2 semaphore(%arg11 : memref<!tpu.dma_semaphore, #tpu.memory_space<semaphore_mem>>) src(%arg9 : memref<32768xf32, #tpu.memory_space<vmem>>) dst(%dma_wait3A_1849 : memref<32768xf32, #tpu.memory_space<hbm>>)
    %get3A_1850 = arith.constant 416 : index
    %get3A_1851 = tpu.vector_load %arg6[%get3A_1850] {strides = array<i32>} : memref<1024xi32, #tpu.memory_space<vmem>>, vector<16xi32>,
    %jit3A_1852 = arith.constant 1024 : i32
    %eq3A_1853 = arith.constant 0 : i32
    %eq3A_1854 = arith.cmpi eq, %jit3A_1852, %eq3A_1853 : i32
    %jit3A_1855 = arith.constant 1 : i32
    %select_n3A_1856 = arith.select %eq3A_1854, %jit3A_1855, %jit3A_1852 : i32
    %rem3A_1857 = vector.broadcast %select_n3A_1856 : i32 to vector<16xi32>
    %rem3A_1858 = arith.remsi %get3A_1851, %rem3A_1857 : vector<16xi32>
    %ne3A_1859 = arith.constant 0 : i32
    %ne3A_1860 = vector.broadcast %ne3A_1859 : i32 to vector<16xi32>
    %ne3A_1861 = arith.cmpi ne, %rem3A_1858, %ne3A_1860 : vector<16xi32>
    %lt3A_1862 = arith.constant 0 : i32
    %lt3A_1863 = vector.broadcast %lt3A_1862 : i32 to vector<16xi32>
    %lt3A_1864 = arith.cmpi slt, %rem3A_1858, %lt3A_1863 : vector<16xi32>
    %lt3A_1865 = arith.constant 0 : i32
    %lt3A_1866 = arith.cmpi slt, %select_n3A_1856, %lt3A_1865 : i32
    %ne3A_1867 = vector.broadcast %lt3A_1866 : i1 to vector<16xi1>
    %ne3A_1868 = vector.broadcast %ne3A_1867 : vector<16xi1> to vector<16xi1>
    %ne3A_1869 = arith.xori %lt3A_1864, %ne3A_1868 : vector<16xi1>
    %and3A_1870 = arith.andi %ne3A_1869, %ne3A_1861 : vector<16xi1>
    %add3A_1871 = vector.broadcast %select_n3A_1856 : i32 to vector<16xi32>
    %add3A_1872 = arith.addi %rem3A_1858, %add3A_1871 : vector<16xi32>
    %select_n3A_1873 = arith.select %and3A_1870, %add3A_1872, %rem3A_1858 : vector<16xi1>, vector<16xi32>
    %add3A_1874 = arith.constant 0 : i32
    %add3A_1875 = vector.broadcast %add3A_1874 : i32 to vector<16xi32>
    %add3A_1876 = arith.addi %iota3A, %add3A_1875 : vector<16xi32>
    %mul3A_1877 = arith.constant 1024 : i32
    %mul3A_1878 = vector.broadcast %mul3A_1877 : i32 to vector<16xi32>
    %mul3A_1879 = arith.muli %add3A_1876, %mul3A_1878 : vector<16xi32>
    %add3A_1880 = arith.addi %mul3A_1879, %select_n3A_1873 : vector<16xi32>
    tpu.vector_store_idx %arg9[%add3A_1880], %broadcast_in_dim3A_4 : memref<32768xf32, #tpu.memory_space<vmem>>[vector<16xi32>], vector<16xf32>,
    %get3A_1881 = arith.constant 432 : index
    %get3A_1882 = tpu.vector_load %arg6[%get3A_1881] {strides = array<i32>} : memref<1024xi32, #tpu.memory_space<vmem>>, vector<16xi32>,
    %jit3A_1883 = arith.constant 1024 : i32
    %eq3A_1884 = arith.constant 0 : i32
    %eq3A_1885 = arith.cmpi eq, %jit3A_1883, %eq3A_1884 : i32
    %jit3A_1886 = arith.constant 1 : i32
    %select_n3A_1887 = arith.select %eq3A_1885, %jit3A_1886, %jit3A_1883 : i32
    %rem3A_1888 = vector.broadcast %select_n3A_1887 : i32 to vector<16xi32>
    %rem3A_1889 = arith.remsi %get3A_1882, %rem3A_1888 : vector<16xi32>
    %ne3A_1890 = arith.constant 0 : i32
    %ne3A_1891 = vector.broadcast %ne3A_1890 : i32 to vector<16xi32>
    %ne3A_1892 = arith.cmpi ne, %rem3A_1889, %ne3A_1891 : vector<16xi32>
    %lt3A_1893 = arith.constant 0 : i32
    %lt3A_1894 = vector.broadcast %lt3A_1893 : i32 to vector<16xi32>
    %lt3A_1895 = arith.cmpi slt, %rem3A_1889, %lt3A_1894 : vector<16xi32>
    %lt3A_1896 = arith.constant 0 : i32
    %lt3A_1897 = arith.cmpi slt, %select_n3A_1887, %lt3A_1896 : i32
    %ne3A_1898 = vector.broadcast %lt3A_1897 : i1 to vector<16xi1>
    %ne3A_1899 = vector.broadcast %ne3A_1898 : vector<16xi1> to vector<16xi1>
    %ne3A_1900 = arith.xori %lt3A_1895, %ne3A_1899 : vector<16xi1>
    %and3A_1901 = arith.andi %ne3A_1900, %ne3A_1892 : vector<16xi1>
    %add3A_1902 = vector.broadcast %select_n3A_1887 : i32 to vector<16xi32>
    %add3A_1903 = arith.addi %rem3A_1889, %add3A_1902 : vector<16xi32>
    %select_n3A_1904 = arith.select %and3A_1901, %add3A_1903, %rem3A_1889 : vector<16xi1>, vector<16xi32>
    %add3A_1905 = arith.constant 16 : i32
    %add3A_1906 = vector.broadcast %add3A_1905 : i32 to vector<16xi32>
    %add3A_1907 = arith.addi %iota3A, %add3A_1906 : vector<16xi32>
    %mul3A_1908 = arith.constant 1024 : i32
    %mul3A_1909 = vector.broadcast %mul3A_1908 : i32 to vector<16xi32>
    %mul3A_1910 = arith.muli %add3A_1907, %mul3A_1909 : vector<16xi32>
    %add3A_1911 = arith.addi %mul3A_1910, %select_n3A_1904 : vector<16xi32>
    tpu.vector_store_idx %arg9[%add3A_1911], %broadcast_in_dim3A_4 : memref<32768xf32, #tpu.memory_space<vmem>>[vector<16xi32>], vector<16xf32>,
    %get3A_1912 = arith.constant 480 : index
    %get3A_1913 = tpu.vector_load %arg6[%get3A_1912] {strides = array<i32>} : memref<1024xi32, #tpu.memory_space<vmem>>, vector<16xi32>,
    %jit3A_1914 = arith.constant 1024 : i32
    %eq3A_1915 = arith.constant 0 : i32
    %eq3A_1916 = arith.cmpi eq, %jit3A_1914, %eq3A_1915 : i32
    %jit3A_1917 = arith.constant 1 : i32
    %select_n3A_1918 = arith.select %eq3A_1916, %jit3A_1917, %jit3A_1914 : i32
    %rem3A_1919 = vector.broadcast %select_n3A_1918 : i32 to vector<16xi32>
    %rem3A_1920 = arith.remsi %get3A_1913, %rem3A_1919 : vector<16xi32>
    %ne3A_1921 = arith.constant 0 : i32
    %ne3A_1922 = vector.broadcast %ne3A_1921 : i32 to vector<16xi32>
    %ne3A_1923 = arith.cmpi ne, %rem3A_1920, %ne3A_1922 : vector<16xi32>
    %lt3A_1924 = arith.constant 0 : i32
    %lt3A_1925 = vector.broadcast %lt3A_1924 : i32 to vector<16xi32>
    %lt3A_1926 = arith.cmpi slt, %rem3A_1920, %lt3A_1925 : vector<16xi32>
    %lt3A_1927 = arith.constant 0 : i32
    %lt3A_1928 = arith.cmpi slt, %select_n3A_1918, %lt3A_1927 : i32
    %ne3A_1929 = vector.broadcast %lt3A_1928 : i1 to vector<16xi1>
    %ne3A_1930 = vector.broadcast %ne3A_1929 : vector<16xi1> to vector<16xi1>
    %ne3A_1931 = arith.xori %lt3A_1926, %ne3A_1930 : vector<16xi1>
    %and3A_1932 = arith.andi %ne3A_1931, %ne3A_1923 : vector<16xi1>
    %add3A_1933 = vector.broadcast %select_n3A_1918 : i32 to vector<16xi32>
    %add3A_1934 = arith.addi %rem3A_1920, %add3A_1933 : vector<16xi32>
    %select_n3A_1935 = arith.select %and3A_1932, %add3A_1934, %rem3A_1920 : vector<16xi1>, vector<16xi32>
    %add3A_1936 = arith.constant 0 : i32
    %add3A_1937 = vector.broadcast %add3A_1936 : i32 to vector<16xi32>
    %add3A_1938 = arith.addi %iota3A, %add3A_1937 : vector<16xi32>
    %mul3A_1939 = arith.constant 1024 : i32
    %mul3A_1940 = vector.broadcast %mul3A_1939 : i32 to vector<16xi32>
    %mul3A_1941 = arith.muli %add3A_1938, %mul3A_1940 : vector<16xi32>
    %add3A_1942 = arith.addi %mul3A_1941, %select_n3A_1935 : vector<16xi32>
    tpu.vector_store_idx %arg9[%add3A_1942], %get3A_3 : memref<32768xf32, #tpu.memory_space<vmem>>[vector<16xi32>], vector<16xf32>,
    %get3A_1943 = arith.constant 496 : index
    %get3A_1944 = tpu.vector_load %arg6[%get3A_1943] {strides = array<i32>} : memref<1024xi32, #tpu.memory_space<vmem>>, vector<16xi32>,
    %jit3A_1945 = arith.constant 1024 : i32
    %eq3A_1946 = arith.constant 0 : i32
    %eq3A_1947 = arith.cmpi eq, %jit3A_1945, %eq3A_1946 : i32
    %jit3A_1948 = arith.constant 1 : i32
    %select_n3A_1949 = arith.select %eq3A_1947, %jit3A_1948, %jit3A_1945 : i32
    %rem3A_1950 = vector.broadcast %select_n3A_1949 : i32 to vector<16xi32>
    %rem3A_1951 = arith.remsi %get3A_1944, %rem3A_1950 : vector<16xi32>
    %ne3A_1952 = arith.constant 0 : i32
    %ne3A_1953 = vector.broadcast %ne3A_1952 : i32 to vector<16xi32>
    %ne3A_1954 = arith.cmpi ne, %rem3A_1951, %ne3A_1953 : vector<16xi32>
    %lt3A_1955 = arith.constant 0 : i32
    %lt3A_1956 = vector.broadcast %lt3A_1955 : i32 to vector<16xi32>
    %lt3A_1957 = arith.cmpi slt, %rem3A_1951, %lt3A_1956 : vector<16xi32>
    %lt3A_1958 = arith.constant 0 : i32
    %lt3A_1959 = arith.cmpi slt, %select_n3A_1949, %lt3A_1958 : i32
    %ne3A_1960 = vector.broadcast %lt3A_1959 : i1 to vector<16xi1>
    %ne3A_1961 = vector.broadcast %ne3A_1960 : vector<16xi1> to vector<16xi1>
    %ne3A_1962 = arith.xori %lt3A_1957, %ne3A_1961 : vector<16xi1>
    %and3A_1963 = arith.andi %ne3A_1962, %ne3A_1954 : vector<16xi1>
    %add3A_1964 = vector.broadcast %select_n3A_1949 : i32 to vector<16xi32>
    %add3A_1965 = arith.addi %rem3A_1951, %add3A_1964 : vector<16xi32>
    %select_n3A_1966 = arith.select %and3A_1963, %add3A_1965, %rem3A_1951 : vector<16xi1>, vector<16xi32>
    %add3A_1967 = arith.constant 16 : i32
    %add3A_1968 = vector.broadcast %add3A_1967 : i32 to vector<16xi32>
    %add3A_1969 = arith.addi %iota3A, %add3A_1968 : vector<16xi32>
    %mul3A_1970 = arith.constant 1024 : i32
    %mul3A_1971 = vector.broadcast %mul3A_1970 : i32 to vector<16xi32>
    %mul3A_1972 = arith.muli %add3A_1969, %mul3A_1971 : vector<16xi32>
    %add3A_1973 = arith.addi %mul3A_1972, %select_n3A_1966 : vector<16xi32>
    tpu.vector_store_idx %arg9[%add3A_1973], %get3A_3 : memref<32768xf32, #tpu.memory_space<vmem>>[vector<16xi32>], vector<16xf32>,
    %add3A_1974 = arith.constant 480 : i32
    %add3A_1975 = arith.addi %mul3A_2, %add3A_1974 : i32
    %mul3A_1976 = arith.constant 1024 : i32
    %mul3A_1977 = arith.muli %add3A_1975, %mul3A_1976 : i32
    %dma_start3A_1978 = tpu.memref_slice %arg5[%mul3A_1977] : memref<33554432xf32, #tpu.memory_space<hbm>> -> memref<32768xf32, #tpu.memory_space<hbm>>
    %dma_start3A_1979 = tpu.memref_slice %arg5[%mul3A_1977] : memref<33554432xf32, #tpu.memory_space<hbm>> -> memref<32768xf32, #tpu.memory_space<hbm>>
    tpu.enqueue_dma source(%arg9 : memref<32768xf32, #tpu.memory_space<vmem>>) target(%dma_start3A_1979 : memref<32768xf32, #tpu.memory_space<hbm>>) target_semaphore(%arg11 : memref<!tpu.dma_semaphore, #tpu.memory_space<semaphore_mem>>)
    %dma_wait3A_1980 = tpu.memref_slice %arg5[%mul3A_1845] : memref<33554432xf32, #tpu.memory_space<hbm>> -> memref<32768xf32, #tpu.memory_space<hbm>>
    %dma_wait3A_1981 = tpu.memref_slice %arg5[%mul3A_1845] : memref<33554432xf32, #tpu.memory_space<hbm>> -> memref<32768xf32, #tpu.memory_space<hbm>>
    tpu.wait_dma2 semaphore(%arg10 : memref<!tpu.dma_semaphore, #tpu.memory_space<semaphore_mem>>) src(%arg8 : memref<32768xf32, #tpu.memory_space<vmem>>) dst(%dma_wait3A_1981 : memref<32768xf32, #tpu.memory_space<hbm>>)
    %get3A_1982 = arith.constant 448 : index
    %get3A_1983 = tpu.vector_load %arg6[%get3A_1982] {strides = array<i32>} : memref<1024xi32, #tpu.memory_space<vmem>>, vector<16xi32>,
    %jit3A_1984 = arith.constant 1024 : i32
    %eq3A_1985 = arith.constant 0 : i32
    %eq3A_1986 = arith.cmpi eq, %jit3A_1984, %eq3A_1985 : i32
    %jit3A_1987 = arith.constant 1 : i32
    %select_n3A_1988 = arith.select %eq3A_1986, %jit3A_1987, %jit3A_1984 : i32
    %rem3A_1989 = vector.broadcast %select_n3A_1988 : i32 to vector<16xi32>
    %rem3A_1990 = arith.remsi %get3A_1983, %rem3A_1989 : vector<16xi32>
    %ne3A_1991 = arith.constant 0 : i32
    %ne3A_1992 = vector.broadcast %ne3A_1991 : i32 to vector<16xi32>
    %ne3A_1993 = arith.cmpi ne, %rem3A_1990, %ne3A_1992 : vector<16xi32>
    %lt3A_1994 = arith.constant 0 : i32
    %lt3A_1995 = vector.broadcast %lt3A_1994 : i32 to vector<16xi32>
    %lt3A_1996 = arith.cmpi slt, %rem3A_1990, %lt3A_1995 : vector<16xi32>
    %lt3A_1997 = arith.constant 0 : i32
    %lt3A_1998 = arith.cmpi slt, %select_n3A_1988, %lt3A_1997 : i32
    %ne3A_1999 = vector.broadcast %lt3A_1998 : i1 to vector<16xi1>
    %ne3A_2000 = vector.broadcast %ne3A_1999 : vector<16xi1> to vector<16xi1>
    %ne3A_2001 = arith.xori %lt3A_1996, %ne3A_2000 : vector<16xi1>
    %and3A_2002 = arith.andi %ne3A_2001, %ne3A_1993 : vector<16xi1>
    %add3A_2003 = vector.broadcast %select_n3A_1988 : i32 to vector<16xi32>
    %add3A_2004 = arith.addi %rem3A_1990, %add3A_2003 : vector<16xi32>
    %select_n3A_2005 = arith.select %and3A_2002, %add3A_2004, %rem3A_1990 : vector<16xi1>, vector<16xi32>
    %add3A_2006 = arith.constant 0 : i32
    %add3A_2007 = vector.broadcast %add3A_2006 : i32 to vector<16xi32>
    %add3A_2008 = arith.addi %iota3A, %add3A_2007 : vector<16xi32>
    %mul3A_2009 = arith.constant 1024 : i32
    %mul3A_2010 = vector.broadcast %mul3A_2009 : i32 to vector<16xi32>
    %mul3A_2011 = arith.muli %add3A_2008, %mul3A_2010 : vector<16xi32>
    %add3A_2012 = arith.addi %mul3A_2011, %select_n3A_2005 : vector<16xi32>
    tpu.vector_store_idx %arg8[%add3A_2012], %broadcast_in_dim3A_4 : memref<32768xf32, #tpu.memory_space<vmem>>[vector<16xi32>], vector<16xf32>,
    %get3A_2013 = arith.constant 464 : index
    %get3A_2014 = tpu.vector_load %arg6[%get3A_2013] {strides = array<i32>} : memref<1024xi32, #tpu.memory_space<vmem>>, vector<16xi32>,
    %jit3A_2015 = arith.constant 1024 : i32
    %eq3A_2016 = arith.constant 0 : i32
    %eq3A_2017 = arith.cmpi eq, %jit3A_2015, %eq3A_2016 : i32
    %jit3A_2018 = arith.constant 1 : i32
    %select_n3A_2019 = arith.select %eq3A_2017, %jit3A_2018, %jit3A_2015 : i32
    %rem3A_2020 = vector.broadcast %select_n3A_2019 : i32 to vector<16xi32>
    %rem3A_2021 = arith.remsi %get3A_2014, %rem3A_2020 : vector<16xi32>
    %ne3A_2022 = arith.constant 0 : i32
    %ne3A_2023 = vector.broadcast %ne3A_2022 : i32 to vector<16xi32>
    %ne3A_2024 = arith.cmpi ne, %rem3A_2021, %ne3A_2023 : vector<16xi32>
    %lt3A_2025 = arith.constant 0 : i32
    %lt3A_2026 = vector.broadcast %lt3A_2025 : i32 to vector<16xi32>
    %lt3A_2027 = arith.cmpi slt, %rem3A_2021, %lt3A_2026 : vector<16xi32>
    %lt3A_2028 = arith.constant 0 : i32
    %lt3A_2029 = arith.cmpi slt, %select_n3A_2019, %lt3A_2028 : i32
    %ne3A_2030 = vector.broadcast %lt3A_2029 : i1 to vector<16xi1>
    %ne3A_2031 = vector.broadcast %ne3A_2030 : vector<16xi1> to vector<16xi1>
    %ne3A_2032 = arith.xori %lt3A_2027, %ne3A_2031 : vector<16xi1>
    %and3A_2033 = arith.andi %ne3A_2032, %ne3A_2024 : vector<16xi1>
    %add3A_2034 = vector.broadcast %select_n3A_2019 : i32 to vector<16xi32>
    %add3A_2035 = arith.addi %rem3A_2021, %add3A_2034 : vector<16xi32>
    %select_n3A_2036 = arith.select %and3A_2033, %add3A_2035, %rem3A_2021 : vector<16xi1>, vector<16xi32>
    %add3A_2037 = arith.constant 16 : i32
    %add3A_2038 = vector.broadcast %add3A_2037 : i32 to vector<16xi32>
    %add3A_2039 = arith.addi %iota3A, %add3A_2038 : vector<16xi32>
    %mul3A_2040 = arith.constant 1024 : i32
    %mul3A_2041 = vector.broadcast %mul3A_2040 : i32 to vector<16xi32>
    %mul3A_2042 = arith.muli %add3A_2039, %mul3A_2041 : vector<16xi32>
    %add3A_2043 = arith.addi %mul3A_2042, %select_n3A_2036 : vector<16xi32>
    tpu.vector_store_idx %arg8[%add3A_2043], %broadcast_in_dim3A_4 : memref<32768xf32, #tpu.memory_space<vmem>>[vector<16xi32>], vector<16xf32>,
    %get3A_2044 = arith.constant 512 : index
    %get3A_2045 = tpu.vector_load %arg6[%get3A_2044] {strides = array<i32>} : memref<1024xi32, #tpu.memory_space<vmem>>, vector<16xi32>,
    %jit3A_2046 = arith.constant 1024 : i32
    %eq3A_2047 = arith.constant 0 : i32
    %eq3A_2048 = arith.cmpi eq, %jit3A_2046, %eq3A_2047 : i32
    %jit3A_2049 = arith.constant 1 : i32
    %select_n3A_2050 = arith.select %eq3A_2048, %jit3A_2049, %jit3A_2046 : i32
    %rem3A_2051 = vector.broadcast %select_n3A_2050 : i32 to vector<16xi32>
    %rem3A_2052 = arith.remsi %get3A_2045, %rem3A_2051 : vector<16xi32>
    %ne3A_2053 = arith.constant 0 : i32
    %ne3A_2054 = vector.broadcast %ne3A_2053 : i32 to vector<16xi32>
    %ne3A_2055 = arith.cmpi ne, %rem3A_2052, %ne3A_2054 : vector<16xi32>
    %lt3A_2056 = arith.constant 0 : i32
    %lt3A_2057 = vector.broadcast %lt3A_2056 : i32 to vector<16xi32>
    %lt3A_2058 = arith.cmpi slt, %rem3A_2052, %lt3A_2057 : vector<16xi32>
    %lt3A_2059 = arith.constant 0 : i32
    %lt3A_2060 = arith.cmpi slt, %select_n3A_2050, %lt3A_2059 : i32
    %ne3A_2061 = vector.broadcast %lt3A_2060 : i1 to vector<16xi1>
    %ne3A_2062 = vector.broadcast %ne3A_2061 : vector<16xi1> to vector<16xi1>
    %ne3A_2063 = arith.xori %lt3A_2058, %ne3A_2062 : vector<16xi1>
    %and3A_2064 = arith.andi %ne3A_2063, %ne3A_2055 : vector<16xi1>
    %add3A_2065 = vector.broadcast %select_n3A_2050 : i32 to vector<16xi32>
    %add3A_2066 = arith.addi %rem3A_2052, %add3A_2065 : vector<16xi32>
    %select_n3A_2067 = arith.select %and3A_2064, %add3A_2066, %rem3A_2052 : vector<16xi1>, vector<16xi32>
    %add3A_2068 = arith.constant 0 : i32
    %add3A_2069 = vector.broadcast %add3A_2068 : i32 to vector<16xi32>
    %add3A_2070 = arith.addi %iota3A, %add3A_2069 : vector<16xi32>
    %mul3A_2071 = arith.constant 1024 : i32
    %mul3A_2072 = vector.broadcast %mul3A_2071 : i32 to vector<16xi32>
    %mul3A_2073 = arith.muli %add3A_2070, %mul3A_2072 : vector<16xi32>
    %add3A_2074 = arith.addi %mul3A_2073, %select_n3A_2067 : vector<16xi32>
    tpu.vector_store_idx %arg8[%add3A_2074], %get3A_3 : memref<32768xf32, #tpu.memory_space<vmem>>[vector<16xi32>], vector<16xf32>,
    %get3A_2075 = arith.constant 528 : index
    %get3A_2076 = tpu.vector_load %arg6[%get3A_2075] {strides = array<i32>} : memref<1024xi32, #tpu.memory_space<vmem>>, vector<16xi32>,
    %jit3A_2077 = arith.constant 1024 : i32
    %eq3A_2078 = arith.constant 0 : i32
    %eq3A_2079 = arith.cmpi eq, %jit3A_2077, %eq3A_2078 : i32
    %jit3A_2080 = arith.constant 1 : i32
    %select_n3A_2081 = arith.select %eq3A_2079, %jit3A_2080, %jit3A_2077 : i32
    %rem3A_2082 = vector.broadcast %select_n3A_2081 : i32 to vector<16xi32>
    %rem3A_2083 = arith.remsi %get3A_2076, %rem3A_2082 : vector<16xi32>
    %ne3A_2084 = arith.constant 0 : i32
    %ne3A_2085 = vector.broadcast %ne3A_2084 : i32 to vector<16xi32>
    %ne3A_2086 = arith.cmpi ne, %rem3A_2083, %ne3A_2085 : vector<16xi32>
    %lt3A_2087 = arith.constant 0 : i32
    %lt3A_2088 = vector.broadcast %lt3A_2087 : i32 to vector<16xi32>
    %lt3A_2089 = arith.cmpi slt, %rem3A_2083, %lt3A_2088 : vector<16xi32>
    %lt3A_2090 = arith.constant 0 : i32
    %lt3A_2091 = arith.cmpi slt, %select_n3A_2081, %lt3A_2090 : i32
    %ne3A_2092 = vector.broadcast %lt3A_2091 : i1 to vector<16xi1>
    %ne3A_2093 = vector.broadcast %ne3A_2092 : vector<16xi1> to vector<16xi1>
    %ne3A_2094 = arith.xori %lt3A_2089, %ne3A_2093 : vector<16xi1>
    %and3A_2095 = arith.andi %ne3A_2094, %ne3A_2086 : vector<16xi1>
    %add3A_2096 = vector.broadcast %select_n3A_2081 : i32 to vector<16xi32>
    %add3A_2097 = arith.addi %rem3A_2083, %add3A_2096 : vector<16xi32>
    %select_n3A_2098 = arith.select %and3A_2095, %add3A_2097, %rem3A_2083 : vector<16xi1>, vector<16xi32>
    %add3A_2099 = arith.constant 16 : i32
    %add3A_2100 = vector.broadcast %add3A_2099 : i32 to vector<16xi32>
    %add3A_2101 = arith.addi %iota3A, %add3A_2100 : vector<16xi32>
    %mul3A_2102 = arith.constant 1024 : i32
    %mul3A_2103 = vector.broadcast %mul3A_2102 : i32 to vector<16xi32>
    %mul3A_2104 = arith.muli %add3A_2101, %mul3A_2103 : vector<16xi32>
    %add3A_2105 = arith.addi %mul3A_2104, %select_n3A_2098 : vector<16xi32>
    tpu.vector_store_idx %arg8[%add3A_2105], %get3A_3 : memref<32768xf32, #tpu.memory_space<vmem>>[vector<16xi32>], vector<16xf32>,
    %add3A_2106 = arith.constant 512 : i32
    %add3A_2107 = arith.addi %mul3A_2, %add3A_2106 : i32
    %mul3A_2108 = arith.constant 1024 : i32
    %mul3A_2109 = arith.muli %add3A_2107, %mul3A_2108 : i32
    %dma_start3A_2110 = tpu.memref_slice %arg5[%mul3A_2109] : memref<33554432xf32, #tpu.memory_space<hbm>> -> memref<32768xf32, #tpu.memory_space<hbm>>
    %dma_start3A_2111 = tpu.memref_slice %arg5[%mul3A_2109] : memref<33554432xf32, #tpu.memory_space<hbm>> -> memref<32768xf32, #tpu.memory_space<hbm>>
    tpu.enqueue_dma source(%arg8 : memref<32768xf32, #tpu.memory_space<vmem>>) target(%dma_start3A_2111 : memref<32768xf32, #tpu.memory_space<hbm>>) target_semaphore(%arg10 : memref<!tpu.dma_semaphore, #tpu.memory_space<semaphore_mem>>)
    %dma_wait3A_2112 = tpu.memref_slice %arg5[%mul3A_1977] : memref<33554432xf32, #tpu.memory_space<hbm>> -> memref<32768xf32, #tpu.memory_space<hbm>>
    %dma_wait3A_2113 = tpu.memref_slice %arg5[%mul3A_1977] : memref<33554432xf32, #tpu.memory_space<hbm>> -> memref<32768xf32, #tpu.memory_space<hbm>>
    tpu.wait_dma2 semaphore(%arg11 : memref<!tpu.dma_semaphore, #tpu.memory_space<semaphore_mem>>) src(%arg9 : memref<32768xf32, #tpu.memory_space<vmem>>) dst(%dma_wait3A_2113 : memref<32768xf32, #tpu.memory_space<hbm>>)
    %get3A_2114 = arith.constant 480 : index
    %get3A_2115 = tpu.vector_load %arg6[%get3A_2114] {strides = array<i32>} : memref<1024xi32, #tpu.memory_space<vmem>>, vector<16xi32>,
    %jit3A_2116 = arith.constant 1024 : i32
    %eq3A_2117 = arith.constant 0 : i32
    %eq3A_2118 = arith.cmpi eq, %jit3A_2116, %eq3A_2117 : i32
    %jit3A_2119 = arith.constant 1 : i32
    %select_n3A_2120 = arith.select %eq3A_2118, %jit3A_2119, %jit3A_2116 : i32
    %rem3A_2121 = vector.broadcast %select_n3A_2120 : i32 to vector<16xi32>
    %rem3A_2122 = arith.remsi %get3A_2115, %rem3A_2121 : vector<16xi32>
    %ne3A_2123 = arith.constant 0 : i32
    %ne3A_2124 = vector.broadcast %ne3A_2123 : i32 to vector<16xi32>
    %ne3A_2125 = arith.cmpi ne, %rem3A_2122, %ne3A_2124 : vector<16xi32>
    %lt3A_2126 = arith.constant 0 : i32
    %lt3A_2127 = vector.broadcast %lt3A_2126 : i32 to vector<16xi32>
    %lt3A_2128 = arith.cmpi slt, %rem3A_2122, %lt3A_2127 : vector<16xi32>
    %lt3A_2129 = arith.constant 0 : i32
    %lt3A_2130 = arith.cmpi slt, %select_n3A_2120, %lt3A_2129 : i32
    %ne3A_2131 = vector.broadcast %lt3A_2130 : i1 to vector<16xi1>
    %ne3A_2132 = vector.broadcast %ne3A_2131 : vector<16xi1> to vector<16xi1>
    %ne3A_2133 = arith.xori %lt3A_2128, %ne3A_2132 : vector<16xi1>
    %and3A_2134 = arith.andi %ne3A_2133, %ne3A_2125 : vector<16xi1>
    %add3A_2135 = vector.broadcast %select_n3A_2120 : i32 to vector<16xi32>
    %add3A_2136 = arith.addi %rem3A_2122, %add3A_2135 : vector<16xi32>
    %select_n3A_2137 = arith.select %and3A_2134, %add3A_2136, %rem3A_2122 : vector<16xi1>, vector<16xi32>
    %add3A_2138 = arith.constant 0 : i32
    %add3A_2139 = vector.broadcast %add3A_2138 : i32 to vector<16xi32>
    %add3A_2140 = arith.addi %iota3A, %add3A_2139 : vector<16xi32>
    %mul3A_2141 = arith.constant 1024 : i32
    %mul3A_2142 = vector.broadcast %mul3A_2141 : i32 to vector<16xi32>
    %mul3A_2143 = arith.muli %add3A_2140, %mul3A_2142 : vector<16xi32>
    %add3A_2144 = arith.addi %mul3A_2143, %select_n3A_2137 : vector<16xi32>
    tpu.vector_store_idx %arg9[%add3A_2144], %broadcast_in_dim3A_4 : memref<32768xf32, #tpu.memory_space<vmem>>[vector<16xi32>], vector<16xf32>,
    %get3A_2145 = arith.constant 496 : index
    %get3A_2146 = tpu.vector_load %arg6[%get3A_2145] {strides = array<i32>} : memref<1024xi32, #tpu.memory_space<vmem>>, vector<16xi32>,
    %jit3A_2147 = arith.constant 1024 : i32
    %eq3A_2148 = arith.constant 0 : i32
    %eq3A_2149 = arith.cmpi eq, %jit3A_2147, %eq3A_2148 : i32
    %jit3A_2150 = arith.constant 1 : i32
    %select_n3A_2151 = arith.select %eq3A_2149, %jit3A_2150, %jit3A_2147 : i32
    %rem3A_2152 = vector.broadcast %select_n3A_2151 : i32 to vector<16xi32>
    %rem3A_2153 = arith.remsi %get3A_2146, %rem3A_2152 : vector<16xi32>
    %ne3A_2154 = arith.constant 0 : i32
    %ne3A_2155 = vector.broadcast %ne3A_2154 : i32 to vector<16xi32>
    %ne3A_2156 = arith.cmpi ne, %rem3A_2153, %ne3A_2155 : vector<16xi32>
    %lt3A_2157 = arith.constant 0 : i32
    %lt3A_2158 = vector.broadcast %lt3A_2157 : i32 to vector<16xi32>
    %lt3A_2159 = arith.cmpi slt, %rem3A_2153, %lt3A_2158 : vector<16xi32>
    %lt3A_2160 = arith.constant 0 : i32
    %lt3A_2161 = arith.cmpi slt, %select_n3A_2151, %lt3A_2160 : i32
    %ne3A_2162 = vector.broadcast %lt3A_2161 : i1 to vector<16xi1>
    %ne3A_2163 = vector.broadcast %ne3A_2162 : vector<16xi1> to vector<16xi1>
    %ne3A_2164 = arith.xori %lt3A_2159, %ne3A_2163 : vector<16xi1>
    %and3A_2165 = arith.andi %ne3A_2164, %ne3A_2156 : vector<16xi1>
    %add3A_2166 = vector.broadcast %select_n3A_2151 : i32 to vector<16xi32>
    %add3A_2167 = arith.addi %rem3A_2153, %add3A_2166 : vector<16xi32>
    %select_n3A_2168 = arith.select %and3A_2165, %add3A_2167, %rem3A_2153 : vector<16xi1>, vector<16xi32>
    %add3A_2169 = arith.constant 16 : i32
    %add3A_2170 = vector.broadcast %add3A_2169 : i32 to vector<16xi32>
    %add3A_2171 = arith.addi %iota3A, %add3A_2170 : vector<16xi32>
    %mul3A_2172 = arith.constant 1024 : i32
    %mul3A_2173 = vector.broadcast %mul3A_2172 : i32 to vector<16xi32>
    %mul3A_2174 = arith.muli %add3A_2171, %mul3A_2173 : vector<16xi32>
    %add3A_2175 = arith.addi %mul3A_2174, %select_n3A_2168 : vector<16xi32>
    tpu.vector_store_idx %arg9[%add3A_2175], %broadcast_in_dim3A_4 : memref<32768xf32, #tpu.memory_space<vmem>>[vector<16xi32>], vector<16xf32>,
    %get3A_2176 = arith.constant 544 : index
    %get3A_2177 = tpu.vector_load %arg6[%get3A_2176] {strides = array<i32>} : memref<1024xi32, #tpu.memory_space<vmem>>, vector<16xi32>,
    %jit3A_2178 = arith.constant 1024 : i32
    %eq3A_2179 = arith.constant 0 : i32
    %eq3A_2180 = arith.cmpi eq, %jit3A_2178, %eq3A_2179 : i32
    %jit3A_2181 = arith.constant 1 : i32
    %select_n3A_2182 = arith.select %eq3A_2180, %jit3A_2181, %jit3A_2178 : i32
    %rem3A_2183 = vector.broadcast %select_n3A_2182 : i32 to vector<16xi32>
    %rem3A_2184 = arith.remsi %get3A_2177, %rem3A_2183 : vector<16xi32>
    %ne3A_2185 = arith.constant 0 : i32
    %ne3A_2186 = vector.broadcast %ne3A_2185 : i32 to vector<16xi32>
    %ne3A_2187 = arith.cmpi ne, %rem3A_2184, %ne3A_2186 : vector<16xi32>
    %lt3A_2188 = arith.constant 0 : i32
    %lt3A_2189 = vector.broadcast %lt3A_2188 : i32 to vector<16xi32>
    %lt3A_2190 = arith.cmpi slt, %rem3A_2184, %lt3A_2189 : vector<16xi32>
    %lt3A_2191 = arith.constant 0 : i32
    %lt3A_2192 = arith.cmpi slt, %select_n3A_2182, %lt3A_2191 : i32
    %ne3A_2193 = vector.broadcast %lt3A_2192 : i1 to vector<16xi1>
    %ne3A_2194 = vector.broadcast %ne3A_2193 : vector<16xi1> to vector<16xi1>
    %ne3A_2195 = arith.xori %lt3A_2190, %ne3A_2194 : vector<16xi1>
    %and3A_2196 = arith.andi %ne3A_2195, %ne3A_2187 : vector<16xi1>
    %add3A_2197 = vector.broadcast %select_n3A_2182 : i32 to vector<16xi32>
    %add3A_2198 = arith.addi %rem3A_2184, %add3A_2197 : vector<16xi32>
    %select_n3A_2199 = arith.select %and3A_2196, %add3A_2198, %rem3A_2184 : vector<16xi1>, vector<16xi32>
    %add3A_2200 = arith.constant 0 : i32
    %add3A_2201 = vector.broadcast %add3A_2200 : i32 to vector<16xi32>
    %add3A_2202 = arith.addi %iota3A, %add3A_2201 : vector<16xi32>
    %mul3A_2203 = arith.constant 1024 : i32
    %mul3A_2204 = vector.broadcast %mul3A_2203 : i32 to vector<16xi32>
    %mul3A_2205 = arith.muli %add3A_2202, %mul3A_2204 : vector<16xi32>
    %add3A_2206 = arith.addi %mul3A_2205, %select_n3A_2199 : vector<16xi32>
    tpu.vector_store_idx %arg9[%add3A_2206], %get3A_3 : memref<32768xf32, #tpu.memory_space<vmem>>[vector<16xi32>], vector<16xf32>,
    %get3A_2207 = arith.constant 560 : index
    %get3A_2208 = tpu.vector_load %arg6[%get3A_2207] {strides = array<i32>} : memref<1024xi32, #tpu.memory_space<vmem>>, vector<16xi32>,
    %jit3A_2209 = arith.constant 1024 : i32
    %eq3A_2210 = arith.constant 0 : i32
    %eq3A_2211 = arith.cmpi eq, %jit3A_2209, %eq3A_2210 : i32
    %jit3A_2212 = arith.constant 1 : i32
    %select_n3A_2213 = arith.select %eq3A_2211, %jit3A_2212, %jit3A_2209 : i32
    %rem3A_2214 = vector.broadcast %select_n3A_2213 : i32 to vector<16xi32>
    %rem3A_2215 = arith.remsi %get3A_2208, %rem3A_2214 : vector<16xi32>
    %ne3A_2216 = arith.constant 0 : i32
    %ne3A_2217 = vector.broadcast %ne3A_2216 : i32 to vector<16xi32>
    %ne3A_2218 = arith.cmpi ne, %rem3A_2215, %ne3A_2217 : vector<16xi32>
    %lt3A_2219 = arith.constant 0 : i32
    %lt3A_2220 = vector.broadcast %lt3A_2219 : i32 to vector<16xi32>
    %lt3A_2221 = arith.cmpi slt, %rem3A_2215, %lt3A_2220 : vector<16xi32>
    %lt3A_2222 = arith.constant 0 : i32
    %lt3A_2223 = arith.cmpi slt, %select_n3A_2213, %lt3A_2222 : i32
    %ne3A_2224 = vector.broadcast %lt3A_2223 : i1 to vector<16xi1>
    %ne3A_2225 = vector.broadcast %ne3A_2224 : vector<16xi1> to vector<16xi1>
    %ne3A_2226 = arith.xori %lt3A_2221, %ne3A_2225 : vector<16xi1>
    %and3A_2227 = arith.andi %ne3A_2226, %ne3A_2218 : vector<16xi1>
    %add3A_2228 = vector.broadcast %select_n3A_2213 : i32 to vector<16xi32>
    %add3A_2229 = arith.addi %rem3A_2215, %add3A_2228 : vector<16xi32>
    %select_n3A_2230 = arith.select %and3A_2227, %add3A_2229, %rem3A_2215 : vector<16xi1>, vector<16xi32>
    %add3A_2231 = arith.constant 16 : i32
    %add3A_2232 = vector.broadcast %add3A_2231 : i32 to vector<16xi32>
    %add3A_2233 = arith.addi %iota3A, %add3A_2232 : vector<16xi32>
    %mul3A_2234 = arith.constant 1024 : i32
    %mul3A_2235 = vector.broadcast %mul3A_2234 : i32 to vector<16xi32>
    %mul3A_2236 = arith.muli %add3A_2233, %mul3A_2235 : vector<16xi32>
    %add3A_2237 = arith.addi %mul3A_2236, %select_n3A_2230 : vector<16xi32>
    tpu.vector_store_idx %arg9[%add3A_2237], %get3A_3 : memref<32768xf32, #tpu.memory_space<vmem>>[vector<16xi32>], vector<16xf32>,
    %add3A_2238 = arith.constant 544 : i32
    %add3A_2239 = arith.addi %mul3A_2, %add3A_2238 : i32
    %mul3A_2240 = arith.constant 1024 : i32
    %mul3A_2241 = arith.muli %add3A_2239, %mul3A_2240 : i32
    %dma_start3A_2242 = tpu.memref_slice %arg5[%mul3A_2241] : memref<33554432xf32, #tpu.memory_space<hbm>> -> memref<32768xf32, #tpu.memory_space<hbm>>
    %dma_start3A_2243 = tpu.memref_slice %arg5[%mul3A_2241] : memref<33554432xf32, #tpu.memory_space<hbm>> -> memref<32768xf32, #tpu.memory_space<hbm>>
    tpu.enqueue_dma source(%arg9 : memref<32768xf32, #tpu.memory_space<vmem>>) target(%dma_start3A_2243 : memref<32768xf32, #tpu.memory_space<hbm>>) target_semaphore(%arg11 : memref<!tpu.dma_semaphore, #tpu.memory_space<semaphore_mem>>)
    %dma_wait3A_2244 = tpu.memref_slice %arg5[%mul3A_2109] : memref<33554432xf32, #tpu.memory_space<hbm>> -> memref<32768xf32, #tpu.memory_space<hbm>>
    %dma_wait3A_2245 = tpu.memref_slice %arg5[%mul3A_2109] : memref<33554432xf32, #tpu.memory_space<hbm>> -> memref<32768xf32, #tpu.memory_space<hbm>>
    tpu.wait_dma2 semaphore(%arg10 : memref<!tpu.dma_semaphore, #tpu.memory_space<semaphore_mem>>) src(%arg8 : memref<32768xf32, #tpu.memory_space<vmem>>) dst(%dma_wait3A_2245 : memref<32768xf32, #tpu.memory_space<hbm>>)
    %get3A_2246 = arith.constant 512 : index
    %get3A_2247 = tpu.vector_load %arg6[%get3A_2246] {strides = array<i32>} : memref<1024xi32, #tpu.memory_space<vmem>>, vector<16xi32>,
    %jit3A_2248 = arith.constant 1024 : i32
    %eq3A_2249 = arith.constant 0 : i32
    %eq3A_2250 = arith.cmpi eq, %jit3A_2248, %eq3A_2249 : i32
    %jit3A_2251 = arith.constant 1 : i32
    %select_n3A_2252 = arith.select %eq3A_2250, %jit3A_2251, %jit3A_2248 : i32
    %rem3A_2253 = vector.broadcast %select_n3A_2252 : i32 to vector<16xi32>
    %rem3A_2254 = arith.remsi %get3A_2247, %rem3A_2253 : vector<16xi32>
    %ne3A_2255 = arith.constant 0 : i32
    %ne3A_2256 = vector.broadcast %ne3A_2255 : i32 to vector<16xi32>
    %ne3A_2257 = arith.cmpi ne, %rem3A_2254, %ne3A_2256 : vector<16xi32>
    %lt3A_2258 = arith.constant 0 : i32
    %lt3A_2259 = vector.broadcast %lt3A_2258 : i32 to vector<16xi32>
    %lt3A_2260 = arith.cmpi slt, %rem3A_2254, %lt3A_2259 : vector<16xi32>
    %lt3A_2261 = arith.constant 0 : i32
    %lt3A_2262 = arith.cmpi slt, %select_n3A_2252, %lt3A_2261 : i32
    %ne3A_2263 = vector.broadcast %lt3A_2262 : i1 to vector<16xi1>
    %ne3A_2264 = vector.broadcast %ne3A_2263 : vector<16xi1> to vector<16xi1>
    %ne3A_2265 = arith.xori %lt3A_2260, %ne3A_2264 : vector<16xi1>
    %and3A_2266 = arith.andi %ne3A_2265, %ne3A_2257 : vector<16xi1>
    %add3A_2267 = vector.broadcast %select_n3A_2252 : i32 to vector<16xi32>
    %add3A_2268 = arith.addi %rem3A_2254, %add3A_2267 : vector<16xi32>
    %select_n3A_2269 = arith.select %and3A_2266, %add3A_2268, %rem3A_2254 : vector<16xi1>, vector<16xi32>
    %add3A_2270 = arith.constant 0 : i32
    %add3A_2271 = vector.broadcast %add3A_2270 : i32 to vector<16xi32>
    %add3A_2272 = arith.addi %iota3A, %add3A_2271 : vector<16xi32>
    %mul3A_2273 = arith.constant 1024 : i32
    %mul3A_2274 = vector.broadcast %mul3A_2273 : i32 to vector<16xi32>
    %mul3A_2275 = arith.muli %add3A_2272, %mul3A_2274 : vector<16xi32>
    %add3A_2276 = arith.addi %mul3A_2275, %select_n3A_2269 : vector<16xi32>
    tpu.vector_store_idx %arg8[%add3A_2276], %broadcast_in_dim3A_4 : memref<32768xf32, #tpu.memory_space<vmem>>[vector<16xi32>], vector<16xf32>,
    %get3A_2277 = arith.constant 528 : index
    %get3A_2278 = tpu.vector_load %arg6[%get3A_2277] {strides = array<i32>} : memref<1024xi32, #tpu.memory_space<vmem>>, vector<16xi32>,
    %jit3A_2279 = arith.constant 1024 : i32
    %eq3A_2280 = arith.constant 0 : i32
    %eq3A_2281 = arith.cmpi eq, %jit3A_2279, %eq3A_2280 : i32
    %jit3A_2282 = arith.constant 1 : i32
    %select_n3A_2283 = arith.select %eq3A_2281, %jit3A_2282, %jit3A_2279 : i32
    %rem3A_2284 = vector.broadcast %select_n3A_2283 : i32 to vector<16xi32>
    %rem3A_2285 = arith.remsi %get3A_2278, %rem3A_2284 : vector<16xi32>
    %ne3A_2286 = arith.constant 0 : i32
    %ne3A_2287 = vector.broadcast %ne3A_2286 : i32 to vector<16xi32>
    %ne3A_2288 = arith.cmpi ne, %rem3A_2285, %ne3A_2287 : vector<16xi32>
    %lt3A_2289 = arith.constant 0 : i32
    %lt3A_2290 = vector.broadcast %lt3A_2289 : i32 to vector<16xi32>
    %lt3A_2291 = arith.cmpi slt, %rem3A_2285, %lt3A_2290 : vector<16xi32>
    %lt3A_2292 = arith.constant 0 : i32
    %lt3A_2293 = arith.cmpi slt, %select_n3A_2283, %lt3A_2292 : i32
    %ne3A_2294 = vector.broadcast %lt3A_2293 : i1 to vector<16xi1>
    %ne3A_2295 = vector.broadcast %ne3A_2294 : vector<16xi1> to vector<16xi1>
    %ne3A_2296 = arith.xori %lt3A_2291, %ne3A_2295 : vector<16xi1>
    %and3A_2297 = arith.andi %ne3A_2296, %ne3A_2288 : vector<16xi1>
    %add3A_2298 = vector.broadcast %select_n3A_2283 : i32 to vector<16xi32>
    %add3A_2299 = arith.addi %rem3A_2285, %add3A_2298 : vector<16xi32>
    %select_n3A_2300 = arith.select %and3A_2297, %add3A_2299, %rem3A_2285 : vector<16xi1>, vector<16xi32>
    %add3A_2301 = arith.constant 16 : i32
    %add3A_2302 = vector.broadcast %add3A_2301 : i32 to vector<16xi32>
    %add3A_2303 = arith.addi %iota3A, %add3A_2302 : vector<16xi32>
    %mul3A_2304 = arith.constant 1024 : i32
    %mul3A_2305 = vector.broadcast %mul3A_2304 : i32 to vector<16xi32>
    %mul3A_2306 = arith.muli %add3A_2303, %mul3A_2305 : vector<16xi32>
    %add3A_2307 = arith.addi %mul3A_2306, %select_n3A_2300 : vector<16xi32>
    tpu.vector_store_idx %arg8[%add3A_2307], %broadcast_in_dim3A_4 : memref<32768xf32, #tpu.memory_space<vmem>>[vector<16xi32>], vector<16xf32>,
    %get3A_2308 = arith.constant 576 : index
    %get3A_2309 = tpu.vector_load %arg6[%get3A_2308] {strides = array<i32>} : memref<1024xi32, #tpu.memory_space<vmem>>, vector<16xi32>,
    %jit3A_2310 = arith.constant 1024 : i32
    %eq3A_2311 = arith.constant 0 : i32
    %eq3A_2312 = arith.cmpi eq, %jit3A_2310, %eq3A_2311 : i32
    %jit3A_2313 = arith.constant 1 : i32
    %select_n3A_2314 = arith.select %eq3A_2312, %jit3A_2313, %jit3A_2310 : i32
    %rem3A_2315 = vector.broadcast %select_n3A_2314 : i32 to vector<16xi32>
    %rem3A_2316 = arith.remsi %get3A_2309, %rem3A_2315 : vector<16xi32>
    %ne3A_2317 = arith.constant 0 : i32
    %ne3A_2318 = vector.broadcast %ne3A_2317 : i32 to vector<16xi32>
    %ne3A_2319 = arith.cmpi ne, %rem3A_2316, %ne3A_2318 : vector<16xi32>
    %lt3A_2320 = arith.constant 0 : i32
    %lt3A_2321 = vector.broadcast %lt3A_2320 : i32 to vector<16xi32>
    %lt3A_2322 = arith.cmpi slt, %rem3A_2316, %lt3A_2321 : vector<16xi32>
    %lt3A_2323 = arith.constant 0 : i32
    %lt3A_2324 = arith.cmpi slt, %select_n3A_2314, %lt3A_2323 : i32
    %ne3A_2325 = vector.broadcast %lt3A_2324 : i1 to vector<16xi1>
    %ne3A_2326 = vector.broadcast %ne3A_2325 : vector<16xi1> to vector<16xi1>
    %ne3A_2327 = arith.xori %lt3A_2322, %ne3A_2326 : vector<16xi1>
    %and3A_2328 = arith.andi %ne3A_2327, %ne3A_2319 : vector<16xi1>
    %add3A_2329 = vector.broadcast %select_n3A_2314 : i32 to vector<16xi32>
    %add3A_2330 = arith.addi %rem3A_2316, %add3A_2329 : vector<16xi32>
    %select_n3A_2331 = arith.select %and3A_2328, %add3A_2330, %rem3A_2316 : vector<16xi1>, vector<16xi32>
    %add3A_2332 = arith.constant 0 : i32
    %add3A_2333 = vector.broadcast %add3A_2332 : i32 to vector<16xi32>
    %add3A_2334 = arith.addi %iota3A, %add3A_2333 : vector<16xi32>
    %mul3A_2335 = arith.constant 1024 : i32
    %mul3A_2336 = vector.broadcast %mul3A_2335 : i32 to vector<16xi32>
    %mul3A_2337 = arith.muli %add3A_2334, %mul3A_2336 : vector<16xi32>
    %add3A_2338 = arith.addi %mul3A_2337, %select_n3A_2331 : vector<16xi32>
    tpu.vector_store_idx %arg8[%add3A_2338], %get3A_3 : memref<32768xf32, #tpu.memory_space<vmem>>[vector<16xi32>], vector<16xf32>,
    %get3A_2339 = arith.constant 592 : index
    %get3A_2340 = tpu.vector_load %arg6[%get3A_2339] {strides = array<i32>} : memref<1024xi32, #tpu.memory_space<vmem>>, vector<16xi32>,
    %jit3A_2341 = arith.constant 1024 : i32
    %eq3A_2342 = arith.constant 0 : i32
    %eq3A_2343 = arith.cmpi eq, %jit3A_2341, %eq3A_2342 : i32
    %jit3A_2344 = arith.constant 1 : i32
    %select_n3A_2345 = arith.select %eq3A_2343, %jit3A_2344, %jit3A_2341 : i32
    %rem3A_2346 = vector.broadcast %select_n3A_2345 : i32 to vector<16xi32>
    %rem3A_2347 = arith.remsi %get3A_2340, %rem3A_2346 : vector<16xi32>
    %ne3A_2348 = arith.constant 0 : i32
    %ne3A_2349 = vector.broadcast %ne3A_2348 : i32 to vector<16xi32>
    %ne3A_2350 = arith.cmpi ne, %rem3A_2347, %ne3A_2349 : vector<16xi32>
    %lt3A_2351 = arith.constant 0 : i32
    %lt3A_2352 = vector.broadcast %lt3A_2351 : i32 to vector<16xi32>
    %lt3A_2353 = arith.cmpi slt, %rem3A_2347, %lt3A_2352 : vector<16xi32>
    %lt3A_2354 = arith.constant 0 : i32
    %lt3A_2355 = arith.cmpi slt, %select_n3A_2345, %lt3A_2354 : i32
    %ne3A_2356 = vector.broadcast %lt3A_2355 : i1 to vector<16xi1>
    %ne3A_2357 = vector.broadcast %ne3A_2356 : vector<16xi1> to vector<16xi1>
    %ne3A_2358 = arith.xori %lt3A_2353, %ne3A_2357 : vector<16xi1>
    %and3A_2359 = arith.andi %ne3A_2358, %ne3A_2350 : vector<16xi1>
    %add3A_2360 = vector.broadcast %select_n3A_2345 : i32 to vector<16xi32>
    %add3A_2361 = arith.addi %rem3A_2347, %add3A_2360 : vector<16xi32>
    %select_n3A_2362 = arith.select %and3A_2359, %add3A_2361, %rem3A_2347 : vector<16xi1>, vector<16xi32>
    %add3A_2363 = arith.constant 16 : i32
    %add3A_2364 = vector.broadcast %add3A_2363 : i32 to vector<16xi32>
    %add3A_2365 = arith.addi %iota3A, %add3A_2364 : vector<16xi32>
    %mul3A_2366 = arith.constant 1024 : i32
    %mul3A_2367 = vector.broadcast %mul3A_2366 : i32 to vector<16xi32>
    %mul3A_2368 = arith.muli %add3A_2365, %mul3A_2367 : vector<16xi32>
    %add3A_2369 = arith.addi %mul3A_2368, %select_n3A_2362 : vector<16xi32>
    tpu.vector_store_idx %arg8[%add3A_2369], %get3A_3 : memref<32768xf32, #tpu.memory_space<vmem>>[vector<16xi32>], vector<16xf32>,
    %add3A_2370 = arith.constant 576 : i32
    %add3A_2371 = arith.addi %mul3A_2, %add3A_2370 : i32
    %mul3A_2372 = arith.constant 1024 : i32
    %mul3A_2373 = arith.muli %add3A_2371, %mul3A_2372 : i32
    %dma_start3A_2374 = tpu.memref_slice %arg5[%mul3A_2373] : memref<33554432xf32, #tpu.memory_space<hbm>> -> memref<32768xf32, #tpu.memory_space<hbm>>
    %dma_start3A_2375 = tpu.memref_slice %arg5[%mul3A_2373] : memref<33554432xf32, #tpu.memory_space<hbm>> -> memref<32768xf32, #tpu.memory_space<hbm>>
    tpu.enqueue_dma source(%arg8 : memref<32768xf32, #tpu.memory_space<vmem>>) target(%dma_start3A_2375 : memref<32768xf32, #tpu.memory_space<hbm>>) target_semaphore(%arg10 : memref<!tpu.dma_semaphore, #tpu.memory_space<semaphore_mem>>)
    %dma_wait3A_2376 = tpu.memref_slice %arg5[%mul3A_2241] : memref<33554432xf32, #tpu.memory_space<hbm>> -> memref<32768xf32, #tpu.memory_space<hbm>>
    %dma_wait3A_2377 = tpu.memref_slice %arg5[%mul3A_2241] : memref<33554432xf32, #tpu.memory_space<hbm>> -> memref<32768xf32, #tpu.memory_space<hbm>>
    tpu.wait_dma2 semaphore(%arg11 : memref<!tpu.dma_semaphore, #tpu.memory_space<semaphore_mem>>) src(%arg9 : memref<32768xf32, #tpu.memory_space<vmem>>) dst(%dma_wait3A_2377 : memref<32768xf32, #tpu.memory_space<hbm>>)
    %get3A_2378 = arith.constant 544 : index
    %get3A_2379 = tpu.vector_load %arg6[%get3A_2378] {strides = array<i32>} : memref<1024xi32, #tpu.memory_space<vmem>>, vector<16xi32>,
    %jit3A_2380 = arith.constant 1024 : i32
    %eq3A_2381 = arith.constant 0 : i32
    %eq3A_2382 = arith.cmpi eq, %jit3A_2380, %eq3A_2381 : i32
    %jit3A_2383 = arith.constant 1 : i32
    %select_n3A_2384 = arith.select %eq3A_2382, %jit3A_2383, %jit3A_2380 : i32
    %rem3A_2385 = vector.broadcast %select_n3A_2384 : i32 to vector<16xi32>
    %rem3A_2386 = arith.remsi %get3A_2379, %rem3A_2385 : vector<16xi32>
    %ne3A_2387 = arith.constant 0 : i32
    %ne3A_2388 = vector.broadcast %ne3A_2387 : i32 to vector<16xi32>
    %ne3A_2389 = arith.cmpi ne, %rem3A_2386, %ne3A_2388 : vector<16xi32>
    %lt3A_2390 = arith.constant 0 : i32
    %lt3A_2391 = vector.broadcast %lt3A_2390 : i32 to vector<16xi32>
    %lt3A_2392 = arith.cmpi slt, %rem3A_2386, %lt3A_2391 : vector<16xi32>
    %lt3A_2393 = arith.constant 0 : i32
    %lt3A_2394 = arith.cmpi slt, %select_n3A_2384, %lt3A_2393 : i32
    %ne3A_2395 = vector.broadcast %lt3A_2394 : i1 to vector<16xi1>
    %ne3A_2396 = vector.broadcast %ne3A_2395 : vector<16xi1> to vector<16xi1>
    %ne3A_2397 = arith.xori %lt3A_2392, %ne3A_2396 : vector<16xi1>
    %and3A_2398 = arith.andi %ne3A_2397, %ne3A_2389 : vector<16xi1>
    %add3A_2399 = vector.broadcast %select_n3A_2384 : i32 to vector<16xi32>
    %add3A_2400 = arith.addi %rem3A_2386, %add3A_2399 : vector<16xi32>
    %select_n3A_2401 = arith.select %and3A_2398, %add3A_2400, %rem3A_2386 : vector<16xi1>, vector<16xi32>
    %add3A_2402 = arith.constant 0 : i32
    %add3A_2403 = vector.broadcast %add3A_2402 : i32 to vector<16xi32>
    %add3A_2404 = arith.addi %iota3A, %add3A_2403 : vector<16xi32>
    %mul3A_2405 = arith.constant 1024 : i32
    %mul3A_2406 = vector.broadcast %mul3A_2405 : i32 to vector<16xi32>
    %mul3A_2407 = arith.muli %add3A_2404, %mul3A_2406 : vector<16xi32>
    %add3A_2408 = arith.addi %mul3A_2407, %select_n3A_2401 : vector<16xi32>
    tpu.vector_store_idx %arg9[%add3A_2408], %broadcast_in_dim3A_4 : memref<32768xf32, #tpu.memory_space<vmem>>[vector<16xi32>], vector<16xf32>,
    %get3A_2409 = arith.constant 560 : index
    %get3A_2410 = tpu.vector_load %arg6[%get3A_2409] {strides = array<i32>} : memref<1024xi32, #tpu.memory_space<vmem>>, vector<16xi32>,
    %jit3A_2411 = arith.constant 1024 : i32
    %eq3A_2412 = arith.constant 0 : i32
    %eq3A_2413 = arith.cmpi eq, %jit3A_2411, %eq3A_2412 : i32
    %jit3A_2414 = arith.constant 1 : i32
    %select_n3A_2415 = arith.select %eq3A_2413, %jit3A_2414, %jit3A_2411 : i32
    %rem3A_2416 = vector.broadcast %select_n3A_2415 : i32 to vector<16xi32>
    %rem3A_2417 = arith.remsi %get3A_2410, %rem3A_2416 : vector<16xi32>
    %ne3A_2418 = arith.constant 0 : i32
    %ne3A_2419 = vector.broadcast %ne3A_2418 : i32 to vector<16xi32>
    %ne3A_2420 = arith.cmpi ne, %rem3A_2417, %ne3A_2419 : vector<16xi32>
    %lt3A_2421 = arith.constant 0 : i32
    %lt3A_2422 = vector.broadcast %lt3A_2421 : i32 to vector<16xi32>
    %lt3A_2423 = arith.cmpi slt, %rem3A_2417, %lt3A_2422 : vector<16xi32>
    %lt3A_2424 = arith.constant 0 : i32
    %lt3A_2425 = arith.cmpi slt, %select_n3A_2415, %lt3A_2424 : i32
    %ne3A_2426 = vector.broadcast %lt3A_2425 : i1 to vector<16xi1>
    %ne3A_2427 = vector.broadcast %ne3A_2426 : vector<16xi1> to vector<16xi1>
    %ne3A_2428 = arith.xori %lt3A_2423, %ne3A_2427 : vector<16xi1>
    %and3A_2429 = arith.andi %ne3A_2428, %ne3A_2420 : vector<16xi1>
    %add3A_2430 = vector.broadcast %select_n3A_2415 : i32 to vector<16xi32>
    %add3A_2431 = arith.addi %rem3A_2417, %add3A_2430 : vector<16xi32>
    %select_n3A_2432 = arith.select %and3A_2429, %add3A_2431, %rem3A_2417 : vector<16xi1>, vector<16xi32>
    %add3A_2433 = arith.constant 16 : i32
    %add3A_2434 = vector.broadcast %add3A_2433 : i32 to vector<16xi32>
    %add3A_2435 = arith.addi %iota3A, %add3A_2434 : vector<16xi32>
    %mul3A_2436 = arith.constant 1024 : i32
    %mul3A_2437 = vector.broadcast %mul3A_2436 : i32 to vector<16xi32>
    %mul3A_2438 = arith.muli %add3A_2435, %mul3A_2437 : vector<16xi32>
    %add3A_2439 = arith.addi %mul3A_2438, %select_n3A_2432 : vector<16xi32>
    tpu.vector_store_idx %arg9[%add3A_2439], %broadcast_in_dim3A_4 : memref<32768xf32, #tpu.memory_space<vmem>>[vector<16xi32>], vector<16xf32>,
    %get3A_2440 = arith.constant 608 : index
    %get3A_2441 = tpu.vector_load %arg6[%get3A_2440] {strides = array<i32>} : memref<1024xi32, #tpu.memory_space<vmem>>, vector<16xi32>,
    %jit3A_2442 = arith.constant 1024 : i32
    %eq3A_2443 = arith.constant 0 : i32
    %eq3A_2444 = arith.cmpi eq, %jit3A_2442, %eq3A_2443 : i32
    %jit3A_2445 = arith.constant 1 : i32
    %select_n3A_2446 = arith.select %eq3A_2444, %jit3A_2445, %jit3A_2442 : i32
    %rem3A_2447 = vector.broadcast %select_n3A_2446 : i32 to vector<16xi32>
    %rem3A_2448 = arith.remsi %get3A_2441, %rem3A_2447 : vector<16xi32>
    %ne3A_2449 = arith.constant 0 : i32
    %ne3A_2450 = vector.broadcast %ne3A_2449 : i32 to vector<16xi32>
    %ne3A_2451 = arith.cmpi ne, %rem3A_2448, %ne3A_2450 : vector<16xi32>
    %lt3A_2452 = arith.constant 0 : i32
    %lt3A_2453 = vector.broadcast %lt3A_2452 : i32 to vector<16xi32>
    %lt3A_2454 = arith.cmpi slt, %rem3A_2448, %lt3A_2453 : vector<16xi32>
    %lt3A_2455 = arith.constant 0 : i32
    %lt3A_2456 = arith.cmpi slt, %select_n3A_2446, %lt3A_2455 : i32
    %ne3A_2457 = vector.broadcast %lt3A_2456 : i1 to vector<16xi1>
    %ne3A_2458 = vector.broadcast %ne3A_2457 : vector<16xi1> to vector<16xi1>
    %ne3A_2459 = arith.xori %lt3A_2454, %ne3A_2458 : vector<16xi1>
    %and3A_2460 = arith.andi %ne3A_2459, %ne3A_2451 : vector<16xi1>
    %add3A_2461 = vector.broadcast %select_n3A_2446 : i32 to vector<16xi32>
    %add3A_2462 = arith.addi %rem3A_2448, %add3A_2461 : vector<16xi32>
    %select_n3A_2463 = arith.select %and3A_2460, %add3A_2462, %rem3A_2448 : vector<16xi1>, vector<16xi32>
    %add3A_2464 = arith.constant 0 : i32
    %add3A_2465 = vector.broadcast %add3A_2464 : i32 to vector<16xi32>
    %add3A_2466 = arith.addi %iota3A, %add3A_2465 : vector<16xi32>
    %mul3A_2467 = arith.constant 1024 : i32
    %mul3A_2468 = vector.broadcast %mul3A_2467 : i32 to vector<16xi32>
    %mul3A_2469 = arith.muli %add3A_2466, %mul3A_2468 : vector<16xi32>
    %add3A_2470 = arith.addi %mul3A_2469, %select_n3A_2463 : vector<16xi32>
    tpu.vector_store_idx %arg9[%add3A_2470], %get3A_3 : memref<32768xf32, #tpu.memory_space<vmem>>[vector<16xi32>], vector<16xf32>,
    %get3A_2471 = arith.constant 624 : index
    %get3A_2472 = tpu.vector_load %arg6[%get3A_2471] {strides = array<i32>} : memref<1024xi32, #tpu.memory_space<vmem>>, vector<16xi32>,
    %jit3A_2473 = arith.constant 1024 : i32
    %eq3A_2474 = arith.constant 0 : i32
    %eq3A_2475 = arith.cmpi eq, %jit3A_2473, %eq3A_2474 : i32
    %jit3A_2476 = arith.constant 1 : i32
    %select_n3A_2477 = arith.select %eq3A_2475, %jit3A_2476, %jit3A_2473 : i32
    %rem3A_2478 = vector.broadcast %select_n3A_2477 : i32 to vector<16xi32>
    %rem3A_2479 = arith.remsi %get3A_2472, %rem3A_2478 : vector<16xi32>
    %ne3A_2480 = arith.constant 0 : i32
    %ne3A_2481 = vector.broadcast %ne3A_2480 : i32 to vector<16xi32>
    %ne3A_2482 = arith.cmpi ne, %rem3A_2479, %ne3A_2481 : vector<16xi32>
    %lt3A_2483 = arith.constant 0 : i32
    %lt3A_2484 = vector.broadcast %lt3A_2483 : i32 to vector<16xi32>
    %lt3A_2485 = arith.cmpi slt, %rem3A_2479, %lt3A_2484 : vector<16xi32>
    %lt3A_2486 = arith.constant 0 : i32
    %lt3A_2487 = arith.cmpi slt, %select_n3A_2477, %lt3A_2486 : i32
    %ne3A_2488 = vector.broadcast %lt3A_2487 : i1 to vector<16xi1>
    %ne3A_2489 = vector.broadcast %ne3A_2488 : vector<16xi1> to vector<16xi1>
    %ne3A_2490 = arith.xori %lt3A_2485, %ne3A_2489 : vector<16xi1>
    %and3A_2491 = arith.andi %ne3A_2490, %ne3A_2482 : vector<16xi1>
    %add3A_2492 = vector.broadcast %select_n3A_2477 : i32 to vector<16xi32>
    %add3A_2493 = arith.addi %rem3A_2479, %add3A_2492 : vector<16xi32>
    %select_n3A_2494 = arith.select %and3A_2491, %add3A_2493, %rem3A_2479 : vector<16xi1>, vector<16xi32>
    %add3A_2495 = arith.constant 16 : i32
    %add3A_2496 = vector.broadcast %add3A_2495 : i32 to vector<16xi32>
    %add3A_2497 = arith.addi %iota3A, %add3A_2496 : vector<16xi32>
    %mul3A_2498 = arith.constant 1024 : i32
    %mul3A_2499 = vector.broadcast %mul3A_2498 : i32 to vector<16xi32>
    %mul3A_2500 = arith.muli %add3A_2497, %mul3A_2499 : vector<16xi32>
    %add3A_2501 = arith.addi %mul3A_2500, %select_n3A_2494 : vector<16xi32>
    tpu.vector_store_idx %arg9[%add3A_2501], %get3A_3 : memref<32768xf32, #tpu.memory_space<vmem>>[vector<16xi32>], vector<16xf32>,
    %add3A_2502 = arith.constant 608 : i32
    %add3A_2503 = arith.addi %mul3A_2, %add3A_2502 : i32
    %mul3A_2504 = arith.constant 1024 : i32
    %mul3A_2505 = arith.muli %add3A_2503, %mul3A_2504 : i32
    %dma_start3A_2506 = tpu.memref_slice %arg5[%mul3A_2505] : memref<33554432xf32, #tpu.memory_space<hbm>> -> memref<32768xf32, #tpu.memory_space<hbm>>
    %dma_start3A_2507 = tpu.memref_slice %arg5[%mul3A_2505] : memref<33554432xf32, #tpu.memory_space<hbm>> -> memref<32768xf32, #tpu.memory_space<hbm>>
    tpu.enqueue_dma source(%arg9 : memref<32768xf32, #tpu.memory_space<vmem>>) target(%dma_start3A_2507 : memref<32768xf32, #tpu.memory_space<hbm>>) target_semaphore(%arg11 : memref<!tpu.dma_semaphore, #tpu.memory_space<semaphore_mem>>)
    %dma_wait3A_2508 = tpu.memref_slice %arg5[%mul3A_2373] : memref<33554432xf32, #tpu.memory_space<hbm>> -> memref<32768xf32, #tpu.memory_space<hbm>>
    %dma_wait3A_2509 = tpu.memref_slice %arg5[%mul3A_2373] : memref<33554432xf32, #tpu.memory_space<hbm>> -> memref<32768xf32, #tpu.memory_space<hbm>>
    tpu.wait_dma2 semaphore(%arg10 : memref<!tpu.dma_semaphore, #tpu.memory_space<semaphore_mem>>) src(%arg8 : memref<32768xf32, #tpu.memory_space<vmem>>) dst(%dma_wait3A_2509 : memref<32768xf32, #tpu.memory_space<hbm>>)
    %get3A_2510 = arith.constant 576 : index
    %get3A_2511 = tpu.vector_load %arg6[%get3A_2510] {strides = array<i32>} : memref<1024xi32, #tpu.memory_space<vmem>>, vector<16xi32>,
    %jit3A_2512 = arith.constant 1024 : i32
    %eq3A_2513 = arith.constant 0 : i32
    %eq3A_2514 = arith.cmpi eq, %jit3A_2512, %eq3A_2513 : i32
    %jit3A_2515 = arith.constant 1 : i32
    %select_n3A_2516 = arith.select %eq3A_2514, %jit3A_2515, %jit3A_2512 : i32
    %rem3A_2517 = vector.broadcast %select_n3A_2516 : i32 to vector<16xi32>
    %rem3A_2518 = arith.remsi %get3A_2511, %rem3A_2517 : vector<16xi32>
    %ne3A_2519 = arith.constant 0 : i32
    %ne3A_2520 = vector.broadcast %ne3A_2519 : i32 to vector<16xi32>
    %ne3A_2521 = arith.cmpi ne, %rem3A_2518, %ne3A_2520 : vector<16xi32>
    %lt3A_2522 = arith.constant 0 : i32
    %lt3A_2523 = vector.broadcast %lt3A_2522 : i32 to vector<16xi32>
    %lt3A_2524 = arith.cmpi slt, %rem3A_2518, %lt3A_2523 : vector<16xi32>
    %lt3A_2525 = arith.constant 0 : i32
    %lt3A_2526 = arith.cmpi slt, %select_n3A_2516, %lt3A_2525 : i32
    %ne3A_2527 = vector.broadcast %lt3A_2526 : i1 to vector<16xi1>
    %ne3A_2528 = vector.broadcast %ne3A_2527 : vector<16xi1> to vector<16xi1>
    %ne3A_2529 = arith.xori %lt3A_2524, %ne3A_2528 : vector<16xi1>
    %and3A_2530 = arith.andi %ne3A_2529, %ne3A_2521 : vector<16xi1>
    %add3A_2531 = vector.broadcast %select_n3A_2516 : i32 to vector<16xi32>
    %add3A_2532 = arith.addi %rem3A_2518, %add3A_2531 : vector<16xi32>
    %select_n3A_2533 = arith.select %and3A_2530, %add3A_2532, %rem3A_2518 : vector<16xi1>, vector<16xi32>
    %add3A_2534 = arith.constant 0 : i32
    %add3A_2535 = vector.broadcast %add3A_2534 : i32 to vector<16xi32>
    %add3A_2536 = arith.addi %iota3A, %add3A_2535 : vector<16xi32>
    %mul3A_2537 = arith.constant 1024 : i32
    %mul3A_2538 = vector.broadcast %mul3A_2537 : i32 to vector<16xi32>
    %mul3A_2539 = arith.muli %add3A_2536, %mul3A_2538 : vector<16xi32>
    %add3A_2540 = arith.addi %mul3A_2539, %select_n3A_2533 : vector<16xi32>
    tpu.vector_store_idx %arg8[%add3A_2540], %broadcast_in_dim3A_4 : memref<32768xf32, #tpu.memory_space<vmem>>[vector<16xi32>], vector<16xf32>,
    %get3A_2541 = arith.constant 592 : index
    %get3A_2542 = tpu.vector_load %arg6[%get3A_2541] {strides = array<i32>} : memref<1024xi32, #tpu.memory_space<vmem>>, vector<16xi32>,
    %jit3A_2543 = arith.constant 1024 : i32
    %eq3A_2544 = arith.constant 0 : i32
    %eq3A_2545 = arith.cmpi eq, %jit3A_2543, %eq3A_2544 : i32
    %jit3A_2546 = arith.constant 1 : i32
    %select_n3A_2547 = arith.select %eq3A_2545, %jit3A_2546, %jit3A_2543 : i32
    %rem3A_2548 = vector.broadcast %select_n3A_2547 : i32 to vector<16xi32>
    %rem3A_2549 = arith.remsi %get3A_2542, %rem3A_2548 : vector<16xi32>
    %ne3A_2550 = arith.constant 0 : i32
    %ne3A_2551 = vector.broadcast %ne3A_2550 : i32 to vector<16xi32>
    %ne3A_2552 = arith.cmpi ne, %rem3A_2549, %ne3A_2551 : vector<16xi32>
    %lt3A_2553 = arith.constant 0 : i32
    %lt3A_2554 = vector.broadcast %lt3A_2553 : i32 to vector<16xi32>
    %lt3A_2555 = arith.cmpi slt, %rem3A_2549, %lt3A_2554 : vector<16xi32>
    %lt3A_2556 = arith.constant 0 : i32
    %lt3A_2557 = arith.cmpi slt, %select_n3A_2547, %lt3A_2556 : i32
    %ne3A_2558 = vector.broadcast %lt3A_2557 : i1 to vector<16xi1>
    %ne3A_2559 = vector.broadcast %ne3A_2558 : vector<16xi1> to vector<16xi1>
    %ne3A_2560 = arith.xori %lt3A_2555, %ne3A_2559 : vector<16xi1>
    %and3A_2561 = arith.andi %ne3A_2560, %ne3A_2552 : vector<16xi1>
    %add3A_2562 = vector.broadcast %select_n3A_2547 : i32 to vector<16xi32>
    %add3A_2563 = arith.addi %rem3A_2549, %add3A_2562 : vector<16xi32>
    %select_n3A_2564 = arith.select %and3A_2561, %add3A_2563, %rem3A_2549 : vector<16xi1>, vector<16xi32>
    %add3A_2565 = arith.constant 16 : i32
    %add3A_2566 = vector.broadcast %add3A_2565 : i32 to vector<16xi32>
    %add3A_2567 = arith.addi %iota3A, %add3A_2566 : vector<16xi32>
    %mul3A_2568 = arith.constant 1024 : i32
    %mul3A_2569 = vector.broadcast %mul3A_2568 : i32 to vector<16xi32>
    %mul3A_2570 = arith.muli %add3A_2567, %mul3A_2569 : vector<16xi32>
    %add3A_2571 = arith.addi %mul3A_2570, %select_n3A_2564 : vector<16xi32>
    tpu.vector_store_idx %arg8[%add3A_2571], %broadcast_in_dim3A_4 : memref<32768xf32, #tpu.memory_space<vmem>>[vector<16xi32>], vector<16xf32>,
    %get3A_2572 = arith.constant 640 : index
    %get3A_2573 = tpu.vector_load %arg6[%get3A_2572] {strides = array<i32>} : memref<1024xi32, #tpu.memory_space<vmem>>, vector<16xi32>,
    %jit3A_2574 = arith.constant 1024 : i32
    %eq3A_2575 = arith.constant 0 : i32
    %eq3A_2576 = arith.cmpi eq, %jit3A_2574, %eq3A_2575 : i32
    %jit3A_2577 = arith.constant 1 : i32
    %select_n3A_2578 = arith.select %eq3A_2576, %jit3A_2577, %jit3A_2574 : i32
    %rem3A_2579 = vector.broadcast %select_n3A_2578 : i32 to vector<16xi32>
    %rem3A_2580 = arith.remsi %get3A_2573, %rem3A_2579 : vector<16xi32>
    %ne3A_2581 = arith.constant 0 : i32
    %ne3A_2582 = vector.broadcast %ne3A_2581 : i32 to vector<16xi32>
    %ne3A_2583 = arith.cmpi ne, %rem3A_2580, %ne3A_2582 : vector<16xi32>
    %lt3A_2584 = arith.constant 0 : i32
    %lt3A_2585 = vector.broadcast %lt3A_2584 : i32 to vector<16xi32>
    %lt3A_2586 = arith.cmpi slt, %rem3A_2580, %lt3A_2585 : vector<16xi32>
    %lt3A_2587 = arith.constant 0 : i32
    %lt3A_2588 = arith.cmpi slt, %select_n3A_2578, %lt3A_2587 : i32
    %ne3A_2589 = vector.broadcast %lt3A_2588 : i1 to vector<16xi1>
    %ne3A_2590 = vector.broadcast %ne3A_2589 : vector<16xi1> to vector<16xi1>
    %ne3A_2591 = arith.xori %lt3A_2586, %ne3A_2590 : vector<16xi1>
    %and3A_2592 = arith.andi %ne3A_2591, %ne3A_2583 : vector<16xi1>
    %add3A_2593 = vector.broadcast %select_n3A_2578 : i32 to vector<16xi32>
    %add3A_2594 = arith.addi %rem3A_2580, %add3A_2593 : vector<16xi32>
    %select_n3A_2595 = arith.select %and3A_2592, %add3A_2594, %rem3A_2580 : vector<16xi1>, vector<16xi32>
    %add3A_2596 = arith.constant 0 : i32
    %add3A_2597 = vector.broadcast %add3A_2596 : i32 to vector<16xi32>
    %add3A_2598 = arith.addi %iota3A, %add3A_2597 : vector<16xi32>
    %mul3A_2599 = arith.constant 1024 : i32
    %mul3A_2600 = vector.broadcast %mul3A_2599 : i32 to vector<16xi32>
    %mul3A_2601 = arith.muli %add3A_2598, %mul3A_2600 : vector<16xi32>
    %add3A_2602 = arith.addi %mul3A_2601, %select_n3A_2595 : vector<16xi32>
    tpu.vector_store_idx %arg8[%add3A_2602], %get3A_3 : memref<32768xf32, #tpu.memory_space<vmem>>[vector<16xi32>], vector<16xf32>,
    %get3A_2603 = arith.constant 656 : index
    %get3A_2604 = tpu.vector_load %arg6[%get3A_2603] {strides = array<i32>} : memref<1024xi32, #tpu.memory_space<vmem>>, vector<16xi32>,
    %jit3A_2605 = arith.constant 1024 : i32
    %eq3A_2606 = arith.constant 0 : i32
    %eq3A_2607 = arith.cmpi eq, %jit3A_2605, %eq3A_2606 : i32
    %jit3A_2608 = arith.constant 1 : i32
    %select_n3A_2609 = arith.select %eq3A_2607, %jit3A_2608, %jit3A_2605 : i32
    %rem3A_2610 = vector.broadcast %select_n3A_2609 : i32 to vector<16xi32>
    %rem3A_2611 = arith.remsi %get3A_2604, %rem3A_2610 : vector<16xi32>
    %ne3A_2612 = arith.constant 0 : i32
    %ne3A_2613 = vector.broadcast %ne3A_2612 : i32 to vector<16xi32>
    %ne3A_2614 = arith.cmpi ne, %rem3A_2611, %ne3A_2613 : vector<16xi32>
    %lt3A_2615 = arith.constant 0 : i32
    %lt3A_2616 = vector.broadcast %lt3A_2615 : i32 to vector<16xi32>
    %lt3A_2617 = arith.cmpi slt, %rem3A_2611, %lt3A_2616 : vector<16xi32>
    %lt3A_2618 = arith.constant 0 : i32
    %lt3A_2619 = arith.cmpi slt, %select_n3A_2609, %lt3A_2618 : i32
    %ne3A_2620 = vector.broadcast %lt3A_2619 : i1 to vector<16xi1>
    %ne3A_2621 = vector.broadcast %ne3A_2620 : vector<16xi1> to vector<16xi1>
    %ne3A_2622 = arith.xori %lt3A_2617, %ne3A_2621 : vector<16xi1>
    %and3A_2623 = arith.andi %ne3A_2622, %ne3A_2614 : vector<16xi1>
    %add3A_2624 = vector.broadcast %select_n3A_2609 : i32 to vector<16xi32>
    %add3A_2625 = arith.addi %rem3A_2611, %add3A_2624 : vector<16xi32>
    %select_n3A_2626 = arith.select %and3A_2623, %add3A_2625, %rem3A_2611 : vector<16xi1>, vector<16xi32>
    %add3A_2627 = arith.constant 16 : i32
    %add3A_2628 = vector.broadcast %add3A_2627 : i32 to vector<16xi32>
    %add3A_2629 = arith.addi %iota3A, %add3A_2628 : vector<16xi32>
    %mul3A_2630 = arith.constant 1024 : i32
    %mul3A_2631 = vector.broadcast %mul3A_2630 : i32 to vector<16xi32>
    %mul3A_2632 = arith.muli %add3A_2629, %mul3A_2631 : vector<16xi32>
    %add3A_2633 = arith.addi %mul3A_2632, %select_n3A_2626 : vector<16xi32>
    tpu.vector_store_idx %arg8[%add3A_2633], %get3A_3 : memref<32768xf32, #tpu.memory_space<vmem>>[vector<16xi32>], vector<16xf32>,
    %add3A_2634 = arith.constant 640 : i32
    %add3A_2635 = arith.addi %mul3A_2, %add3A_2634 : i32
    %mul3A_2636 = arith.constant 1024 : i32
    %mul3A_2637 = arith.muli %add3A_2635, %mul3A_2636 : i32
    %dma_start3A_2638 = tpu.memref_slice %arg5[%mul3A_2637] : memref<33554432xf32, #tpu.memory_space<hbm>> -> memref<32768xf32, #tpu.memory_space<hbm>>
    %dma_start3A_2639 = tpu.memref_slice %arg5[%mul3A_2637] : memref<33554432xf32, #tpu.memory_space<hbm>> -> memref<32768xf32, #tpu.memory_space<hbm>>
    tpu.enqueue_dma source(%arg8 : memref<32768xf32, #tpu.memory_space<vmem>>) target(%dma_start3A_2639 : memref<32768xf32, #tpu.memory_space<hbm>>) target_semaphore(%arg10 : memref<!tpu.dma_semaphore, #tpu.memory_space<semaphore_mem>>)
    %dma_wait3A_2640 = tpu.memref_slice %arg5[%mul3A_2505] : memref<33554432xf32, #tpu.memory_space<hbm>> -> memref<32768xf32, #tpu.memory_space<hbm>>
    %dma_wait3A_2641 = tpu.memref_slice %arg5[%mul3A_2505] : memref<33554432xf32, #tpu.memory_space<hbm>> -> memref<32768xf32, #tpu.memory_space<hbm>>
    tpu.wait_dma2 semaphore(%arg11 : memref<!tpu.dma_semaphore, #tpu.memory_space<semaphore_mem>>) src(%arg9 : memref<32768xf32, #tpu.memory_space<vmem>>) dst(%dma_wait3A_2641 : memref<32768xf32, #tpu.memory_space<hbm>>)
    %get3A_2642 = arith.constant 608 : index
    %get3A_2643 = tpu.vector_load %arg6[%get3A_2642] {strides = array<i32>} : memref<1024xi32, #tpu.memory_space<vmem>>, vector<16xi32>,
    %jit3A_2644 = arith.constant 1024 : i32
    %eq3A_2645 = arith.constant 0 : i32
    %eq3A_2646 = arith.cmpi eq, %jit3A_2644, %eq3A_2645 : i32
    %jit3A_2647 = arith.constant 1 : i32
    %select_n3A_2648 = arith.select %eq3A_2646, %jit3A_2647, %jit3A_2644 : i32
    %rem3A_2649 = vector.broadcast %select_n3A_2648 : i32 to vector<16xi32>
    %rem3A_2650 = arith.remsi %get3A_2643, %rem3A_2649 : vector<16xi32>
    %ne3A_2651 = arith.constant 0 : i32
    %ne3A_2652 = vector.broadcast %ne3A_2651 : i32 to vector<16xi32>
    %ne3A_2653 = arith.cmpi ne, %rem3A_2650, %ne3A_2652 : vector<16xi32>
    %lt3A_2654 = arith.constant 0 : i32
    %lt3A_2655 = vector.broadcast %lt3A_2654 : i32 to vector<16xi32>
    %lt3A_2656 = arith.cmpi slt, %rem3A_2650, %lt3A_2655 : vector<16xi32>
    %lt3A_2657 = arith.constant 0 : i32
    %lt3A_2658 = arith.cmpi slt, %select_n3A_2648, %lt3A_2657 : i32
    %ne3A_2659 = vector.broadcast %lt3A_2658 : i1 to vector<16xi1>
    %ne3A_2660 = vector.broadcast %ne3A_2659 : vector<16xi1> to vector<16xi1>
    %ne3A_2661 = arith.xori %lt3A_2656, %ne3A_2660 : vector<16xi1>
    %and3A_2662 = arith.andi %ne3A_2661, %ne3A_2653 : vector<16xi1>
    %add3A_2663 = vector.broadcast %select_n3A_2648 : i32 to vector<16xi32>
    %add3A_2664 = arith.addi %rem3A_2650, %add3A_2663 : vector<16xi32>
    %select_n3A_2665 = arith.select %and3A_2662, %add3A_2664, %rem3A_2650 : vector<16xi1>, vector<16xi32>
    %add3A_2666 = arith.constant 0 : i32
    %add3A_2667 = vector.broadcast %add3A_2666 : i32 to vector<16xi32>
    %add3A_2668 = arith.addi %iota3A, %add3A_2667 : vector<16xi32>
    %mul3A_2669 = arith.constant 1024 : i32
    %mul3A_2670 = vector.broadcast %mul3A_2669 : i32 to vector<16xi32>
    %mul3A_2671 = arith.muli %add3A_2668, %mul3A_2670 : vector<16xi32>
    %add3A_2672 = arith.addi %mul3A_2671, %select_n3A_2665 : vector<16xi32>
    tpu.vector_store_idx %arg9[%add3A_2672], %broadcast_in_dim3A_4 : memref<32768xf32, #tpu.memory_space<vmem>>[vector<16xi32>], vector<16xf32>,
    %get3A_2673 = arith.constant 624 : index
    %get3A_2674 = tpu.vector_load %arg6[%get3A_2673] {strides = array<i32>} : memref<1024xi32, #tpu.memory_space<vmem>>, vector<16xi32>,
    %jit3A_2675 = arith.constant 1024 : i32
    %eq3A_2676 = arith.constant 0 : i32
    %eq3A_2677 = arith.cmpi eq, %jit3A_2675, %eq3A_2676 : i32
    %jit3A_2678 = arith.constant 1 : i32
    %select_n3A_2679 = arith.select %eq3A_2677, %jit3A_2678, %jit3A_2675 : i32
    %rem3A_2680 = vector.broadcast %select_n3A_2679 : i32 to vector<16xi32>
    %rem3A_2681 = arith.remsi %get3A_2674, %rem3A_2680 : vector<16xi32>
    %ne3A_2682 = arith.constant 0 : i32
    %ne3A_2683 = vector.broadcast %ne3A_2682 : i32 to vector<16xi32>
    %ne3A_2684 = arith.cmpi ne, %rem3A_2681, %ne3A_2683 : vector<16xi32>
    %lt3A_2685 = arith.constant 0 : i32
    %lt3A_2686 = vector.broadcast %lt3A_2685 : i32 to vector<16xi32>
    %lt3A_2687 = arith.cmpi slt, %rem3A_2681, %lt3A_2686 : vector<16xi32>
    %lt3A_2688 = arith.constant 0 : i32
    %lt3A_2689 = arith.cmpi slt, %select_n3A_2679, %lt3A_2688 : i32
    %ne3A_2690 = vector.broadcast %lt3A_2689 : i1 to vector<16xi1>
    %ne3A_2691 = vector.broadcast %ne3A_2690 : vector<16xi1> to vector<16xi1>
    %ne3A_2692 = arith.xori %lt3A_2687, %ne3A_2691 : vector<16xi1>
    %and3A_2693 = arith.andi %ne3A_2692, %ne3A_2684 : vector<16xi1>
    %add3A_2694 = vector.broadcast %select_n3A_2679 : i32 to vector<16xi32>
    %add3A_2695 = arith.addi %rem3A_2681, %add3A_2694 : vector<16xi32>
    %select_n3A_2696 = arith.select %and3A_2693, %add3A_2695, %rem3A_2681 : vector<16xi1>, vector<16xi32>
    %add3A_2697 = arith.constant 16 : i32
    %add3A_2698 = vector.broadcast %add3A_2697 : i32 to vector<16xi32>
    %add3A_2699 = arith.addi %iota3A, %add3A_2698 : vector<16xi32>
    %mul3A_2700 = arith.constant 1024 : i32
    %mul3A_2701 = vector.broadcast %mul3A_2700 : i32 to vector<16xi32>
    %mul3A_2702 = arith.muli %add3A_2699, %mul3A_2701 : vector<16xi32>
    %add3A_2703 = arith.addi %mul3A_2702, %select_n3A_2696 : vector<16xi32>
    tpu.vector_store_idx %arg9[%add3A_2703], %broadcast_in_dim3A_4 : memref<32768xf32, #tpu.memory_space<vmem>>[vector<16xi32>], vector<16xf32>,
    %get3A_2704 = arith.constant 672 : index
    %get3A_2705 = tpu.vector_load %arg6[%get3A_2704] {strides = array<i32>} : memref<1024xi32, #tpu.memory_space<vmem>>, vector<16xi32>,
    %jit3A_2706 = arith.constant 1024 : i32
    %eq3A_2707 = arith.constant 0 : i32
    %eq3A_2708 = arith.cmpi eq, %jit3A_2706, %eq3A_2707 : i32
    %jit3A_2709 = arith.constant 1 : i32
    %select_n3A_2710 = arith.select %eq3A_2708, %jit3A_2709, %jit3A_2706 : i32
    %rem3A_2711 = vector.broadcast %select_n3A_2710 : i32 to vector<16xi32>
    %rem3A_2712 = arith.remsi %get3A_2705, %rem3A_2711 : vector<16xi32>
    %ne3A_2713 = arith.constant 0 : i32
    %ne3A_2714 = vector.broadcast %ne3A_2713 : i32 to vector<16xi32>
    %ne3A_2715 = arith.cmpi ne, %rem3A_2712, %ne3A_2714 : vector<16xi32>
    %lt3A_2716 = arith.constant 0 : i32
    %lt3A_2717 = vector.broadcast %lt3A_2716 : i32 to vector<16xi32>
    %lt3A_2718 = arith.cmpi slt, %rem3A_2712, %lt3A_2717 : vector<16xi32>
    %lt3A_2719 = arith.constant 0 : i32
    %lt3A_2720 = arith.cmpi slt, %select_n3A_2710, %lt3A_2719 : i32
    %ne3A_2721 = vector.broadcast %lt3A_2720 : i1 to vector<16xi1>
    %ne3A_2722 = vector.broadcast %ne3A_2721 : vector<16xi1> to vector<16xi1>
    %ne3A_2723 = arith.xori %lt3A_2718, %ne3A_2722 : vector<16xi1>
    %and3A_2724 = arith.andi %ne3A_2723, %ne3A_2715 : vector<16xi1>
    %add3A_2725 = vector.broadcast %select_n3A_2710 : i32 to vector<16xi32>
    %add3A_2726 = arith.addi %rem3A_2712, %add3A_2725 : vector<16xi32>
    %select_n3A_2727 = arith.select %and3A_2724, %add3A_2726, %rem3A_2712 : vector<16xi1>, vector<16xi32>
    %add3A_2728 = arith.constant 0 : i32
    %add3A_2729 = vector.broadcast %add3A_2728 : i32 to vector<16xi32>
    %add3A_2730 = arith.addi %iota3A, %add3A_2729 : vector<16xi32>
    %mul3A_2731 = arith.constant 1024 : i32
    %mul3A_2732 = vector.broadcast %mul3A_2731 : i32 to vector<16xi32>
    %mul3A_2733 = arith.muli %add3A_2730, %mul3A_2732 : vector<16xi32>
    %add3A_2734 = arith.addi %mul3A_2733, %select_n3A_2727 : vector<16xi32>
    tpu.vector_store_idx %arg9[%add3A_2734], %get3A_3 : memref<32768xf32, #tpu.memory_space<vmem>>[vector<16xi32>], vector<16xf32>,
    %get3A_2735 = arith.constant 688 : index
    %get3A_2736 = tpu.vector_load %arg6[%get3A_2735] {strides = array<i32>} : memref<1024xi32, #tpu.memory_space<vmem>>, vector<16xi32>,
    %jit3A_2737 = arith.constant 1024 : i32
    %eq3A_2738 = arith.constant 0 : i32
    %eq3A_2739 = arith.cmpi eq, %jit3A_2737, %eq3A_2738 : i32
    %jit3A_2740 = arith.constant 1 : i32
    %select_n3A_2741 = arith.select %eq3A_2739, %jit3A_2740, %jit3A_2737 : i32
    %rem3A_2742 = vector.broadcast %select_n3A_2741 : i32 to vector<16xi32>
    %rem3A_2743 = arith.remsi %get3A_2736, %rem3A_2742 : vector<16xi32>
    %ne3A_2744 = arith.constant 0 : i32
    %ne3A_2745 = vector.broadcast %ne3A_2744 : i32 to vector<16xi32>
    %ne3A_2746 = arith.cmpi ne, %rem3A_2743, %ne3A_2745 : vector<16xi32>
    %lt3A_2747 = arith.constant 0 : i32
    %lt3A_2748 = vector.broadcast %lt3A_2747 : i32 to vector<16xi32>
    %lt3A_2749 = arith.cmpi slt, %rem3A_2743, %lt3A_2748 : vector<16xi32>
    %lt3A_2750 = arith.constant 0 : i32
    %lt3A_2751 = arith.cmpi slt, %select_n3A_2741, %lt3A_2750 : i32
    %ne3A_2752 = vector.broadcast %lt3A_2751 : i1 to vector<16xi1>
    %ne3A_2753 = vector.broadcast %ne3A_2752 : vector<16xi1> to vector<16xi1>
    %ne3A_2754 = arith.xori %lt3A_2749, %ne3A_2753 : vector<16xi1>
    %and3A_2755 = arith.andi %ne3A_2754, %ne3A_2746 : vector<16xi1>
    %add3A_2756 = vector.broadcast %select_n3A_2741 : i32 to vector<16xi32>
    %add3A_2757 = arith.addi %rem3A_2743, %add3A_2756 : vector<16xi32>
    %select_n3A_2758 = arith.select %and3A_2755, %add3A_2757, %rem3A_2743 : vector<16xi1>, vector<16xi32>
    %add3A_2759 = arith.constant 16 : i32
    %add3A_2760 = vector.broadcast %add3A_2759 : i32 to vector<16xi32>
    %add3A_2761 = arith.addi %iota3A, %add3A_2760 : vector<16xi32>
    %mul3A_2762 = arith.constant 1024 : i32
    %mul3A_2763 = vector.broadcast %mul3A_2762 : i32 to vector<16xi32>
    %mul3A_2764 = arith.muli %add3A_2761, %mul3A_2763 : vector<16xi32>
    %add3A_2765 = arith.addi %mul3A_2764, %select_n3A_2758 : vector<16xi32>
    tpu.vector_store_idx %arg9[%add3A_2765], %get3A_3 : memref<32768xf32, #tpu.memory_space<vmem>>[vector<16xi32>], vector<16xf32>,
    %add3A_2766 = arith.constant 672 : i32
    %add3A_2767 = arith.addi %mul3A_2, %add3A_2766 : i32
    %mul3A_2768 = arith.constant 1024 : i32
    %mul3A_2769 = arith.muli %add3A_2767, %mul3A_2768 : i32
    %dma_start3A_2770 = tpu.memref_slice %arg5[%mul3A_2769] : memref<33554432xf32, #tpu.memory_space<hbm>> -> memref<32768xf32, #tpu.memory_space<hbm>>
    %dma_start3A_2771 = tpu.memref_slice %arg5[%mul3A_2769] : memref<33554432xf32, #tpu.memory_space<hbm>> -> memref<32768xf32, #tpu.memory_space<hbm>>
    tpu.enqueue_dma source(%arg9 : memref<32768xf32, #tpu.memory_space<vmem>>) target(%dma_start3A_2771 : memref<32768xf32, #tpu.memory_space<hbm>>) target_semaphore(%arg11 : memref<!tpu.dma_semaphore, #tpu.memory_space<semaphore_mem>>)
    %dma_wait3A_2772 = tpu.memref_slice %arg5[%mul3A_2637] : memref<33554432xf32, #tpu.memory_space<hbm>> -> memref<32768xf32, #tpu.memory_space<hbm>>
    %dma_wait3A_2773 = tpu.memref_slice %arg5[%mul3A_2637] : memref<33554432xf32, #tpu.memory_space<hbm>> -> memref<32768xf32, #tpu.memory_space<hbm>>
    tpu.wait_dma2 semaphore(%arg10 : memref<!tpu.dma_semaphore, #tpu.memory_space<semaphore_mem>>) src(%arg8 : memref<32768xf32, #tpu.memory_space<vmem>>) dst(%dma_wait3A_2773 : memref<32768xf32, #tpu.memory_space<hbm>>)
    %get3A_2774 = arith.constant 640 : index
    %get3A_2775 = tpu.vector_load %arg6[%get3A_2774] {strides = array<i32>} : memref<1024xi32, #tpu.memory_space<vmem>>, vector<16xi32>,
    %jit3A_2776 = arith.constant 1024 : i32
    %eq3A_2777 = arith.constant 0 : i32
    %eq3A_2778 = arith.cmpi eq, %jit3A_2776, %eq3A_2777 : i32
    %jit3A_2779 = arith.constant 1 : i32
    %select_n3A_2780 = arith.select %eq3A_2778, %jit3A_2779, %jit3A_2776 : i32
    %rem3A_2781 = vector.broadcast %select_n3A_2780 : i32 to vector<16xi32>
    %rem3A_2782 = arith.remsi %get3A_2775, %rem3A_2781 : vector<16xi32>
    %ne3A_2783 = arith.constant 0 : i32
    %ne3A_2784 = vector.broadcast %ne3A_2783 : i32 to vector<16xi32>
    %ne3A_2785 = arith.cmpi ne, %rem3A_2782, %ne3A_2784 : vector<16xi32>
    %lt3A_2786 = arith.constant 0 : i32
    %lt3A_2787 = vector.broadcast %lt3A_2786 : i32 to vector<16xi32>
    %lt3A_2788 = arith.cmpi slt, %rem3A_2782, %lt3A_2787 : vector<16xi32>
    %lt3A_2789 = arith.constant 0 : i32
    %lt3A_2790 = arith.cmpi slt, %select_n3A_2780, %lt3A_2789 : i32
    %ne3A_2791 = vector.broadcast %lt3A_2790 : i1 to vector<16xi1>
    %ne3A_2792 = vector.broadcast %ne3A_2791 : vector<16xi1> to vector<16xi1>
    %ne3A_2793 = arith.xori %lt3A_2788, %ne3A_2792 : vector<16xi1>
    %and3A_2794 = arith.andi %ne3A_2793, %ne3A_2785 : vector<16xi1>
    %add3A_2795 = vector.broadcast %select_n3A_2780 : i32 to vector<16xi32>
    %add3A_2796 = arith.addi %rem3A_2782, %add3A_2795 : vector<16xi32>
    %select_n3A_2797 = arith.select %and3A_2794, %add3A_2796, %rem3A_2782 : vector<16xi1>, vector<16xi32>
    %add3A_2798 = arith.constant 0 : i32
    %add3A_2799 = vector.broadcast %add3A_2798 : i32 to vector<16xi32>
    %add3A_2800 = arith.addi %iota3A, %add3A_2799 : vector<16xi32>
    %mul3A_2801 = arith.constant 1024 : i32
    %mul3A_2802 = vector.broadcast %mul3A_2801 : i32 to vector<16xi32>
    %mul3A_2803 = arith.muli %add3A_2800, %mul3A_2802 : vector<16xi32>
    %add3A_2804 = arith.addi %mul3A_2803, %select_n3A_2797 : vector<16xi32>
    tpu.vector_store_idx %arg8[%add3A_2804], %broadcast_in_dim3A_4 : memref<32768xf32, #tpu.memory_space<vmem>>[vector<16xi32>], vector<16xf32>,
    %get3A_2805 = arith.constant 656 : index
    %get3A_2806 = tpu.vector_load %arg6[%get3A_2805] {strides = array<i32>} : memref<1024xi32, #tpu.memory_space<vmem>>, vector<16xi32>,
    %jit3A_2807 = arith.constant 1024 : i32
    %eq3A_2808 = arith.constant 0 : i32
    %eq3A_2809 = arith.cmpi eq, %jit3A_2807, %eq3A_2808 : i32
    %jit3A_2810 = arith.constant 1 : i32
    %select_n3A_2811 = arith.select %eq3A_2809, %jit3A_2810, %jit3A_2807 : i32
    %rem3A_2812 = vector.broadcast %select_n3A_2811 : i32 to vector<16xi32>
    %rem3A_2813 = arith.remsi %get3A_2806, %rem3A_2812 : vector<16xi32>
    %ne3A_2814 = arith.constant 0 : i32
    %ne3A_2815 = vector.broadcast %ne3A_2814 : i32 to vector<16xi32>
    %ne3A_2816 = arith.cmpi ne, %rem3A_2813, %ne3A_2815 : vector<16xi32>
    %lt3A_2817 = arith.constant 0 : i32
    %lt3A_2818 = vector.broadcast %lt3A_2817 : i32 to vector<16xi32>
    %lt3A_2819 = arith.cmpi slt, %rem3A_2813, %lt3A_2818 : vector<16xi32>
    %lt3A_2820 = arith.constant 0 : i32
    %lt3A_2821 = arith.cmpi slt, %select_n3A_2811, %lt3A_2820 : i32
    %ne3A_2822 = vector.broadcast %lt3A_2821 : i1 to vector<16xi1>
    %ne3A_2823 = vector.broadcast %ne3A_2822 : vector<16xi1> to vector<16xi1>
    %ne3A_2824 = arith.xori %lt3A_2819, %ne3A_2823 : vector<16xi1>
    %and3A_2825 = arith.andi %ne3A_2824, %ne3A_2816 : vector<16xi1>
    %add3A_2826 = vector.broadcast %select_n3A_2811 : i32 to vector<16xi32>
    %add3A_2827 = arith.addi %rem3A_2813, %add3A_2826 : vector<16xi32>
    %select_n3A_2828 = arith.select %and3A_2825, %add3A_2827, %rem3A_2813 : vector<16xi1>, vector<16xi32>
    %add3A_2829 = arith.constant 16 : i32
    %add3A_2830 = vector.broadcast %add3A_2829 : i32 to vector<16xi32>
    %add3A_2831 = arith.addi %iota3A, %add3A_2830 : vector<16xi32>
    %mul3A_2832 = arith.constant 1024 : i32
    %mul3A_2833 = vector.broadcast %mul3A_2832 : i32 to vector<16xi32>
    %mul3A_2834 = arith.muli %add3A_2831, %mul3A_2833 : vector<16xi32>
    %add3A_2835 = arith.addi %mul3A_2834, %select_n3A_2828 : vector<16xi32>
    tpu.vector_store_idx %arg8[%add3A_2835], %broadcast_in_dim3A_4 : memref<32768xf32, #tpu.memory_space<vmem>>[vector<16xi32>], vector<16xf32>,
    %get3A_2836 = arith.constant 704 : index
    %get3A_2837 = tpu.vector_load %arg6[%get3A_2836] {strides = array<i32>} : memref<1024xi32, #tpu.memory_space<vmem>>, vector<16xi32>,
    %jit3A_2838 = arith.constant 1024 : i32
    %eq3A_2839 = arith.constant 0 : i32
    %eq3A_2840 = arith.cmpi eq, %jit3A_2838, %eq3A_2839 : i32
    %jit3A_2841 = arith.constant 1 : i32
    %select_n3A_2842 = arith.select %eq3A_2840, %jit3A_2841, %jit3A_2838 : i32
    %rem3A_2843 = vector.broadcast %select_n3A_2842 : i32 to vector<16xi32>
    %rem3A_2844 = arith.remsi %get3A_2837, %rem3A_2843 : vector<16xi32>
    %ne3A_2845 = arith.constant 0 : i32
    %ne3A_2846 = vector.broadcast %ne3A_2845 : i32 to vector<16xi32>
    %ne3A_2847 = arith.cmpi ne, %rem3A_2844, %ne3A_2846 : vector<16xi32>
    %lt3A_2848 = arith.constant 0 : i32
    %lt3A_2849 = vector.broadcast %lt3A_2848 : i32 to vector<16xi32>
    %lt3A_2850 = arith.cmpi slt, %rem3A_2844, %lt3A_2849 : vector<16xi32>
    %lt3A_2851 = arith.constant 0 : i32
    %lt3A_2852 = arith.cmpi slt, %select_n3A_2842, %lt3A_2851 : i32
    %ne3A_2853 = vector.broadcast %lt3A_2852 : i1 to vector<16xi1>
    %ne3A_2854 = vector.broadcast %ne3A_2853 : vector<16xi1> to vector<16xi1>
    %ne3A_2855 = arith.xori %lt3A_2850, %ne3A_2854 : vector<16xi1>
    %and3A_2856 = arith.andi %ne3A_2855, %ne3A_2847 : vector<16xi1>
    %add3A_2857 = vector.broadcast %select_n3A_2842 : i32 to vector<16xi32>
    %add3A_2858 = arith.addi %rem3A_2844, %add3A_2857 : vector<16xi32>
    %select_n3A_2859 = arith.select %and3A_2856, %add3A_2858, %rem3A_2844 : vector<16xi1>, vector<16xi32>
    %add3A_2860 = arith.constant 0 : i32
    %add3A_2861 = vector.broadcast %add3A_2860 : i32 to vector<16xi32>
    %add3A_2862 = arith.addi %iota3A, %add3A_2861 : vector<16xi32>
    %mul3A_2863 = arith.constant 1024 : i32
    %mul3A_2864 = vector.broadcast %mul3A_2863 : i32 to vector<16xi32>
    %mul3A_2865 = arith.muli %add3A_2862, %mul3A_2864 : vector<16xi32>
    %add3A_2866 = arith.addi %mul3A_2865, %select_n3A_2859 : vector<16xi32>
    tpu.vector_store_idx %arg8[%add3A_2866], %get3A_3 : memref<32768xf32, #tpu.memory_space<vmem>>[vector<16xi32>], vector<16xf32>,
    %get3A_2867 = arith.constant 720 : index
    %get3A_2868 = tpu.vector_load %arg6[%get3A_2867] {strides = array<i32>} : memref<1024xi32, #tpu.memory_space<vmem>>, vector<16xi32>,
    %jit3A_2869 = arith.constant 1024 : i32
    %eq3A_2870 = arith.constant 0 : i32
    %eq3A_2871 = arith.cmpi eq, %jit3A_2869, %eq3A_2870 : i32
    %jit3A_2872 = arith.constant 1 : i32
    %select_n3A_2873 = arith.select %eq3A_2871, %jit3A_2872, %jit3A_2869 : i32
    %rem3A_2874 = vector.broadcast %select_n3A_2873 : i32 to vector<16xi32>
    %rem3A_2875 = arith.remsi %get3A_2868, %rem3A_2874 : vector<16xi32>
    %ne3A_2876 = arith.constant 0 : i32
    %ne3A_2877 = vector.broadcast %ne3A_2876 : i32 to vector<16xi32>
    %ne3A_2878 = arith.cmpi ne, %rem3A_2875, %ne3A_2877 : vector<16xi32>
    %lt3A_2879 = arith.constant 0 : i32
    %lt3A_2880 = vector.broadcast %lt3A_2879 : i32 to vector<16xi32>
    %lt3A_2881 = arith.cmpi slt, %rem3A_2875, %lt3A_2880 : vector<16xi32>
    %lt3A_2882 = arith.constant 0 : i32
    %lt3A_2883 = arith.cmpi slt, %select_n3A_2873, %lt3A_2882 : i32
    %ne3A_2884 = vector.broadcast %lt3A_2883 : i1 to vector<16xi1>
    %ne3A_2885 = vector.broadcast %ne3A_2884 : vector<16xi1> to vector<16xi1>
    %ne3A_2886 = arith.xori %lt3A_2881, %ne3A_2885 : vector<16xi1>
    %and3A_2887 = arith.andi %ne3A_2886, %ne3A_2878 : vector<16xi1>
    %add3A_2888 = vector.broadcast %select_n3A_2873 : i32 to vector<16xi32>
    %add3A_2889 = arith.addi %rem3A_2875, %add3A_2888 : vector<16xi32>
    %select_n3A_2890 = arith.select %and3A_2887, %add3A_2889, %rem3A_2875 : vector<16xi1>, vector<16xi32>
    %add3A_2891 = arith.constant 16 : i32
    %add3A_2892 = vector.broadcast %add3A_2891 : i32 to vector<16xi32>
    %add3A_2893 = arith.addi %iota3A, %add3A_2892 : vector<16xi32>
    %mul3A_2894 = arith.constant 1024 : i32
    %mul3A_2895 = vector.broadcast %mul3A_2894 : i32 to vector<16xi32>
    %mul3A_2896 = arith.muli %add3A_2893, %mul3A_2895 : vector<16xi32>
    %add3A_2897 = arith.addi %mul3A_2896, %select_n3A_2890 : vector<16xi32>
    tpu.vector_store_idx %arg8[%add3A_2897], %get3A_3 : memref<32768xf32, #tpu.memory_space<vmem>>[vector<16xi32>], vector<16xf32>,
    %add3A_2898 = arith.constant 704 : i32
    %add3A_2899 = arith.addi %mul3A_2, %add3A_2898 : i32
    %mul3A_2900 = arith.constant 1024 : i32
    %mul3A_2901 = arith.muli %add3A_2899, %mul3A_2900 : i32
    %dma_start3A_2902 = tpu.memref_slice %arg5[%mul3A_2901] : memref<33554432xf32, #tpu.memory_space<hbm>> -> memref<32768xf32, #tpu.memory_space<hbm>>
    %dma_start3A_2903 = tpu.memref_slice %arg5[%mul3A_2901] : memref<33554432xf32, #tpu.memory_space<hbm>> -> memref<32768xf32, #tpu.memory_space<hbm>>
    tpu.enqueue_dma source(%arg8 : memref<32768xf32, #tpu.memory_space<vmem>>) target(%dma_start3A_2903 : memref<32768xf32, #tpu.memory_space<hbm>>) target_semaphore(%arg10 : memref<!tpu.dma_semaphore, #tpu.memory_space<semaphore_mem>>)
    %dma_wait3A_2904 = tpu.memref_slice %arg5[%mul3A_2769] : memref<33554432xf32, #tpu.memory_space<hbm>> -> memref<32768xf32, #tpu.memory_space<hbm>>
    %dma_wait3A_2905 = tpu.memref_slice %arg5[%mul3A_2769] : memref<33554432xf32, #tpu.memory_space<hbm>> -> memref<32768xf32, #tpu.memory_space<hbm>>
    tpu.wait_dma2 semaphore(%arg11 : memref<!tpu.dma_semaphore, #tpu.memory_space<semaphore_mem>>) src(%arg9 : memref<32768xf32, #tpu.memory_space<vmem>>) dst(%dma_wait3A_2905 : memref<32768xf32, #tpu.memory_space<hbm>>)
    %get3A_2906 = arith.constant 672 : index
    %get3A_2907 = tpu.vector_load %arg6[%get3A_2906] {strides = array<i32>} : memref<1024xi32, #tpu.memory_space<vmem>>, vector<16xi32>,
    %jit3A_2908 = arith.constant 1024 : i32
    %eq3A_2909 = arith.constant 0 : i32
    %eq3A_2910 = arith.cmpi eq, %jit3A_2908, %eq3A_2909 : i32
    %jit3A_2911 = arith.constant 1 : i32
    %select_n3A_2912 = arith.select %eq3A_2910, %jit3A_2911, %jit3A_2908 : i32
    %rem3A_2913 = vector.broadcast %select_n3A_2912 : i32 to vector<16xi32>
    %rem3A_2914 = arith.remsi %get3A_2907, %rem3A_2913 : vector<16xi32>
    %ne3A_2915 = arith.constant 0 : i32
    %ne3A_2916 = vector.broadcast %ne3A_2915 : i32 to vector<16xi32>
    %ne3A_2917 = arith.cmpi ne, %rem3A_2914, %ne3A_2916 : vector<16xi32>
    %lt3A_2918 = arith.constant 0 : i32
    %lt3A_2919 = vector.broadcast %lt3A_2918 : i32 to vector<16xi32>
    %lt3A_2920 = arith.cmpi slt, %rem3A_2914, %lt3A_2919 : vector<16xi32>
    %lt3A_2921 = arith.constant 0 : i32
    %lt3A_2922 = arith.cmpi slt, %select_n3A_2912, %lt3A_2921 : i32
    %ne3A_2923 = vector.broadcast %lt3A_2922 : i1 to vector<16xi1>
    %ne3A_2924 = vector.broadcast %ne3A_2923 : vector<16xi1> to vector<16xi1>
    %ne3A_2925 = arith.xori %lt3A_2920, %ne3A_2924 : vector<16xi1>
    %and3A_2926 = arith.andi %ne3A_2925, %ne3A_2917 : vector<16xi1>
    %add3A_2927 = vector.broadcast %select_n3A_2912 : i32 to vector<16xi32>
    %add3A_2928 = arith.addi %rem3A_2914, %add3A_2927 : vector<16xi32>
    %select_n3A_2929 = arith.select %and3A_2926, %add3A_2928, %rem3A_2914 : vector<16xi1>, vector<16xi32>
    %add3A_2930 = arith.constant 0 : i32
    %add3A_2931 = vector.broadcast %add3A_2930 : i32 to vector<16xi32>
    %add3A_2932 = arith.addi %iota3A, %add3A_2931 : vector<16xi32>
    %mul3A_2933 = arith.constant 1024 : i32
    %mul3A_2934 = vector.broadcast %mul3A_2933 : i32 to vector<16xi32>
    %mul3A_2935 = arith.muli %add3A_2932, %mul3A_2934 : vector<16xi32>
    %add3A_2936 = arith.addi %mul3A_2935, %select_n3A_2929 : vector<16xi32>
    tpu.vector_store_idx %arg9[%add3A_2936], %broadcast_in_dim3A_4 : memref<32768xf32, #tpu.memory_space<vmem>>[vector<16xi32>], vector<16xf32>,
    %get3A_2937 = arith.constant 688 : index
    %get3A_2938 = tpu.vector_load %arg6[%get3A_2937] {strides = array<i32>} : memref<1024xi32, #tpu.memory_space<vmem>>, vector<16xi32>,
    %jit3A_2939 = arith.constant 1024 : i32
    %eq3A_2940 = arith.constant 0 : i32
    %eq3A_2941 = arith.cmpi eq, %jit3A_2939, %eq3A_2940 : i32
    %jit3A_2942 = arith.constant 1 : i32
    %select_n3A_2943 = arith.select %eq3A_2941, %jit3A_2942, %jit3A_2939 : i32
    %rem3A_2944 = vector.broadcast %select_n3A_2943 : i32 to vector<16xi32>
    %rem3A_2945 = arith.remsi %get3A_2938, %rem3A_2944 : vector<16xi32>
    %ne3A_2946 = arith.constant 0 : i32
    %ne3A_2947 = vector.broadcast %ne3A_2946 : i32 to vector<16xi32>
    %ne3A_2948 = arith.cmpi ne, %rem3A_2945, %ne3A_2947 : vector<16xi32>
    %lt3A_2949 = arith.constant 0 : i32
    %lt3A_2950 = vector.broadcast %lt3A_2949 : i32 to vector<16xi32>
    %lt3A_2951 = arith.cmpi slt, %rem3A_2945, %lt3A_2950 : vector<16xi32>
    %lt3A_2952 = arith.constant 0 : i32
    %lt3A_2953 = arith.cmpi slt, %select_n3A_2943, %lt3A_2952 : i32
    %ne3A_2954 = vector.broadcast %lt3A_2953 : i1 to vector<16xi1>
    %ne3A_2955 = vector.broadcast %ne3A_2954 : vector<16xi1> to vector<16xi1>
    %ne3A_2956 = arith.xori %lt3A_2951, %ne3A_2955 : vector<16xi1>
    %and3A_2957 = arith.andi %ne3A_2956, %ne3A_2948 : vector<16xi1>
    %add3A_2958 = vector.broadcast %select_n3A_2943 : i32 to vector<16xi32>
    %add3A_2959 = arith.addi %rem3A_2945, %add3A_2958 : vector<16xi32>
    %select_n3A_2960 = arith.select %and3A_2957, %add3A_2959, %rem3A_2945 : vector<16xi1>, vector<16xi32>
    %add3A_2961 = arith.constant 16 : i32
    %add3A_2962 = vector.broadcast %add3A_2961 : i32 to vector<16xi32>
    %add3A_2963 = arith.addi %iota3A, %add3A_2962 : vector<16xi32>
    %mul3A_2964 = arith.constant 1024 : i32
    %mul3A_2965 = vector.broadcast %mul3A_2964 : i32 to vector<16xi32>
    %mul3A_2966 = arith.muli %add3A_2963, %mul3A_2965 : vector<16xi32>
    %add3A_2967 = arith.addi %mul3A_2966, %select_n3A_2960 : vector<16xi32>
    tpu.vector_store_idx %arg9[%add3A_2967], %broadcast_in_dim3A_4 : memref<32768xf32, #tpu.memory_space<vmem>>[vector<16xi32>], vector<16xf32>,
    %get3A_2968 = arith.constant 736 : index
    %get3A_2969 = tpu.vector_load %arg6[%get3A_2968] {strides = array<i32>} : memref<1024xi32, #tpu.memory_space<vmem>>, vector<16xi32>,
    %jit3A_2970 = arith.constant 1024 : i32
    %eq3A_2971 = arith.constant 0 : i32
    %eq3A_2972 = arith.cmpi eq, %jit3A_2970, %eq3A_2971 : i32
    %jit3A_2973 = arith.constant 1 : i32
    %select_n3A_2974 = arith.select %eq3A_2972, %jit3A_2973, %jit3A_2970 : i32
    %rem3A_2975 = vector.broadcast %select_n3A_2974 : i32 to vector<16xi32>
    %rem3A_2976 = arith.remsi %get3A_2969, %rem3A_2975 : vector<16xi32>
    %ne3A_2977 = arith.constant 0 : i32
    %ne3A_2978 = vector.broadcast %ne3A_2977 : i32 to vector<16xi32>
    %ne3A_2979 = arith.cmpi ne, %rem3A_2976, %ne3A_2978 : vector<16xi32>
    %lt3A_2980 = arith.constant 0 : i32
    %lt3A_2981 = vector.broadcast %lt3A_2980 : i32 to vector<16xi32>
    %lt3A_2982 = arith.cmpi slt, %rem3A_2976, %lt3A_2981 : vector<16xi32>
    %lt3A_2983 = arith.constant 0 : i32
    %lt3A_2984 = arith.cmpi slt, %select_n3A_2974, %lt3A_2983 : i32
    %ne3A_2985 = vector.broadcast %lt3A_2984 : i1 to vector<16xi1>
    %ne3A_2986 = vector.broadcast %ne3A_2985 : vector<16xi1> to vector<16xi1>
    %ne3A_2987 = arith.xori %lt3A_2982, %ne3A_2986 : vector<16xi1>
    %and3A_2988 = arith.andi %ne3A_2987, %ne3A_2979 : vector<16xi1>
    %add3A_2989 = vector.broadcast %select_n3A_2974 : i32 to vector<16xi32>
    %add3A_2990 = arith.addi %rem3A_2976, %add3A_2989 : vector<16xi32>
    %select_n3A_2991 = arith.select %and3A_2988, %add3A_2990, %rem3A_2976 : vector<16xi1>, vector<16xi32>
    %add3A_2992 = arith.constant 0 : i32
    %add3A_2993 = vector.broadcast %add3A_2992 : i32 to vector<16xi32>
    %add3A_2994 = arith.addi %iota3A, %add3A_2993 : vector<16xi32>
    %mul3A_2995 = arith.constant 1024 : i32
    %mul3A_2996 = vector.broadcast %mul3A_2995 : i32 to vector<16xi32>
    %mul3A_2997 = arith.muli %add3A_2994, %mul3A_2996 : vector<16xi32>
    %add3A_2998 = arith.addi %mul3A_2997, %select_n3A_2991 : vector<16xi32>
    tpu.vector_store_idx %arg9[%add3A_2998], %get3A_3 : memref<32768xf32, #tpu.memory_space<vmem>>[vector<16xi32>], vector<16xf32>,
    %get3A_2999 = arith.constant 752 : index
    %get3A_3000 = tpu.vector_load %arg6[%get3A_2999] {strides = array<i32>} : memref<1024xi32, #tpu.memory_space<vmem>>, vector<16xi32>,
    %jit3A_3001 = arith.constant 1024 : i32
    %eq3A_3002 = arith.constant 0 : i32
    %eq3A_3003 = arith.cmpi eq, %jit3A_3001, %eq3A_3002 : i32
    %jit3A_3004 = arith.constant 1 : i32
    %select_n3A_3005 = arith.select %eq3A_3003, %jit3A_3004, %jit3A_3001 : i32
    %rem3A_3006 = vector.broadcast %select_n3A_3005 : i32 to vector<16xi32>
    %rem3A_3007 = arith.remsi %get3A_3000, %rem3A_3006 : vector<16xi32>
    %ne3A_3008 = arith.constant 0 : i32
    %ne3A_3009 = vector.broadcast %ne3A_3008 : i32 to vector<16xi32>
    %ne3A_3010 = arith.cmpi ne, %rem3A_3007, %ne3A_3009 : vector<16xi32>
    %lt3A_3011 = arith.constant 0 : i32
    %lt3A_3012 = vector.broadcast %lt3A_3011 : i32 to vector<16xi32>
    %lt3A_3013 = arith.cmpi slt, %rem3A_3007, %lt3A_3012 : vector<16xi32>
    %lt3A_3014 = arith.constant 0 : i32
    %lt3A_3015 = arith.cmpi slt, %select_n3A_3005, %lt3A_3014 : i32
    %ne3A_3016 = vector.broadcast %lt3A_3015 : i1 to vector<16xi1>
    %ne3A_3017 = vector.broadcast %ne3A_3016 : vector<16xi1> to vector<16xi1>
    %ne3A_3018 = arith.xori %lt3A_3013, %ne3A_3017 : vector<16xi1>
    %and3A_3019 = arith.andi %ne3A_3018, %ne3A_3010 : vector<16xi1>
    %add3A_3020 = vector.broadcast %select_n3A_3005 : i32 to vector<16xi32>
    %add3A_3021 = arith.addi %rem3A_3007, %add3A_3020 : vector<16xi32>
    %select_n3A_3022 = arith.select %and3A_3019, %add3A_3021, %rem3A_3007 : vector<16xi1>, vector<16xi32>
    %add3A_3023 = arith.constant 16 : i32
    %add3A_3024 = vector.broadcast %add3A_3023 : i32 to vector<16xi32>
    %add3A_3025 = arith.addi %iota3A, %add3A_3024 : vector<16xi32>
    %mul3A_3026 = arith.constant 1024 : i32
    %mul3A_3027 = vector.broadcast %mul3A_3026 : i32 to vector<16xi32>
    %mul3A_3028 = arith.muli %add3A_3025, %mul3A_3027 : vector<16xi32>
    %add3A_3029 = arith.addi %mul3A_3028, %select_n3A_3022 : vector<16xi32>
    tpu.vector_store_idx %arg9[%add3A_3029], %get3A_3 : memref<32768xf32, #tpu.memory_space<vmem>>[vector<16xi32>], vector<16xf32>,
    %add3A_3030 = arith.constant 736 : i32
    %add3A_3031 = arith.addi %mul3A_2, %add3A_3030 : i32
    %mul3A_3032 = arith.constant 1024 : i32
    %mul3A_3033 = arith.muli %add3A_3031, %mul3A_3032 : i32
    %dma_start3A_3034 = tpu.memref_slice %arg5[%mul3A_3033] : memref<33554432xf32, #tpu.memory_space<hbm>> -> memref<32768xf32, #tpu.memory_space<hbm>>
    %dma_start3A_3035 = tpu.memref_slice %arg5[%mul3A_3033] : memref<33554432xf32, #tpu.memory_space<hbm>> -> memref<32768xf32, #tpu.memory_space<hbm>>
    tpu.enqueue_dma source(%arg9 : memref<32768xf32, #tpu.memory_space<vmem>>) target(%dma_start3A_3035 : memref<32768xf32, #tpu.memory_space<hbm>>) target_semaphore(%arg11 : memref<!tpu.dma_semaphore, #tpu.memory_space<semaphore_mem>>)
    %dma_wait3A_3036 = tpu.memref_slice %arg5[%mul3A_2901] : memref<33554432xf32, #tpu.memory_space<hbm>> -> memref<32768xf32, #tpu.memory_space<hbm>>
    %dma_wait3A_3037 = tpu.memref_slice %arg5[%mul3A_2901] : memref<33554432xf32, #tpu.memory_space<hbm>> -> memref<32768xf32, #tpu.memory_space<hbm>>
    tpu.wait_dma2 semaphore(%arg10 : memref<!tpu.dma_semaphore, #tpu.memory_space<semaphore_mem>>) src(%arg8 : memref<32768xf32, #tpu.memory_space<vmem>>) dst(%dma_wait3A_3037 : memref<32768xf32, #tpu.memory_space<hbm>>)
    %get3A_3038 = arith.constant 704 : index
    %get3A_3039 = tpu.vector_load %arg6[%get3A_3038] {strides = array<i32>} : memref<1024xi32, #tpu.memory_space<vmem>>, vector<16xi32>,
    %jit3A_3040 = arith.constant 1024 : i32
    %eq3A_3041 = arith.constant 0 : i32
    %eq3A_3042 = arith.cmpi eq, %jit3A_3040, %eq3A_3041 : i32
    %jit3A_3043 = arith.constant 1 : i32
    %select_n3A_3044 = arith.select %eq3A_3042, %jit3A_3043, %jit3A_3040 : i32
    %rem3A_3045 = vector.broadcast %select_n3A_3044 : i32 to vector<16xi32>
    %rem3A_3046 = arith.remsi %get3A_3039, %rem3A_3045 : vector<16xi32>
    %ne3A_3047 = arith.constant 0 : i32
    %ne3A_3048 = vector.broadcast %ne3A_3047 : i32 to vector<16xi32>
    %ne3A_3049 = arith.cmpi ne, %rem3A_3046, %ne3A_3048 : vector<16xi32>
    %lt3A_3050 = arith.constant 0 : i32
    %lt3A_3051 = vector.broadcast %lt3A_3050 : i32 to vector<16xi32>
    %lt3A_3052 = arith.cmpi slt, %rem3A_3046, %lt3A_3051 : vector<16xi32>
    %lt3A_3053 = arith.constant 0 : i32
    %lt3A_3054 = arith.cmpi slt, %select_n3A_3044, %lt3A_3053 : i32
    %ne3A_3055 = vector.broadcast %lt3A_3054 : i1 to vector<16xi1>
    %ne3A_3056 = vector.broadcast %ne3A_3055 : vector<16xi1> to vector<16xi1>
    %ne3A_3057 = arith.xori %lt3A_3052, %ne3A_3056 : vector<16xi1>
    %and3A_3058 = arith.andi %ne3A_3057, %ne3A_3049 : vector<16xi1>
    %add3A_3059 = vector.broadcast %select_n3A_3044 : i32 to vector<16xi32>
    %add3A_3060 = arith.addi %rem3A_3046, %add3A_3059 : vector<16xi32>
    %select_n3A_3061 = arith.select %and3A_3058, %add3A_3060, %rem3A_3046 : vector<16xi1>, vector<16xi32>
    %add3A_3062 = arith.constant 0 : i32
    %add3A_3063 = vector.broadcast %add3A_3062 : i32 to vector<16xi32>
    %add3A_3064 = arith.addi %iota3A, %add3A_3063 : vector<16xi32>
    %mul3A_3065 = arith.constant 1024 : i32
    %mul3A_3066 = vector.broadcast %mul3A_3065 : i32 to vector<16xi32>
    %mul3A_3067 = arith.muli %add3A_3064, %mul3A_3066 : vector<16xi32>
    %add3A_3068 = arith.addi %mul3A_3067, %select_n3A_3061 : vector<16xi32>
    tpu.vector_store_idx %arg8[%add3A_3068], %broadcast_in_dim3A_4 : memref<32768xf32, #tpu.memory_space<vmem>>[vector<16xi32>], vector<16xf32>,
    %get3A_3069 = arith.constant 720 : index
    %get3A_3070 = tpu.vector_load %arg6[%get3A_3069] {strides = array<i32>} : memref<1024xi32, #tpu.memory_space<vmem>>, vector<16xi32>,
    %jit3A_3071 = arith.constant 1024 : i32
    %eq3A_3072 = arith.constant 0 : i32
    %eq3A_3073 = arith.cmpi eq, %jit3A_3071, %eq3A_3072 : i32
    %jit3A_3074 = arith.constant 1 : i32
    %select_n3A_3075 = arith.select %eq3A_3073, %jit3A_3074, %jit3A_3071 : i32
    %rem3A_3076 = vector.broadcast %select_n3A_3075 : i32 to vector<16xi32>
    %rem3A_3077 = arith.remsi %get3A_3070, %rem3A_3076 : vector<16xi32>
    %ne3A_3078 = arith.constant 0 : i32
    %ne3A_3079 = vector.broadcast %ne3A_3078 : i32 to vector<16xi32>
    %ne3A_3080 = arith.cmpi ne, %rem3A_3077, %ne3A_3079 : vector<16xi32>
    %lt3A_3081 = arith.constant 0 : i32
    %lt3A_3082 = vector.broadcast %lt3A_3081 : i32 to vector<16xi32>
    %lt3A_3083 = arith.cmpi slt, %rem3A_3077, %lt3A_3082 : vector<16xi32>
    %lt3A_3084 = arith.constant 0 : i32
    %lt3A_3085 = arith.cmpi slt, %select_n3A_3075, %lt3A_3084 : i32
    %ne3A_3086 = vector.broadcast %lt3A_3085 : i1 to vector<16xi1>
    %ne3A_3087 = vector.broadcast %ne3A_3086 : vector<16xi1> to vector<16xi1>
    %ne3A_3088 = arith.xori %lt3A_3083, %ne3A_3087 : vector<16xi1>
    %and3A_3089 = arith.andi %ne3A_3088, %ne3A_3080 : vector<16xi1>
    %add3A_3090 = vector.broadcast %select_n3A_3075 : i32 to vector<16xi32>
    %add3A_3091 = arith.addi %rem3A_3077, %add3A_3090 : vector<16xi32>
    %select_n3A_3092 = arith.select %and3A_3089, %add3A_3091, %rem3A_3077 : vector<16xi1>, vector<16xi32>
    %add3A_3093 = arith.constant 16 : i32
    %add3A_3094 = vector.broadcast %add3A_3093 : i32 to vector<16xi32>
    %add3A_3095 = arith.addi %iota3A, %add3A_3094 : vector<16xi32>
    %mul3A_3096 = arith.constant 1024 : i32
    %mul3A_3097 = vector.broadcast %mul3A_3096 : i32 to vector<16xi32>
    %mul3A_3098 = arith.muli %add3A_3095, %mul3A_3097 : vector<16xi32>
    %add3A_3099 = arith.addi %mul3A_3098, %select_n3A_3092 : vector<16xi32>
    tpu.vector_store_idx %arg8[%add3A_3099], %broadcast_in_dim3A_4 : memref<32768xf32, #tpu.memory_space<vmem>>[vector<16xi32>], vector<16xf32>,
    %get3A_3100 = arith.constant 768 : index
    %get3A_3101 = tpu.vector_load %arg6[%get3A_3100] {strides = array<i32>} : memref<1024xi32, #tpu.memory_space<vmem>>, vector<16xi32>,
    %jit3A_3102 = arith.constant 1024 : i32
    %eq3A_3103 = arith.constant 0 : i32
    %eq3A_3104 = arith.cmpi eq, %jit3A_3102, %eq3A_3103 : i32
    %jit3A_3105 = arith.constant 1 : i32
    %select_n3A_3106 = arith.select %eq3A_3104, %jit3A_3105, %jit3A_3102 : i32
    %rem3A_3107 = vector.broadcast %select_n3A_3106 : i32 to vector<16xi32>
    %rem3A_3108 = arith.remsi %get3A_3101, %rem3A_3107 : vector<16xi32>
    %ne3A_3109 = arith.constant 0 : i32
    %ne3A_3110 = vector.broadcast %ne3A_3109 : i32 to vector<16xi32>
    %ne3A_3111 = arith.cmpi ne, %rem3A_3108, %ne3A_3110 : vector<16xi32>
    %lt3A_3112 = arith.constant 0 : i32
    %lt3A_3113 = vector.broadcast %lt3A_3112 : i32 to vector<16xi32>
    %lt3A_3114 = arith.cmpi slt, %rem3A_3108, %lt3A_3113 : vector<16xi32>
    %lt3A_3115 = arith.constant 0 : i32
    %lt3A_3116 = arith.cmpi slt, %select_n3A_3106, %lt3A_3115 : i32
    %ne3A_3117 = vector.broadcast %lt3A_3116 : i1 to vector<16xi1>
    %ne3A_3118 = vector.broadcast %ne3A_3117 : vector<16xi1> to vector<16xi1>
    %ne3A_3119 = arith.xori %lt3A_3114, %ne3A_3118 : vector<16xi1>
    %and3A_3120 = arith.andi %ne3A_3119, %ne3A_3111 : vector<16xi1>
    %add3A_3121 = vector.broadcast %select_n3A_3106 : i32 to vector<16xi32>
    %add3A_3122 = arith.addi %rem3A_3108, %add3A_3121 : vector<16xi32>
    %select_n3A_3123 = arith.select %and3A_3120, %add3A_3122, %rem3A_3108 : vector<16xi1>, vector<16xi32>
    %add3A_3124 = arith.constant 0 : i32
    %add3A_3125 = vector.broadcast %add3A_3124 : i32 to vector<16xi32>
    %add3A_3126 = arith.addi %iota3A, %add3A_3125 : vector<16xi32>
    %mul3A_3127 = arith.constant 1024 : i32
    %mul3A_3128 = vector.broadcast %mul3A_3127 : i32 to vector<16xi32>
    %mul3A_3129 = arith.muli %add3A_3126, %mul3A_3128 : vector<16xi32>
    %add3A_3130 = arith.addi %mul3A_3129, %select_n3A_3123 : vector<16xi32>
    tpu.vector_store_idx %arg8[%add3A_3130], %get3A_3 : memref<32768xf32, #tpu.memory_space<vmem>>[vector<16xi32>], vector<16xf32>,
    %get3A_3131 = arith.constant 784 : index
    %get3A_3132 = tpu.vector_load %arg6[%get3A_3131] {strides = array<i32>} : memref<1024xi32, #tpu.memory_space<vmem>>, vector<16xi32>,
    %jit3A_3133 = arith.constant 1024 : i32
    %eq3A_3134 = arith.constant 0 : i32
    %eq3A_3135 = arith.cmpi eq, %jit3A_3133, %eq3A_3134 : i32
    %jit3A_3136 = arith.constant 1 : i32
    %select_n3A_3137 = arith.select %eq3A_3135, %jit3A_3136, %jit3A_3133 : i32
    %rem3A_3138 = vector.broadcast %select_n3A_3137 : i32 to vector<16xi32>
    %rem3A_3139 = arith.remsi %get3A_3132, %rem3A_3138 : vector<16xi32>
    %ne3A_3140 = arith.constant 0 : i32
    %ne3A_3141 = vector.broadcast %ne3A_3140 : i32 to vector<16xi32>
    %ne3A_3142 = arith.cmpi ne, %rem3A_3139, %ne3A_3141 : vector<16xi32>
    %lt3A_3143 = arith.constant 0 : i32
    %lt3A_3144 = vector.broadcast %lt3A_3143 : i32 to vector<16xi32>
    %lt3A_3145 = arith.cmpi slt, %rem3A_3139, %lt3A_3144 : vector<16xi32>
    %lt3A_3146 = arith.constant 0 : i32
    %lt3A_3147 = arith.cmpi slt, %select_n3A_3137, %lt3A_3146 : i32
    %ne3A_3148 = vector.broadcast %lt3A_3147 : i1 to vector<16xi1>
    %ne3A_3149 = vector.broadcast %ne3A_3148 : vector<16xi1> to vector<16xi1>
    %ne3A_3150 = arith.xori %lt3A_3145, %ne3A_3149 : vector<16xi1>
    %and3A_3151 = arith.andi %ne3A_3150, %ne3A_3142 : vector<16xi1>
    %add3A_3152 = vector.broadcast %select_n3A_3137 : i32 to vector<16xi32>
    %add3A_3153 = arith.addi %rem3A_3139, %add3A_3152 : vector<16xi32>
    %select_n3A_3154 = arith.select %and3A_3151, %add3A_3153, %rem3A_3139 : vector<16xi1>, vector<16xi32>
    %add3A_3155 = arith.constant 16 : i32
    %add3A_3156 = vector.broadcast %add3A_3155 : i32 to vector<16xi32>
    %add3A_3157 = arith.addi %iota3A, %add3A_3156 : vector<16xi32>
    %mul3A_3158 = arith.constant 1024 : i32
    %mul3A_3159 = vector.broadcast %mul3A_3158 : i32 to vector<16xi32>
    %mul3A_3160 = arith.muli %add3A_3157, %mul3A_3159 : vector<16xi32>
    %add3A_3161 = arith.addi %mul3A_3160, %select_n3A_3154 : vector<16xi32>
    tpu.vector_store_idx %arg8[%add3A_3161], %get3A_3 : memref<32768xf32, #tpu.memory_space<vmem>>[vector<16xi32>], vector<16xf32>,
    %add3A_3162 = arith.constant 768 : i32
    %add3A_3163 = arith.addi %mul3A_2, %add3A_3162 : i32
    %mul3A_3164 = arith.constant 1024 : i32
    %mul3A_3165 = arith.muli %add3A_3163, %mul3A_3164 : i32
    %dma_start3A_3166 = tpu.memref_slice %arg5[%mul3A_3165] : memref<33554432xf32, #tpu.memory_space<hbm>> -> memref<32768xf32, #tpu.memory_space<hbm>>
    %dma_start3A_3167 = tpu.memref_slice %arg5[%mul3A_3165] : memref<33554432xf32, #tpu.memory_space<hbm>> -> memref<32768xf32, #tpu.memory_space<hbm>>
    tpu.enqueue_dma source(%arg8 : memref<32768xf32, #tpu.memory_space<vmem>>) target(%dma_start3A_3167 : memref<32768xf32, #tpu.memory_space<hbm>>) target_semaphore(%arg10 : memref<!tpu.dma_semaphore, #tpu.memory_space<semaphore_mem>>)
    %dma_wait3A_3168 = tpu.memref_slice %arg5[%mul3A_3033] : memref<33554432xf32, #tpu.memory_space<hbm>> -> memref<32768xf32, #tpu.memory_space<hbm>>
    %dma_wait3A_3169 = tpu.memref_slice %arg5[%mul3A_3033] : memref<33554432xf32, #tpu.memory_space<hbm>> -> memref<32768xf32, #tpu.memory_space<hbm>>
    tpu.wait_dma2 semaphore(%arg11 : memref<!tpu.dma_semaphore, #tpu.memory_space<semaphore_mem>>) src(%arg9 : memref<32768xf32, #tpu.memory_space<vmem>>) dst(%dma_wait3A_3169 : memref<32768xf32, #tpu.memory_space<hbm>>)
    %get3A_3170 = arith.constant 736 : index
    %get3A_3171 = tpu.vector_load %arg6[%get3A_3170] {strides = array<i32>} : memref<1024xi32, #tpu.memory_space<vmem>>, vector<16xi32>,
    %jit3A_3172 = arith.constant 1024 : i32
    %eq3A_3173 = arith.constant 0 : i32
    %eq3A_3174 = arith.cmpi eq, %jit3A_3172, %eq3A_3173 : i32
    %jit3A_3175 = arith.constant 1 : i32
    %select_n3A_3176 = arith.select %eq3A_3174, %jit3A_3175, %jit3A_3172 : i32
    %rem3A_3177 = vector.broadcast %select_n3A_3176 : i32 to vector<16xi32>
    %rem3A_3178 = arith.remsi %get3A_3171, %rem3A_3177 : vector<16xi32>
    %ne3A_3179 = arith.constant 0 : i32
    %ne3A_3180 = vector.broadcast %ne3A_3179 : i32 to vector<16xi32>
    %ne3A_3181 = arith.cmpi ne, %rem3A_3178, %ne3A_3180 : vector<16xi32>
    %lt3A_3182 = arith.constant 0 : i32
    %lt3A_3183 = vector.broadcast %lt3A_3182 : i32 to vector<16xi32>
    %lt3A_3184 = arith.cmpi slt, %rem3A_3178, %lt3A_3183 : vector<16xi32>
    %lt3A_3185 = arith.constant 0 : i32
    %lt3A_3186 = arith.cmpi slt, %select_n3A_3176, %lt3A_3185 : i32
    %ne3A_3187 = vector.broadcast %lt3A_3186 : i1 to vector<16xi1>
    %ne3A_3188 = vector.broadcast %ne3A_3187 : vector<16xi1> to vector<16xi1>
    %ne3A_3189 = arith.xori %lt3A_3184, %ne3A_3188 : vector<16xi1>
    %and3A_3190 = arith.andi %ne3A_3189, %ne3A_3181 : vector<16xi1>
    %add3A_3191 = vector.broadcast %select_n3A_3176 : i32 to vector<16xi32>
    %add3A_3192 = arith.addi %rem3A_3178, %add3A_3191 : vector<16xi32>
    %select_n3A_3193 = arith.select %and3A_3190, %add3A_3192, %rem3A_3178 : vector<16xi1>, vector<16xi32>
    %add3A_3194 = arith.constant 0 : i32
    %add3A_3195 = vector.broadcast %add3A_3194 : i32 to vector<16xi32>
    %add3A_3196 = arith.addi %iota3A, %add3A_3195 : vector<16xi32>
    %mul3A_3197 = arith.constant 1024 : i32
    %mul3A_3198 = vector.broadcast %mul3A_3197 : i32 to vector<16xi32>
    %mul3A_3199 = arith.muli %add3A_3196, %mul3A_3198 : vector<16xi32>
    %add3A_3200 = arith.addi %mul3A_3199, %select_n3A_3193 : vector<16xi32>
    tpu.vector_store_idx %arg9[%add3A_3200], %broadcast_in_dim3A_4 : memref<32768xf32, #tpu.memory_space<vmem>>[vector<16xi32>], vector<16xf32>,
    %get3A_3201 = arith.constant 752 : index
    %get3A_3202 = tpu.vector_load %arg6[%get3A_3201] {strides = array<i32>} : memref<1024xi32, #tpu.memory_space<vmem>>, vector<16xi32>,
    %jit3A_3203 = arith.constant 1024 : i32
    %eq3A_3204 = arith.constant 0 : i32
    %eq3A_3205 = arith.cmpi eq, %jit3A_3203, %eq3A_3204 : i32
    %jit3A_3206 = arith.constant 1 : i32
    %select_n3A_3207 = arith.select %eq3A_3205, %jit3A_3206, %jit3A_3203 : i32
    %rem3A_3208 = vector.broadcast %select_n3A_3207 : i32 to vector<16xi32>
    %rem3A_3209 = arith.remsi %get3A_3202, %rem3A_3208 : vector<16xi32>
    %ne3A_3210 = arith.constant 0 : i32
    %ne3A_3211 = vector.broadcast %ne3A_3210 : i32 to vector<16xi32>
    %ne3A_3212 = arith.cmpi ne, %rem3A_3209, %ne3A_3211 : vector<16xi32>
    %lt3A_3213 = arith.constant 0 : i32
    %lt3A_3214 = vector.broadcast %lt3A_3213 : i32 to vector<16xi32>
    %lt3A_3215 = arith.cmpi slt, %rem3A_3209, %lt3A_3214 : vector<16xi32>
    %lt3A_3216 = arith.constant 0 : i32
    %lt3A_3217 = arith.cmpi slt, %select_n3A_3207, %lt3A_3216 : i32
    %ne3A_3218 = vector.broadcast %lt3A_3217 : i1 to vector<16xi1>
    %ne3A_3219 = vector.broadcast %ne3A_3218 : vector<16xi1> to vector<16xi1>
    %ne3A_3220 = arith.xori %lt3A_3215, %ne3A_3219 : vector<16xi1>
    %and3A_3221 = arith.andi %ne3A_3220, %ne3A_3212 : vector<16xi1>
    %add3A_3222 = vector.broadcast %select_n3A_3207 : i32 to vector<16xi32>
    %add3A_3223 = arith.addi %rem3A_3209, %add3A_3222 : vector<16xi32>
    %select_n3A_3224 = arith.select %and3A_3221, %add3A_3223, %rem3A_3209 : vector<16xi1>, vector<16xi32>
    %add3A_3225 = arith.constant 16 : i32
    %add3A_3226 = vector.broadcast %add3A_3225 : i32 to vector<16xi32>
    %add3A_3227 = arith.addi %iota3A, %add3A_3226 : vector<16xi32>
    %mul3A_3228 = arith.constant 1024 : i32
    %mul3A_3229 = vector.broadcast %mul3A_3228 : i32 to vector<16xi32>
    %mul3A_3230 = arith.muli %add3A_3227, %mul3A_3229 : vector<16xi32>
    %add3A_3231 = arith.addi %mul3A_3230, %select_n3A_3224 : vector<16xi32>
    tpu.vector_store_idx %arg9[%add3A_3231], %broadcast_in_dim3A_4 : memref<32768xf32, #tpu.memory_space<vmem>>[vector<16xi32>], vector<16xf32>,
    %get3A_3232 = arith.constant 800 : index
    %get3A_3233 = tpu.vector_load %arg6[%get3A_3232] {strides = array<i32>} : memref<1024xi32, #tpu.memory_space<vmem>>, vector<16xi32>,
    %jit3A_3234 = arith.constant 1024 : i32
    %eq3A_3235 = arith.constant 0 : i32
    %eq3A_3236 = arith.cmpi eq, %jit3A_3234, %eq3A_3235 : i32
    %jit3A_3237 = arith.constant 1 : i32
    %select_n3A_3238 = arith.select %eq3A_3236, %jit3A_3237, %jit3A_3234 : i32
    %rem3A_3239 = vector.broadcast %select_n3A_3238 : i32 to vector<16xi32>
    %rem3A_3240 = arith.remsi %get3A_3233, %rem3A_3239 : vector<16xi32>
    %ne3A_3241 = arith.constant 0 : i32
    %ne3A_3242 = vector.broadcast %ne3A_3241 : i32 to vector<16xi32>
    %ne3A_3243 = arith.cmpi ne, %rem3A_3240, %ne3A_3242 : vector<16xi32>
    %lt3A_3244 = arith.constant 0 : i32
    %lt3A_3245 = vector.broadcast %lt3A_3244 : i32 to vector<16xi32>
    %lt3A_3246 = arith.cmpi slt, %rem3A_3240, %lt3A_3245 : vector<16xi32>
    %lt3A_3247 = arith.constant 0 : i32
    %lt3A_3248 = arith.cmpi slt, %select_n3A_3238, %lt3A_3247 : i32
    %ne3A_3249 = vector.broadcast %lt3A_3248 : i1 to vector<16xi1>
    %ne3A_3250 = vector.broadcast %ne3A_3249 : vector<16xi1> to vector<16xi1>
    %ne3A_3251 = arith.xori %lt3A_3246, %ne3A_3250 : vector<16xi1>
    %and3A_3252 = arith.andi %ne3A_3251, %ne3A_3243 : vector<16xi1>
    %add3A_3253 = vector.broadcast %select_n3A_3238 : i32 to vector<16xi32>
    %add3A_3254 = arith.addi %rem3A_3240, %add3A_3253 : vector<16xi32>
    %select_n3A_3255 = arith.select %and3A_3252, %add3A_3254, %rem3A_3240 : vector<16xi1>, vector<16xi32>
    %add3A_3256 = arith.constant 0 : i32
    %add3A_3257 = vector.broadcast %add3A_3256 : i32 to vector<16xi32>
    %add3A_3258 = arith.addi %iota3A, %add3A_3257 : vector<16xi32>
    %mul3A_3259 = arith.constant 1024 : i32
    %mul3A_3260 = vector.broadcast %mul3A_3259 : i32 to vector<16xi32>
    %mul3A_3261 = arith.muli %add3A_3258, %mul3A_3260 : vector<16xi32>
    %add3A_3262 = arith.addi %mul3A_3261, %select_n3A_3255 : vector<16xi32>
    tpu.vector_store_idx %arg9[%add3A_3262], %get3A_3 : memref<32768xf32, #tpu.memory_space<vmem>>[vector<16xi32>], vector<16xf32>,
    %get3A_3263 = arith.constant 816 : index
    %get3A_3264 = tpu.vector_load %arg6[%get3A_3263] {strides = array<i32>} : memref<1024xi32, #tpu.memory_space<vmem>>, vector<16xi32>,
    %jit3A_3265 = arith.constant 1024 : i32
    %eq3A_3266 = arith.constant 0 : i32
    %eq3A_3267 = arith.cmpi eq, %jit3A_3265, %eq3A_3266 : i32
    %jit3A_3268 = arith.constant 1 : i32
    %select_n3A_3269 = arith.select %eq3A_3267, %jit3A_3268, %jit3A_3265 : i32
    %rem3A_3270 = vector.broadcast %select_n3A_3269 : i32 to vector<16xi32>
    %rem3A_3271 = arith.remsi %get3A_3264, %rem3A_3270 : vector<16xi32>
    %ne3A_3272 = arith.constant 0 : i32
    %ne3A_3273 = vector.broadcast %ne3A_3272 : i32 to vector<16xi32>
    %ne3A_3274 = arith.cmpi ne, %rem3A_3271, %ne3A_3273 : vector<16xi32>
    %lt3A_3275 = arith.constant 0 : i32
    %lt3A_3276 = vector.broadcast %lt3A_3275 : i32 to vector<16xi32>
    %lt3A_3277 = arith.cmpi slt, %rem3A_3271, %lt3A_3276 : vector<16xi32>
    %lt3A_3278 = arith.constant 0 : i32
    %lt3A_3279 = arith.cmpi slt, %select_n3A_3269, %lt3A_3278 : i32
    %ne3A_3280 = vector.broadcast %lt3A_3279 : i1 to vector<16xi1>
    %ne3A_3281 = vector.broadcast %ne3A_3280 : vector<16xi1> to vector<16xi1>
    %ne3A_3282 = arith.xori %lt3A_3277, %ne3A_3281 : vector<16xi1>
    %and3A_3283 = arith.andi %ne3A_3282, %ne3A_3274 : vector<16xi1>
    %add3A_3284 = vector.broadcast %select_n3A_3269 : i32 to vector<16xi32>
    %add3A_3285 = arith.addi %rem3A_3271, %add3A_3284 : vector<16xi32>
    %select_n3A_3286 = arith.select %and3A_3283, %add3A_3285, %rem3A_3271 : vector<16xi1>, vector<16xi32>
    %add3A_3287 = arith.constant 16 : i32
    %add3A_3288 = vector.broadcast %add3A_3287 : i32 to vector<16xi32>
    %add3A_3289 = arith.addi %iota3A, %add3A_3288 : vector<16xi32>
    %mul3A_3290 = arith.constant 1024 : i32
    %mul3A_3291 = vector.broadcast %mul3A_3290 : i32 to vector<16xi32>
    %mul3A_3292 = arith.muli %add3A_3289, %mul3A_3291 : vector<16xi32>
    %add3A_3293 = arith.addi %mul3A_3292, %select_n3A_3286 : vector<16xi32>
    tpu.vector_store_idx %arg9[%add3A_3293], %get3A_3 : memref<32768xf32, #tpu.memory_space<vmem>>[vector<16xi32>], vector<16xf32>,
    %add3A_3294 = arith.constant 800 : i32
    %add3A_3295 = arith.addi %mul3A_2, %add3A_3294 : i32
    %mul3A_3296 = arith.constant 1024 : i32
    %mul3A_3297 = arith.muli %add3A_3295, %mul3A_3296 : i32
    %dma_start3A_3298 = tpu.memref_slice %arg5[%mul3A_3297] : memref<33554432xf32, #tpu.memory_space<hbm>> -> memref<32768xf32, #tpu.memory_space<hbm>>
    %dma_start3A_3299 = tpu.memref_slice %arg5[%mul3A_3297] : memref<33554432xf32, #tpu.memory_space<hbm>> -> memref<32768xf32, #tpu.memory_space<hbm>>
    tpu.enqueue_dma source(%arg9 : memref<32768xf32, #tpu.memory_space<vmem>>) target(%dma_start3A_3299 : memref<32768xf32, #tpu.memory_space<hbm>>) target_semaphore(%arg11 : memref<!tpu.dma_semaphore, #tpu.memory_space<semaphore_mem>>)
    %dma_wait3A_3300 = tpu.memref_slice %arg5[%mul3A_3165] : memref<33554432xf32, #tpu.memory_space<hbm>> -> memref<32768xf32, #tpu.memory_space<hbm>>
    %dma_wait3A_3301 = tpu.memref_slice %arg5[%mul3A_3165] : memref<33554432xf32, #tpu.memory_space<hbm>> -> memref<32768xf32, #tpu.memory_space<hbm>>
    tpu.wait_dma2 semaphore(%arg10 : memref<!tpu.dma_semaphore, #tpu.memory_space<semaphore_mem>>) src(%arg8 : memref<32768xf32, #tpu.memory_space<vmem>>) dst(%dma_wait3A_3301 : memref<32768xf32, #tpu.memory_space<hbm>>)
    %get3A_3302 = arith.constant 768 : index
    %get3A_3303 = tpu.vector_load %arg6[%get3A_3302] {strides = array<i32>} : memref<1024xi32, #tpu.memory_space<vmem>>, vector<16xi32>,
    %jit3A_3304 = arith.constant 1024 : i32
    %eq3A_3305 = arith.constant 0 : i32
    %eq3A_3306 = arith.cmpi eq, %jit3A_3304, %eq3A_3305 : i32
    %jit3A_3307 = arith.constant 1 : i32
    %select_n3A_3308 = arith.select %eq3A_3306, %jit3A_3307, %jit3A_3304 : i32
    %rem3A_3309 = vector.broadcast %select_n3A_3308 : i32 to vector<16xi32>
    %rem3A_3310 = arith.remsi %get3A_3303, %rem3A_3309 : vector<16xi32>
    %ne3A_3311 = arith.constant 0 : i32
    %ne3A_3312 = vector.broadcast %ne3A_3311 : i32 to vector<16xi32>
    %ne3A_3313 = arith.cmpi ne, %rem3A_3310, %ne3A_3312 : vector<16xi32>
    %lt3A_3314 = arith.constant 0 : i32
    %lt3A_3315 = vector.broadcast %lt3A_3314 : i32 to vector<16xi32>
    %lt3A_3316 = arith.cmpi slt, %rem3A_3310, %lt3A_3315 : vector<16xi32>
    %lt3A_3317 = arith.constant 0 : i32
    %lt3A_3318 = arith.cmpi slt, %select_n3A_3308, %lt3A_3317 : i32
    %ne3A_3319 = vector.broadcast %lt3A_3318 : i1 to vector<16xi1>
    %ne3A_3320 = vector.broadcast %ne3A_3319 : vector<16xi1> to vector<16xi1>
    %ne3A_3321 = arith.xori %lt3A_3316, %ne3A_3320 : vector<16xi1>
    %and3A_3322 = arith.andi %ne3A_3321, %ne3A_3313 : vector<16xi1>
    %add3A_3323 = vector.broadcast %select_n3A_3308 : i32 to vector<16xi32>
    %add3A_3324 = arith.addi %rem3A_3310, %add3A_3323 : vector<16xi32>
    %select_n3A_3325 = arith.select %and3A_3322, %add3A_3324, %rem3A_3310 : vector<16xi1>, vector<16xi32>
    %add3A_3326 = arith.constant 0 : i32
    %add3A_3327 = vector.broadcast %add3A_3326 : i32 to vector<16xi32>
    %add3A_3328 = arith.addi %iota3A, %add3A_3327 : vector<16xi32>
    %mul3A_3329 = arith.constant 1024 : i32
    %mul3A_3330 = vector.broadcast %mul3A_3329 : i32 to vector<16xi32>
    %mul3A_3331 = arith.muli %add3A_3328, %mul3A_3330 : vector<16xi32>
    %add3A_3332 = arith.addi %mul3A_3331, %select_n3A_3325 : vector<16xi32>
    tpu.vector_store_idx %arg8[%add3A_3332], %broadcast_in_dim3A_4 : memref<32768xf32, #tpu.memory_space<vmem>>[vector<16xi32>], vector<16xf32>,
    %get3A_3333 = arith.constant 784 : index
    %get3A_3334 = tpu.vector_load %arg6[%get3A_3333] {strides = array<i32>} : memref<1024xi32, #tpu.memory_space<vmem>>, vector<16xi32>,
    %jit3A_3335 = arith.constant 1024 : i32
    %eq3A_3336 = arith.constant 0 : i32
    %eq3A_3337 = arith.cmpi eq, %jit3A_3335, %eq3A_3336 : i32
    %jit3A_3338 = arith.constant 1 : i32
    %select_n3A_3339 = arith.select %eq3A_3337, %jit3A_3338, %jit3A_3335 : i32
    %rem3A_3340 = vector.broadcast %select_n3A_3339 : i32 to vector<16xi32>
    %rem3A_3341 = arith.remsi %get3A_3334, %rem3A_3340 : vector<16xi32>
    %ne3A_3342 = arith.constant 0 : i32
    %ne3A_3343 = vector.broadcast %ne3A_3342 : i32 to vector<16xi32>
    %ne3A_3344 = arith.cmpi ne, %rem3A_3341, %ne3A_3343 : vector<16xi32>
    %lt3A_3345 = arith.constant 0 : i32
    %lt3A_3346 = vector.broadcast %lt3A_3345 : i32 to vector<16xi32>
    %lt3A_3347 = arith.cmpi slt, %rem3A_3341, %lt3A_3346 : vector<16xi32>
    %lt3A_3348 = arith.constant 0 : i32
    %lt3A_3349 = arith.cmpi slt, %select_n3A_3339, %lt3A_3348 : i32
    %ne3A_3350 = vector.broadcast %lt3A_3349 : i1 to vector<16xi1>
    %ne3A_3351 = vector.broadcast %ne3A_3350 : vector<16xi1> to vector<16xi1>
    %ne3A_3352 = arith.xori %lt3A_3347, %ne3A_3351 : vector<16xi1>
    %and3A_3353 = arith.andi %ne3A_3352, %ne3A_3344 : vector<16xi1>
    %add3A_3354 = vector.broadcast %select_n3A_3339 : i32 to vector<16xi32>
    %add3A_3355 = arith.addi %rem3A_3341, %add3A_3354 : vector<16xi32>
    %select_n3A_3356 = arith.select %and3A_3353, %add3A_3355, %rem3A_3341 : vector<16xi1>, vector<16xi32>
    %add3A_3357 = arith.constant 16 : i32
    %add3A_3358 = vector.broadcast %add3A_3357 : i32 to vector<16xi32>
    %add3A_3359 = arith.addi %iota3A, %add3A_3358 : vector<16xi32>
    %mul3A_3360 = arith.constant 1024 : i32
    %mul3A_3361 = vector.broadcast %mul3A_3360 : i32 to vector<16xi32>
    %mul3A_3362 = arith.muli %add3A_3359, %mul3A_3361 : vector<16xi32>
    %add3A_3363 = arith.addi %mul3A_3362, %select_n3A_3356 : vector<16xi32>
    tpu.vector_store_idx %arg8[%add3A_3363], %broadcast_in_dim3A_4 : memref<32768xf32, #tpu.memory_space<vmem>>[vector<16xi32>], vector<16xf32>,
    %get3A_3364 = arith.constant 832 : index
    %get3A_3365 = tpu.vector_load %arg6[%get3A_3364] {strides = array<i32>} : memref<1024xi32, #tpu.memory_space<vmem>>, vector<16xi32>,
    %jit3A_3366 = arith.constant 1024 : i32
    %eq3A_3367 = arith.constant 0 : i32
    %eq3A_3368 = arith.cmpi eq, %jit3A_3366, %eq3A_3367 : i32
    %jit3A_3369 = arith.constant 1 : i32
    %select_n3A_3370 = arith.select %eq3A_3368, %jit3A_3369, %jit3A_3366 : i32
    %rem3A_3371 = vector.broadcast %select_n3A_3370 : i32 to vector<16xi32>
    %rem3A_3372 = arith.remsi %get3A_3365, %rem3A_3371 : vector<16xi32>
    %ne3A_3373 = arith.constant 0 : i32
    %ne3A_3374 = vector.broadcast %ne3A_3373 : i32 to vector<16xi32>
    %ne3A_3375 = arith.cmpi ne, %rem3A_3372, %ne3A_3374 : vector<16xi32>
    %lt3A_3376 = arith.constant 0 : i32
    %lt3A_3377 = vector.broadcast %lt3A_3376 : i32 to vector<16xi32>
    %lt3A_3378 = arith.cmpi slt, %rem3A_3372, %lt3A_3377 : vector<16xi32>
    %lt3A_3379 = arith.constant 0 : i32
    %lt3A_3380 = arith.cmpi slt, %select_n3A_3370, %lt3A_3379 : i32
    %ne3A_3381 = vector.broadcast %lt3A_3380 : i1 to vector<16xi1>
    %ne3A_3382 = vector.broadcast %ne3A_3381 : vector<16xi1> to vector<16xi1>
    %ne3A_3383 = arith.xori %lt3A_3378, %ne3A_3382 : vector<16xi1>
    %and3A_3384 = arith.andi %ne3A_3383, %ne3A_3375 : vector<16xi1>
    %add3A_3385 = vector.broadcast %select_n3A_3370 : i32 to vector<16xi32>
    %add3A_3386 = arith.addi %rem3A_3372, %add3A_3385 : vector<16xi32>
    %select_n3A_3387 = arith.select %and3A_3384, %add3A_3386, %rem3A_3372 : vector<16xi1>, vector<16xi32>
    %add3A_3388 = arith.constant 0 : i32
    %add3A_3389 = vector.broadcast %add3A_3388 : i32 to vector<16xi32>
    %add3A_3390 = arith.addi %iota3A, %add3A_3389 : vector<16xi32>
    %mul3A_3391 = arith.constant 1024 : i32
    %mul3A_3392 = vector.broadcast %mul3A_3391 : i32 to vector<16xi32>
    %mul3A_3393 = arith.muli %add3A_3390, %mul3A_3392 : vector<16xi32>
    %add3A_3394 = arith.addi %mul3A_3393, %select_n3A_3387 : vector<16xi32>
    tpu.vector_store_idx %arg8[%add3A_3394], %get3A_3 : memref<32768xf32, #tpu.memory_space<vmem>>[vector<16xi32>], vector<16xf32>,
    %get3A_3395 = arith.constant 848 : index
    %get3A_3396 = tpu.vector_load %arg6[%get3A_3395] {strides = array<i32>} : memref<1024xi32, #tpu.memory_space<vmem>>, vector<16xi32>,
    %jit3A_3397 = arith.constant 1024 : i32
    %eq3A_3398 = arith.constant 0 : i32
    %eq3A_3399 = arith.cmpi eq, %jit3A_3397, %eq3A_3398 : i32
    %jit3A_3400 = arith.constant 1 : i32
    %select_n3A_3401 = arith.select %eq3A_3399, %jit3A_3400, %jit3A_3397 : i32
    %rem3A_3402 = vector.broadcast %select_n3A_3401 : i32 to vector<16xi32>
    %rem3A_3403 = arith.remsi %get3A_3396, %rem3A_3402 : vector<16xi32>
    %ne3A_3404 = arith.constant 0 : i32
    %ne3A_3405 = vector.broadcast %ne3A_3404 : i32 to vector<16xi32>
    %ne3A_3406 = arith.cmpi ne, %rem3A_3403, %ne3A_3405 : vector<16xi32>
    %lt3A_3407 = arith.constant 0 : i32
    %lt3A_3408 = vector.broadcast %lt3A_3407 : i32 to vector<16xi32>
    %lt3A_3409 = arith.cmpi slt, %rem3A_3403, %lt3A_3408 : vector<16xi32>
    %lt3A_3410 = arith.constant 0 : i32
    %lt3A_3411 = arith.cmpi slt, %select_n3A_3401, %lt3A_3410 : i32
    %ne3A_3412 = vector.broadcast %lt3A_3411 : i1 to vector<16xi1>
    %ne3A_3413 = vector.broadcast %ne3A_3412 : vector<16xi1> to vector<16xi1>
    %ne3A_3414 = arith.xori %lt3A_3409, %ne3A_3413 : vector<16xi1>
    %and3A_3415 = arith.andi %ne3A_3414, %ne3A_3406 : vector<16xi1>
    %add3A_3416 = vector.broadcast %select_n3A_3401 : i32 to vector<16xi32>
    %add3A_3417 = arith.addi %rem3A_3403, %add3A_3416 : vector<16xi32>
    %select_n3A_3418 = arith.select %and3A_3415, %add3A_3417, %rem3A_3403 : vector<16xi1>, vector<16xi32>
    %add3A_3419 = arith.constant 16 : i32
    %add3A_3420 = vector.broadcast %add3A_3419 : i32 to vector<16xi32>
    %add3A_3421 = arith.addi %iota3A, %add3A_3420 : vector<16xi32>
    %mul3A_3422 = arith.constant 1024 : i32
    %mul3A_3423 = vector.broadcast %mul3A_3422 : i32 to vector<16xi32>
    %mul3A_3424 = arith.muli %add3A_3421, %mul3A_3423 : vector<16xi32>
    %add3A_3425 = arith.addi %mul3A_3424, %select_n3A_3418 : vector<16xi32>
    tpu.vector_store_idx %arg8[%add3A_3425], %get3A_3 : memref<32768xf32, #tpu.memory_space<vmem>>[vector<16xi32>], vector<16xf32>,
    %add3A_3426 = arith.constant 832 : i32
    %add3A_3427 = arith.addi %mul3A_2, %add3A_3426 : i32
    %mul3A_3428 = arith.constant 1024 : i32
    %mul3A_3429 = arith.muli %add3A_3427, %mul3A_3428 : i32
    %dma_start3A_3430 = tpu.memref_slice %arg5[%mul3A_3429] : memref<33554432xf32, #tpu.memory_space<hbm>> -> memref<32768xf32, #tpu.memory_space<hbm>>
    %dma_start3A_3431 = tpu.memref_slice %arg5[%mul3A_3429] : memref<33554432xf32, #tpu.memory_space<hbm>> -> memref<32768xf32, #tpu.memory_space<hbm>>
    tpu.enqueue_dma source(%arg8 : memref<32768xf32, #tpu.memory_space<vmem>>) target(%dma_start3A_3431 : memref<32768xf32, #tpu.memory_space<hbm>>) target_semaphore(%arg10 : memref<!tpu.dma_semaphore, #tpu.memory_space<semaphore_mem>>)
    %dma_wait3A_3432 = tpu.memref_slice %arg5[%mul3A_3297] : memref<33554432xf32, #tpu.memory_space<hbm>> -> memref<32768xf32, #tpu.memory_space<hbm>>
    %dma_wait3A_3433 = tpu.memref_slice %arg5[%mul3A_3297] : memref<33554432xf32, #tpu.memory_space<hbm>> -> memref<32768xf32, #tpu.memory_space<hbm>>
    tpu.wait_dma2 semaphore(%arg11 : memref<!tpu.dma_semaphore, #tpu.memory_space<semaphore_mem>>) src(%arg9 : memref<32768xf32, #tpu.memory_space<vmem>>) dst(%dma_wait3A_3433 : memref<32768xf32, #tpu.memory_space<hbm>>)
    %get3A_3434 = arith.constant 800 : index
    %get3A_3435 = tpu.vector_load %arg6[%get3A_3434] {strides = array<i32>} : memref<1024xi32, #tpu.memory_space<vmem>>, vector<16xi32>,
    %jit3A_3436 = arith.constant 1024 : i32
    %eq3A_3437 = arith.constant 0 : i32
    %eq3A_3438 = arith.cmpi eq, %jit3A_3436, %eq3A_3437 : i32
    %jit3A_3439 = arith.constant 1 : i32
    %select_n3A_3440 = arith.select %eq3A_3438, %jit3A_3439, %jit3A_3436 : i32
    %rem3A_3441 = vector.broadcast %select_n3A_3440 : i32 to vector<16xi32>
    %rem3A_3442 = arith.remsi %get3A_3435, %rem3A_3441 : vector<16xi32>
    %ne3A_3443 = arith.constant 0 : i32
    %ne3A_3444 = vector.broadcast %ne3A_3443 : i32 to vector<16xi32>
    %ne3A_3445 = arith.cmpi ne, %rem3A_3442, %ne3A_3444 : vector<16xi32>
    %lt3A_3446 = arith.constant 0 : i32
    %lt3A_3447 = vector.broadcast %lt3A_3446 : i32 to vector<16xi32>
    %lt3A_3448 = arith.cmpi slt, %rem3A_3442, %lt3A_3447 : vector<16xi32>
    %lt3A_3449 = arith.constant 0 : i32
    %lt3A_3450 = arith.cmpi slt, %select_n3A_3440, %lt3A_3449 : i32
    %ne3A_3451 = vector.broadcast %lt3A_3450 : i1 to vector<16xi1>
    %ne3A_3452 = vector.broadcast %ne3A_3451 : vector<16xi1> to vector<16xi1>
    %ne3A_3453 = arith.xori %lt3A_3448, %ne3A_3452 : vector<16xi1>
    %and3A_3454 = arith.andi %ne3A_3453, %ne3A_3445 : vector<16xi1>
    %add3A_3455 = vector.broadcast %select_n3A_3440 : i32 to vector<16xi32>
    %add3A_3456 = arith.addi %rem3A_3442, %add3A_3455 : vector<16xi32>
    %select_n3A_3457 = arith.select %and3A_3454, %add3A_3456, %rem3A_3442 : vector<16xi1>, vector<16xi32>
    %add3A_3458 = arith.constant 0 : i32
    %add3A_3459 = vector.broadcast %add3A_3458 : i32 to vector<16xi32>
    %add3A_3460 = arith.addi %iota3A, %add3A_3459 : vector<16xi32>
    %mul3A_3461 = arith.constant 1024 : i32
    %mul3A_3462 = vector.broadcast %mul3A_3461 : i32 to vector<16xi32>
    %mul3A_3463 = arith.muli %add3A_3460, %mul3A_3462 : vector<16xi32>
    %add3A_3464 = arith.addi %mul3A_3463, %select_n3A_3457 : vector<16xi32>
    tpu.vector_store_idx %arg9[%add3A_3464], %broadcast_in_dim3A_4 : memref<32768xf32, #tpu.memory_space<vmem>>[vector<16xi32>], vector<16xf32>,
    %get3A_3465 = arith.constant 816 : index
    %get3A_3466 = tpu.vector_load %arg6[%get3A_3465] {strides = array<i32>} : memref<1024xi32, #tpu.memory_space<vmem>>, vector<16xi32>,
    %jit3A_3467 = arith.constant 1024 : i32
    %eq3A_3468 = arith.constant 0 : i32
    %eq3A_3469 = arith.cmpi eq, %jit3A_3467, %eq3A_3468 : i32
    %jit3A_3470 = arith.constant 1 : i32
    %select_n3A_3471 = arith.select %eq3A_3469, %jit3A_3470, %jit3A_3467 : i32
    %rem3A_3472 = vector.broadcast %select_n3A_3471 : i32 to vector<16xi32>
    %rem3A_3473 = arith.remsi %get3A_3466, %rem3A_3472 : vector<16xi32>
    %ne3A_3474 = arith.constant 0 : i32
    %ne3A_3475 = vector.broadcast %ne3A_3474 : i32 to vector<16xi32>
    %ne3A_3476 = arith.cmpi ne, %rem3A_3473, %ne3A_3475 : vector<16xi32>
    %lt3A_3477 = arith.constant 0 : i32
    %lt3A_3478 = vector.broadcast %lt3A_3477 : i32 to vector<16xi32>
    %lt3A_3479 = arith.cmpi slt, %rem3A_3473, %lt3A_3478 : vector<16xi32>
    %lt3A_3480 = arith.constant 0 : i32
    %lt3A_3481 = arith.cmpi slt, %select_n3A_3471, %lt3A_3480 : i32
    %ne3A_3482 = vector.broadcast %lt3A_3481 : i1 to vector<16xi1>
    %ne3A_3483 = vector.broadcast %ne3A_3482 : vector<16xi1> to vector<16xi1>
    %ne3A_3484 = arith.xori %lt3A_3479, %ne3A_3483 : vector<16xi1>
    %and3A_3485 = arith.andi %ne3A_3484, %ne3A_3476 : vector<16xi1>
    %add3A_3486 = vector.broadcast %select_n3A_3471 : i32 to vector<16xi32>
    %add3A_3487 = arith.addi %rem3A_3473, %add3A_3486 : vector<16xi32>
    %select_n3A_3488 = arith.select %and3A_3485, %add3A_3487, %rem3A_3473 : vector<16xi1>, vector<16xi32>
    %add3A_3489 = arith.constant 16 : i32
    %add3A_3490 = vector.broadcast %add3A_3489 : i32 to vector<16xi32>
    %add3A_3491 = arith.addi %iota3A, %add3A_3490 : vector<16xi32>
    %mul3A_3492 = arith.constant 1024 : i32
    %mul3A_3493 = vector.broadcast %mul3A_3492 : i32 to vector<16xi32>
    %mul3A_3494 = arith.muli %add3A_3491, %mul3A_3493 : vector<16xi32>
    %add3A_3495 = arith.addi %mul3A_3494, %select_n3A_3488 : vector<16xi32>
    tpu.vector_store_idx %arg9[%add3A_3495], %broadcast_in_dim3A_4 : memref<32768xf32, #tpu.memory_space<vmem>>[vector<16xi32>], vector<16xf32>,
    %get3A_3496 = arith.constant 864 : index
    %get3A_3497 = tpu.vector_load %arg6[%get3A_3496] {strides = array<i32>} : memref<1024xi32, #tpu.memory_space<vmem>>, vector<16xi32>,
    %jit3A_3498 = arith.constant 1024 : i32
    %eq3A_3499 = arith.constant 0 : i32
    %eq3A_3500 = arith.cmpi eq, %jit3A_3498, %eq3A_3499 : i32
    %jit3A_3501 = arith.constant 1 : i32
    %select_n3A_3502 = arith.select %eq3A_3500, %jit3A_3501, %jit3A_3498 : i32
    %rem3A_3503 = vector.broadcast %select_n3A_3502 : i32 to vector<16xi32>
    %rem3A_3504 = arith.remsi %get3A_3497, %rem3A_3503 : vector<16xi32>
    %ne3A_3505 = arith.constant 0 : i32
    %ne3A_3506 = vector.broadcast %ne3A_3505 : i32 to vector<16xi32>
    %ne3A_3507 = arith.cmpi ne, %rem3A_3504, %ne3A_3506 : vector<16xi32>
    %lt3A_3508 = arith.constant 0 : i32
    %lt3A_3509 = vector.broadcast %lt3A_3508 : i32 to vector<16xi32>
    %lt3A_3510 = arith.cmpi slt, %rem3A_3504, %lt3A_3509 : vector<16xi32>
    %lt3A_3511 = arith.constant 0 : i32
    %lt3A_3512 = arith.cmpi slt, %select_n3A_3502, %lt3A_3511 : i32
    %ne3A_3513 = vector.broadcast %lt3A_3512 : i1 to vector<16xi1>
    %ne3A_3514 = vector.broadcast %ne3A_3513 : vector<16xi1> to vector<16xi1>
    %ne3A_3515 = arith.xori %lt3A_3510, %ne3A_3514 : vector<16xi1>
    %and3A_3516 = arith.andi %ne3A_3515, %ne3A_3507 : vector<16xi1>
    %add3A_3517 = vector.broadcast %select_n3A_3502 : i32 to vector<16xi32>
    %add3A_3518 = arith.addi %rem3A_3504, %add3A_3517 : vector<16xi32>
    %select_n3A_3519 = arith.select %and3A_3516, %add3A_3518, %rem3A_3504 : vector<16xi1>, vector<16xi32>
    %add3A_3520 = arith.constant 0 : i32
    %add3A_3521 = vector.broadcast %add3A_3520 : i32 to vector<16xi32>
    %add3A_3522 = arith.addi %iota3A, %add3A_3521 : vector<16xi32>
    %mul3A_3523 = arith.constant 1024 : i32
    %mul3A_3524 = vector.broadcast %mul3A_3523 : i32 to vector<16xi32>
    %mul3A_3525 = arith.muli %add3A_3522, %mul3A_3524 : vector<16xi32>
    %add3A_3526 = arith.addi %mul3A_3525, %select_n3A_3519 : vector<16xi32>
    tpu.vector_store_idx %arg9[%add3A_3526], %get3A_3 : memref<32768xf32, #tpu.memory_space<vmem>>[vector<16xi32>], vector<16xf32>,
    %get3A_3527 = arith.constant 880 : index
    %get3A_3528 = tpu.vector_load %arg6[%get3A_3527] {strides = array<i32>} : memref<1024xi32, #tpu.memory_space<vmem>>, vector<16xi32>,
    %jit3A_3529 = arith.constant 1024 : i32
    %eq3A_3530 = arith.constant 0 : i32
    %eq3A_3531 = arith.cmpi eq, %jit3A_3529, %eq3A_3530 : i32
    %jit3A_3532 = arith.constant 1 : i32
    %select_n3A_3533 = arith.select %eq3A_3531, %jit3A_3532, %jit3A_3529 : i32
    %rem3A_3534 = vector.broadcast %select_n3A_3533 : i32 to vector<16xi32>
    %rem3A_3535 = arith.remsi %get3A_3528, %rem3A_3534 : vector<16xi32>
    %ne3A_3536 = arith.constant 0 : i32
    %ne3A_3537 = vector.broadcast %ne3A_3536 : i32 to vector<16xi32>
    %ne3A_3538 = arith.cmpi ne, %rem3A_3535, %ne3A_3537 : vector<16xi32>
    %lt3A_3539 = arith.constant 0 : i32
    %lt3A_3540 = vector.broadcast %lt3A_3539 : i32 to vector<16xi32>
    %lt3A_3541 = arith.cmpi slt, %rem3A_3535, %lt3A_3540 : vector<16xi32>
    %lt3A_3542 = arith.constant 0 : i32
    %lt3A_3543 = arith.cmpi slt, %select_n3A_3533, %lt3A_3542 : i32
    %ne3A_3544 = vector.broadcast %lt3A_3543 : i1 to vector<16xi1>
    %ne3A_3545 = vector.broadcast %ne3A_3544 : vector<16xi1> to vector<16xi1>
    %ne3A_3546 = arith.xori %lt3A_3541, %ne3A_3545 : vector<16xi1>
    %and3A_3547 = arith.andi %ne3A_3546, %ne3A_3538 : vector<16xi1>
    %add3A_3548 = vector.broadcast %select_n3A_3533 : i32 to vector<16xi32>
    %add3A_3549 = arith.addi %rem3A_3535, %add3A_3548 : vector<16xi32>
    %select_n3A_3550 = arith.select %and3A_3547, %add3A_3549, %rem3A_3535 : vector<16xi1>, vector<16xi32>
    %add3A_3551 = arith.constant 16 : i32
    %add3A_3552 = vector.broadcast %add3A_3551 : i32 to vector<16xi32>
    %add3A_3553 = arith.addi %iota3A, %add3A_3552 : vector<16xi32>
    %mul3A_3554 = arith.constant 1024 : i32
    %mul3A_3555 = vector.broadcast %mul3A_3554 : i32 to vector<16xi32>
    %mul3A_3556 = arith.muli %add3A_3553, %mul3A_3555 : vector<16xi32>
    %add3A_3557 = arith.addi %mul3A_3556, %select_n3A_3550 : vector<16xi32>
    tpu.vector_store_idx %arg9[%add3A_3557], %get3A_3 : memref<32768xf32, #tpu.memory_space<vmem>>[vector<16xi32>], vector<16xf32>,
    %add3A_3558 = arith.constant 864 : i32
    %add3A_3559 = arith.addi %mul3A_2, %add3A_3558 : i32
    %mul3A_3560 = arith.constant 1024 : i32
    %mul3A_3561 = arith.muli %add3A_3559, %mul3A_3560 : i32
    %dma_start3A_3562 = tpu.memref_slice %arg5[%mul3A_3561] : memref<33554432xf32, #tpu.memory_space<hbm>> -> memref<32768xf32, #tpu.memory_space<hbm>>
    %dma_start3A_3563 = tpu.memref_slice %arg5[%mul3A_3561] : memref<33554432xf32, #tpu.memory_space<hbm>> -> memref<32768xf32, #tpu.memory_space<hbm>>
    tpu.enqueue_dma source(%arg9 : memref<32768xf32, #tpu.memory_space<vmem>>) target(%dma_start3A_3563 : memref<32768xf32, #tpu.memory_space<hbm>>) target_semaphore(%arg11 : memref<!tpu.dma_semaphore, #tpu.memory_space<semaphore_mem>>)
    %dma_wait3A_3564 = tpu.memref_slice %arg5[%mul3A_3429] : memref<33554432xf32, #tpu.memory_space<hbm>> -> memref<32768xf32, #tpu.memory_space<hbm>>
    %dma_wait3A_3565 = tpu.memref_slice %arg5[%mul3A_3429] : memref<33554432xf32, #tpu.memory_space<hbm>> -> memref<32768xf32, #tpu.memory_space<hbm>>
    tpu.wait_dma2 semaphore(%arg10 : memref<!tpu.dma_semaphore, #tpu.memory_space<semaphore_mem>>) src(%arg8 : memref<32768xf32, #tpu.memory_space<vmem>>) dst(%dma_wait3A_3565 : memref<32768xf32, #tpu.memory_space<hbm>>)
    %get3A_3566 = arith.constant 832 : index
    %get3A_3567 = tpu.vector_load %arg6[%get3A_3566] {strides = array<i32>} : memref<1024xi32, #tpu.memory_space<vmem>>, vector<16xi32>,
    %jit3A_3568 = arith.constant 1024 : i32
    %eq3A_3569 = arith.constant 0 : i32
    %eq3A_3570 = arith.cmpi eq, %jit3A_3568, %eq3A_3569 : i32
    %jit3A_3571 = arith.constant 1 : i32
    %select_n3A_3572 = arith.select %eq3A_3570, %jit3A_3571, %jit3A_3568 : i32
    %rem3A_3573 = vector.broadcast %select_n3A_3572 : i32 to vector<16xi32>
    %rem3A_3574 = arith.remsi %get3A_3567, %rem3A_3573 : vector<16xi32>
    %ne3A_3575 = arith.constant 0 : i32
    %ne3A_3576 = vector.broadcast %ne3A_3575 : i32 to vector<16xi32>
    %ne3A_3577 = arith.cmpi ne, %rem3A_3574, %ne3A_3576 : vector<16xi32>
    %lt3A_3578 = arith.constant 0 : i32
    %lt3A_3579 = vector.broadcast %lt3A_3578 : i32 to vector<16xi32>
    %lt3A_3580 = arith.cmpi slt, %rem3A_3574, %lt3A_3579 : vector<16xi32>
    %lt3A_3581 = arith.constant 0 : i32
    %lt3A_3582 = arith.cmpi slt, %select_n3A_3572, %lt3A_3581 : i32
    %ne3A_3583 = vector.broadcast %lt3A_3582 : i1 to vector<16xi1>
    %ne3A_3584 = vector.broadcast %ne3A_3583 : vector<16xi1> to vector<16xi1>
    %ne3A_3585 = arith.xori %lt3A_3580, %ne3A_3584 : vector<16xi1>
    %and3A_3586 = arith.andi %ne3A_3585, %ne3A_3577 : vector<16xi1>
    %add3A_3587 = vector.broadcast %select_n3A_3572 : i32 to vector<16xi32>
    %add3A_3588 = arith.addi %rem3A_3574, %add3A_3587 : vector<16xi32>
    %select_n3A_3589 = arith.select %and3A_3586, %add3A_3588, %rem3A_3574 : vector<16xi1>, vector<16xi32>
    %add3A_3590 = arith.constant 0 : i32
    %add3A_3591 = vector.broadcast %add3A_3590 : i32 to vector<16xi32>
    %add3A_3592 = arith.addi %iota3A, %add3A_3591 : vector<16xi32>
    %mul3A_3593 = arith.constant 1024 : i32
    %mul3A_3594 = vector.broadcast %mul3A_3593 : i32 to vector<16xi32>
    %mul3A_3595 = arith.muli %add3A_3592, %mul3A_3594 : vector<16xi32>
    %add3A_3596 = arith.addi %mul3A_3595, %select_n3A_3589 : vector<16xi32>
    tpu.vector_store_idx %arg8[%add3A_3596], %broadcast_in_dim3A_4 : memref<32768xf32, #tpu.memory_space<vmem>>[vector<16xi32>], vector<16xf32>,
    %get3A_3597 = arith.constant 848 : index
    %get3A_3598 = tpu.vector_load %arg6[%get3A_3597] {strides = array<i32>} : memref<1024xi32, #tpu.memory_space<vmem>>, vector<16xi32>,
    %jit3A_3599 = arith.constant 1024 : i32
    %eq3A_3600 = arith.constant 0 : i32
    %eq3A_3601 = arith.cmpi eq, %jit3A_3599, %eq3A_3600 : i32
    %jit3A_3602 = arith.constant 1 : i32
    %select_n3A_3603 = arith.select %eq3A_3601, %jit3A_3602, %jit3A_3599 : i32
    %rem3A_3604 = vector.broadcast %select_n3A_3603 : i32 to vector<16xi32>
    %rem3A_3605 = arith.remsi %get3A_3598, %rem3A_3604 : vector<16xi32>
    %ne3A_3606 = arith.constant 0 : i32
    %ne3A_3607 = vector.broadcast %ne3A_3606 : i32 to vector<16xi32>
    %ne3A_3608 = arith.cmpi ne, %rem3A_3605, %ne3A_3607 : vector<16xi32>
    %lt3A_3609 = arith.constant 0 : i32
    %lt3A_3610 = vector.broadcast %lt3A_3609 : i32 to vector<16xi32>
    %lt3A_3611 = arith.cmpi slt, %rem3A_3605, %lt3A_3610 : vector<16xi32>
    %lt3A_3612 = arith.constant 0 : i32
    %lt3A_3613 = arith.cmpi slt, %select_n3A_3603, %lt3A_3612 : i32
    %ne3A_3614 = vector.broadcast %lt3A_3613 : i1 to vector<16xi1>
    %ne3A_3615 = vector.broadcast %ne3A_3614 : vector<16xi1> to vector<16xi1>
    %ne3A_3616 = arith.xori %lt3A_3611, %ne3A_3615 : vector<16xi1>
    %and3A_3617 = arith.andi %ne3A_3616, %ne3A_3608 : vector<16xi1>
    %add3A_3618 = vector.broadcast %select_n3A_3603 : i32 to vector<16xi32>
    %add3A_3619 = arith.addi %rem3A_3605, %add3A_3618 : vector<16xi32>
    %select_n3A_3620 = arith.select %and3A_3617, %add3A_3619, %rem3A_3605 : vector<16xi1>, vector<16xi32>
    %add3A_3621 = arith.constant 16 : i32
    %add3A_3622 = vector.broadcast %add3A_3621 : i32 to vector<16xi32>
    %add3A_3623 = arith.addi %iota3A, %add3A_3622 : vector<16xi32>
    %mul3A_3624 = arith.constant 1024 : i32
    %mul3A_3625 = vector.broadcast %mul3A_3624 : i32 to vector<16xi32>
    %mul3A_3626 = arith.muli %add3A_3623, %mul3A_3625 : vector<16xi32>
    %add3A_3627 = arith.addi %mul3A_3626, %select_n3A_3620 : vector<16xi32>
    tpu.vector_store_idx %arg8[%add3A_3627], %broadcast_in_dim3A_4 : memref<32768xf32, #tpu.memory_space<vmem>>[vector<16xi32>], vector<16xf32>,
    %get3A_3628 = arith.constant 896 : index
    %get3A_3629 = tpu.vector_load %arg6[%get3A_3628] {strides = array<i32>} : memref<1024xi32, #tpu.memory_space<vmem>>, vector<16xi32>,
    %jit3A_3630 = arith.constant 1024 : i32
    %eq3A_3631 = arith.constant 0 : i32
    %eq3A_3632 = arith.cmpi eq, %jit3A_3630, %eq3A_3631 : i32
    %jit3A_3633 = arith.constant 1 : i32
    %select_n3A_3634 = arith.select %eq3A_3632, %jit3A_3633, %jit3A_3630 : i32
    %rem3A_3635 = vector.broadcast %select_n3A_3634 : i32 to vector<16xi32>
    %rem3A_3636 = arith.remsi %get3A_3629, %rem3A_3635 : vector<16xi32>
    %ne3A_3637 = arith.constant 0 : i32
    %ne3A_3638 = vector.broadcast %ne3A_3637 : i32 to vector<16xi32>
    %ne3A_3639 = arith.cmpi ne, %rem3A_3636, %ne3A_3638 : vector<16xi32>
    %lt3A_3640 = arith.constant 0 : i32
    %lt3A_3641 = vector.broadcast %lt3A_3640 : i32 to vector<16xi32>
    %lt3A_3642 = arith.cmpi slt, %rem3A_3636, %lt3A_3641 : vector<16xi32>
    %lt3A_3643 = arith.constant 0 : i32
    %lt3A_3644 = arith.cmpi slt, %select_n3A_3634, %lt3A_3643 : i32
    %ne3A_3645 = vector.broadcast %lt3A_3644 : i1 to vector<16xi1>
    %ne3A_3646 = vector.broadcast %ne3A_3645 : vector<16xi1> to vector<16xi1>
    %ne3A_3647 = arith.xori %lt3A_3642, %ne3A_3646 : vector<16xi1>
    %and3A_3648 = arith.andi %ne3A_3647, %ne3A_3639 : vector<16xi1>
    %add3A_3649 = vector.broadcast %select_n3A_3634 : i32 to vector<16xi32>
    %add3A_3650 = arith.addi %rem3A_3636, %add3A_3649 : vector<16xi32>
    %select_n3A_3651 = arith.select %and3A_3648, %add3A_3650, %rem3A_3636 : vector<16xi1>, vector<16xi32>
    %add3A_3652 = arith.constant 0 : i32
    %add3A_3653 = vector.broadcast %add3A_3652 : i32 to vector<16xi32>
    %add3A_3654 = arith.addi %iota3A, %add3A_3653 : vector<16xi32>
    %mul3A_3655 = arith.constant 1024 : i32
    %mul3A_3656 = vector.broadcast %mul3A_3655 : i32 to vector<16xi32>
    %mul3A_3657 = arith.muli %add3A_3654, %mul3A_3656 : vector<16xi32>
    %add3A_3658 = arith.addi %mul3A_3657, %select_n3A_3651 : vector<16xi32>
    tpu.vector_store_idx %arg8[%add3A_3658], %get3A_3 : memref<32768xf32, #tpu.memory_space<vmem>>[vector<16xi32>], vector<16xf32>,
    %get3A_3659 = arith.constant 912 : index
    %get3A_3660 = tpu.vector_load %arg6[%get3A_3659] {strides = array<i32>} : memref<1024xi32, #tpu.memory_space<vmem>>, vector<16xi32>,
    %jit3A_3661 = arith.constant 1024 : i32
    %eq3A_3662 = arith.constant 0 : i32
    %eq3A_3663 = arith.cmpi eq, %jit3A_3661, %eq3A_3662 : i32
    %jit3A_3664 = arith.constant 1 : i32
    %select_n3A_3665 = arith.select %eq3A_3663, %jit3A_3664, %jit3A_3661 : i32
    %rem3A_3666 = vector.broadcast %select_n3A_3665 : i32 to vector<16xi32>
    %rem3A_3667 = arith.remsi %get3A_3660, %rem3A_3666 : vector<16xi32>
    %ne3A_3668 = arith.constant 0 : i32
    %ne3A_3669 = vector.broadcast %ne3A_3668 : i32 to vector<16xi32>
    %ne3A_3670 = arith.cmpi ne, %rem3A_3667, %ne3A_3669 : vector<16xi32>
    %lt3A_3671 = arith.constant 0 : i32
    %lt3A_3672 = vector.broadcast %lt3A_3671 : i32 to vector<16xi32>
    %lt3A_3673 = arith.cmpi slt, %rem3A_3667, %lt3A_3672 : vector<16xi32>
    %lt3A_3674 = arith.constant 0 : i32
    %lt3A_3675 = arith.cmpi slt, %select_n3A_3665, %lt3A_3674 : i32
    %ne3A_3676 = vector.broadcast %lt3A_3675 : i1 to vector<16xi1>
    %ne3A_3677 = vector.broadcast %ne3A_3676 : vector<16xi1> to vector<16xi1>
    %ne3A_3678 = arith.xori %lt3A_3673, %ne3A_3677 : vector<16xi1>
    %and3A_3679 = arith.andi %ne3A_3678, %ne3A_3670 : vector<16xi1>
    %add3A_3680 = vector.broadcast %select_n3A_3665 : i32 to vector<16xi32>
    %add3A_3681 = arith.addi %rem3A_3667, %add3A_3680 : vector<16xi32>
    %select_n3A_3682 = arith.select %and3A_3679, %add3A_3681, %rem3A_3667 : vector<16xi1>, vector<16xi32>
    %add3A_3683 = arith.constant 16 : i32
    %add3A_3684 = vector.broadcast %add3A_3683 : i32 to vector<16xi32>
    %add3A_3685 = arith.addi %iota3A, %add3A_3684 : vector<16xi32>
    %mul3A_3686 = arith.constant 1024 : i32
    %mul3A_3687 = vector.broadcast %mul3A_3686 : i32 to vector<16xi32>
    %mul3A_3688 = arith.muli %add3A_3685, %mul3A_3687 : vector<16xi32>
    %add3A_3689 = arith.addi %mul3A_3688, %select_n3A_3682 : vector<16xi32>
    tpu.vector_store_idx %arg8[%add3A_3689], %get3A_3 : memref<32768xf32, #tpu.memory_space<vmem>>[vector<16xi32>], vector<16xf32>,
    %add3A_3690 = arith.constant 896 : i32
    %add3A_3691 = arith.addi %mul3A_2, %add3A_3690 : i32
    %mul3A_3692 = arith.constant 1024 : i32
    %mul3A_3693 = arith.muli %add3A_3691, %mul3A_3692 : i32
    %dma_start3A_3694 = tpu.memref_slice %arg5[%mul3A_3693] : memref<33554432xf32, #tpu.memory_space<hbm>> -> memref<32768xf32, #tpu.memory_space<hbm>>
    %dma_start3A_3695 = tpu.memref_slice %arg5[%mul3A_3693] : memref<33554432xf32, #tpu.memory_space<hbm>> -> memref<32768xf32, #tpu.memory_space<hbm>>
    tpu.enqueue_dma source(%arg8 : memref<32768xf32, #tpu.memory_space<vmem>>) target(%dma_start3A_3695 : memref<32768xf32, #tpu.memory_space<hbm>>) target_semaphore(%arg10 : memref<!tpu.dma_semaphore, #tpu.memory_space<semaphore_mem>>)
    %dma_wait3A_3696 = tpu.memref_slice %arg5[%mul3A_3561] : memref<33554432xf32, #tpu.memory_space<hbm>> -> memref<32768xf32, #tpu.memory_space<hbm>>
    %dma_wait3A_3697 = tpu.memref_slice %arg5[%mul3A_3561] : memref<33554432xf32, #tpu.memory_space<hbm>> -> memref<32768xf32, #tpu.memory_space<hbm>>
    tpu.wait_dma2 semaphore(%arg11 : memref<!tpu.dma_semaphore, #tpu.memory_space<semaphore_mem>>) src(%arg9 : memref<32768xf32, #tpu.memory_space<vmem>>) dst(%dma_wait3A_3697 : memref<32768xf32, #tpu.memory_space<hbm>>)
    %get3A_3698 = arith.constant 864 : index
    %get3A_3699 = tpu.vector_load %arg6[%get3A_3698] {strides = array<i32>} : memref<1024xi32, #tpu.memory_space<vmem>>, vector<16xi32>,
    %jit3A_3700 = arith.constant 1024 : i32
    %eq3A_3701 = arith.constant 0 : i32
    %eq3A_3702 = arith.cmpi eq, %jit3A_3700, %eq3A_3701 : i32
    %jit3A_3703 = arith.constant 1 : i32
    %select_n3A_3704 = arith.select %eq3A_3702, %jit3A_3703, %jit3A_3700 : i32
    %rem3A_3705 = vector.broadcast %select_n3A_3704 : i32 to vector<16xi32>
    %rem3A_3706 = arith.remsi %get3A_3699, %rem3A_3705 : vector<16xi32>
    %ne3A_3707 = arith.constant 0 : i32
    %ne3A_3708 = vector.broadcast %ne3A_3707 : i32 to vector<16xi32>
    %ne3A_3709 = arith.cmpi ne, %rem3A_3706, %ne3A_3708 : vector<16xi32>
    %lt3A_3710 = arith.constant 0 : i32
    %lt3A_3711 = vector.broadcast %lt3A_3710 : i32 to vector<16xi32>
    %lt3A_3712 = arith.cmpi slt, %rem3A_3706, %lt3A_3711 : vector<16xi32>
    %lt3A_3713 = arith.constant 0 : i32
    %lt3A_3714 = arith.cmpi slt, %select_n3A_3704, %lt3A_3713 : i32
    %ne3A_3715 = vector.broadcast %lt3A_3714 : i1 to vector<16xi1>
    %ne3A_3716 = vector.broadcast %ne3A_3715 : vector<16xi1> to vector<16xi1>
    %ne3A_3717 = arith.xori %lt3A_3712, %ne3A_3716 : vector<16xi1>
    %and3A_3718 = arith.andi %ne3A_3717, %ne3A_3709 : vector<16xi1>
    %add3A_3719 = vector.broadcast %select_n3A_3704 : i32 to vector<16xi32>
    %add3A_3720 = arith.addi %rem3A_3706, %add3A_3719 : vector<16xi32>
    %select_n3A_3721 = arith.select %and3A_3718, %add3A_3720, %rem3A_3706 : vector<16xi1>, vector<16xi32>
    %add3A_3722 = arith.constant 0 : i32
    %add3A_3723 = vector.broadcast %add3A_3722 : i32 to vector<16xi32>
    %add3A_3724 = arith.addi %iota3A, %add3A_3723 : vector<16xi32>
    %mul3A_3725 = arith.constant 1024 : i32
    %mul3A_3726 = vector.broadcast %mul3A_3725 : i32 to vector<16xi32>
    %mul3A_3727 = arith.muli %add3A_3724, %mul3A_3726 : vector<16xi32>
    %add3A_3728 = arith.addi %mul3A_3727, %select_n3A_3721 : vector<16xi32>
    tpu.vector_store_idx %arg9[%add3A_3728], %broadcast_in_dim3A_4 : memref<32768xf32, #tpu.memory_space<vmem>>[vector<16xi32>], vector<16xf32>,
    %get3A_3729 = arith.constant 880 : index
    %get3A_3730 = tpu.vector_load %arg6[%get3A_3729] {strides = array<i32>} : memref<1024xi32, #tpu.memory_space<vmem>>, vector<16xi32>,
    %jit3A_3731 = arith.constant 1024 : i32
    %eq3A_3732 = arith.constant 0 : i32
    %eq3A_3733 = arith.cmpi eq, %jit3A_3731, %eq3A_3732 : i32
    %jit3A_3734 = arith.constant 1 : i32
    %select_n3A_3735 = arith.select %eq3A_3733, %jit3A_3734, %jit3A_3731 : i32
    %rem3A_3736 = vector.broadcast %select_n3A_3735 : i32 to vector<16xi32>
    %rem3A_3737 = arith.remsi %get3A_3730, %rem3A_3736 : vector<16xi32>
    %ne3A_3738 = arith.constant 0 : i32
    %ne3A_3739 = vector.broadcast %ne3A_3738 : i32 to vector<16xi32>
    %ne3A_3740 = arith.cmpi ne, %rem3A_3737, %ne3A_3739 : vector<16xi32>
    %lt3A_3741 = arith.constant 0 : i32
    %lt3A_3742 = vector.broadcast %lt3A_3741 : i32 to vector<16xi32>
    %lt3A_3743 = arith.cmpi slt, %rem3A_3737, %lt3A_3742 : vector<16xi32>
    %lt3A_3744 = arith.constant 0 : i32
    %lt3A_3745 = arith.cmpi slt, %select_n3A_3735, %lt3A_3744 : i32
    %ne3A_3746 = vector.broadcast %lt3A_3745 : i1 to vector<16xi1>
    %ne3A_3747 = vector.broadcast %ne3A_3746 : vector<16xi1> to vector<16xi1>
    %ne3A_3748 = arith.xori %lt3A_3743, %ne3A_3747 : vector<16xi1>
    %and3A_3749 = arith.andi %ne3A_3748, %ne3A_3740 : vector<16xi1>
    %add3A_3750 = vector.broadcast %select_n3A_3735 : i32 to vector<16xi32>
    %add3A_3751 = arith.addi %rem3A_3737, %add3A_3750 : vector<16xi32>
    %select_n3A_3752 = arith.select %and3A_3749, %add3A_3751, %rem3A_3737 : vector<16xi1>, vector<16xi32>
    %add3A_3753 = arith.constant 16 : i32
    %add3A_3754 = vector.broadcast %add3A_3753 : i32 to vector<16xi32>
    %add3A_3755 = arith.addi %iota3A, %add3A_3754 : vector<16xi32>
    %mul3A_3756 = arith.constant 1024 : i32
    %mul3A_3757 = vector.broadcast %mul3A_3756 : i32 to vector<16xi32>
    %mul3A_3758 = arith.muli %add3A_3755, %mul3A_3757 : vector<16xi32>
    %add3A_3759 = arith.addi %mul3A_3758, %select_n3A_3752 : vector<16xi32>
    tpu.vector_store_idx %arg9[%add3A_3759], %broadcast_in_dim3A_4 : memref<32768xf32, #tpu.memory_space<vmem>>[vector<16xi32>], vector<16xf32>,
    %get3A_3760 = arith.constant 928 : index
    %get3A_3761 = tpu.vector_load %arg6[%get3A_3760] {strides = array<i32>} : memref<1024xi32, #tpu.memory_space<vmem>>, vector<16xi32>,
    %jit3A_3762 = arith.constant 1024 : i32
    %eq3A_3763 = arith.constant 0 : i32
    %eq3A_3764 = arith.cmpi eq, %jit3A_3762, %eq3A_3763 : i32
    %jit3A_3765 = arith.constant 1 : i32
    %select_n3A_3766 = arith.select %eq3A_3764, %jit3A_3765, %jit3A_3762 : i32
    %rem3A_3767 = vector.broadcast %select_n3A_3766 : i32 to vector<16xi32>
    %rem3A_3768 = arith.remsi %get3A_3761, %rem3A_3767 : vector<16xi32>
    %ne3A_3769 = arith.constant 0 : i32
    %ne3A_3770 = vector.broadcast %ne3A_3769 : i32 to vector<16xi32>
    %ne3A_3771 = arith.cmpi ne, %rem3A_3768, %ne3A_3770 : vector<16xi32>
    %lt3A_3772 = arith.constant 0 : i32
    %lt3A_3773 = vector.broadcast %lt3A_3772 : i32 to vector<16xi32>
    %lt3A_3774 = arith.cmpi slt, %rem3A_3768, %lt3A_3773 : vector<16xi32>
    %lt3A_3775 = arith.constant 0 : i32
    %lt3A_3776 = arith.cmpi slt, %select_n3A_3766, %lt3A_3775 : i32
    %ne3A_3777 = vector.broadcast %lt3A_3776 : i1 to vector<16xi1>
    %ne3A_3778 = vector.broadcast %ne3A_3777 : vector<16xi1> to vector<16xi1>
    %ne3A_3779 = arith.xori %lt3A_3774, %ne3A_3778 : vector<16xi1>
    %and3A_3780 = arith.andi %ne3A_3779, %ne3A_3771 : vector<16xi1>
    %add3A_3781 = vector.broadcast %select_n3A_3766 : i32 to vector<16xi32>
    %add3A_3782 = arith.addi %rem3A_3768, %add3A_3781 : vector<16xi32>
    %select_n3A_3783 = arith.select %and3A_3780, %add3A_3782, %rem3A_3768 : vector<16xi1>, vector<16xi32>
    %add3A_3784 = arith.constant 0 : i32
    %add3A_3785 = vector.broadcast %add3A_3784 : i32 to vector<16xi32>
    %add3A_3786 = arith.addi %iota3A, %add3A_3785 : vector<16xi32>
    %mul3A_3787 = arith.constant 1024 : i32
    %mul3A_3788 = vector.broadcast %mul3A_3787 : i32 to vector<16xi32>
    %mul3A_3789 = arith.muli %add3A_3786, %mul3A_3788 : vector<16xi32>
    %add3A_3790 = arith.addi %mul3A_3789, %select_n3A_3783 : vector<16xi32>
    tpu.vector_store_idx %arg9[%add3A_3790], %get3A_3 : memref<32768xf32, #tpu.memory_space<vmem>>[vector<16xi32>], vector<16xf32>,
    %get3A_3791 = arith.constant 944 : index
    %get3A_3792 = tpu.vector_load %arg6[%get3A_3791] {strides = array<i32>} : memref<1024xi32, #tpu.memory_space<vmem>>, vector<16xi32>,
    %jit3A_3793 = arith.constant 1024 : i32
    %eq3A_3794 = arith.constant 0 : i32
    %eq3A_3795 = arith.cmpi eq, %jit3A_3793, %eq3A_3794 : i32
    %jit3A_3796 = arith.constant 1 : i32
    %select_n3A_3797 = arith.select %eq3A_3795, %jit3A_3796, %jit3A_3793 : i32
    %rem3A_3798 = vector.broadcast %select_n3A_3797 : i32 to vector<16xi32>
    %rem3A_3799 = arith.remsi %get3A_3792, %rem3A_3798 : vector<16xi32>
    %ne3A_3800 = arith.constant 0 : i32
    %ne3A_3801 = vector.broadcast %ne3A_3800 : i32 to vector<16xi32>
    %ne3A_3802 = arith.cmpi ne, %rem3A_3799, %ne3A_3801 : vector<16xi32>
    %lt3A_3803 = arith.constant 0 : i32
    %lt3A_3804 = vector.broadcast %lt3A_3803 : i32 to vector<16xi32>
    %lt3A_3805 = arith.cmpi slt, %rem3A_3799, %lt3A_3804 : vector<16xi32>
    %lt3A_3806 = arith.constant 0 : i32
    %lt3A_3807 = arith.cmpi slt, %select_n3A_3797, %lt3A_3806 : i32
    %ne3A_3808 = vector.broadcast %lt3A_3807 : i1 to vector<16xi1>
    %ne3A_3809 = vector.broadcast %ne3A_3808 : vector<16xi1> to vector<16xi1>
    %ne3A_3810 = arith.xori %lt3A_3805, %ne3A_3809 : vector<16xi1>
    %and3A_3811 = arith.andi %ne3A_3810, %ne3A_3802 : vector<16xi1>
    %add3A_3812 = vector.broadcast %select_n3A_3797 : i32 to vector<16xi32>
    %add3A_3813 = arith.addi %rem3A_3799, %add3A_3812 : vector<16xi32>
    %select_n3A_3814 = arith.select %and3A_3811, %add3A_3813, %rem3A_3799 : vector<16xi1>, vector<16xi32>
    %add3A_3815 = arith.constant 16 : i32
    %add3A_3816 = vector.broadcast %add3A_3815 : i32 to vector<16xi32>
    %add3A_3817 = arith.addi %iota3A, %add3A_3816 : vector<16xi32>
    %mul3A_3818 = arith.constant 1024 : i32
    %mul3A_3819 = vector.broadcast %mul3A_3818 : i32 to vector<16xi32>
    %mul3A_3820 = arith.muli %add3A_3817, %mul3A_3819 : vector<16xi32>
    %add3A_3821 = arith.addi %mul3A_3820, %select_n3A_3814 : vector<16xi32>
    tpu.vector_store_idx %arg9[%add3A_3821], %get3A_3 : memref<32768xf32, #tpu.memory_space<vmem>>[vector<16xi32>], vector<16xf32>,
    %add3A_3822 = arith.constant 928 : i32
    %add3A_3823 = arith.addi %mul3A_2, %add3A_3822 : i32
    %mul3A_3824 = arith.constant 1024 : i32
    %mul3A_3825 = arith.muli %add3A_3823, %mul3A_3824 : i32
    %dma_start3A_3826 = tpu.memref_slice %arg5[%mul3A_3825] : memref<33554432xf32, #tpu.memory_space<hbm>> -> memref<32768xf32, #tpu.memory_space<hbm>>
    %dma_start3A_3827 = tpu.memref_slice %arg5[%mul3A_3825] : memref<33554432xf32, #tpu.memory_space<hbm>> -> memref<32768xf32, #tpu.memory_space<hbm>>
    tpu.enqueue_dma source(%arg9 : memref<32768xf32, #tpu.memory_space<vmem>>) target(%dma_start3A_3827 : memref<32768xf32, #tpu.memory_space<hbm>>) target_semaphore(%arg11 : memref<!tpu.dma_semaphore, #tpu.memory_space<semaphore_mem>>)
    %dma_wait3A_3828 = tpu.memref_slice %arg5[%mul3A_3693] : memref<33554432xf32, #tpu.memory_space<hbm>> -> memref<32768xf32, #tpu.memory_space<hbm>>
    %dma_wait3A_3829 = tpu.memref_slice %arg5[%mul3A_3693] : memref<33554432xf32, #tpu.memory_space<hbm>> -> memref<32768xf32, #tpu.memory_space<hbm>>
    tpu.wait_dma2 semaphore(%arg10 : memref<!tpu.dma_semaphore, #tpu.memory_space<semaphore_mem>>) src(%arg8 : memref<32768xf32, #tpu.memory_space<vmem>>) dst(%dma_wait3A_3829 : memref<32768xf32, #tpu.memory_space<hbm>>)
    %get3A_3830 = arith.constant 896 : index
    %get3A_3831 = tpu.vector_load %arg6[%get3A_3830] {strides = array<i32>} : memref<1024xi32, #tpu.memory_space<vmem>>, vector<16xi32>,
    %jit3A_3832 = arith.constant 1024 : i32
    %eq3A_3833 = arith.constant 0 : i32
    %eq3A_3834 = arith.cmpi eq, %jit3A_3832, %eq3A_3833 : i32
    %jit3A_3835 = arith.constant 1 : i32
    %select_n3A_3836 = arith.select %eq3A_3834, %jit3A_3835, %jit3A_3832 : i32
    %rem3A_3837 = vector.broadcast %select_n3A_3836 : i32 to vector<16xi32>
    %rem3A_3838 = arith.remsi %get3A_3831, %rem3A_3837 : vector<16xi32>
    %ne3A_3839 = arith.constant 0 : i32
    %ne3A_3840 = vector.broadcast %ne3A_3839 : i32 to vector<16xi32>
    %ne3A_3841 = arith.cmpi ne, %rem3A_3838, %ne3A_3840 : vector<16xi32>
    %lt3A_3842 = arith.constant 0 : i32
    %lt3A_3843 = vector.broadcast %lt3A_3842 : i32 to vector<16xi32>
    %lt3A_3844 = arith.cmpi slt, %rem3A_3838, %lt3A_3843 : vector<16xi32>
    %lt3A_3845 = arith.constant 0 : i32
    %lt3A_3846 = arith.cmpi slt, %select_n3A_3836, %lt3A_3845 : i32
    %ne3A_3847 = vector.broadcast %lt3A_3846 : i1 to vector<16xi1>
    %ne3A_3848 = vector.broadcast %ne3A_3847 : vector<16xi1> to vector<16xi1>
    %ne3A_3849 = arith.xori %lt3A_3844, %ne3A_3848 : vector<16xi1>
    %and3A_3850 = arith.andi %ne3A_3849, %ne3A_3841 : vector<16xi1>
    %add3A_3851 = vector.broadcast %select_n3A_3836 : i32 to vector<16xi32>
    %add3A_3852 = arith.addi %rem3A_3838, %add3A_3851 : vector<16xi32>
    %select_n3A_3853 = arith.select %and3A_3850, %add3A_3852, %rem3A_3838 : vector<16xi1>, vector<16xi32>
    %add3A_3854 = arith.constant 0 : i32
    %add3A_3855 = vector.broadcast %add3A_3854 : i32 to vector<16xi32>
    %add3A_3856 = arith.addi %iota3A, %add3A_3855 : vector<16xi32>
    %mul3A_3857 = arith.constant 1024 : i32
    %mul3A_3858 = vector.broadcast %mul3A_3857 : i32 to vector<16xi32>
    %mul3A_3859 = arith.muli %add3A_3856, %mul3A_3858 : vector<16xi32>
    %add3A_3860 = arith.addi %mul3A_3859, %select_n3A_3853 : vector<16xi32>
    tpu.vector_store_idx %arg8[%add3A_3860], %broadcast_in_dim3A_4 : memref<32768xf32, #tpu.memory_space<vmem>>[vector<16xi32>], vector<16xf32>,
    %get3A_3861 = arith.constant 912 : index
    %get3A_3862 = tpu.vector_load %arg6[%get3A_3861] {strides = array<i32>} : memref<1024xi32, #tpu.memory_space<vmem>>, vector<16xi32>,
    %jit3A_3863 = arith.constant 1024 : i32
    %eq3A_3864 = arith.constant 0 : i32
    %eq3A_3865 = arith.cmpi eq, %jit3A_3863, %eq3A_3864 : i32
    %jit3A_3866 = arith.constant 1 : i32
    %select_n3A_3867 = arith.select %eq3A_3865, %jit3A_3866, %jit3A_3863 : i32
    %rem3A_3868 = vector.broadcast %select_n3A_3867 : i32 to vector<16xi32>
    %rem3A_3869 = arith.remsi %get3A_3862, %rem3A_3868 : vector<16xi32>
    %ne3A_3870 = arith.constant 0 : i32
    %ne3A_3871 = vector.broadcast %ne3A_3870 : i32 to vector<16xi32>
    %ne3A_3872 = arith.cmpi ne, %rem3A_3869, %ne3A_3871 : vector<16xi32>
    %lt3A_3873 = arith.constant 0 : i32
    %lt3A_3874 = vector.broadcast %lt3A_3873 : i32 to vector<16xi32>
    %lt3A_3875 = arith.cmpi slt, %rem3A_3869, %lt3A_3874 : vector<16xi32>
    %lt3A_3876 = arith.constant 0 : i32
    %lt3A_3877 = arith.cmpi slt, %select_n3A_3867, %lt3A_3876 : i32
    %ne3A_3878 = vector.broadcast %lt3A_3877 : i1 to vector<16xi1>
    %ne3A_3879 = vector.broadcast %ne3A_3878 : vector<16xi1> to vector<16xi1>
    %ne3A_3880 = arith.xori %lt3A_3875, %ne3A_3879 : vector<16xi1>
    %and3A_3881 = arith.andi %ne3A_3880, %ne3A_3872 : vector<16xi1>
    %add3A_3882 = vector.broadcast %select_n3A_3867 : i32 to vector<16xi32>
    %add3A_3883 = arith.addi %rem3A_3869, %add3A_3882 : vector<16xi32>
    %select_n3A_3884 = arith.select %and3A_3881, %add3A_3883, %rem3A_3869 : vector<16xi1>, vector<16xi32>
    %add3A_3885 = arith.constant 16 : i32
    %add3A_3886 = vector.broadcast %add3A_3885 : i32 to vector<16xi32>
    %add3A_3887 = arith.addi %iota3A, %add3A_3886 : vector<16xi32>
    %mul3A_3888 = arith.constant 1024 : i32
    %mul3A_3889 = vector.broadcast %mul3A_3888 : i32 to vector<16xi32>
    %mul3A_3890 = arith.muli %add3A_3887, %mul3A_3889 : vector<16xi32>
    %add3A_3891 = arith.addi %mul3A_3890, %select_n3A_3884 : vector<16xi32>
    tpu.vector_store_idx %arg8[%add3A_3891], %broadcast_in_dim3A_4 : memref<32768xf32, #tpu.memory_space<vmem>>[vector<16xi32>], vector<16xf32>,
    %get3A_3892 = arith.constant 960 : index
    %get3A_3893 = tpu.vector_load %arg6[%get3A_3892] {strides = array<i32>} : memref<1024xi32, #tpu.memory_space<vmem>>, vector<16xi32>,
    %jit3A_3894 = arith.constant 1024 : i32
    %eq3A_3895 = arith.constant 0 : i32
    %eq3A_3896 = arith.cmpi eq, %jit3A_3894, %eq3A_3895 : i32
    %jit3A_3897 = arith.constant 1 : i32
    %select_n3A_3898 = arith.select %eq3A_3896, %jit3A_3897, %jit3A_3894 : i32
    %rem3A_3899 = vector.broadcast %select_n3A_3898 : i32 to vector<16xi32>
    %rem3A_3900 = arith.remsi %get3A_3893, %rem3A_3899 : vector<16xi32>
    %ne3A_3901 = arith.constant 0 : i32
    %ne3A_3902 = vector.broadcast %ne3A_3901 : i32 to vector<16xi32>
    %ne3A_3903 = arith.cmpi ne, %rem3A_3900, %ne3A_3902 : vector<16xi32>
    %lt3A_3904 = arith.constant 0 : i32
    %lt3A_3905 = vector.broadcast %lt3A_3904 : i32 to vector<16xi32>
    %lt3A_3906 = arith.cmpi slt, %rem3A_3900, %lt3A_3905 : vector<16xi32>
    %lt3A_3907 = arith.constant 0 : i32
    %lt3A_3908 = arith.cmpi slt, %select_n3A_3898, %lt3A_3907 : i32
    %ne3A_3909 = vector.broadcast %lt3A_3908 : i1 to vector<16xi1>
    %ne3A_3910 = vector.broadcast %ne3A_3909 : vector<16xi1> to vector<16xi1>
    %ne3A_3911 = arith.xori %lt3A_3906, %ne3A_3910 : vector<16xi1>
    %and3A_3912 = arith.andi %ne3A_3911, %ne3A_3903 : vector<16xi1>
    %add3A_3913 = vector.broadcast %select_n3A_3898 : i32 to vector<16xi32>
    %add3A_3914 = arith.addi %rem3A_3900, %add3A_3913 : vector<16xi32>
    %select_n3A_3915 = arith.select %and3A_3912, %add3A_3914, %rem3A_3900 : vector<16xi1>, vector<16xi32>
    %add3A_3916 = arith.constant 0 : i32
    %add3A_3917 = vector.broadcast %add3A_3916 : i32 to vector<16xi32>
    %add3A_3918 = arith.addi %iota3A, %add3A_3917 : vector<16xi32>
    %mul3A_3919 = arith.constant 1024 : i32
    %mul3A_3920 = vector.broadcast %mul3A_3919 : i32 to vector<16xi32>
    %mul3A_3921 = arith.muli %add3A_3918, %mul3A_3920 : vector<16xi32>
    %add3A_3922 = arith.addi %mul3A_3921, %select_n3A_3915 : vector<16xi32>
    tpu.vector_store_idx %arg8[%add3A_3922], %get3A_3 : memref<32768xf32, #tpu.memory_space<vmem>>[vector<16xi32>], vector<16xf32>,
    %get3A_3923 = arith.constant 976 : index
    %get3A_3924 = tpu.vector_load %arg6[%get3A_3923] {strides = array<i32>} : memref<1024xi32, #tpu.memory_space<vmem>>, vector<16xi32>,
    %jit3A_3925 = arith.constant 1024 : i32
    %eq3A_3926 = arith.constant 0 : i32
    %eq3A_3927 = arith.cmpi eq, %jit3A_3925, %eq3A_3926 : i32
    %jit3A_3928 = arith.constant 1 : i32
    %select_n3A_3929 = arith.select %eq3A_3927, %jit3A_3928, %jit3A_3925 : i32
    %rem3A_3930 = vector.broadcast %select_n3A_3929 : i32 to vector<16xi32>
    %rem3A_3931 = arith.remsi %get3A_3924, %rem3A_3930 : vector<16xi32>
    %ne3A_3932 = arith.constant 0 : i32
    %ne3A_3933 = vector.broadcast %ne3A_3932 : i32 to vector<16xi32>
    %ne3A_3934 = arith.cmpi ne, %rem3A_3931, %ne3A_3933 : vector<16xi32>
    %lt3A_3935 = arith.constant 0 : i32
    %lt3A_3936 = vector.broadcast %lt3A_3935 : i32 to vector<16xi32>
    %lt3A_3937 = arith.cmpi slt, %rem3A_3931, %lt3A_3936 : vector<16xi32>
    %lt3A_3938 = arith.constant 0 : i32
    %lt3A_3939 = arith.cmpi slt, %select_n3A_3929, %lt3A_3938 : i32
    %ne3A_3940 = vector.broadcast %lt3A_3939 : i1 to vector<16xi1>
    %ne3A_3941 = vector.broadcast %ne3A_3940 : vector<16xi1> to vector<16xi1>
    %ne3A_3942 = arith.xori %lt3A_3937, %ne3A_3941 : vector<16xi1>
    %and3A_3943 = arith.andi %ne3A_3942, %ne3A_3934 : vector<16xi1>
    %add3A_3944 = vector.broadcast %select_n3A_3929 : i32 to vector<16xi32>
    %add3A_3945 = arith.addi %rem3A_3931, %add3A_3944 : vector<16xi32>
    %select_n3A_3946 = arith.select %and3A_3943, %add3A_3945, %rem3A_3931 : vector<16xi1>, vector<16xi32>
    %add3A_3947 = arith.constant 16 : i32
    %add3A_3948 = vector.broadcast %add3A_3947 : i32 to vector<16xi32>
    %add3A_3949 = arith.addi %iota3A, %add3A_3948 : vector<16xi32>
    %mul3A_3950 = arith.constant 1024 : i32
    %mul3A_3951 = vector.broadcast %mul3A_3950 : i32 to vector<16xi32>
    %mul3A_3952 = arith.muli %add3A_3949, %mul3A_3951 : vector<16xi32>
    %add3A_3953 = arith.addi %mul3A_3952, %select_n3A_3946 : vector<16xi32>
    tpu.vector_store_idx %arg8[%add3A_3953], %get3A_3 : memref<32768xf32, #tpu.memory_space<vmem>>[vector<16xi32>], vector<16xf32>,
    %add3A_3954 = arith.constant 960 : i32
    %add3A_3955 = arith.addi %mul3A_2, %add3A_3954 : i32
    %mul3A_3956 = arith.constant 1024 : i32
    %mul3A_3957 = arith.muli %add3A_3955, %mul3A_3956 : i32
    %dma_start3A_3958 = tpu.memref_slice %arg5[%mul3A_3957] : memref<33554432xf32, #tpu.memory_space<hbm>> -> memref<32768xf32, #tpu.memory_space<hbm>>
    %dma_start3A_3959 = tpu.memref_slice %arg5[%mul3A_3957] : memref<33554432xf32, #tpu.memory_space<hbm>> -> memref<32768xf32, #tpu.memory_space<hbm>>
    tpu.enqueue_dma source(%arg8 : memref<32768xf32, #tpu.memory_space<vmem>>) target(%dma_start3A_3959 : memref<32768xf32, #tpu.memory_space<hbm>>) target_semaphore(%arg10 : memref<!tpu.dma_semaphore, #tpu.memory_space<semaphore_mem>>)
    %dma_wait3A_3960 = tpu.memref_slice %arg5[%mul3A_3825] : memref<33554432xf32, #tpu.memory_space<hbm>> -> memref<32768xf32, #tpu.memory_space<hbm>>
    %dma_wait3A_3961 = tpu.memref_slice %arg5[%mul3A_3825] : memref<33554432xf32, #tpu.memory_space<hbm>> -> memref<32768xf32, #tpu.memory_space<hbm>>
    tpu.wait_dma2 semaphore(%arg11 : memref<!tpu.dma_semaphore, #tpu.memory_space<semaphore_mem>>) src(%arg9 : memref<32768xf32, #tpu.memory_space<vmem>>) dst(%dma_wait3A_3961 : memref<32768xf32, #tpu.memory_space<hbm>>)
    %get3A_3962 = arith.constant 928 : index
    %get3A_3963 = tpu.vector_load %arg6[%get3A_3962] {strides = array<i32>} : memref<1024xi32, #tpu.memory_space<vmem>>, vector<16xi32>,
    %jit3A_3964 = arith.constant 1024 : i32
    %eq3A_3965 = arith.constant 0 : i32
    %eq3A_3966 = arith.cmpi eq, %jit3A_3964, %eq3A_3965 : i32
    %jit3A_3967 = arith.constant 1 : i32
    %select_n3A_3968 = arith.select %eq3A_3966, %jit3A_3967, %jit3A_3964 : i32
    %rem3A_3969 = vector.broadcast %select_n3A_3968 : i32 to vector<16xi32>
    %rem3A_3970 = arith.remsi %get3A_3963, %rem3A_3969 : vector<16xi32>
    %ne3A_3971 = arith.constant 0 : i32
    %ne3A_3972 = vector.broadcast %ne3A_3971 : i32 to vector<16xi32>
    %ne3A_3973 = arith.cmpi ne, %rem3A_3970, %ne3A_3972 : vector<16xi32>
    %lt3A_3974 = arith.constant 0 : i32
    %lt3A_3975 = vector.broadcast %lt3A_3974 : i32 to vector<16xi32>
    %lt3A_3976 = arith.cmpi slt, %rem3A_3970, %lt3A_3975 : vector<16xi32>
    %lt3A_3977 = arith.constant 0 : i32
    %lt3A_3978 = arith.cmpi slt, %select_n3A_3968, %lt3A_3977 : i32
    %ne3A_3979 = vector.broadcast %lt3A_3978 : i1 to vector<16xi1>
    %ne3A_3980 = vector.broadcast %ne3A_3979 : vector<16xi1> to vector<16xi1>
    %ne3A_3981 = arith.xori %lt3A_3976, %ne3A_3980 : vector<16xi1>
    %and3A_3982 = arith.andi %ne3A_3981, %ne3A_3973 : vector<16xi1>
    %add3A_3983 = vector.broadcast %select_n3A_3968 : i32 to vector<16xi32>
    %add3A_3984 = arith.addi %rem3A_3970, %add3A_3983 : vector<16xi32>
    %select_n3A_3985 = arith.select %and3A_3982, %add3A_3984, %rem3A_3970 : vector<16xi1>, vector<16xi32>
    %add3A_3986 = arith.constant 0 : i32
    %add3A_3987 = vector.broadcast %add3A_3986 : i32 to vector<16xi32>
    %add3A_3988 = arith.addi %iota3A, %add3A_3987 : vector<16xi32>
    %mul3A_3989 = arith.constant 1024 : i32
    %mul3A_3990 = vector.broadcast %mul3A_3989 : i32 to vector<16xi32>
    %mul3A_3991 = arith.muli %add3A_3988, %mul3A_3990 : vector<16xi32>
    %add3A_3992 = arith.addi %mul3A_3991, %select_n3A_3985 : vector<16xi32>
    tpu.vector_store_idx %arg9[%add3A_3992], %broadcast_in_dim3A_4 : memref<32768xf32, #tpu.memory_space<vmem>>[vector<16xi32>], vector<16xf32>,
    %get3A_3993 = arith.constant 944 : index
    %get3A_3994 = tpu.vector_load %arg6[%get3A_3993] {strides = array<i32>} : memref<1024xi32, #tpu.memory_space<vmem>>, vector<16xi32>,
    %jit3A_3995 = arith.constant 1024 : i32
    %eq3A_3996 = arith.constant 0 : i32
    %eq3A_3997 = arith.cmpi eq, %jit3A_3995, %eq3A_3996 : i32
    %jit3A_3998 = arith.constant 1 : i32
    %select_n3A_3999 = arith.select %eq3A_3997, %jit3A_3998, %jit3A_3995 : i32
    %rem3A_4000 = vector.broadcast %select_n3A_3999 : i32 to vector<16xi32>
    %rem3A_4001 = arith.remsi %get3A_3994, %rem3A_4000 : vector<16xi32>
    %ne3A_4002 = arith.constant 0 : i32
    %ne3A_4003 = vector.broadcast %ne3A_4002 : i32 to vector<16xi32>
    %ne3A_4004 = arith.cmpi ne, %rem3A_4001, %ne3A_4003 : vector<16xi32>
    %lt3A_4005 = arith.constant 0 : i32
    %lt3A_4006 = vector.broadcast %lt3A_4005 : i32 to vector<16xi32>
    %lt3A_4007 = arith.cmpi slt, %rem3A_4001, %lt3A_4006 : vector<16xi32>
    %lt3A_4008 = arith.constant 0 : i32
    %lt3A_4009 = arith.cmpi slt, %select_n3A_3999, %lt3A_4008 : i32
    %ne3A_4010 = vector.broadcast %lt3A_4009 : i1 to vector<16xi1>
    %ne3A_4011 = vector.broadcast %ne3A_4010 : vector<16xi1> to vector<16xi1>
    %ne3A_4012 = arith.xori %lt3A_4007, %ne3A_4011 : vector<16xi1>
    %and3A_4013 = arith.andi %ne3A_4012, %ne3A_4004 : vector<16xi1>
    %add3A_4014 = vector.broadcast %select_n3A_3999 : i32 to vector<16xi32>
    %add3A_4015 = arith.addi %rem3A_4001, %add3A_4014 : vector<16xi32>
    %select_n3A_4016 = arith.select %and3A_4013, %add3A_4015, %rem3A_4001 : vector<16xi1>, vector<16xi32>
    %add3A_4017 = arith.constant 16 : i32
    %add3A_4018 = vector.broadcast %add3A_4017 : i32 to vector<16xi32>
    %add3A_4019 = arith.addi %iota3A, %add3A_4018 : vector<16xi32>
    %mul3A_4020 = arith.constant 1024 : i32
    %mul3A_4021 = vector.broadcast %mul3A_4020 : i32 to vector<16xi32>
    %mul3A_4022 = arith.muli %add3A_4019, %mul3A_4021 : vector<16xi32>
    %add3A_4023 = arith.addi %mul3A_4022, %select_n3A_4016 : vector<16xi32>
    tpu.vector_store_idx %arg9[%add3A_4023], %broadcast_in_dim3A_4 : memref<32768xf32, #tpu.memory_space<vmem>>[vector<16xi32>], vector<16xf32>,
    %get3A_4024 = arith.constant 992 : index
    %get3A_4025 = tpu.vector_load %arg6[%get3A_4024] {strides = array<i32>} : memref<1024xi32, #tpu.memory_space<vmem>>, vector<16xi32>,
    %jit3A_4026 = arith.constant 1024 : i32
    %eq3A_4027 = arith.constant 0 : i32
    %eq3A_4028 = arith.cmpi eq, %jit3A_4026, %eq3A_4027 : i32
    %jit3A_4029 = arith.constant 1 : i32
    %select_n3A_4030 = arith.select %eq3A_4028, %jit3A_4029, %jit3A_4026 : i32
    %rem3A_4031 = vector.broadcast %select_n3A_4030 : i32 to vector<16xi32>
    %rem3A_4032 = arith.remsi %get3A_4025, %rem3A_4031 : vector<16xi32>
    %ne3A_4033 = arith.constant 0 : i32
    %ne3A_4034 = vector.broadcast %ne3A_4033 : i32 to vector<16xi32>
    %ne3A_4035 = arith.cmpi ne, %rem3A_4032, %ne3A_4034 : vector<16xi32>
    %lt3A_4036 = arith.constant 0 : i32
    %lt3A_4037 = vector.broadcast %lt3A_4036 : i32 to vector<16xi32>
    %lt3A_4038 = arith.cmpi slt, %rem3A_4032, %lt3A_4037 : vector<16xi32>
    %lt3A_4039 = arith.constant 0 : i32
    %lt3A_4040 = arith.cmpi slt, %select_n3A_4030, %lt3A_4039 : i32
    %ne3A_4041 = vector.broadcast %lt3A_4040 : i1 to vector<16xi1>
    %ne3A_4042 = vector.broadcast %ne3A_4041 : vector<16xi1> to vector<16xi1>
    %ne3A_4043 = arith.xori %lt3A_4038, %ne3A_4042 : vector<16xi1>
    %and3A_4044 = arith.andi %ne3A_4043, %ne3A_4035 : vector<16xi1>
    %add3A_4045 = vector.broadcast %select_n3A_4030 : i32 to vector<16xi32>
    %add3A_4046 = arith.addi %rem3A_4032, %add3A_4045 : vector<16xi32>
    %select_n3A_4047 = arith.select %and3A_4044, %add3A_4046, %rem3A_4032 : vector<16xi1>, vector<16xi32>
    %add3A_4048 = arith.constant 0 : i32
    %add3A_4049 = vector.broadcast %add3A_4048 : i32 to vector<16xi32>
    %add3A_4050 = arith.addi %iota3A, %add3A_4049 : vector<16xi32>
    %mul3A_4051 = arith.constant 1024 : i32
    %mul3A_4052 = vector.broadcast %mul3A_4051 : i32 to vector<16xi32>
    %mul3A_4053 = arith.muli %add3A_4050, %mul3A_4052 : vector<16xi32>
    %add3A_4054 = arith.addi %mul3A_4053, %select_n3A_4047 : vector<16xi32>
    tpu.vector_store_idx %arg9[%add3A_4054], %get3A_3 : memref<32768xf32, #tpu.memory_space<vmem>>[vector<16xi32>], vector<16xf32>,
    %get3A_4055 = arith.constant 1008 : index
    %get3A_4056 = tpu.vector_load %arg6[%get3A_4055] {strides = array<i32>} : memref<1024xi32, #tpu.memory_space<vmem>>, vector<16xi32>,
    %jit3A_4057 = arith.constant 1024 : i32
    %eq3A_4058 = arith.constant 0 : i32
    %eq3A_4059 = arith.cmpi eq, %jit3A_4057, %eq3A_4058 : i32
    %jit3A_4060 = arith.constant 1 : i32
    %select_n3A_4061 = arith.select %eq3A_4059, %jit3A_4060, %jit3A_4057 : i32
    %rem3A_4062 = vector.broadcast %select_n3A_4061 : i32 to vector<16xi32>
    %rem3A_4063 = arith.remsi %get3A_4056, %rem3A_4062 : vector<16xi32>
    %ne3A_4064 = arith.constant 0 : i32
    %ne3A_4065 = vector.broadcast %ne3A_4064 : i32 to vector<16xi32>
    %ne3A_4066 = arith.cmpi ne, %rem3A_4063, %ne3A_4065 : vector<16xi32>
    %lt3A_4067 = arith.constant 0 : i32
    %lt3A_4068 = vector.broadcast %lt3A_4067 : i32 to vector<16xi32>
    %lt3A_4069 = arith.cmpi slt, %rem3A_4063, %lt3A_4068 : vector<16xi32>
    %lt3A_4070 = arith.constant 0 : i32
    %lt3A_4071 = arith.cmpi slt, %select_n3A_4061, %lt3A_4070 : i32
    %ne3A_4072 = vector.broadcast %lt3A_4071 : i1 to vector<16xi1>
    %ne3A_4073 = vector.broadcast %ne3A_4072 : vector<16xi1> to vector<16xi1>
    %ne3A_4074 = arith.xori %lt3A_4069, %ne3A_4073 : vector<16xi1>
    %and3A_4075 = arith.andi %ne3A_4074, %ne3A_4066 : vector<16xi1>
    %add3A_4076 = vector.broadcast %select_n3A_4061 : i32 to vector<16xi32>
    %add3A_4077 = arith.addi %rem3A_4063, %add3A_4076 : vector<16xi32>
    %select_n3A_4078 = arith.select %and3A_4075, %add3A_4077, %rem3A_4063 : vector<16xi1>, vector<16xi32>
    %add3A_4079 = arith.constant 16 : i32
    %add3A_4080 = vector.broadcast %add3A_4079 : i32 to vector<16xi32>
    %add3A_4081 = arith.addi %iota3A, %add3A_4080 : vector<16xi32>
    %mul3A_4082 = arith.constant 1024 : i32
    %mul3A_4083 = vector.broadcast %mul3A_4082 : i32 to vector<16xi32>
    %mul3A_4084 = arith.muli %add3A_4081, %mul3A_4083 : vector<16xi32>
    %add3A_4085 = arith.addi %mul3A_4084, %select_n3A_4078 : vector<16xi32>
    tpu.vector_store_idx %arg9[%add3A_4085], %get3A_3 : memref<32768xf32, #tpu.memory_space<vmem>>[vector<16xi32>], vector<16xf32>,
    %add3A_4086 = arith.constant 992 : i32
    %add3A_4087 = arith.addi %mul3A_2, %add3A_4086 : i32
    %mul3A_4088 = arith.constant 1024 : i32
    %mul3A_4089 = arith.muli %add3A_4087, %mul3A_4088 : i32
    %dma_start3A_4090 = tpu.memref_slice %arg5[%mul3A_4089] : memref<33554432xf32, #tpu.memory_space<hbm>> -> memref<32768xf32, #tpu.memory_space<hbm>>
    %dma_start3A_4091 = tpu.memref_slice %arg5[%mul3A_4089] : memref<33554432xf32, #tpu.memory_space<hbm>> -> memref<32768xf32, #tpu.memory_space<hbm>>
    tpu.enqueue_dma source(%arg9 : memref<32768xf32, #tpu.memory_space<vmem>>) target(%dma_start3A_4091 : memref<32768xf32, #tpu.memory_space<hbm>>) target_semaphore(%arg11 : memref<!tpu.dma_semaphore, #tpu.memory_space<semaphore_mem>>)
    %dma_wait3A_4092 = tpu.memref_slice %arg5[%mul3A_3957] : memref<33554432xf32, #tpu.memory_space<hbm>> -> memref<32768xf32, #tpu.memory_space<hbm>>
    %dma_wait3A_4093 = tpu.memref_slice %arg5[%mul3A_3957] : memref<33554432xf32, #tpu.memory_space<hbm>> -> memref<32768xf32, #tpu.memory_space<hbm>>
    tpu.wait_dma2 semaphore(%arg10 : memref<!tpu.dma_semaphore, #tpu.memory_space<semaphore_mem>>) src(%arg8 : memref<32768xf32, #tpu.memory_space<vmem>>) dst(%dma_wait3A_4093 : memref<32768xf32, #tpu.memory_space<hbm>>)
    %dma_wait3A_4094 = tpu.memref_slice %arg5[%mul3A_4089] : memref<33554432xf32, #tpu.memory_space<hbm>> -> memref<32768xf32, #tpu.memory_space<hbm>>
    %dma_wait3A_4095 = tpu.memref_slice %arg5[%mul3A_4089] : memref<33554432xf32, #tpu.memory_space<hbm>> -> memref<32768xf32, #tpu.memory_space<hbm>>
    tpu.wait_dma2 semaphore(%arg11 : memref<!tpu.dma_semaphore, #tpu.memory_space<semaphore_mem>>) src(%arg9 : memref<32768xf32, #tpu.memory_space<vmem>>) dst(%dma_wait3A_4095 : memref<32768xf32, #tpu.memory_space<hbm>>)
    return
  }
}

</mosaic_0001>

<sc_bundles>
// kernel: kernel.3.cloned.1.call-start
scs
__scs_entry_jumppad:
0x0: {  	(pc) =	sbr.rel $0x88, $3  }
0x1: {  	(tag) =	ssettag $0x0;
	lr =	simm.s32 $0x1  }
0x2: {  	[smem:$0x3F9F] =	sst lr;
	_ =	strace $0xD0000000  }
0x3: {  	_ = 	snop  }
0x4: {  	_ = 	snop  }
0x5: {  	_ = 	snop  }
0x6: {  	_ = 	snop  }
0x7: {  	_ = 	snop  }
__scs_overlays_trampoline_lowered:
0x8: {  	[smem:$0x3FAE] =	sst s0  }
0x9: {  	[smem:$0x3FAF] =	sst s1  }
0xa: {  	[smem:$0x3FB0] =	sst s2  }
0xb: {  	[smem:$0x3FB1] =	sst s3  }
0xc: {  	[smem:$0x3FB2] =	sst s4  }
0xd: {  	[smem:$0x3FB3] =	sst s5  }
0xe: {  	[smem:$0x3FB4] =	sst s6  }
0xf: {  	[smem:$0x3FB5] =	sst s7  }
0x10: {  	[smem:$0x3FB6] =	sst s8  }
0x11: {  	[smem:$0x3FB7] =	sst s9;
	s0 =	simm.s32 @!p0 $0x0  }
0x12: {  	s1 =	sld [smem:$0x3F9D];
	s0 =	simm.s32 @p0 $0x1  }
0x13: {  	[smem:$0x3FB8] =	sst s0;
	s0 =	simm.s32 @!p1 $0x0  }
0x14: {  	s2 =	sld [smem:$0x3F9C];
	s0 =	simm.s32 @p1 $0x1  }
0x15: {  	[smem:$0x3FB9] =	sst s0;
	s0 =	simm.s32 @!p2 $0x0  }
0x16: {  	s3 =	sld [smem:$0x3FDB];
	s0 =	simm.s32 @p2 $0x1  }
0x17: {  	s4 =	simm.s32 $0x1BF5;
	[smem:$0x3FBB] =	sst s0  }
0x18: {  	s0 =	sld [smem:$0x3F9E];
	_ =	swait.ge [sflag:s4], $0x0  }
0x19: {  	s7 =	sld [smem:$0x3F9F]  }
0x1a: {  	s8 =	sadd.s32 $0xFFFFE003, lr  }
0x1b: {  	s9 =	sadd.s32 $0xFFFFFEF7, lr;
	s5 =	simm.s32 $0xFFFFFFFF;
	p2 =	slt.u32 s8, $0xFFFFF086  }
0x1c: {  	p1 =	slt.u32 s9, $0xF7A;
	s5 =	simm.s32 @!p2 $0x0  }
0x1d: {  	s5 =	simm.s32 @p1 $0x1;
	p0 =	seq.s32 s7, s2  }
0x1e: {  	s7 =	smul.u32 @!p0 $0xF7A, s2;
	p2 =	seq.s32 @!p0 s5, $0x0  }
0x1f: {  	s9 =	smul.u32 $0xF7A, s1;
	s8 =	simm.s32 @!p0 $0x1BF5;
	p2 =	por !p2, p0  }
0x20: {  	[sflag:s8] =	ssyncset.s32 @!p0 $0xFFFFF086;
	s6 =	sadd.s32 @!p0 s3, s7;
	s7 =	simm.s32 @!p0 $0x108  }
0x21: {  	s3 =	sadd.s32 s3, s9;
	s6 =	sadd.s32 @!p0 $0x88, s6;
	s7 =	simm.s32 @p2 $0x1082  }
0x22: {  	[simem:s7], [sflag:s8] =	dma.local @!p0 [hbm:s6], $0xF7A  }
0x23: {  	s9 =	sor.u32 $0xD0000000, s2;
	s6 =	simm.s32 $0x108;
	_ =	swait.ge @!p0 [sflag:s8], $0x0  }
0x24: {  	s3 =	sadd.s32 $0x88, s3;
	s6 =	simm.s32 @!p1 $0x1082;
	[sflag:s4] =	ssyncset.s32 $0xFFFFF086  }
0x25: {  	[simem:s6], [sflag:s4] =	dma.local [hbm:s3], $0xF7A  }
0x26: {  	[smem:$0x3F9F] =	sst s1;
	(tag) =	ssettag s2;
	_ =	strace s9  }
0x27: {  	s1 =	sld [smem:$0x3FAF]  }
0x28: {  	s2 =	sld [smem:$0x3FB0]  }
0x29: {  	s4 =	sld [smem:$0x3FB2]  }
0x2a: {  	p0 =	seq.s32 s5, $0x0;
	s5 =	sld [smem:$0x3FB3]  }
0x2b: {  	s6 =	sld [smem:$0x3FB4]  }
0x2c: {  	s7 =	sld [smem:$0x3FB5]  }
0x2d: {  	s3 =	simm.s32 $0x108;
	s8 =	sld [smem:$0x3FB6]  }
0x2e: {  	s3 =	simm.s32 @!p0 $0x1082;
	s9 =	sld [smem:$0x3FB7]  }
0x2f: {  	lr =	sadd.s32 s0, s3;
	s0 =	sld [smem:$0x3FAE]  }
0x30: {  	s3 =	sld [smem:$0x3FB1]  }
0x31: {  	[smem:$0x3FBA] =	sst s10  }
0x32: {  	s10 =	sld [smem:$0x3FB8];
	_ =	sdelay $0x3  }
0x33: {  	p0 =	seq.s32 s10, $0x1;
	s10 =	sld [smem:$0x3FBA];
	_ =	sdelay $0x3  }
0x34: {  	[smem:$0x3FBA] =	sst s10  }
0x35: {  	s10 =	sld [smem:$0x3FB9];
	_ =	sdelay $0x3  }
0x36: {  	p1 =	seq.s32 s10, $0x1;
	s10 =	sld [smem:$0x3FBA];
	_ =	sdelay $0x3  }
0x37: {  	[smem:$0x3FBA] =	sst s10  }
0x38: {  	s10 =	sld [smem:$0x3FBB]  }
0x39: {  	_ = 	snop;
	(pc) =	sbr.ind lr, $3  }
0x3a: {  	_ = 	snop  }
0x3b: {  	_ = 	snop  }
0x3c: {  	p2 =	seq.s32 s10, $0x1;
	s10 =	sld [smem:$0x3FBA]  }
0x3d: {  	_ =	shalt  }
0x3e: {  	_ =	shalt  }
0x3f: {  	_ =	shalt  }
0x40: {  	_ =	shalt  }
0x41: {  	_ =	shalt  }
0x42: {  	_ =	shalt  }
0x43: {  	_ =	shalt  }
0x44: {  	_ =	shalt  }
0x45: {  	_ =	shalt  }
0x46: {  	_ =	shalt  }
0x47: {  	_ =	shalt  }
0x48: {  	_ =	shalt  }
0x49: {  	_ =	shalt  }
0x4a: {  	_ =	shalt  }
0x4b: {  	_ =	shalt  }
0x4c: {  	_ =	shalt  }
0x4d: {  	_ =	shalt  }
0x4e: {  	_ =	shalt  }
0x4f: {  	_ =	shalt  }
0x50: {  	_ =	shalt  }
0x51: {  	_ =	shalt  }
0x52: {  	_ =	shalt  }
0x53: {  	_ =	shalt  }
0x54: {  	_ =	shalt  }
0x55: {  	_ =	shalt  }
0x56: {  	_ =	shalt  }
0x57: {  	_ =	shalt  }
0x58: {  	_ =	shalt  }
0x59: {  	_ =	shalt  }
0x5a: {  	_ =	shalt  }
0x5b: {  	_ =	shalt  }
0x5c: {  	_ =	shalt  }
0x5d: {  	_ =	shalt  }
0x5e: {  	_ =	shalt  }
0x5f: {  	_ =	shalt  }
0x60: {  	_ =	shalt  }
0x61: {  	_ =	shalt  }
0x62: {  	_ =	shalt  }
0x63: {  	_ =	shalt  }
0x64: {  	_ =	shalt  }
0x65: {  	_ =	shalt  }
0x66: {  	_ =	shalt  }
0x67: {  	_ =	shalt  }
0x68: {  	_ =	shalt  }
0x69: {  	_ =	shalt  }
0x6a: {  	_ =	shalt  }
0x6b: {  	_ =	shalt  }
0x6c: {  	_ =	shalt  }
0x6d: {  	_ =	shalt  }
0x6e: {  	_ =	shalt  }
0x6f: {  	_ =	shalt  }
0x70: {  	_ =	shalt  }
0x71: {  	_ =	shalt  }
0x72: {  	_ =	shalt  }
0x73: {  	_ =	shalt  }
0x74: {  	_ =	shalt  }
0x75: {  	_ =	shalt  }
0x76: {  	_ =	shalt  }
0x77: {  	_ =	shalt  }
0x78: {  	_ =	shalt  }
0x79: {  	_ =	shalt  }
0x7a: {  	_ =	shalt  }
0x7b: {  	_ =	shalt  }
0x7c: {  	_ =	shalt  }
0x7d: {  	_ =	shalt  }
0x7e: {  	_ =	shalt  }
0x7f: {  	_ =	shalt  }
0x80: {  	_ =	shalt  }
0x81: {  	_ =	shalt  }
0x82: {  	_ =	shalt  }
0x83: {  	_ =	shalt  }
0x84: {  	_ =	shalt  }
0x85: {  	_ =	shalt  }
0x86: {  	_ =	shalt  }
0x87: {  	_ =	shalt  }
.Lfunc_end0:
.L_simem_size_0:
called_computation_lowered:
.L_overlay_start_0:
0x88: {  	s2 =	sld [smem:$0x3FD9]  }
0x89: {  	s3 =	sld [smem:$0x3FFE];
	_ =	sdelay $0x1  }
0x8a: {  	s1 =	srdreg.scid  }
0x8b: {  	s0 =	sand.u32 $0x1, s1  }
0x8c: {  	s17 =	sshll.u32 s0, $0xA;
	s2 =	sadd.s32 s3, s2  }
0x8d: {  	s2 =	sadd.s32 s2, s17  }
0x8e: {  	[smem:$0x3FC6] =	sst s2  }
0x8f: {  	_ = 	snop  }
0x90: {  	s2 =	sld [smem:$0x3FD0];
	(tm) =	ssettm $0x1  }
0x91: {  	s18 =	sld [smem:$0x3FFB];
	_ =	sdelay $0x3  }
0x92: {  	_ =	strace s18  }
0x93: {  	s3 =	sld [smem:$0x3FFC];
	_ =	sdelay $0x3  }
0x94: {  	_ =	strace s3  }
0x95: {  	s3 =	sld [smem:$0x3FFD];
	_ =	sdelay $0x3  }
0x96: {  	_ =	strace s3  }
0x97: {  	_ =	strace $0x8FFFFFFF  }
0x98: {  	s19 =	sld [smem:$0x3FDB];
	_ =	sdelay $0x1  }
0x99: {  	s4 =	simm.s32 $_scs_section_size  }
0x9a: {  	s5 =	simm.s32 $_size__tile_overlayer_lowered;
	s6 =	simm.s32 $_tile_overlayer_lowered  }
0x9b: {  	s22 =	simm.s32 $0x1BFF;
	s21 =	sshll.u32 s6, $0x1;
	s3 =	sadd.s32 s4, s19  }
0x9c: {  	s7 =	simm.s32 $0x0;
	s20 =	sshll.u32 s5, $0x1;
	s5 =	sadd.s32 s21, s3  }
0x9d: {  	[timem:s7], [sflag:s22] =	dma.local [hbm:s5], s20  }
0x9e: {  	_ =	swait.ge [sflag:s22], s20  }
0x9f: {  	s4 =	ssub.s32 $0x0, s20;
	[sflag:s22] =	ssyncset.done $0x0  }
0xa0: {  	[sflag:s22] =	ssyncadd.s32 s4;
	_ =	sdelay $0x1  }
0xa1: {  	s23 =	simm.s32 $0x1B8B  }
0xa2: {  	_ =	swait.ge [sflag:s23], $0x1  }
0xa3: {  	[sflag:s23] =	ssyncset.done $0x0  }
0xa4: {  	s25 =	simm.s32 $0x1B8E;
	s24 =	sld [smem:$0x3FFE];
	[sflag:s23] =	ssyncadd.s32 $0xFFFFFFFF  }
0xa5: {  	s26 =	simm.s32 $execute0_lowered;
	[smem:$0x3FD2] =	sst s25  }
0xa6: {  	s5 =	sshll.u32 s26, $0x1;
	_ =	strace $0x80000046;
	[dreg:$0x1] =	wrdreg $0xFFFFFFFF  }
0xa7: {  	s28 =	simm.s32 $_size_execute0_lowered;
	s3 =	sadd.s32 s3, s5;
	[dreg:$0x0] =	wrdreg $0x0  }
0xa8: {  	s5 =	sshll.u32 s28, $0x1;
	[dreg:$0x2] =	wrdreg s3  }
0xa9: {  	[dreg:$0x3] =	wrdreg s5  }
0xaa: {  	[dreg:$0x4] =	wrdreg $0xC0  }
0xab: {  	_ =	task [dreg:s7], $0x5FFFF  }
0xac: {  	[dreg:$0x1] =	wrdreg $0xFFFFFFFF  }
0xad: {  	[dreg:$0x0] =	wrdreg $0x60  }
0xae: {  	[dreg:$0x2] =	wrdreg s2  }
0xaf: {  	[dreg:$0x3] =	wrdreg s24  }
0xb0: {  	[dreg:$0x4] =	wrdreg $0x9  }
0xb1: {  	_ =	task.clear_ibuf [dreg:s7], $0x5FFFF;
	_ =	strace $0x90000046  }
0xb2: {  	s29 =	simm.s32 $0x9;
	_ =	strace $0x80000048  }
0xb3: {  	_ =	swait.ge [sflag:s29], $0x1  }
0xb4: {  	[sflag:s29] =	ssyncadd.s32 $0xFFFFFFFF  }
0xb5: {  	_ =	strace $0x90000048  }
0xb6: {  	_ =	sfence  }
0xb7: {  	s30 =	sld [smem:$0x0];
	_ =	sdelay $0x2  }
0xb8: {  	s31 =	sshll.u32 s1, $0xD;
	s1 =	sshrl.u32 s1, $0x2  }
0xb9: {  	s3 =	sand.u32 $0x4000, s31;
	s1 =	sadd.s32 s1, s30  }
0xba: {  	s0 =	sor.u32 s3, s0;
	s1 =	sshll.u32 s1, $0x11  }
0xbb: {  	s0 =	sor.u32 s1, s0  }
0xbc: {  	s0 =	sadd.s32 $0x8F2B, s0  }
0xbd: {  	[sflag:s0] =	ssyncadd.remote.s32 $0x1  }
0xbe: {  	_ =	sfence.sel $0xFFFF  }
0xbf: {  	[dreg:$0x0] =	wrdreg $0xFFFFFFFF;
	(pc) =	sbr.abs _section_cstart, $3  }
0xc0: {  	[dreg:$0x1] =	wrdreg $0xFFFFFFFF  }
0xc1: {  	_ =	task.clear_ibuf [dreg:s7], $0x2FFFF;
	_ =	strace $0x9FFFFFFF  }
0xc2: {  	(tm) =	ssettm $0x7FFFFFFF  }
0xc3: {  	_ =	shalt  }
tec
execute0_lowered:
.L_overlay_start_1:
0x0: {  	(tag) =	ssettag $0x1  }
0x1: {  	s0 =	rddreg [dreg:$0x0]  }
0x2: {  	s3 =	rddreg [dreg:$0x1]  }
0x3: {  	s2 =	simm.s32 $0x0;
	s4 =	srdreg.scid;
	s1 =	stileid.u32  }
0x4: {  	s28 =	simm.s32 $0x400;
	s29 =	simm.s32 $0x480;
	s30 =	simm.s32 $0x8480  }
0x5: {  	s31 =	simm.s32 $0x1;
	[smem:$0x7FF] =	sst s2;
	s4 =	sand.u32 $0x1, s4  }
0x6: {  	s5 =	sshll.u32 s1, $0x1;
	s6 =	sadd.s32 $0x400, s3;
	_ =	strace $0x80000047  }
0x7: {  	s5 =	sor.u32 s4, s5;
	[dreg:$0x3] =	wrdreg s6;
	s4 =	ssub.s32 $0x2, s4  }
0x8: {  	s7 =	sshll.u32 s5, $0x11;
	s5 =	sshll.u32 s5, $0x7;
	s25 =	sshrl.u32 s4, $0x1  }
0x9: {  	s24 =	sadd.s32 s7, s3;
	s0 =	sadd.s32 s0, s5;
	s3 =	sadd.s32 $0x600, s3  }
0xa: {  	s25 =	ssub.s32 s4, s25;
	[dreg:$0x4] =	wrdreg s0;
	s14 =	sadd.s32 $0x1600, s24  }
0xb: {  	s15 =	sadd.s32 $0x2600, s24;
	s16 =	sadd.s32 $0x3600, s24;
	[dreg:$0x5] =	wrdreg s14  }
0xc: {  	s17 =	sadd.s32 $0x4600, s24;
	s18 =	sadd.s32 $0x5600, s24;
	[dreg:$0x6] =	wrdreg s15  }
0xd: {  	s19 =	sadd.s32 $0x6600, s24;
	s20 =	sadd.s32 $0x7600, s24;
	[dreg:$0x7] =	wrdreg s16  }
0xe: {  	s21 =	sadd.s32 $0x8600, s24;
	s22 =	sadd.s32 $0x9600, s24;
	[dreg:$0x8] =	wrdreg s17  }
0xf: {  	s23 =	sadd.s32 $0xA600, s24;
	s26 =	sadd.s32 $0xB600, s24;
	[dreg:$0x9] =	wrdreg s18  }
0x10: {  	s4 =	sadd.s32 $0xC600, s24;
	s5 =	sadd.s32 $0xD600, s24;
	[dreg:$0xa] =	wrdreg s19  }
0x11: {  	s6 =	sadd.s32 $0xE600, s24;
	s7 =	sadd.s32 $0xF600, s24;
	[dreg:$0xb] =	wrdreg s20  }
0x12: {  	s8 =	sadd.s32 $0x10600, s24;
	s9 =	sadd.s32 $0x11600, s24;
	[dreg:$0xc] =	wrdreg s21  }
0x13: {  	s10 =	sadd.s32 $0x12600, s24;
	s11 =	sadd.s32 $0x13600, s24;
	[dreg:$0xd] =	wrdreg s22  }
0x14: {  	s12 =	sadd.s32 $0x14600, s24;
	s13 =	sadd.s32 $0x15600, s24;
	[dreg:$0xe] =	wrdreg s23  }
0x15: {  	s25 =	smax.u32 s25, $0x1;
	s0 =	simm.s32 $0x2;
	[dreg:$0xf] =	wrdreg s26  }
0x16: {  	v0 =	vlaneseq.u32;
	s14 =	sadd.s32 $0x16600, s24;
	s15 =	sadd.s32 $0x17600, s24;
	s16 =	sadd.s32 $0x18600, s24  }
0x17: {  	v0 =	vmul.u32 $0x400, v0;
	s17 =	sadd.s32 $0x19600, s24;
	s18 =	sadd.s32 $0x1A600, s24;
	s19 =	sadd.s32 $0x1B600, s24  }
0x18: {  	s20 =	sadd.s32 $0x1C600, s24;
	s21 =	sadd.s32 $0x1D600, s24;
	s22 =	sadd.s32 $0x1E600, s24  }
0x19: {  	v2 =	vimm.f32 $0.0e+00;
	v1 =	vor.u32 $0x4000, v0;
	s23 =	sadd.s32 $0x1F600, s24;
	s24 =	sadd.s32 $0x20600, s24;
	s26 =	simm.s32 $0x3  }
.LBB2_1:
0x1a: {  	s1 =	rddreg [dreg:$0x4]  }
0x1b: {  	[tilespmem:s2], [sflag:$0x3] =	stream.linear.gather [hbm4b:s1+s2], $0x400, $0x38;
	[tilespmem:$0x10480] =	vst v63  }
0x1c: {  	_ =	swait.ge [sflag:s26], $0x400  }
0x1d: {  	[sflag:s26] =	ssyncset.done $0x0  }
0x1e: {  	s1 =	rddreg [dreg:$0x3];
	[sflag:s26] =	ssyncadd.s32 $0xFFFFFC00  }
0x1f: {  	[tilespmem:s28], [sflag:$0x3] =	stream.linear.gather [hbm4b:s1+s2], $0x80, $0x38;
	[tilespmem:$0x10480] =	vst v63  }
0x20: {  	_ =	swait.ge [sflag:s26], $0x80  }
0x21: {  	[sflag:s26] =	ssyncset.done $0x0  }
0x22: {  	[sflag:s26] =	ssyncadd.s32 $0xFFFFFF80  }
0x23: {  	[tilespmem:s29], [sflag:$0x3] =	stream.linear.gather [hbm4b:s3+s2], $0x8000, $0x38;
	[tilespmem:$0x10480] =	vst v63  }
0x24: {  	_ =	swait.ge [sflag:s26], $0x8000  }
0x25: {  	[sflag:s26] =	ssyncset.done $0x0  }
0x26: {  	[sflag:s26] =	ssyncadd.s32 $0xFFFF8000  }
0x27: {  	[tilespmem:s30], [sflag:$0x3] =	stream.linear.gather [hbm4b:s3+s2], $0x8000, $0x38;
	[tilespmem:$0x10480] =	vst v63  }
0x28: {  	_ =	swait.ge [sflag:s26], $0x8000  }
0x29: {  	[sflag:s26] =	ssyncset.done $0x0  }
0x2a: {  	[sflag:s26] =	ssyncadd.s32 $0xFFFF8000  }
0x2b: {  	v3 =	vld [tilespmem:$0x0];
	_ =	sdelay $0x4  }
0x2c: {  	v4 =	vand.u32 $0x3FF, v3  }
0x2d: {  	v3 =	vld [tilespmem:$0x400];
	v4 =	vor.u32 v0, v4;
	_ =	sdelay $0x4  }
0x2e: {  	[tilespmem:v4+s29+$0x0] =	vst.idx.msk $0xffff, v3  }
0x2f: {  	v4 =	vld [tilespmem:$0x10];
	_ =	sdelay $0x4  }
0x30: {  	v4 =	vand.u32 $0x3FF, v4  }
0x31: {  	v4 =	vor.u32 v1, v4;
	_ =	sdelay $0x4  }
0x32: {  	s1 =	rddreg [dreg:$0x5];
	[tilespmem:v4+s29+$0x0] =	vst.idx.msk $0xffff, v3  }
0x33: {  	[hbm4b:s1+s2] =	stream.linear.scatter [tilespmem:s29], [sflag:$0x1], $0x8000, $0x38;
	[tilespmem:$0x10480] =	vst v63  }
0x34: {  	v4 =	vld [tilespmem:$0x20];
	_ =	sdelay $0x4  }
0x35: {  	v4 =	vand.u32 $0x3FF, v4  }
0x36: {  	v4 =	vor.u32 v0, v4;
	_ =	sdelay $0x4  }
0x37: {  	[tilespmem:v4+s30+$0x0] =	vst.idx.msk $0xffff, v3  }
0x38: {  	v4 =	vld [tilespmem:$0x30];
	_ =	sdelay $0x4  }
0x39: {  	v4 =	vand.u32 $0x3FF, v4  }
0x3a: {  	v4 =	vor.u32 v1, v4;
	_ =	sdelay $0x4  }
0x3b: {  	s1 =	rddreg [dreg:$0x6];
	[tilespmem:v4+s30+$0x0] =	vst.idx.msk $0xffff, v3  }
0x3c: {  	[hbm4b:s1+s2] =	stream.linear.scatter [tilespmem:s30], [sflag:$0x2], $0x8000, $0x38;
	[tilespmem:$0x10480] =	vst v63  }
0x3d: {  	_ =	swait.ge [sflag:s31], $0x8000  }
0x3e: {  	[sflag:s31] =	ssyncset.done $0x0  }
0x3f: {  	[sflag:s31] =	ssyncadd.s32 $0xFFFF8000  }
0x40: {  	v34 =	vld [tilespmem:$0x0];
	_ =	sdelay $0x4  }
0x41: {  	v4 =	vand.u32 $0x3FF, v34  }
0x42: {  	v4 =	vor.u32 v0, v4;
	_ =	sdelay $0x4  }
0x43: {  	[tilespmem:v4+s29+$0x0] =	vst.idx.msk $0xffff, v2  }
0x44: {  	v4 =	vld [tilespmem:$0x10];
	_ =	sdelay $0x4  }
0x45: {  	v4 =	vand.u32 $0x3FF, v4  }
0x46: {  	v4 =	vor.u32 v1, v4;
	_ =	sdelay $0x4  }
0x47: {  	[tilespmem:v4+s29+$0x0] =	vst.idx.msk $0xffff, v2  }
0x48: {  	v4 =	vld [tilespmem:$0x40];
	_ =	sdelay $0x4  }
0x49: {  	v4 =	vand.u32 $0x3FF, v4  }
0x4a: {  	v4 =	vor.u32 v0, v4;
	_ =	sdelay $0x4  }
0x4b: {  	[tilespmem:v4+s29+$0x0] =	vst.idx.msk $0xffff, v3  }
0x4c: {  	v4 =	vld [tilespmem:$0x50];
	_ =	sdelay $0x4  }
0x4d: {  	v4 =	vand.u32 $0x3FF, v4  }
0x4e: {  	v4 =	vor.u32 v1, v4;
	_ =	sdelay $0x4  }
0x4f: {  	s1 =	rddreg [dreg:$0x7];
	[tilespmem:v4+s29+$0x0] =	vst.idx.msk $0xffff, v3  }
0x50: {  	[hbm4b:s1+s2] =	stream.linear.scatter [tilespmem:s29], [sflag:$0x1], $0x8000, $0x38;
	[tilespmem:$0x10480] =	vst v63  }
0x51: {  	_ =	swait.ge [sflag:s0], $0x8000  }
0x52: {  	[sflag:s0] =	ssyncset.done $0x0  }
0x53: {  	[sflag:s0] =	ssyncadd.s32 $0xFFFF8000  }
0x54: {  	v35 =	vld [tilespmem:$0x20];
	_ =	sdelay $0x4  }
0x55: {  	v4 =	vand.u32 $0x3FF, v35  }
0x56: {  	v4 =	vor.u32 v0, v4;
	_ =	sdelay $0x4  }
0x57: {  	[tilespmem:v4+s30+$0x0] =	vst.idx.msk $0xffff, v2  }
0x58: {  	v4 =	vld [tilespmem:$0x30];
	_ =	sdelay $0x4  }
0x59: {  	v4 =	vand.u32 $0x3FF, v4  }
0x5a: {  	v4 =	vor.u32 v1, v4;
	_ =	sdelay $0x4  }
0x5b: {  	[tilespmem:v4+s30+$0x0] =	vst.idx.msk $0xffff, v2  }
0x5c: {  	v4 =	vld [tilespmem:$0x60];
	_ =	sdelay $0x4  }
0x5d: {  	v4 =	vand.u32 $0x3FF, v4  }
0x5e: {  	v4 =	vor.u32 v0, v4;
	_ =	sdelay $0x4  }
0x5f: {  	[tilespmem:v4+s30+$0x0] =	vst.idx.msk $0xffff, v3  }
0x60: {  	v4 =	vld [tilespmem:$0x70];
	_ =	sdelay $0x4  }
0x61: {  	v4 =	vand.u32 $0x3FF, v4  }
0x62: {  	v4 =	vor.u32 v1, v4;
	_ =	sdelay $0x4  }
0x63: {  	s1 =	rddreg [dreg:$0x8];
	[tilespmem:v4+s30+$0x0] =	vst.idx.msk $0xffff, v3  }
0x64: {  	[hbm4b:s1+s2] =	stream.linear.scatter [tilespmem:s30], [sflag:$0x2], $0x8000, $0x38;
	[tilespmem:$0x10480] =	vst v63  }
0x65: {  	_ =	swait.ge [sflag:s31], $0x8000  }
0x66: {  	[sflag:s31] =	ssyncset.done $0x0  }
0x67: {  	[sflag:s31] =	ssyncadd.s32 $0xFFFF8000  }
0x68: {  	v36 =	vld [tilespmem:$0x40];
	_ =	sdelay $0x4  }
0x69: {  	v4 =	vand.u32 $0x3FF, v36  }
0x6a: {  	v4 =	vor.u32 v0, v4;
	_ =	sdelay $0x4  }
0x6b: {  	[tilespmem:v4+s29+$0x0] =	vst.idx.msk $0xffff, v2  }
0x6c: {  	v4 =	vld [tilespmem:$0x50];
	_ =	sdelay $0x4  }
0x6d: {  	v4 =	vand.u32 $0x3FF, v4  }
0x6e: {  	v4 =	vor.u32 v1, v4;
	_ =	sdelay $0x4  }
0x6f: {  	[tilespmem:v4+s29+$0x0] =	vst.idx.msk $0xffff, v2  }
0x70: {  	v4 =	vld [tilespmem:$0x80];
	_ =	sdelay $0x4  }
0x71: {  	v4 =	vand.u32 $0x3FF, v4  }
0x72: {  	v4 =	vor.u32 v0, v4;
	_ =	sdelay $0x4  }
0x73: {  	[tilespmem:v4+s29+$0x0] =	vst.idx.msk $0xffff, v3  }
0x74: {  	v4 =	vld [tilespmem:$0x90];
	_ =	sdelay $0x4  }
0x75: {  	v4 =	vand.u32 $0x3FF, v4  }
0x76: {  	v4 =	vor.u32 v1, v4;
	_ =	sdelay $0x4  }
0x77: {  	s1 =	rddreg [dreg:$0x9];
	[tilespmem:v4+s29+$0x0] =	vst.idx.msk $0xffff, v3  }
0x78: {  	[hbm4b:s1+s2] =	stream.linear.scatter [tilespmem:s29], [sflag:$0x1], $0x8000, $0x38;
	[tilespmem:$0x10480] =	vst v63  }
0x79: {  	_ =	swait.ge [sflag:s0], $0x8000  }
0x7a: {  	[sflag:s0] =	ssyncset.done $0x0  }
0x7b: {  	[sflag:s0] =	ssyncadd.s32 $0xFFFF8000  }
0x7c: {  	v37 =	vld [tilespmem:$0x60];
	_ =	sdelay $0x4  }
0x7d: {  	v4 =	vand.u32 $0x3FF, v37  }
0x7e: {  	v4 =	vor.u32 v0, v4;
	_ =	sdelay $0x4  }
0x7f: {  	[tilespmem:v4+s30+$0x0] =	vst.idx.msk $0xffff, v2  }
0x80: {  	v4 =	vld [tilespmem:$0x70];
	_ =	sdelay $0x4  }
0x81: {  	v4 =	vand.u32 $0x3FF, v4  }
0x82: {  	v4 =	vor.u32 v1, v4;
	_ =	sdelay $0x4  }
0x83: {  	[tilespmem:v4+s30+$0x0] =	vst.idx.msk $0xffff, v2  }
0x84: {  	v4 =	vld [tilespmem:$0xA0];
	_ =	sdelay $0x4  }
0x85: {  	v4 =	vand.u32 $0x3FF, v4  }
0x86: {  	v4 =	vor.u32 v0, v4;
	_ =	sdelay $0x4  }
0x87: {  	[tilespmem:v4+s30+$0x0] =	vst.idx.msk $0xffff, v3  }
0x88: {  	v4 =	vld [tilespmem:$0xB0];
	_ =	sdelay $0x4  }
0x89: {  	v4 =	vand.u32 $0x3FF, v4  }
0x8a: {  	v4 =	vor.u32 v1, v4;
	_ =	sdelay $0x4  }
0x8b: {  	s1 =	rddreg [dreg:$0xa];
	[tilespmem:v4+s30+$0x0] =	vst.idx.msk $0xffff, v3  }
0x8c: {  	[hbm4b:s1+s2] =	stream.linear.scatter [tilespmem:s30], [sflag:$0x2], $0x8000, $0x38;
	[tilespmem:$0x10480] =	vst v63  }
0x8d: {  	_ =	swait.ge [sflag:s31], $0x8000  }
0x8e: {  	[sflag:s31] =	ssyncset.done $0x0  }
0x8f: {  	[sflag:s31] =	ssyncadd.s32 $0xFFFF8000  }
0x90: {  	v38 =	vld [tilespmem:$0x80];
	_ =	sdelay $0x4  }
0x91: {  	v4 =	vand.u32 $0x3FF, v38  }
0x92: {  	v4 =	vor.u32 v0, v4;
	_ =	sdelay $0x4  }
0x93: {  	[tilespmem:v4+s29+$0x0] =	vst.idx.msk $0xffff, v2  }
0x94: {  	v4 =	vld [tilespmem:$0x90];
	_ =	sdelay $0x4  }
0x95: {  	v4 =	vand.u32 $0x3FF, v4  }
0x96: {  	v4 =	vor.u32 v1, v4;
	_ =	sdelay $0x4  }
0x97: {  	[tilespmem:v4+s29+$0x0] =	vst.idx.msk $0xffff, v2  }
0x98: {  	v4 =	vld [tilespmem:$0xC0];
	_ =	sdelay $0x4  }
0x99: {  	v4 =	vand.u32 $0x3FF, v4  }
0x9a: {  	v4 =	vor.u32 v0, v4;
	_ =	sdelay $0x4  }
0x9b: {  	[tilespmem:v4+s29+$0x0] =	vst.idx.msk $0xffff, v3  }
0x9c: {  	v4 =	vld [tilespmem:$0xD0];
	_ =	sdelay $0x4  }
0x9d: {  	v4 =	vand.u32 $0x3FF, v4  }
0x9e: {  	v4 =	vor.u32 v1, v4;
	_ =	sdelay $0x4  }
0x9f: {  	s1 =	rddreg [dreg:$0xb];
	[tilespmem:v4+s29+$0x0] =	vst.idx.msk $0xffff, v3  }
0xa0: {  	[hbm4b:s1+s2] =	stream.linear.scatter [tilespmem:s29], [sflag:$0x1], $0x8000, $0x38;
	[tilespmem:$0x10480] =	vst v63  }
0xa1: {  	_ =	swait.ge [sflag:s0], $0x8000  }
0xa2: {  	[sflag:s0] =	ssyncset.done $0x0  }
0xa3: {  	[sflag:s0] =	ssyncadd.s32 $0xFFFF8000  }
0xa4: {  	v39 =	vld [tilespmem:$0xA0];
	_ =	sdelay $0x4  }
0xa5: {  	v4 =	vand.u32 $0x3FF, v39  }
0xa6: {  	v4 =	vor.u32 v0, v4;
	_ =	sdelay $0x4  }
0xa7: {  	[tilespmem:v4+s30+$0x0] =	vst.idx.msk $0xffff, v2  }
0xa8: {  	v4 =	vld [tilespmem:$0xB0];
	_ =	sdelay $0x4  }
0xa9: {  	v4 =	vand.u32 $0x3FF, v4  }
0xaa: {  	v4 =	vor.u32 v1, v4;
	_ =	sdelay $0x4  }
0xab: {  	[tilespmem:v4+s30+$0x0] =	vst.idx.msk $0xffff, v2  }
0xac: {  	v4 =	vld [tilespmem:$0xE0];
	_ =	sdelay $0x4  }
0xad: {  	v4 =	vand.u32 $0x3FF, v4  }
0xae: {  	v4 =	vor.u32 v0, v4;
	_ =	sdelay $0x4  }
0xaf: {  	[tilespmem:v4+s30+$0x0] =	vst.idx.msk $0xffff, v3  }
0xb0: {  	v4 =	vld [tilespmem:$0xF0];
	_ =	sdelay $0x4  }
0xb1: {  	v4 =	vand.u32 $0x3FF, v4  }
0xb2: {  	v4 =	vor.u32 v1, v4;
	_ =	sdelay $0x4  }
0xb3: {  	s1 =	rddreg [dreg:$0xc];
	[tilespmem:v4+s30+$0x0] =	vst.idx.msk $0xffff, v3  }
0xb4: {  	[hbm4b:s1+s2] =	stream.linear.scatter [tilespmem:s30], [sflag:$0x2], $0x8000, $0x38;
	[tilespmem:$0x10480] =	vst v63  }
0xb5: {  	_ =	swait.ge [sflag:s31], $0x8000  }
0xb6: {  	[sflag:s31] =	ssyncset.done $0x0  }
0xb7: {  	[sflag:s31] =	ssyncadd.s32 $0xFFFF8000  }
0xb8: {  	v40 =	vld [tilespmem:$0xC0];
	_ =	sdelay $0x4  }
0xb9: {  	v4 =	vand.u32 $0x3FF, v40  }
0xba: {  	v4 =	vor.u32 v0, v4;
	_ =	sdelay $0x4  }
0xbb: {  	[tilespmem:v4+s29+$0x0] =	vst.idx.msk $0xffff, v2  }
0xbc: {  	v4 =	vld [tilespmem:$0xD0];
	_ =	sdelay $0x4  }
0xbd: {  	v4 =	vand.u32 $0x3FF, v4  }
0xbe: {  	v4 =	vor.u32 v1, v4;
	_ =	sdelay $0x4  }
0xbf: {  	[tilespmem:v4+s29+$0x0] =	vst.idx.msk $0xffff, v2  }
0xc0: {  	v4 =	vld [tilespmem:$0x100];
	_ =	sdelay $0x4  }
0xc1: {  	v4 =	vand.u32 $0x3FF, v4  }
0xc2: {  	v4 =	vor.u32 v0, v4;
	_ =	sdelay $0x4  }
0xc3: {  	[tilespmem:v4+s29+$0x0] =	vst.idx.msk $0xffff, v3  }
0xc4: {  	v4 =	vld [tilespmem:$0x110];
	_ =	sdelay $0x4  }
0xc5: {  	v4 =	vand.u32 $0x3FF, v4  }
0xc6: {  	v4 =	vor.u32 v1, v4;
	_ =	sdelay $0x4  }
0xc7: {  	s1 =	rddreg [dreg:$0xd];
	[tilespmem:v4+s29+$0x0] =	vst.idx.msk $0xffff, v3  }
0xc8: {  	[hbm4b:s1+s2] =	stream.linear.scatter [tilespmem:s29], [sflag:$0x1], $0x8000, $0x38;
	[tilespmem:$0x10480] =	vst v63  }
0xc9: {  	_ =	swait.ge [sflag:s0], $0x8000  }
0xca: {  	[sflag:s0] =	ssyncset.done $0x0  }
0xcb: {  	[sflag:s0] =	ssyncadd.s32 $0xFFFF8000  }
0xcc: {  	v41 =	vld [tilespmem:$0xE0];
	_ =	sdelay $0x4  }
0xcd: {  	v4 =	vand.u32 $0x3FF, v41  }
0xce: {  	v4 =	vor.u32 v0, v4;
	_ =	sdelay $0x4  }
0xcf: {  	[tilespmem:v4+s30+$0x0] =	vst.idx.msk $0xffff, v2  }
0xd0: {  	v4 =	vld [tilespmem:$0xF0];
	_ =	sdelay $0x4  }
0xd1: {  	v4 =	vand.u32 $0x3FF, v4  }
0xd2: {  	v4 =	vor.u32 v1, v4;
	_ =	sdelay $0x4  }
0xd3: {  	[tilespmem:v4+s30+$0x0] =	vst.idx.msk $0xffff, v2  }
0xd4: {  	v4 =	vld [tilespmem:$0x120];
	_ =	sdelay $0x4  }
0xd5: {  	v4 =	vand.u32 $0x3FF, v4  }
0xd6: {  	v4 =	vor.u32 v0, v4;
	_ =	sdelay $0x4  }
0xd7: {  	[tilespmem:v4+s30+$0x0] =	vst.idx.msk $0xffff, v3  }
0xd8: {  	v4 =	vld [tilespmem:$0x130];
	_ =	sdelay $0x4  }
0xd9: {  	v4 =	vand.u32 $0x3FF, v4  }
0xda: {  	v4 =	vor.u32 v1, v4;
	_ =	sdelay $0x4  }
0xdb: {  	s1 =	rddreg [dreg:$0xe];
	[tilespmem:v4+s30+$0x0] =	vst.idx.msk $0xffff, v3  }
0xdc: {  	[hbm4b:s1+s2] =	stream.linear.scatter [tilespmem:s30], [sflag:$0x2], $0x8000, $0x38;
	[tilespmem:$0x10480] =	vst v63  }
0xdd: {  	_ =	swait.ge [sflag:s31], $0x8000  }
0xde: {  	[sflag:s31] =	ssyncset.done $0x0  }
0xdf: {  	[sflag:s31] =	ssyncadd.s32 $0xFFFF8000  }
0xe0: {  	v42 =	vld [tilespmem:$0x100];
	_ =	sdelay $0x4  }
0xe1: {  	v4 =	vand.u32 $0x3FF, v42  }
0xe2: {  	v4 =	vor.u32 v0, v4;
	_ =	sdelay $0x4  }
0xe3: {  	[tilespmem:v4+s29+$0x0] =	vst.idx.msk $0xffff, v2  }
0xe4: {  	v4 =	vld [tilespmem:$0x110];
	_ =	sdelay $0x4  }
0xe5: {  	v4 =	vand.u32 $0x3FF, v4  }
0xe6: {  	v4 =	vor.u32 v1, v4;
	_ =	sdelay $0x4  }
0xe7: {  	[tilespmem:v4+s29+$0x0] =	vst.idx.msk $0xffff, v2  }
0xe8: {  	v4 =	vld [tilespmem:$0x140];
	_ =	sdelay $0x4  }
0xe9: {  	v4 =	vand.u32 $0x3FF, v4  }
0xea: {  	v4 =	vor.u32 v0, v4;
	_ =	sdelay $0x4  }
0xeb: {  	[tilespmem:v4+s29+$0x0] =	vst.idx.msk $0xffff, v3  }
0xec: {  	v4 =	vld [tilespmem:$0x150];
	_ =	sdelay $0x4  }
0xed: {  	v4 =	vand.u32 $0x3FF, v4  }
0xee: {  	v4 =	vor.u32 v1, v4;
	_ =	sdelay $0x4  }
0xef: {  	s1 =	rddreg [dreg:$0xf];
	[tilespmem:v4+s29+$0x0] =	vst.idx.msk $0xffff, v3  }
0xf0: {  	[hbm4b:s1+s2] =	stream.linear.scatter [tilespmem:s29], [sflag:$0x1], $0x8000, $0x38;
	[tilespmem:$0x10480] =	vst v63  }
0xf1: {  	_ =	swait.ge [sflag:s0], $0x8000  }
0xf2: {  	[sflag:s0] =	ssyncset.done $0x0  }
0xf3: {  	[sflag:s0] =	ssyncadd.s32 $0xFFFF8000  }
0xf4: {  	v43 =	vld [tilespmem:$0x120];
	_ =	sdelay $0x4  }
0xf5: {  	v4 =	vand.u32 $0x3FF, v43  }
0xf6: {  	v4 =	vor.u32 v0, v4;
	_ =	sdelay $0x4  }
0xf7: {  	[tilespmem:v4+s30+$0x0] =	vst.idx.msk $0xffff, v2  }
0xf8: {  	v4 =	vld [tilespmem:$0x130];
	_ =	sdelay $0x4  }
0xf9: {  	v4 =	vand.u32 $0x3FF, v4  }
0xfa: {  	v4 =	vor.u32 v1, v4;
	_ =	sdelay $0x4  }
0xfb: {  	[tilespmem:v4+s30+$0x0] =	vst.idx.msk $0xffff, v2  }
0xfc: {  	v4 =	vld [tilespmem:$0x160];
	_ =	sdelay $0x4  }
0xfd: {  	v4 =	vand.u32 $0x3FF, v4  }
0xfe: {  	v4 =	vor.u32 v0, v4;
	_ =	sdelay $0x4  }
0xff: {  	[tilespmem:v4+s30+$0x0] =	vst.idx.msk $0xffff, v3  }
0x100: {  	v4 =	vld [tilespmem:$0x170];
	_ =	sdelay $0x4  }
0x101: {  	v4 =	vand.u32 $0x3FF, v4  }
0x102: {  	v4 =	vor.u32 v1, v4;
	_ =	sdelay $0x4  }
0x103: {  	[tilespmem:v4+s30+$0x0] =	vst.idx.msk $0xffff, v3  }
0x104: {  	[hbm4b:s4+s2] =	stream.linear.scatter [tilespmem:s30], [sflag:$0x2], $0x8000, $0x38;
	[tilespmem:$0x10480] =	vst v63  }
0x105: {  	_ =	swait.ge [sflag:s31], $0x8000  }
0x106: {  	[sflag:s31] =	ssyncset.done $0x0  }
0x107: {  	[sflag:s31] =	ssyncadd.s32 $0xFFFF8000  }
0x108: {  	v44 =	vld [tilespmem:$0x140];
	_ =	sdelay $0x4  }
0x109: {  	v4 =	vand.u32 $0x3FF, v44  }
0x10a: {  	v4 =	vor.u32 v0, v4;
	_ =	sdelay $0x4  }
0x10b: {  	[tilespmem:v4+s29+$0x0] =	vst.idx.msk $0xffff, v2  }
0x10c: {  	v4 =	vld [tilespmem:$0x150];
	_ =	sdelay $0x4  }
0x10d: {  	v4 =	vand.u32 $0x3FF, v4  }
0x10e: {  	v4 =	vor.u32 v1, v4;
	_ =	sdelay $0x4  }
0x10f: {  	[tilespmem:v4+s29+$0x0] =	vst.idx.msk $0xffff, v2  }
0x110: {  	v4 =	vld [tilespmem:$0x180];
	_ =	sdelay $0x4  }
0x111: {  	v4 =	vand.u32 $0x3FF, v4  }
0x112: {  	v4 =	vor.u32 v0, v4;
	_ =	sdelay $0x4  }
0x113: {  	[tilespmem:v4+s29+$0x0] =	vst.idx.msk $0xffff, v3  }
0x114: {  	v4 =	vld [tilespmem:$0x190];
	_ =	sdelay $0x4  }
0x115: {  	v4 =	vand.u32 $0x3FF, v4  }
0x116: {  	v4 =	vor.u32 v1, v4;
	_ =	sdelay $0x4  }
0x117: {  	[tilespmem:v4+s29+$0x0] =	vst.idx.msk $0xffff, v3  }
0x118: {  	[hbm4b:s5+s2] =	stream.linear.scatter [tilespmem:s29], [sflag:$0x1], $0x8000, $0x38;
	[tilespmem:$0x10480] =	vst v63  }
0x119: {  	_ =	swait.ge [sflag:s0], $0x8000  }
0x11a: {  	[sflag:s0] =	ssyncset.done $0x0  }
0x11b: {  	[sflag:s0] =	ssyncadd.s32 $0xFFFF8000  }
0x11c: {  	v45 =	vld [tilespmem:$0x160];
	_ =	sdelay $0x4  }
0x11d: {  	v4 =	vand.u32 $0x3FF, v45  }
0x11e: {  	v4 =	vor.u32 v0, v4;
	_ =	sdelay $0x4  }
0x11f: {  	[tilespmem:v4+s30+$0x0] =	vst.idx.msk $0xffff, v2  }
0x120: {  	v4 =	vld [tilespmem:$0x170];
	_ =	sdelay $0x4  }
0x121: {  	v4 =	vand.u32 $0x3FF, v4  }
0x122: {  	v4 =	vor.u32 v1, v4;
	_ =	sdelay $0x4  }
0x123: {  	[tilespmem:v4+s30+$0x0] =	vst.idx.msk $0xffff, v2  }
0x124: {  	v4 =	vld [tilespmem:$0x1A0];
	_ =	sdelay $0x4  }
0x125: {  	v4 =	vand.u32 $0x3FF, v4  }
0x126: {  	v4 =	vor.u32 v0, v4;
	_ =	sdelay $0x4  }
0x127: {  	[tilespmem:v4+s30+$0x0] =	vst.idx.msk $0xffff, v3  }
0x128: {  	v4 =	vld [tilespmem:$0x1B0];
	_ =	sdelay $0x4  }
0x129: {  	v4 =	vand.u32 $0x3FF, v4  }
0x12a: {  	v4 =	vor.u32 v1, v4;
	_ =	sdelay $0x4  }
0x12b: {  	[tilespmem:v4+s30+$0x0] =	vst.idx.msk $0xffff, v3  }
0x12c: {  	[hbm4b:s6+s2] =	stream.linear.scatter [tilespmem:s30], [sflag:$0x2], $0x8000, $0x38;
	[tilespmem:$0x10480] =	vst v63  }
0x12d: {  	_ =	swait.ge [sflag:s31], $0x8000  }
0x12e: {  	[sflag:s31] =	ssyncset.done $0x0  }
0x12f: {  	[sflag:s31] =	ssyncadd.s32 $0xFFFF8000  }
0x130: {  	v46 =	vld [tilespmem:$0x180];
	_ =	sdelay $0x4  }
0x131: {  	v4 =	vand.u32 $0x3FF, v46  }
0x132: {  	v4 =	vor.u32 v0, v4;
	_ =	sdelay $0x4  }
0x133: {  	[tilespmem:v4+s29+$0x0] =	vst.idx.msk $0xffff, v2  }
0x134: {  	v4 =	vld [tilespmem:$0x190];
	_ =	sdelay $0x4  }
0x135: {  	v4 =	vand.u32 $0x3FF, v4  }
0x136: {  	v4 =	vor.u32 v1, v4;
	_ =	sdelay $0x4  }
0x137: {  	[tilespmem:v4+s29+$0x0] =	vst.idx.msk $0xffff, v2  }
0x138: {  	v4 =	vld [tilespmem:$0x1C0];
	_ =	sdelay $0x4  }
0x139: {  	v4 =	vand.u32 $0x3FF, v4  }
0x13a: {  	v4 =	vor.u32 v0, v4;
	_ =	sdelay $0x4  }
0x13b: {  	[tilespmem:v4+s29+$0x0] =	vst.idx.msk $0xffff, v3  }
0x13c: {  	v4 =	vld [tilespmem:$0x1D0];
	_ =	sdelay $0x4  }
0x13d: {  	v4 =	vand.u32 $0x3FF, v4  }
0x13e: {  	v4 =	vor.u32 v1, v4;
	_ =	sdelay $0x4  }
0x13f: {  	[tilespmem:v4+s29+$0x0] =	vst.idx.msk $0xffff, v3  }
0x140: {  	[hbm4b:s7+s2] =	stream.linear.scatter [tilespmem:s29], [sflag:$0x1], $0x8000, $0x38;
	[tilespmem:$0x10480] =	vst v63  }
0x141: {  	_ =	swait.ge [sflag:s0], $0x8000  }
0x142: {  	[sflag:s0] =	ssyncset.done $0x0  }
0x143: {  	[sflag:s0] =	ssyncadd.s32 $0xFFFF8000  }
0x144: {  	v47 =	vld [tilespmem:$0x1A0];
	_ =	sdelay $0x4  }
0x145: {  	v4 =	vand.u32 $0x3FF, v47  }
0x146: {  	v4 =	vor.u32 v0, v4;
	_ =	sdelay $0x4  }
0x147: {  	[tilespmem:v4+s30+$0x0] =	vst.idx.msk $0xffff, v2  }
0x148: {  	v4 =	vld [tilespmem:$0x1B0];
	_ =	sdelay $0x4  }
0x149: {  	v4 =	vand.u32 $0x3FF, v4  }
0x14a: {  	v4 =	vor.u32 v1, v4;
	_ =	sdelay $0x4  }
0x14b: {  	[tilespmem:v4+s30+$0x0] =	vst.idx.msk $0xffff, v2  }
0x14c: {  	v4 =	vld [tilespmem:$0x1E0];
	_ =	sdelay $0x4  }
0x14d: {  	v4 =	vand.u32 $0x3FF, v4  }
0x14e: {  	v4 =	vor.u32 v0, v4;
	_ =	sdelay $0x4  }
0x14f: {  	[tilespmem:v4+s30+$0x0] =	vst.idx.msk $0xffff, v3  }
0x150: {  	v4 =	vld [tilespmem:$0x1F0];
	_ =	sdelay $0x4  }
0x151: {  	v4 =	vand.u32 $0x3FF, v4  }
0x152: {  	v4 =	vor.u32 v1, v4;
	_ =	sdelay $0x4  }
0x153: {  	[tilespmem:v4+s30+$0x0] =	vst.idx.msk $0xffff, v3  }
0x154: {  	[hbm4b:s8+s2] =	stream.linear.scatter [tilespmem:s30], [sflag:$0x2], $0x8000, $0x38;
	[tilespmem:$0x10480] =	vst v63  }
0x155: {  	_ =	swait.ge [sflag:s31], $0x8000  }
0x156: {  	[sflag:s31] =	ssyncset.done $0x0  }
0x157: {  	[sflag:s31] =	ssyncadd.s32 $0xFFFF8000  }
0x158: {  	v48 =	vld [tilespmem:$0x1C0];
	_ =	sdelay $0x4  }
0x159: {  	v4 =	vand.u32 $0x3FF, v48  }
0x15a: {  	v4 =	vor.u32 v0, v4;
	_ =	sdelay $0x4  }
0x15b: {  	[tilespmem:v4+s29+$0x0] =	vst.idx.msk $0xffff, v2  }
0x15c: {  	v4 =	vld [tilespmem:$0x1D0];
	_ =	sdelay $0x4  }
0x15d: {  	v4 =	vand.u32 $0x3FF, v4  }
0x15e: {  	v4 =	vor.u32 v1, v4;
	_ =	sdelay $0x4  }
0x15f: {  	[tilespmem:v4+s29+$0x0] =	vst.idx.msk $0xffff, v2  }
0x160: {  	v4 =	vld [tilespmem:$0x200];
	_ =	sdelay $0x4  }
0x161: {  	v4 =	vand.u32 $0x3FF, v4  }
0x162: {  	v4 =	vor.u32 v0, v4;
	_ =	sdelay $0x4  }
0x163: {  	[tilespmem:v4+s29+$0x0] =	vst.idx.msk $0xffff, v3  }
0x164: {  	v4 =	vld [tilespmem:$0x210];
	_ =	sdelay $0x4  }
0x165: {  	v4 =	vand.u32 $0x3FF, v4  }
0x166: {  	v4 =	vor.u32 v1, v4;
	_ =	sdelay $0x4  }
0x167: {  	[tilespmem:v4+s29+$0x0] =	vst.idx.msk $0xffff, v3  }
0x168: {  	[hbm4b:s9+s2] =	stream.linear.scatter [tilespmem:s29], [sflag:$0x1], $0x8000, $0x38;
	[tilespmem:$0x10480] =	vst v63  }
0x169: {  	_ =	swait.ge [sflag:s0], $0x8000  }
0x16a: {  	[sflag:s0] =	ssyncset.done $0x0  }
0x16b: {  	[sflag:s0] =	ssyncadd.s32 $0xFFFF8000  }
0x16c: {  	v49 =	vld [tilespmem:$0x1E0];
	_ =	sdelay $0x4  }
0x16d: {  	v4 =	vand.u32 $0x3FF, v49  }
0x16e: {  	v4 =	vor.u32 v0, v4;
	_ =	sdelay $0x4  }
0x16f: {  	[tilespmem:v4+s30+$0x0] =	vst.idx.msk $0xffff, v2  }
0x170: {  	v4 =	vld [tilespmem:$0x1F0];
	_ =	sdelay $0x4  }
0x171: {  	v4 =	vand.u32 $0x3FF, v4  }
0x172: {  	v4 =	vor.u32 v1, v4;
	_ =	sdelay $0x4  }
0x173: {  	[tilespmem:v4+s30+$0x0] =	vst.idx.msk $0xffff, v2  }
0x174: {  	v4 =	vld [tilespmem:$0x220];
	_ =	sdelay $0x4  }
0x175: {  	v4 =	vand.u32 $0x3FF, v4  }
0x176: {  	v4 =	vor.u32 v0, v4;
	_ =	sdelay $0x4  }
0x177: {  	[tilespmem:v4+s30+$0x0] =	vst.idx.msk $0xffff, v3  }
0x178: {  	v4 =	vld [tilespmem:$0x230];
	_ =	sdelay $0x4  }
0x179: {  	v4 =	vand.u32 $0x3FF, v4  }
0x17a: {  	v4 =	vor.u32 v1, v4;
	_ =	sdelay $0x4  }
0x17b: {  	[tilespmem:v4+s30+$0x0] =	vst.idx.msk $0xffff, v3  }
0x17c: {  	[hbm4b:s10+s2] =	stream.linear.scatter [tilespmem:s30], [sflag:$0x2], $0x8000, $0x38;
	[tilespmem:$0x10480] =	vst v63  }
0x17d: {  	_ =	swait.ge [sflag:s31], $0x8000  }
0x17e: {  	[sflag:s31] =	ssyncset.done $0x0  }
0x17f: {  	[sflag:s31] =	ssyncadd.s32 $0xFFFF8000  }
0x180: {  	v50 =	vld [tilespmem:$0x200];
	_ =	sdelay $0x4  }
0x181: {  	v4 =	vand.u32 $0x3FF, v50  }
0x182: {  	v4 =	vor.u32 v0, v4;
	_ =	sdelay $0x4  }
0x183: {  	[tilespmem:v4+s29+$0x0] =	vst.idx.msk $0xffff, v2  }
0x184: {  	v4 =	vld [tilespmem:$0x210];
	_ =	sdelay $0x4  }
0x185: {  	v4 =	vand.u32 $0x3FF, v4  }
0x186: {  	v4 =	vor.u32 v1, v4;
	_ =	sdelay $0x4  }
0x187: {  	[tilespmem:v4+s29+$0x0] =	vst.idx.msk $0xffff, v2  }
0x188: {  	v4 =	vld [tilespmem:$0x240];
	_ =	sdelay $0x4  }
0x189: {  	v4 =	vand.u32 $0x3FF, v4  }
0x18a: {  	v4 =	vor.u32 v0, v4;
	_ =	sdelay $0x4  }
0x18b: {  	[tilespmem:v4+s29+$0x0] =	vst.idx.msk $0xffff, v3  }
0x18c: {  	v4 =	vld [tilespmem:$0x250];
	_ =	sdelay $0x4  }
0x18d: {  	v4 =	vand.u32 $0x3FF, v4  }
0x18e: {  	v4 =	vor.u32 v1, v4;
	_ =	sdelay $0x4  }
0x18f: {  	[tilespmem:v4+s29+$0x0] =	vst.idx.msk $0xffff, v3  }
0x190: {  	[hbm4b:s11+s2] =	stream.linear.scatter [tilespmem:s29], [sflag:$0x1], $0x8000, $0x38;
	[tilespmem:$0x10480] =	vst v63  }
0x191: {  	_ =	swait.ge [sflag:s0], $0x8000  }
0x192: {  	[sflag:s0] =	ssyncset.done $0x0  }
0x193: {  	[sflag:s0] =	ssyncadd.s32 $0xFFFF8000  }
0x194: {  	v51 =	vld [tilespmem:$0x220];
	_ =	sdelay $0x4  }
0x195: {  	v4 =	vand.u32 $0x3FF, v51  }
0x196: {  	v4 =	vor.u32 v0, v4;
	_ =	sdelay $0x4  }
0x197: {  	[tilespmem:v4+s30+$0x0] =	vst.idx.msk $0xffff, v2  }
0x198: {  	v4 =	vld [tilespmem:$0x230];
	_ =	sdelay $0x4  }
0x199: {  	v4 =	vand.u32 $0x3FF, v4  }
0x19a: {  	v4 =	vor.u32 v1, v4;
	_ =	sdelay $0x4  }
0x19b: {  	[tilespmem:v4+s30+$0x0] =	vst.idx.msk $0xffff, v2  }
0x19c: {  	v4 =	vld [tilespmem:$0x260];
	_ =	sdelay $0x4  }
0x19d: {  	v4 =	vand.u32 $0x3FF, v4  }
0x19e: {  	v4 =	vor.u32 v0, v4;
	_ =	sdelay $0x4  }
0x19f: {  	[tilespmem:v4+s30+$0x0] =	vst.idx.msk $0xffff, v3  }
0x1a0: {  	v4 =	vld [tilespmem:$0x270];
	_ =	sdelay $0x4  }
0x1a1: {  	v4 =	vand.u32 $0x3FF, v4  }
0x1a2: {  	v4 =	vor.u32 v1, v4;
	_ =	sdelay $0x4  }
0x1a3: {  	[tilespmem:v4+s30+$0x0] =	vst.idx.msk $0xffff, v3  }
0x1a4: {  	[hbm4b:s12+s2] =	stream.linear.scatter [tilespmem:s30], [sflag:$0x2], $0x8000, $0x38;
	[tilespmem:$0x10480] =	vst v63  }
0x1a5: {  	_ =	swait.ge [sflag:s31], $0x8000  }
0x1a6: {  	[sflag:s31] =	ssyncset.done $0x0  }
0x1a7: {  	[sflag:s31] =	ssyncadd.s32 $0xFFFF8000  }
0x1a8: {  	v52 =	vld [tilespmem:$0x240];
	_ =	sdelay $0x4  }
0x1a9: {  	v4 =	vand.u32 $0x3FF, v52  }
0x1aa: {  	v4 =	vor.u32 v0, v4;
	_ =	sdelay $0x4  }
0x1ab: {  	[tilespmem:v4+s29+$0x0] =	vst.idx.msk $0xffff, v2  }
0x1ac: {  	v4 =	vld [tilespmem:$0x250];
	_ =	sdelay $0x4  }
0x1ad: {  	v4 =	vand.u32 $0x3FF, v4  }
0x1ae: {  	v4 =	vor.u32 v1, v4;
	_ =	sdelay $0x4  }
0x1af: {  	[tilespmem:v4+s29+$0x0] =	vst.idx.msk $0xffff, v2  }
0x1b0: {  	v4 =	vld [tilespmem:$0x280];
	_ =	sdelay $0x4  }
0x1b1: {  	v4 =	vand.u32 $0x3FF, v4  }
0x1b2: {  	v4 =	vor.u32 v0, v4;
	_ =	sdelay $0x4  }
0x1b3: {  	[tilespmem:v4+s29+$0x0] =	vst.idx.msk $0xffff, v3  }
0x1b4: {  	v4 =	vld [tilespmem:$0x290];
	_ =	sdelay $0x4  }
0x1b5: {  	v4 =	vand.u32 $0x3FF, v4  }
0x1b6: {  	v4 =	vor.u32 v1, v4;
	_ =	sdelay $0x4  }
0x1b7: {  	[tilespmem:v4+s29+$0x0] =	vst.idx.msk $0xffff, v3  }
0x1b8: {  	[hbm4b:s13+s2] =	stream.linear.scatter [tilespmem:s29], [sflag:$0x1], $0x8000, $0x38;
	[tilespmem:$0x10480] =	vst v63  }
0x1b9: {  	_ =	swait.ge [sflag:s0], $0x8000  }
0x1ba: {  	[sflag:s0] =	ssyncset.done $0x0  }
0x1bb: {  	[sflag:s0] =	ssyncadd.s32 $0xFFFF8000  }
0x1bc: {  	v53 =	vld [tilespmem:$0x260];
	_ =	sdelay $0x4  }
0x1bd: {  	v4 =	vand.u32 $0x3FF, v53  }
0x1be: {  	v4 =	vor.u32 v0, v4;
	_ =	sdelay $0x4  }
0x1bf: {  	[tilespmem:v4+s30+$0x0] =	vst.idx.msk $0xffff, v2  }
0x1c0: {  	v4 =	vld [tilespmem:$0x270];
	_ =	sdelay $0x4  }
0x1c1: {  	v4 =	vand.u32 $0x3FF, v4  }
0x1c2: {  	v4 =	vor.u32 v1, v4;
	_ =	sdelay $0x4  }
0x1c3: {  	[tilespmem:v4+s30+$0x0] =	vst.idx.msk $0xffff, v2  }
0x1c4: {  	v4 =	vld [tilespmem:$0x2A0];
	_ =	sdelay $0x4  }
0x1c5: {  	v4 =	vand.u32 $0x3FF, v4  }
0x1c6: {  	v4 =	vor.u32 v0, v4;
	_ =	sdelay $0x4  }
0x1c7: {  	[tilespmem:v4+s30+$0x0] =	vst.idx.msk $0xffff, v3  }
0x1c8: {  	v4 =	vld [tilespmem:$0x2B0];
	_ =	sdelay $0x4  }
0x1c9: {  	v4 =	vand.u32 $0x3FF, v4  }
0x1ca: {  	v4 =	vor.u32 v1, v4;
	_ =	sdelay $0x4  }
0x1cb: {  	[tilespmem:v4+s30+$0x0] =	vst.idx.msk $0xffff, v3  }
0x1cc: {  	[hbm4b:s14+s2] =	stream.linear.scatter [tilespmem:s30], [sflag:$0x2], $0x8000, $0x38;
	[tilespmem:$0x10480] =	vst v63  }
0x1cd: {  	_ =	swait.ge [sflag:s31], $0x8000  }
0x1ce: {  	[sflag:s31] =	ssyncset.done $0x0  }
0x1cf: {  	[sflag:s31] =	ssyncadd.s32 $0xFFFF8000  }
0x1d0: {  	v54 =	vld [tilespmem:$0x280];
	_ =	sdelay $0x4  }
0x1d1: {  	v4 =	vand.u32 $0x3FF, v54  }
0x1d2: {  	v4 =	vor.u32 v0, v4;
	_ =	sdelay $0x4  }
0x1d3: {  	[tilespmem:v4+s29+$0x0] =	vst.idx.msk $0xffff, v2  }
0x1d4: {  	v4 =	vld [tilespmem:$0x290];
	_ =	sdelay $0x4  }
0x1d5: {  	v4 =	vand.u32 $0x3FF, v4  }
0x1d6: {  	v4 =	vor.u32 v1, v4;
	_ =	sdelay $0x4  }
0x1d7: {  	[tilespmem:v4+s29+$0x0] =	vst.idx.msk $0xffff, v2  }
0x1d8: {  	v4 =	vld [tilespmem:$0x2C0];
	_ =	sdelay $0x4  }
0x1d9: {  	v4 =	vand.u32 $0x3FF, v4  }
0x1da: {  	v4 =	vor.u32 v0, v4;
	_ =	sdelay $0x4  }
0x1db: {  	[tilespmem:v4+s29+$0x0] =	vst.idx.msk $0xffff, v3  }
0x1dc: {  	v4 =	vld [tilespmem:$0x2D0];
	_ =	sdelay $0x4  }
0x1dd: {  	v4 =	vand.u32 $0x3FF, v4  }
0x1de: {  	v4 =	vor.u32 v1, v4;
	_ =	sdelay $0x4  }
0x1df: {  	[tilespmem:v4+s29+$0x0] =	vst.idx.msk $0xffff, v3  }
0x1e0: {  	[hbm4b:s15+s2] =	stream.linear.scatter [tilespmem:s29], [sflag:$0x1], $0x8000, $0x38;
	[tilespmem:$0x10480] =	vst v63  }
0x1e1: {  	_ =	swait.ge [sflag:s0], $0x8000  }
0x1e2: {  	[sflag:s0] =	ssyncset.done $0x0  }
0x1e3: {  	[sflag:s0] =	ssyncadd.s32 $0xFFFF8000  }
0x1e4: {  	v55 =	vld [tilespmem:$0x2A0];
	_ =	sdelay $0x4  }
0x1e5: {  	v4 =	vand.u32 $0x3FF, v55  }
0x1e6: {  	v4 =	vor.u32 v0, v4;
	_ =	sdelay $0x4  }
0x1e7: {  	[tilespmem:v4+s30+$0x0] =	vst.idx.msk $0xffff, v2  }
0x1e8: {  	v4 =	vld [tilespmem:$0x2B0];
	_ =	sdelay $0x4  }
0x1e9: {  	v4 =	vand.u32 $0x3FF, v4  }
0x1ea: {  	v4 =	vor.u32 v1, v4;
	_ =	sdelay $0x4  }
0x1eb: {  	[tilespmem:v4+s30+$0x0] =	vst.idx.msk $0xffff, v2  }
0x1ec: {  	v4 =	vld [tilespmem:$0x2E0];
	_ =	sdelay $0x4  }
0x1ed: {  	v4 =	vand.u32 $0x3FF, v4  }
0x1ee: {  	v4 =	vor.u32 v0, v4;
	_ =	sdelay $0x4  }
0x1ef: {  	[tilespmem:v4+s30+$0x0] =	vst.idx.msk $0xffff, v3  }
0x1f0: {  	v4 =	vld [tilespmem:$0x2F0];
	_ =	sdelay $0x4  }
0x1f1: {  	v4 =	vand.u32 $0x3FF, v4  }
0x1f2: {  	v4 =	vor.u32 v1, v4;
	_ =	sdelay $0x4  }
0x1f3: {  	[tilespmem:v4+s30+$0x0] =	vst.idx.msk $0xffff, v3  }
0x1f4: {  	[hbm4b:s16+s2] =	stream.linear.scatter [tilespmem:s30], [sflag:$0x2], $0x8000, $0x38;
	[tilespmem:$0x10480] =	vst v63  }
0x1f5: {  	_ =	swait.ge [sflag:s31], $0x8000  }
0x1f6: {  	[sflag:s31] =	ssyncset.done $0x0  }
0x1f7: {  	[sflag:s31] =	ssyncadd.s32 $0xFFFF8000  }
0x1f8: {  	v56 =	vld [tilespmem:$0x2C0];
	_ =	sdelay $0x4  }
0x1f9: {  	v4 =	vand.u32 $0x3FF, v56  }
0x1fa: {  	v4 =	vor.u32 v0, v4;
	_ =	sdelay $0x4  }
0x1fb: {  	[tilespmem:v4+s29+$0x0] =	vst.idx.msk $0xffff, v2  }
0x1fc: {  	v4 =	vld [tilespmem:$0x2D0];
	_ =	sdelay $0x4  }
0x1fd: {  	v4 =	vand.u32 $0x3FF, v4  }
0x1fe: {  	v4 =	vor.u32 v1, v4;
	_ =	sdelay $0x4  }
0x1ff: {  	[tilespmem:v4+s29+$0x0] =	vst.idx.msk $0xffff, v2  }
0x200: {  	v4 =	vld [tilespmem:$0x300];
	_ =	sdelay $0x4  }
0x201: {  	v4 =	vand.u32 $0x3FF, v4  }
0x202: {  	v4 =	vor.u32 v0, v4;
	_ =	sdelay $0x4  }
0x203: {  	[tilespmem:v4+s29+$0x0] =	vst.idx.msk $0xffff, v3  }
0x204: {  	v4 =	vld [tilespmem:$0x310];
	_ =	sdelay $0x4  }
0x205: {  	v4 =	vand.u32 $0x3FF, v4  }
0x206: {  	v4 =	vor.u32 v1, v4;
	_ =	sdelay $0x4  }
0x207: {  	[tilespmem:v4+s29+$0x0] =	vst.idx.msk $0xffff, v3  }
0x208: {  	[hbm4b:s17+s2] =	stream.linear.scatter [tilespmem:s29], [sflag:$0x1], $0x8000, $0x38;
	[tilespmem:$0x10480] =	vst v63  }
0x209: {  	_ =	swait.ge [sflag:s0], $0x8000  }
0x20a: {  	[sflag:s0] =	ssyncset.done $0x0  }
0x20b: {  	[sflag:s0] =	ssyncadd.s32 $0xFFFF8000  }
0x20c: {  	v57 =	vld [tilespmem:$0x2E0];
	_ =	sdelay $0x4  }
0x20d: {  	v4 =	vand.u32 $0x3FF, v57  }
0x20e: {  	v4 =	vor.u32 v0, v4;
	_ =	sdelay $0x4  }
0x20f: {  	[tilespmem:v4+s30+$0x0] =	vst.idx.msk $0xffff, v2  }
0x210: {  	v4 =	vld [tilespmem:$0x2F0];
	_ =	sdelay $0x4  }
0x211: {  	v4 =	vand.u32 $0x3FF, v4  }
0x212: {  	v4 =	vor.u32 v1, v4;
	_ =	sdelay $0x4  }
0x213: {  	[tilespmem:v4+s30+$0x0] =	vst.idx.msk $0xffff, v2  }
0x214: {  	v4 =	vld [tilespmem:$0x320];
	_ =	sdelay $0x4  }
0x215: {  	v4 =	vand.u32 $0x3FF, v4  }
0x216: {  	v4 =	vor.u32 v0, v4;
	_ =	sdelay $0x4  }
0x217: {  	[tilespmem:v4+s30+$0x0] =	vst.idx.msk $0xffff, v3  }
0x218: {  	v4 =	vld [tilespmem:$0x330];
	_ =	sdelay $0x4  }
0x219: {  	v4 =	vand.u32 $0x3FF, v4  }
0x21a: {  	v4 =	vor.u32 v1, v4;
	_ =	sdelay $0x4  }
0x21b: {  	[tilespmem:v4+s30+$0x0] =	vst.idx.msk $0xffff, v3  }
0x21c: {  	[hbm4b:s18+s2] =	stream.linear.scatter [tilespmem:s30], [sflag:$0x2], $0x8000, $0x38;
	[tilespmem:$0x10480] =	vst v63  }
0x21d: {  	_ =	swait.ge [sflag:s31], $0x8000  }
0x21e: {  	[sflag:s31] =	ssyncset.done $0x0  }
0x21f: {  	[sflag:s31] =	ssyncadd.s32 $0xFFFF8000  }
0x220: {  	v58 =	vld [tilespmem:$0x300];
	_ =	sdelay $0x4  }
0x221: {  	v4 =	vand.u32 $0x3FF, v58  }
0x222: {  	v4 =	vor.u32 v0, v4;
	_ =	sdelay $0x4  }
0x223: {  	[tilespmem:v4+s29+$0x0] =	vst.idx.msk $0xffff, v2  }
0x224: {  	v4 =	vld [tilespmem:$0x310];
	_ =	sdelay $0x4  }
0x225: {  	v4 =	vand.u32 $0x3FF, v4  }
0x226: {  	v4 =	vor.u32 v1, v4;
	_ =	sdelay $0x4  }
0x227: {  	[tilespmem:v4+s29+$0x0] =	vst.idx.msk $0xffff, v2  }
0x228: {  	v4 =	vld [tilespmem:$0x340];
	_ =	sdelay $0x4  }
0x229: {  	v4 =	vand.u32 $0x3FF, v4  }
0x22a: {  	v4 =	vor.u32 v0, v4;
	_ =	sdelay $0x4  }
0x22b: {  	[tilespmem:v4+s29+$0x0] =	vst.idx.msk $0xffff, v3  }
0x22c: {  	v4 =	vld [tilespmem:$0x350];
	_ =	sdelay $0x4  }
0x22d: {  	v4 =	vand.u32 $0x3FF, v4  }
0x22e: {  	v4 =	vor.u32 v1, v4;
	_ =	sdelay $0x4  }
0x22f: {  	[tilespmem:v4+s29+$0x0] =	vst.idx.msk $0xffff, v3  }
0x230: {  	[hbm4b:s19+s2] =	stream.linear.scatter [tilespmem:s29], [sflag:$0x1], $0x8000, $0x38;
	[tilespmem:$0x10480] =	vst v63  }
0x231: {  	_ =	swait.ge [sflag:s0], $0x8000  }
0x232: {  	[sflag:s0] =	ssyncset.done $0x0  }
0x233: {  	[sflag:s0] =	ssyncadd.s32 $0xFFFF8000  }
0x234: {  	v59 =	vld [tilespmem:$0x320];
	_ =	sdelay $0x4  }
0x235: {  	v4 =	vand.u32 $0x3FF, v59  }
0x236: {  	v4 =	vor.u32 v0, v4;
	_ =	sdelay $0x4  }
0x237: {  	[tilespmem:v4+s30+$0x0] =	vst.idx.msk $0xffff, v2  }
0x238: {  	v4 =	vld [tilespmem:$0x330];
	_ =	sdelay $0x4  }
0x239: {  	v4 =	vand.u32 $0x3FF, v4  }
0x23a: {  	v4 =	vor.u32 v1, v4;
	_ =	sdelay $0x4  }
0x23b: {  	[tilespmem:v4+s30+$0x0] =	vst.idx.msk $0xffff, v2  }
0x23c: {  	v4 =	vld [tilespmem:$0x360];
	_ =	sdelay $0x4  }
0x23d: {  	v4 =	vand.u32 $0x3FF, v4  }
0x23e: {  	v4 =	vor.u32 v0, v4;
	_ =	sdelay $0x4  }
0x23f: {  	[tilespmem:v4+s30+$0x0] =	vst.idx.msk $0xffff, v3  }
0x240: {  	v4 =	vld [tilespmem:$0x370];
	_ =	sdelay $0x4  }
0x241: {  	v4 =	vand.u32 $0x3FF, v4  }
0x242: {  	v4 =	vor.u32 v1, v4;
	_ =	sdelay $0x4  }
0x243: {  	[tilespmem:v4+s30+$0x0] =	vst.idx.msk $0xffff, v3  }
0x244: {  	[hbm4b:s20+s2] =	stream.linear.scatter [tilespmem:s30], [sflag:$0x2], $0x8000, $0x38;
	[tilespmem:$0x10480] =	vst v63  }
0x245: {  	_ =	swait.ge [sflag:s31], $0x8000  }
0x246: {  	[sflag:s31] =	ssyncset.done $0x0  }
0x247: {  	[sflag:s31] =	ssyncadd.s32 $0xFFFF8000  }
0x248: {  	v60 =	vld [tilespmem:$0x340];
	_ =	sdelay $0x4  }
0x249: {  	v4 =	vand.u32 $0x3FF, v60  }
0x24a: {  	v4 =	vor.u32 v0, v4;
	_ =	sdelay $0x4  }
0x24b: {  	[tilespmem:v4+s29+$0x0] =	vst.idx.msk $0xffff, v2  }
0x24c: {  	v4 =	vld [tilespmem:$0x350];
	_ =	sdelay $0x4  }
0x24d: {  	v4 =	vand.u32 $0x3FF, v4  }
0x24e: {  	v4 =	vor.u32 v1, v4;
	_ =	sdelay $0x4  }
0x24f: {  	[tilespmem:v4+s29+$0x0] =	vst.idx.msk $0xffff, v2  }
0x250: {  	v4 =	vld [tilespmem:$0x380];
	_ =	sdelay $0x4  }
0x251: {  	v4 =	vand.u32 $0x3FF, v4  }
0x252: {  	v4 =	vor.u32 v0, v4;
	_ =	sdelay $0x4  }
0x253: {  	[tilespmem:v4+s29+$0x0] =	vst.idx.msk $0xffff, v3  }
0x254: {  	v4 =	vld [tilespmem:$0x390];
	_ =	sdelay $0x4  }
0x255: {  	v4 =	vand.u32 $0x3FF, v4  }
0x256: {  	v4 =	vor.u32 v1, v4;
	_ =	sdelay $0x4  }
0x257: {  	[tilespmem:v4+s29+$0x0] =	vst.idx.msk $0xffff, v3  }
0x258: {  	[hbm4b:s21+s2] =	stream.linear.scatter [tilespmem:s29], [sflag:$0x1], $0x8000, $0x38;
	[tilespmem:$0x10480] =	vst v63  }
0x259: {  	_ =	swait.ge [sflag:s0], $0x8000  }
0x25a: {  	[sflag:s0] =	ssyncset.done $0x0  }
0x25b: {  	[sflag:s0] =	ssyncadd.s32 $0xFFFF8000  }
0x25c: {  	v61 =	vld [tilespmem:$0x360];
	_ =	sdelay $0x4  }
0x25d: {  	v4 =	vand.u32 $0x3FF, v61  }
0x25e: {  	v4 =	vor.u32 v0, v4;
	_ =	sdelay $0x4  }
0x25f: {  	[tilespmem:v4+s30+$0x0] =	vst.idx.msk $0xffff, v2  }
0x260: {  	v4 =	vld [tilespmem:$0x370];
	_ =	sdelay $0x4  }
0x261: {  	v4 =	vand.u32 $0x3FF, v4  }
0x262: {  	v4 =	vor.u32 v1, v4;
	_ =	sdelay $0x4  }
0x263: {  	[tilespmem:v4+s30+$0x0] =	vst.idx.msk $0xffff, v2  }
0x264: {  	v4 =	vld [tilespmem:$0x3A0];
	_ =	sdelay $0x4  }
0x265: {  	v4 =	vand.u32 $0x3FF, v4  }
0x266: {  	v4 =	vor.u32 v0, v4;
	_ =	sdelay $0x4  }
0x267: {  	[tilespmem:v4+s30+$0x0] =	vst.idx.msk $0xffff, v3  }
0x268: {  	v4 =	vld [tilespmem:$0x3B0];
	_ =	sdelay $0x4  }
0x269: {  	v4 =	vand.u32 $0x3FF, v4  }
0x26a: {  	v4 =	vor.u32 v1, v4;
	_ =	sdelay $0x4  }
0x26b: {  	[tilespmem:v4+s30+$0x0] =	vst.idx.msk $0xffff, v3  }
0x26c: {  	[hbm4b:s22+s2] =	stream.linear.scatter [tilespmem:s30], [sflag:$0x2], $0x8000, $0x38;
	[tilespmem:$0x10480] =	vst v63  }
0x26d: {  	_ =	swait.ge [sflag:s31], $0x8000  }
0x26e: {  	[sflag:s31] =	ssyncset.done $0x0  }
0x26f: {  	[sflag:s31] =	ssyncadd.s32 $0xFFFF8000  }
0x270: {  	v62 =	vld [tilespmem:$0x380];
	_ =	sdelay $0x4  }
0x271: {  	v4 =	vand.u32 $0x3FF, v62  }
0x272: {  	v4 =	vor.u32 v0, v4;
	_ =	sdelay $0x4  }
0x273: {  	[tilespmem:v4+s29+$0x0] =	vst.idx.msk $0xffff, v2  }
0x274: {  	v4 =	vld [tilespmem:$0x390];
	_ =	sdelay $0x4  }
0x275: {  	v4 =	vand.u32 $0x3FF, v4  }
0x276: {  	v4 =	vor.u32 v1, v4;
	_ =	sdelay $0x4  }
0x277: {  	[tilespmem:v4+s29+$0x0] =	vst.idx.msk $0xffff, v2  }
0x278: {  	v4 =	vld [tilespmem:$0x3C0];
	_ =	sdelay $0x4  }
0x279: {  	v4 =	vand.u32 $0x3FF, v4  }
0x27a: {  	v4 =	vor.u32 v0, v4;
	_ =	sdelay $0x4  }
0x27b: {  	[tilespmem:v4+s29+$0x0] =	vst.idx.msk $0xffff, v3  }
0x27c: {  	v4 =	vld [tilespmem:$0x3D0];
	_ =	sdelay $0x4  }
0x27d: {  	v4 =	vand.u32 $0x3FF, v4  }
0x27e: {  	v4 =	vor.u32 v1, v4;
	_ =	sdelay $0x4  }
0x27f: {  	[tilespmem:v4+s29+$0x0] =	vst.idx.msk $0xffff, v3  }
0x280: {  	[hbm4b:s23+s2] =	stream.linear.scatter [tilespmem:s29], [sflag:$0x1], $0x8000, $0x38;
	[tilespmem:$0x10480] =	vst v63  }
0x281: {  	_ =	swait.ge [sflag:s0], $0x8000  }
0x282: {  	[sflag:s0] =	ssyncset.done $0x0  }
0x283: {  	[sflag:s0] =	ssyncadd.s32 $0xFFFF8000  }
0x284: {  	v63 =	vld [tilespmem:$0x3A0];
	_ =	sdelay $0x4  }
0x285: {  	v4 =	vand.u32 $0x3FF, v63  }
0x286: {  	v4 =	vor.u32 v0, v4;
	_ =	sdelay $0x4  }
0x287: {  	[tilespmem:v4+s30+$0x0] =	vst.idx.msk $0xffff, v2  }
0x288: {  	v4 =	vld [tilespmem:$0x3B0];
	_ =	sdelay $0x4  }
0x289: {  	v4 =	vand.u32 $0x3FF, v4  }
0x28a: {  	v4 =	vor.u32 v1, v4;
	_ =	sdelay $0x4  }
0x28b: {  	[tilespmem:v4+s30+$0x0] =	vst.idx.msk $0xffff, v2  }
0x28c: {  	v4 =	vld [tilespmem:$0x3E0];
	_ =	sdelay $0x4  }
0x28d: {  	v4 =	vand.u32 $0x3FF, v4  }
0x28e: {  	v4 =	vor.u32 v0, v4;
	_ =	sdelay $0x4  }
0x28f: {  	[tilespmem:v4+s30+$0x0] =	vst.idx.msk $0xffff, v3  }
0x290: {  	v4 =	vld [tilespmem:$0x3F0];
	_ =	sdelay $0x4  }
0x291: {  	v4 =	vand.u32 $0x3FF, v4  }
0x292: {  	v4 =	vor.u32 v1, v4;
	_ =	sdelay $0x4  }
0x293: {  	[tilespmem:v4+s30+$0x0] =	vst.idx.msk $0xffff, v3  }
0x294: {  	[hbm4b:s24+s2] =	stream.linear.scatter [tilespmem:s30], [sflag:$0x2], $0x8000, $0x38;
	[tilespmem:$0x10480] =	vst v63  }
0x295: {  	p0 =	sne.s32 s25, $0x1;
	_ =	swait.ge [sflag:s31], $0x8000  }
.Ltmp0:
0x296: {  	[sflag:s31] =	ssyncset.done $0x0;
	(pc) =	sbr.rel @p0 .LBB2_1-.Ltmp0, $4  }
0x297: {  	[sflag:s31] =	ssyncadd.s32 $0xFFFF8000  }
0x298: {  	_ =	swait.ge [sflag:s0], $0x8000  }
0x299: {  	[sflag:s0] =	ssyncset.done $0x0  }
0x29a: {  	s25 =	sadd.s32 $0xFFFFFFFF, s25;
	[sflag:s0] =	ssyncadd.s32 $0xFFFF8000  }
0x29b: {  	_ =	sfence.sel $0x180000  }
0x29c: {  	[bflag:$0x0] =	sbarrier.arrive $0xFFFF  }
0x29d: {  	_ =	strace $0x90000047  }
0x29e: {  	s0 =	stileid.u32;
	[bflag:$0x2] =	sbarrier.arrive $0xFFFF  }
0x29f: {  	p0 =	sne.s32 s0, $0x0;
	s0 =	rddreg [dreg:$0x2]  }
0x2a0: {  	s0 =	sadd.s32 @!p0 $0x100000, s0  }
0x2a1: {  	[sflag:s0] =	ssyncadd.tile.s32 @!p0 $0x1;
	_ =	shalt  }
.Lfunc_end2:
_tile_overlayer_lowered:
.L_overlay_start_2:
0x2a2: {  	(tag) =	ssettag $0x2  }
0x2a3: {  	s0 =	rddreg [dreg:$0x0];
	s2 =	stileid.u32  }
0x2a4: {  	s1 =	rddreg [dreg:$0x1];
	p0 =	sne.s32 s2, $0x0  }
0x2a5: {  	s3 =	rddreg [dreg:$0x2];
	[bflag:$0x3] =	sbarrier.arrive $0xFFFF;
	s2 =	simm.s32 @!p0 $0x1C03  }
0x2a6: {  	[timem:s3], [sflag:s2] =	dma.local @!p0 [hbm:s0], s1  }
0x2a7: {  	s0 =	simm.s32 @!p0 $0x3  }
0x2a8: {  	_ =	swait.ge @!p0 [sflag:s0], s1  }
0x2a9: {  	s1 =	ssub.s32 @!p0 $0x0, s1;
	[sflag:s0] =	ssyncset.done @!p0 $0x0  }
0x2aa: {  	[sflag:s0] =	ssyncadd.s32 @!p0 s1  }
0x2ab: {  	[bflag:$0x3] =	sbarrier.arrive $0xFFFF  }
0x2ac: {  	_ =	shalt  }

</sc_bundles>
